<compile_context>
chip_gen: v7x
topology: tpu7x:2x2x1
jax: 0.10.2.dev20260603
libtpu: 0.0.44.dev20260713+nightly
codegen_flags: <defaults>
</compile_context>

<pallas_src>
import functools

import numpy as np
import jax
import jax.numpy as jnp
from jax import lax
from jax.experimental import pallas as pl
from jax.experimental.pallas import tpu as pltpu
from jax.experimental.pallas import tpu_sc as plsc

ROWS = 128
N = 8192
TOPK = 64
L = 16
NCHUNK = N // L
UNROLL = 16
NCORES = 2
NSUB = 16
NW = NCORES * NSUB
RPW = ROWS // NW
NBINS = 256
SEG = 4
SEGN = N // SEG
SEGCH = NCHUNK // SEG
SEGSZ = SEGN + L
U2 = 4

MINT = np.int32(-2147483648)
M7F = np.int32(0x7FFFFFFF)


def _pc0(m):
    return plsc.all_reduce_population_count(m)[0]


def _skey(x):
    b = lax.bitcast_convert_type(x, jnp.int32)
    return b ^ ((b >> 31) & M7F)


def _bin_scan(hist_v, gs, rank):
    lane = lax.iota(jnp.int32, L)
    sfxg = lax.rev(plsc.cumsum(lax.rev(gs, (0,))), (0,))
    gstar = plsc.all_reduce_population_count(sfxg >= rank) - 1
    carry = jnp.sum(jnp.where(lane > gstar, gs, 0))
    v = hist_v[pl.ds(gstar[0] * L, L)]
    sfx = lax.rev(plsc.cumsum(lax.rev(v, (0,))), (0,)) + carry
    p = plsc.all_reduce_population_count(sfx >= rank) - 1
    bstar = gstar * L + p
    cnt_above = jnp.sum(jnp.where(lane > p, v, 0)) + carry
    return bstar, rank - cnt_above


def _body(in_hbm, out_hbm, x_v, out_v, ci_v, ci2_v, si_v, hist_v, gs16_v):
    cid = lax.axis_index("c")
    sid = lax.axis_index("s")
    wid = sid * NCORES + cid
    lane = lax.iota(jnp.int32, L)
    ones = jnp.ones((L,), jnp.int32)
    iz = jnp.zeros((L,), jnp.int32)
    fz = jnp.zeros((L,), jnp.float32)

    def clear_hist():
        for i in range(NBINS // L):
            hist_v[pl.ds(i * L, L)] = iz
        gs16_v[pl.ds(0, L)] = iz

    def zout(i, _):
        out_v[pl.ds(i * L, L)] = fz
        return 0

    lax.fori_loop(0, NCHUNK, zout, 0)

    def row_body(j, _):
        row = wid * RPW + j
        pltpu.sync_copy(in_hbm.at[row], x_v)

        def pa(i, accs):
            base = i * (L * UNROLL)
            return tuple(
                jnp.maximum(accs[k], x_v[pl.ds(base + k * L, L)])
                for k in range(UNROLL)
            )

        ninf = jnp.full((L,), -jnp.inf, jnp.float32)
        accs = lax.fori_loop(
            0, NCHUNK // UNROLL, pa, (ninf,) * UNROLL
        )
        g8 = [jnp.maximum(accs[k], accs[k + 8]) for k in range(8)]
        g4 = [jnp.maximum(g8[k], g8[k + 4]) for k in range(4)]
        m01 = jnp.maximum(g4[0], g4[1])
        m23 = jnp.maximum(g4[2], g4[3])
        mx = jnp.max(jnp.maximum(m01, m23))
        tlb = jnp.min(
            jnp.minimum(jnp.minimum(g4[0], g4[1]), jnp.minimum(g4[2], g4[3]))
        )
        tlb_s = jnp.broadcast_to(tlb, (L,))

        def pb(i, offs):
            offs = list(offs)
            for k in range(U2):
                cbase = (i * U2 + k) * L
                for s in range(SEG):
                    base = s * SEGN + cbase
                    x = x_v[pl.ds(base, L)]
                    m = x >= tlb_s
                    plsc.store_compressed(
                        ci_v.at[pl.ds(offs[s], L)], base + lane, mask=m
                    )
                    offs[s] = offs[s] + _pc0(m)
            return tuple(offs)

        offs = lax.fori_loop(
            0, SEGCH // U2, pb,
            tuple(jnp.int32(s * SEGSZ) for s in range(SEG)),
        )
        ns = [offs[s] - s * SEGSZ for s in range(SEG)]

        clear_hist()

        def hseg(s):
            sbase = s * SEGSZ
            n = ns[s]

            def ph(i, _):
                valid = (i * L + lane) < n
                idxv = ci_v[pl.ds(sbase + i * L, L)]
                skey = _skey(plsc.load_gather(x_v, [idxv], mask=valid))
                d0 = ((skey >> 24) & 255) ^ 128
                plsc.addupdate_scatter(hist_v, [d0], ones, mask=valid)
                plsc.addupdate_scatter(gs16_v, [d0 >> 4], ones, mask=valid)
                return 0

            lax.fori_loop(0, (n + L - 1) // L, ph, 0)

        for s in range(SEG):
            hseg(s)
        rank = jnp.full((L,), TOPK, jnp.int32)
        b0, rank = _bin_scan(hist_v, gs16_v[pl.ds(0, L)], rank)

        clear_hist()

        def p30seg(s, carry):
            sbase = s * SEGSZ
            n = ns[s]

            def p30(i, carry):
                goff, coff = carry
                valid = (i * L + lane) < n
                idxv = ci_v[pl.ds(sbase + i * L, L)]
                skey = _skey(plsc.load_gather(x_v, [idxv], mask=valid))
                d0 = ((skey >> 24) & 255) ^ 128
                mg = valid & (d0 > b0)
                me = valid & (d0 == b0)
                d1 = (skey >> 16) & 255
                plsc.addupdate_scatter(hist_v, [d1], ones, mask=me)
                plsc.addupdate_scatter(gs16_v, [d1 >> 4], ones, mask=me)
                plsc.store_compressed(si_v.at[pl.ds(goff, L)], idxv, mask=mg)
                plsc.store_compressed(ci2_v.at[pl.ds(coff, L)], idxv, mask=me)
                return goff + _pc0(mg), coff + _pc0(me)

            return lax.fori_loop(0, (n + L - 1) // L, p30, carry)

        carry = (jnp.int32(0), jnp.int32(0))
        for s in range(SEG):
            carry = p30seg(s, carry)
        ngt, n1 = carry
        b1, rank = _bin_scan(hist_v, gs16_v[pl.ds(0, L)], rank)

        clear_hist()

        def p31(i, carry):
            goff, coff = carry
            valid = (i * L + lane) < n1
            idxv = ci2_v[pl.ds(i * L, L)]
            skey = _skey(plsc.load_gather(x_v, [idxv], mask=valid))
            d1 = (skey >> 16) & 255
            mg = valid & (d1 > b1)
            me = valid & (d1 == b1)
            d2 = (skey >> 8) & 255
            plsc.addupdate_scatter(hist_v, [d2], ones, mask=me)
            plsc.addupdate_scatter(gs16_v, [d2 >> 4], ones, mask=me)
            plsc.store_compressed(si_v.at[pl.ds(goff, L)], idxv, mask=mg)
            plsc.store_compressed(ci2_v.at[pl.ds(coff, L)], idxv, mask=me)
            return goff + _pc0(mg), coff + _pc0(me)

        ngt, n2 = lax.fori_loop(
            0, (n1 + L - 1) // L, p31, (ngt, jnp.int32(0))
        )
        b2, rank = _bin_scan(hist_v, gs16_v[pl.ds(0, L)], rank)

        clear_hist()

        def p32(i, carry):
            goff, coff = carry
            valid = (i * L + lane) < n2
            idxv = ci2_v[pl.ds(i * L, L)]
            skey = _skey(plsc.load_gather(x_v, [idxv], mask=valid))
            d2 = (skey >> 8) & 255
            mg = valid & (d2 > b2)
            me = valid & (d2 == b2)
            d3 = skey & 255
            plsc.addupdate_scatter(hist_v, [d3], ones, mask=me)
            plsc.addupdate_scatter(gs16_v, [d3 >> 4], ones, mask=me)
            plsc.store_compressed(si_v.at[pl.ds(goff, L)], idxv, mask=mg)
            plsc.store_compressed(ci2_v.at[pl.ds(coff, L)], idxv, mask=me)
            return goff + _pc0(mg), coff + _pc0(me)

        ngt, n3 = lax.fori_loop(
            0, (n2 + L - 1) // L, p32, (ngt, jnp.int32(0))
        )
        b3, budget = _bin_scan(hist_v, gs16_v[pl.ds(0, L)], rank)

        def p5(i, carry):
            goff, seen = carry
            valid = (i * L + lane) < n3
            idxv = ci2_v[pl.ds(i * L, L)]
            skey = _skey(plsc.load_gather(x_v, [idxv], mask=valid))
            d3 = skey & 255
            mg = valid & (d3 > b3)
            plsc.store_compressed(si_v.at[pl.ds(goff, L)], idxv, mask=mg)
            goff = goff + _pc0(mg)
            eq = valid & (d3 == b3)
            pos = plsc.cumsum(eq.astype(jnp.int32)) + seen
            sel = eq & (pos <= budget)
            plsc.store_compressed(si_v.at[pl.ds(goff, L)], idxv, mask=sel)
            return goff + _pc0(sel), seen + plsc.all_reduce_population_count(eq)

        lax.fori_loop(0, (n3 + L - 1) // L, p5, (ngt, iz))

        si = [si_v[pl.ds(t * L, L)] for t in range(TOPK // L)]
        es = [
            jnp.exp(plsc.load_gather(x_v, [si[t]]) - mx)
            for t in range(TOPK // L)
        ]
        ssum = jnp.sum((es[0] + es[1]) + (es[2] + es[3]))
        inv = jnp.ones((L,), jnp.float32) / jnp.broadcast_to(ssum, (L,))
        for t in range(TOPK // L):
            plsc.store_scatter(out_v, [si[t]], es[t] * inv)
        pltpu.sync_copy(out_v, out_hbm.at[row])
        for t in range(TOPK // L):
            plsc.store_scatter(out_v, [si[t]], fz)
        return 0

    lax.fori_loop(0, RPW, row_body, 0)


def _make(interpret=False):
    mesh = plsc.VectorSubcoreMesh(
        core_axis_name="c", subcore_axis_name="s",
        num_cores=NCORES, num_subcores=NSUB,
    )
    return pl.kernel(
        _body,
        out_type=jax.ShapeDtypeStruct((ROWS, N), jnp.float32),
        mesh=mesh,
        scratch_types=[
            pltpu.VMEM((N,), jnp.float32),
            pltpu.VMEM((N,), jnp.float32),
            pltpu.VMEM((SEG * SEGSZ,), jnp.int32),
            pltpu.VMEM((N + 2 * L,), jnp.int32),
            pltpu.VMEM((6 * L,), jnp.int32),
            pltpu.VMEM((NBINS,), jnp.int32),
            pltpu.VMEM((L,), jnp.int32),
        ],
        compiler_params=pltpu.CompilerParams(needs_layout_passes=False),
        interpret=interpret,
    )


_pk = _make()


@jax.jit
def kernel(inputs):
    return _pk(inputs)

# --- scband reference (transcript-rebuilt; emitter-appended) ---
"""Pipeline reference for scband-top-ksoft-max-56392920597026 (READ-ONLY COPY).

The authoritative reference and input builder live on the scoring server;
editing this copy changes nothing except your own understanding.
"""

import jax, jax.numpy as jnp
import numpy as np

K = 64

def setup_inputs(seed: int = 0) -> dict:
    key = jax.random.key(seed)
    inputs = jax.random.normal(key, (128, 8192), dtype=jnp.float32)
    return {"inputs": inputs}

def reference(inputs):
    depth = inputs.shape[1]
    # top_k (sorted=False in TF; order does not affect result)
    top_k_values, top_k_indices = jax.lax.top_k(inputs, K)
    # one_hot over last axis, depth = N, then sum over k axis -> [B, N]
    top_k_one_hot = jnp.sum(jax.nn.one_hot(top_k_indices, depth, axis=-1, dtype=inputs.dtype), axis=1)
    sparse_inputs = jnp.where(top_k_one_hot > 0.0, inputs, jnp.ones_like(inputs) * -1e16)
    sparse_gates = jax.nn.softmax(sparse_inputs, axis=1)
    return sparse_gates

if __name__ == "__main__":
    import jax
    _d = setup_inputs()
    print(jax.jit(kernel)(*tuple(_d.values())))

</pallas_src>

<mosaic_0001>
#map = affine_map<(d0, d1) -> (0, 0)>
module attributes {stable_mosaic.version = 14 : i64} {
  func.func @_body(%arg0: i32, %arg1: i32, %arg2: memref<128x8192xf32, #tpu.memory_space<hbm>>, %arg3: memref<128x8192xf32, #tpu.memory_space<hbm>>, %arg4: memref<8192xf32, #tpu.memory_space<vmem>>, %arg5: memref<8192xf32, #tpu.memory_space<vmem>>, %arg6: memref<8256xi32, #tpu.memory_space<vmem>>, %arg7: memref<8224xi32, #tpu.memory_space<vmem>>, %arg8: memref<96xi32, #tpu.memory_space<vmem>>, %arg9: memref<256xi32, #tpu.memory_space<vmem>>, %arg10: memref<16xi32, #tpu.memory_space<vmem>>) attributes {dimension_semantics = [#tpu.dimension_semantics<core_parallel>, #tpu.dimension_semantics<subcore_parallel>], iteration_bounds = array<i64: 2, 16>, scalar_prefetch = 0 : i64, scratch_operands = 7 : i64, tpu.core_type = #tpu.core_type<sc_vector_subcore>, window_params = [{transform_indices = #map}, {transform_indices = #map}]} {
    %mul3A = arith.constant 2 : i32
    %mul3A_0 = arith.muli %arg1, %mul3A : i32
    %add3A = arith.addi %mul3A_0, %arg0 : i32
    %iota3A = tpu.iota {dimensions = array<i32: 0>} : vector<16xi32>
    %broadcast_in_dim3A = arith.constant 1 : i32
    %broadcast_in_dim3A_1 = vector.broadcast %broadcast_in_dim3A : i32 to vector<16xi32>
    %broadcast_in_dim3A_2 = arith.constant 0 : i32
    %broadcast_in_dim3A_3 = vector.broadcast %broadcast_in_dim3A_2 : i32 to vector<16xi32>
    %broadcast_in_dim3A_4 = arith.constant 0.000000e+00 : f32
    %broadcast_in_dim3A_5 = vector.broadcast %broadcast_in_dim3A_4 : f32 to vector<16xf32>
    %scan3A = arith.constant 0 : i32
    %scan3A_6 = arith.constant 0 : i32
    %scan3A_7 = arith.constant 512 : i32
    %scan3A_8 = arith.addi %scan3A_6, %scan3A_7 : i32
    %scan3A_9 = arith.constant 1 : i32
    %scan3A_10 = scf.for %scan3A_19 = %scan3A_6 to %scan3A_8 step %scan3A_9 iter_args(%scan3A_20 = %scan3A) -> (i32)  : i32 {
      %mul3A_21 = arith.constant 16 : i32
      %mul3A_22 = arith.muli %scan3A_19, %mul3A_21 : i32
      %swap3A = arith.index_cast %mul3A_22 : i32 to index
      %swap3A_23 = tpu.vector_load %arg5[%swap3A] {strides = array<i32>} : memref<8192xf32, #tpu.memory_space<vmem>>, vector<16xf32>,
      tpu.vector_store %arg5[%swap3A], %broadcast_in_dim3A_5 {strides = array<i32>} : memref<8192xf32, #tpu.memory_space<vmem>>, vector<16xf32>,
      %scan3A_24 = arith.constant 0 : i32
      scf.yield %scan3A_24 : i32
    }
    %scan3A_11 = arith.constant 512 : i32
    %scan3A_12 = arith.constant 0 : i32
    %scan3A_13 = arith.constant 0 : i32
    %scan3A_14 = arith.constant 4 : i32
    %scan3A_15 = arith.addi %scan3A_13, %scan3A_14 : i32
    %scan3A_16 = arith.constant 1 : i32
    %scan3A_17 = scf.for %scan3A_19 = %scan3A_13 to %scan3A_15 step %scan3A_16 iter_args(%scan3A_20 = %scan3A_12) -> (i32)  : i32 {
      %mul3A_21 = arith.constant 4 : i32
      %mul3A_22 = arith.muli %add3A, %mul3A_21 : i32
      %add3A_23 = arith.addi %mul3A_22, %scan3A_19 : i32
      "tpu.region"() ({
        %run_scoped3A = tpu.sem_alloc : memref<!tpu.dma_semaphore, #tpu.memory_space<semaphore_mem>>
        %dma_start3A = arith.constant 0 : i32
        %dma_start3A_947 = tpu.memref_slice %arg2[%add3A_23, %dma_start3A] : memref<128x8192xf32, #tpu.memory_space<hbm>> -> memref<1x8192xf32, #tpu.memory_space<hbm>>
        %dma_start3A_948 = tpu.memref_squeeze %dma_start3A_947 : memref<1x8192xf32, #tpu.memory_space<hbm>> -> memref<8192xf32, #tpu.memory_space<hbm>>
        %dma_start3A_949 = arith.constant 0 : i32
        %dma_start3A_950 = tpu.memref_slice %arg2[%add3A_23, %dma_start3A_949] : memref<128x8192xf32, #tpu.memory_space<hbm>> -> memref<1x8192xf32, #tpu.memory_space<hbm>>
        %dma_start3A_951 = tpu.memref_squeeze %dma_start3A_950 : memref<1x8192xf32, #tpu.memory_space<hbm>> -> memref<8192xf32, #tpu.memory_space<hbm>>
        tpu.enqueue_dma source(%dma_start3A_951 : memref<8192xf32, #tpu.memory_space<hbm>>) target(%arg4 : memref<8192xf32, #tpu.memory_space<vmem>>) target_semaphore(%run_scoped3A : memref<!tpu.dma_semaphore, #tpu.memory_space<semaphore_mem>>)
        %dma_wait3A = arith.constant 0 : i32
        %dma_wait3A_952 = tpu.memref_slice %arg2[%add3A_23, %dma_wait3A] : memref<128x8192xf32, #tpu.memory_space<hbm>> -> memref<1x8192xf32, #tpu.memory_space<hbm>>
        %dma_wait3A_953 = tpu.memref_squeeze %dma_wait3A_952 : memref<1x8192xf32, #tpu.memory_space<hbm>> -> memref<8192xf32, #tpu.memory_space<hbm>>
        %dma_wait3A_954 = arith.constant 0 : i32
        %dma_wait3A_955 = tpu.memref_slice %arg2[%add3A_23, %dma_wait3A_954] : memref<128x8192xf32, #tpu.memory_space<hbm>> -> memref<1x8192xf32, #tpu.memory_space<hbm>>
        %dma_wait3A_956 = tpu.memref_squeeze %dma_wait3A_955 : memref<1x8192xf32, #tpu.memory_space<hbm>> -> memref<8192xf32, #tpu.memory_space<hbm>>
        tpu.wait_dma2 semaphore(%run_scoped3A : memref<!tpu.dma_semaphore, #tpu.memory_space<semaphore_mem>>) src(%dma_wait3A_956 : memref<8192xf32, #tpu.memory_space<hbm>>) dst(%arg4 : memref<8192xf32, #tpu.memory_space<vmem>>)
        tpu.yield
      }) : () -> ()
      %broadcast_in_dim3A_24 = arith.constant 0xFF800000 : f32
      %broadcast_in_dim3A_25 = vector.broadcast %broadcast_in_dim3A_24 : f32 to vector<16xf32>
      %scan3A_26 = arith.constant 0 : i32
      %scan3A_27 = arith.constant 32 : i32
      %scan3A_28 = arith.addi %scan3A_26, %scan3A_27 : i32
      %scan3A_29 = arith.constant 1 : i32
      %scan3A_30:16 = scf.for %scan3A_947 = %scan3A_26 to %scan3A_28 step %scan3A_29 iter_args(%scan3A_948 = %broadcast_in_dim3A_25, %scan3A_949 = %broadcast_in_dim3A_25, %scan3A_950 = %broadcast_in_dim3A_25, %scan3A_951 = %broadcast_in_dim3A_25, %scan3A_952 = %broadcast_in_dim3A_25, %scan3A_953 = %broadcast_in_dim3A_25, %scan3A_954 = %broadcast_in_dim3A_25, %scan3A_955 = %broadcast_in_dim3A_25, %scan3A_956 = %broadcast_in_dim3A_25, %scan3A_957 = %broadcast_in_dim3A_25, %scan3A_958 = %broadcast_in_dim3A_25, %scan3A_959 = %broadcast_in_dim3A_25, %scan3A_960 = %broadcast_in_dim3A_25, %scan3A_961 = %broadcast_in_dim3A_25, %scan3A_962 = %broadcast_in_dim3A_25, %scan3A_963 = %broadcast_in_dim3A_25) -> (vector<16xf32>, vector<16xf32>, vector<16xf32>, vector<16xf32>, vector<16xf32>, vector<16xf32>, vector<16xf32>, vector<16xf32>, vector<16xf32>, vector<16xf32>, vector<16xf32>, vector<16xf32>, vector<16xf32>, vector<16xf32>, vector<16xf32>, vector<16xf32>)  : i32 {
        %mul3A_964 = arith.constant 256 : i32
        %mul3A_965 = arith.muli %scan3A_947, %mul3A_964 : i32
        %add3A_966 = arith.constant 0 : i32
        %add3A_967 = arith.addi %mul3A_965, %add3A_966 : i32
        %get3A_968 = arith.index_cast %add3A_967 : i32 to index
        %get3A_969 = tpu.vector_load %arg4[%get3A_968] {strides = array<i32>} : memref<8192xf32, #tpu.memory_space<vmem>>, vector<16xf32>,
        %max3A_970 = arith.maximumf %scan3A_948, %get3A_969 : vector<16xf32>
        %add3A_971 = arith.constant 16 : i32
        %add3A_972 = arith.addi %mul3A_965, %add3A_971 : i32
        %get3A_973 = arith.index_cast %add3A_972 : i32 to index
        %get3A_974 = tpu.vector_load %arg4[%get3A_973] {strides = array<i32>} : memref<8192xf32, #tpu.memory_space<vmem>>, vector<16xf32>,
        %max3A_975 = arith.maximumf %scan3A_949, %get3A_974 : vector<16xf32>
        %add3A_976 = arith.constant 32 : i32
        %add3A_977 = arith.addi %mul3A_965, %add3A_976 : i32
        %get3A_978 = arith.index_cast %add3A_977 : i32 to index
        %get3A_979 = tpu.vector_load %arg4[%get3A_978] {strides = array<i32>} : memref<8192xf32, #tpu.memory_space<vmem>>, vector<16xf32>,
        %max3A_980 = arith.maximumf %scan3A_950, %get3A_979 : vector<16xf32>
        %add3A_981 = arith.constant 48 : i32
        %add3A_982 = arith.addi %mul3A_965, %add3A_981 : i32
        %get3A_983 = arith.index_cast %add3A_982 : i32 to index
        %get3A_984 = tpu.vector_load %arg4[%get3A_983] {strides = array<i32>} : memref<8192xf32, #tpu.memory_space<vmem>>, vector<16xf32>,
        %max3A_985 = arith.maximumf %scan3A_951, %get3A_984 : vector<16xf32>
        %add3A_986 = arith.constant 64 : i32
        %add3A_987 = arith.addi %mul3A_965, %add3A_986 : i32
        %get3A_988 = arith.index_cast %add3A_987 : i32 to index
        %get3A_989 = tpu.vector_load %arg4[%get3A_988] {strides = array<i32>} : memref<8192xf32, #tpu.memory_space<vmem>>, vector<16xf32>,
        %max3A_990 = arith.maximumf %scan3A_952, %get3A_989 : vector<16xf32>
        %add3A_991 = arith.constant 80 : i32
        %add3A_992 = arith.addi %mul3A_965, %add3A_991 : i32
        %get3A_993 = arith.index_cast %add3A_992 : i32 to index
        %get3A_994 = tpu.vector_load %arg4[%get3A_993] {strides = array<i32>} : memref<8192xf32, #tpu.memory_space<vmem>>, vector<16xf32>,
        %max3A_995 = arith.maximumf %scan3A_953, %get3A_994 : vector<16xf32>
        %add3A_996 = arith.constant 96 : i32
        %add3A_997 = arith.addi %mul3A_965, %add3A_996 : i32
        %get3A_998 = arith.index_cast %add3A_997 : i32 to index
        %get3A_999 = tpu.vector_load %arg4[%get3A_998] {strides = array<i32>} : memref<8192xf32, #tpu.memory_space<vmem>>, vector<16xf32>,
        %max3A_1000 = arith.maximumf %scan3A_954, %get3A_999 : vector<16xf32>
        %add3A_1001 = arith.constant 112 : i32
        %add3A_1002 = arith.addi %mul3A_965, %add3A_1001 : i32
        %get3A_1003 = arith.index_cast %add3A_1002 : i32 to index
        %get3A_1004 = tpu.vector_load %arg4[%get3A_1003] {strides = array<i32>} : memref<8192xf32, #tpu.memory_space<vmem>>, vector<16xf32>,
        %max3A_1005 = arith.maximumf %scan3A_955, %get3A_1004 : vector<16xf32>
        %add3A_1006 = arith.constant 128 : i32
        %add3A_1007 = arith.addi %mul3A_965, %add3A_1006 : i32
        %get3A_1008 = arith.index_cast %add3A_1007 : i32 to index
        %get3A_1009 = tpu.vector_load %arg4[%get3A_1008] {strides = array<i32>} : memref<8192xf32, #tpu.memory_space<vmem>>, vector<16xf32>,
        %max3A_1010 = arith.maximumf %scan3A_956, %get3A_1009 : vector<16xf32>
        %add3A_1011 = arith.constant 144 : i32
        %add3A_1012 = arith.addi %mul3A_965, %add3A_1011 : i32
        %get3A_1013 = arith.index_cast %add3A_1012 : i32 to index
        %get3A_1014 = tpu.vector_load %arg4[%get3A_1013] {strides = array<i32>} : memref<8192xf32, #tpu.memory_space<vmem>>, vector<16xf32>,
        %max3A_1015 = arith.maximumf %scan3A_957, %get3A_1014 : vector<16xf32>
        %add3A_1016 = arith.constant 160 : i32
        %add3A_1017 = arith.addi %mul3A_965, %add3A_1016 : i32
        %get3A_1018 = arith.index_cast %add3A_1017 : i32 to index
        %get3A_1019 = tpu.vector_load %arg4[%get3A_1018] {strides = array<i32>} : memref<8192xf32, #tpu.memory_space<vmem>>, vector<16xf32>,
        %max3A_1020 = arith.maximumf %scan3A_958, %get3A_1019 : vector<16xf32>
        %add3A_1021 = arith.constant 176 : i32
        %add3A_1022 = arith.addi %mul3A_965, %add3A_1021 : i32
        %get3A_1023 = arith.index_cast %add3A_1022 : i32 to index
        %get3A_1024 = tpu.vector_load %arg4[%get3A_1023] {strides = array<i32>} : memref<8192xf32, #tpu.memory_space<vmem>>, vector<16xf32>,
        %max3A_1025 = arith.maximumf %scan3A_959, %get3A_1024 : vector<16xf32>
        %add3A_1026 = arith.constant 192 : i32
        %add3A_1027 = arith.addi %mul3A_965, %add3A_1026 : i32
        %get3A_1028 = arith.index_cast %add3A_1027 : i32 to index
        %get3A_1029 = tpu.vector_load %arg4[%get3A_1028] {strides = array<i32>} : memref<8192xf32, #tpu.memory_space<vmem>>, vector<16xf32>,
        %max3A_1030 = arith.maximumf %scan3A_960, %get3A_1029 : vector<16xf32>
        %add3A_1031 = arith.constant 208 : i32
        %add3A_1032 = arith.addi %mul3A_965, %add3A_1031 : i32
        %get3A_1033 = arith.index_cast %add3A_1032 : i32 to index
        %get3A_1034 = tpu.vector_load %arg4[%get3A_1033] {strides = array<i32>} : memref<8192xf32, #tpu.memory_space<vmem>>, vector<16xf32>,
        %max3A_1035 = arith.maximumf %scan3A_961, %get3A_1034 : vector<16xf32>
        %add3A_1036 = arith.constant 224 : i32
        %add3A_1037 = arith.addi %mul3A_965, %add3A_1036 : i32
        %get3A_1038 = arith.index_cast %add3A_1037 : i32 to index
        %get3A_1039 = tpu.vector_load %arg4[%get3A_1038] {strides = array<i32>} : memref<8192xf32, #tpu.memory_space<vmem>>, vector<16xf32>,
        %max3A_1040 = arith.maximumf %scan3A_962, %get3A_1039 : vector<16xf32>
        %add3A_1041 = arith.constant 240 : i32
        %add3A_1042 = arith.addi %mul3A_965, %add3A_1041 : i32
        %get3A_1043 = arith.index_cast %add3A_1042 : i32 to index
        %get3A_1044 = tpu.vector_load %arg4[%get3A_1043] {strides = array<i32>} : memref<8192xf32, #tpu.memory_space<vmem>>, vector<16xf32>,
        %max3A_1045 = arith.maximumf %scan3A_963, %get3A_1044 : vector<16xf32>
        scf.yield %max3A_970, %max3A_975, %max3A_980, %max3A_985, %max3A_990, %max3A_995, %max3A_1000, %max3A_1005, %max3A_1010, %max3A_1015, %max3A_1020, %max3A_1025, %max3A_1030, %max3A_1035, %max3A_1040, %max3A_1045 : vector<16xf32>, vector<16xf32>, vector<16xf32>, vector<16xf32>, vector<16xf32>, vector<16xf32>, vector<16xf32>, vector<16xf32>, vector<16xf32>, vector<16xf32>, vector<16xf32>, vector<16xf32>, vector<16xf32>, vector<16xf32>, vector<16xf32>, vector<16xf32>
      }
      %scan3A_31 = arith.constant 32 : i32
      %max3A = arith.maximumf %scan3A_30#0, %scan3A_30#8 : vector<16xf32>
      %max3A_32 = arith.maximumf %scan3A_30#1, %scan3A_30#9 : vector<16xf32>
      %max3A_33 = arith.maximumf %scan3A_30#2, %scan3A_30#10 : vector<16xf32>
      %max3A_34 = arith.maximumf %scan3A_30#3, %scan3A_30#11 : vector<16xf32>
      %max3A_35 = arith.maximumf %scan3A_30#4, %scan3A_30#12 : vector<16xf32>
      %max3A_36 = arith.maximumf %scan3A_30#5, %scan3A_30#13 : vector<16xf32>
      %max3A_37 = arith.maximumf %scan3A_30#6, %scan3A_30#14 : vector<16xf32>
      %max3A_38 = arith.maximumf %scan3A_30#7, %scan3A_30#15 : vector<16xf32>
      %max3A_39 = arith.maximumf %max3A, %max3A_35 : vector<16xf32>
      %max3A_40 = arith.maximumf %max3A_32, %max3A_36 : vector<16xf32>
      %max3A_41 = arith.maximumf %max3A_33, %max3A_37 : vector<16xf32>
      %max3A_42 = arith.maximumf %max3A_34, %max3A_38 : vector<16xf32>
      %max3A_43 = arith.maximumf %max3A_39, %max3A_40 : vector<16xf32>
      %max3A_44 = arith.maximumf %max3A_41, %max3A_42 : vector<16xf32>
      %max3A_45 = arith.maximumf %max3A_43, %max3A_44 : vector<16xf32>
      %reduce_max3A = arith.constant true
      %reduce_max3A_46 = vector.broadcast %reduce_max3A : i1 to vector<16xi1>
      %reduce_max3A_47 = tpu.scan <max>, %max3A_45 masked %reduce_max3A_46 : vector<16xf32>, vector<16xi1> -> vector<16xf32>
      %reduce_max3A_48 = vector.extract %reduce_max3A_47[15] : f32 from vector<16xf32>
      %min3A = arith.minimumf %max3A_39, %max3A_40 : vector<16xf32>
      %min3A_49 = arith.minimumf %max3A_41, %max3A_42 : vector<16xf32>
      %min3A_50 = arith.minimumf %min3A, %min3A_49 : vector<16xf32>
      %reduce_min3A = arith.constant true
      %reduce_min3A_51 = vector.broadcast %reduce_min3A : i1 to vector<16xi1>
      %reduce_min3A_52 = tpu.scan <min>, %min3A_50 masked %reduce_min3A_51 : vector<16xf32>, vector<16xi1> -> vector<16xf32>
      %reduce_min3A_53 = vector.extract %reduce_min3A_52[15] : f32 from vector<16xf32>
      %broadcast_in_dim3A_54 = vector.broadcast %reduce_min3A_53 : f32 to vector<16xf32>
      %scan3A_55 = arith.constant 0 : i32
      %scan3A_56 = arith.constant 2064 : i32
      %scan3A_57 = arith.constant 4128 : i32
      %scan3A_58 = arith.constant 6192 : i32
      %scan3A_59 = arith.constant 0 : i32
      %scan3A_60 = arith.constant 32 : i32
      %scan3A_61 = arith.addi %scan3A_59, %scan3A_60 : i32
      %scan3A_62 = arith.constant 1 : i32
      %scan3A_63:4 = scf.for %scan3A_947 = %scan3A_59 to %scan3A_61 step %scan3A_62 iter_args(%scan3A_948 = %scan3A_55, %scan3A_949 = %scan3A_56, %scan3A_950 = %scan3A_57, %scan3A_951 = %scan3A_58) -> (i32, i32, i32, i32)  : i32 {
        %mul3A_952 = arith.constant 4 : i32
        %mul3A_953 = arith.muli %scan3A_947, %mul3A_952 : i32
        %add3A_954 = arith.constant 0 : i32
        %add3A_955 = arith.addi %mul3A_953, %add3A_954 : i32
        %mul3A_956 = arith.constant 16 : i32
        %mul3A_957 = arith.muli %add3A_955, %mul3A_956 : i32
        %add3A_958 = arith.constant 0 : i32
        %add3A_959 = arith.addi %add3A_958, %mul3A_957 : i32
        %get3A_960 = arith.index_cast %add3A_959 : i32 to index
        %get3A_961 = tpu.vector_load %arg4[%get3A_960] {strides = array<i32>} : memref<8192xf32, #tpu.memory_space<vmem>>, vector<16xf32>,
        %ge3A_962 = arith.cmpf oge, %get3A_961, %broadcast_in_dim3A_54 : vector<16xf32>
        %add3A_963 = vector.broadcast %add3A_959 : i32 to vector<16xi32>
        %add3A_964 = arith.addi %add3A_963, %iota3A : vector<16xi32>
        %swap3A_965 = arith.index_cast %scan3A_948 : i32 to index
        %swap3A_966 = tpu.vector_load %arg6[%swap3A_965] masked %ge3A_962 {strides = array<i32>} : memref<8256xi32, #tpu.memory_space<vmem>>, vector<16xi32>, vector<16xi1>
        tpu.vector_store %arg6[%swap3A_965], %add3A_964 masked %ge3A_962 {strides = array<i32>} : memref<8256xi32, #tpu.memory_space<vmem>>, vector<16xi32>, vector<16xi1>
        %all_reduce_population_count3A_967 = tpu.all_reduce %ge3A_962 {dim = 0 : i64, kind = #tpu.reduction_kind<sum>} : vector<16xi1> -> vector<16xi32>
        %slice3A_968 = vector.extract_strided_slice %all_reduce_population_count3A_967 {offsets = [0], sizes = [1], strides = [1]} : vector<16xi32> to vector<1xi32>
        %squeeze3A_969 = vector.extract %slice3A_968[0] : i32 from vector<1xi32>
        %add3A_970 = arith.addi %scan3A_948, %squeeze3A_969 : i32
        %add3A_971 = arith.constant 2048 : i32
        %add3A_972 = arith.addi %add3A_971, %mul3A_957 : i32
        %get3A_973 = arith.index_cast %add3A_972 : i32 to index
        %get3A_974 = tpu.vector_load %arg4[%get3A_973] {strides = array<i32>} : memref<8192xf32, #tpu.memory_space<vmem>>, vector<16xf32>,
        %ge3A_975 = arith.cmpf oge, %get3A_974, %broadcast_in_dim3A_54 : vector<16xf32>
        %add3A_976 = vector.broadcast %add3A_972 : i32 to vector<16xi32>
        %add3A_977 = arith.addi %add3A_976, %iota3A : vector<16xi32>
        %swap3A_978 = arith.index_cast %scan3A_949 : i32 to index
        %swap3A_979 = tpu.vector_load %arg6[%swap3A_978] masked %ge3A_975 {strides = array<i32>} : memref<8256xi32, #tpu.memory_space<vmem>>, vector<16xi32>, vector<16xi1>
        tpu.vector_store %arg6[%swap3A_978], %add3A_977 masked %ge3A_975 {strides = array<i32>} : memref<8256xi32, #tpu.memory_space<vmem>>, vector<16xi32>, vector<16xi1>
        %all_reduce_population_count3A_980 = tpu.all_reduce %ge3A_975 {dim = 0 : i64, kind = #tpu.reduction_kind<sum>} : vector<16xi1> -> vector<16xi32>
        %slice3A_981 = vector.extract_strided_slice %all_reduce_population_count3A_980 {offsets = [0], sizes = [1], strides = [1]} : vector<16xi32> to vector<1xi32>
        %squeeze3A_982 = vector.extract %slice3A_981[0] : i32 from vector<1xi32>
        %add3A_983 = arith.addi %scan3A_949, %squeeze3A_982 : i32
        %add3A_984 = arith.constant 4096 : i32
        %add3A_985 = arith.addi %add3A_984, %mul3A_957 : i32
        %get3A_986 = arith.index_cast %add3A_985 : i32 to index
        %get3A_987 = tpu.vector_load %arg4[%get3A_986] {strides = array<i32>} : memref<8192xf32, #tpu.memory_space<vmem>>, vector<16xf32>,
        %ge3A_988 = arith.cmpf oge, %get3A_987, %broadcast_in_dim3A_54 : vector<16xf32>
        %add3A_989 = vector.broadcast %add3A_985 : i32 to vector<16xi32>
        %add3A_990 = arith.addi %add3A_989, %iota3A : vector<16xi32>
        %swap3A_991 = arith.index_cast %scan3A_950 : i32 to index
        %swap3A_992 = tpu.vector_load %arg6[%swap3A_991] masked %ge3A_988 {strides = array<i32>} : memref<8256xi32, #tpu.memory_space<vmem>>, vector<16xi32>, vector<16xi1>
        tpu.vector_store %arg6[%swap3A_991], %add3A_990 masked %ge3A_988 {strides = array<i32>} : memref<8256xi32, #tpu.memory_space<vmem>>, vector<16xi32>, vector<16xi1>
        %all_reduce_population_count3A_993 = tpu.all_reduce %ge3A_988 {dim = 0 : i64, kind = #tpu.reduction_kind<sum>} : vector<16xi1> -> vector<16xi32>
        %slice3A_994 = vector.extract_strided_slice %all_reduce_population_count3A_993 {offsets = [0], sizes = [1], strides = [1]} : vector<16xi32> to vector<1xi32>
        %squeeze3A_995 = vector.extract %slice3A_994[0] : i32 from vector<1xi32>
        %add3A_996 = arith.addi %scan3A_950, %squeeze3A_995 : i32
        %add3A_997 = arith.constant 6144 : i32
        %add3A_998 = arith.addi %add3A_997, %mul3A_957 : i32
        %get3A_999 = arith.index_cast %add3A_998 : i32 to index
        %get3A_1000 = tpu.vector_load %arg4[%get3A_999] {strides = array<i32>} : memref<8192xf32, #tpu.memory_space<vmem>>, vector<16xf32>,
        %ge3A_1001 = arith.cmpf oge, %get3A_1000, %broadcast_in_dim3A_54 : vector<16xf32>
        %add3A_1002 = vector.broadcast %add3A_998 : i32 to vector<16xi32>
        %add3A_1003 = arith.addi %add3A_1002, %iota3A : vector<16xi32>
        %swap3A_1004 = arith.index_cast %scan3A_951 : i32 to index
        %swap3A_1005 = tpu.vector_load %arg6[%swap3A_1004] masked %ge3A_1001 {strides = array<i32>} : memref<8256xi32, #tpu.memory_space<vmem>>, vector<16xi32>, vector<16xi1>
        tpu.vector_store %arg6[%swap3A_1004], %add3A_1003 masked %ge3A_1001 {strides = array<i32>} : memref<8256xi32, #tpu.memory_space<vmem>>, vector<16xi32>, vector<16xi1>
        %all_reduce_population_count3A_1006 = tpu.all_reduce %ge3A_1001 {dim = 0 : i64, kind = #tpu.reduction_kind<sum>} : vector<16xi1> -> vector<16xi32>
        %slice3A_1007 = vector.extract_strided_slice %all_reduce_population_count3A_1006 {offsets = [0], sizes = [1], strides = [1]} : vector<16xi32> to vector<1xi32>
        %squeeze3A_1008 = vector.extract %slice3A_1007[0] : i32 from vector<1xi32>
        %add3A_1009 = arith.addi %scan3A_951, %squeeze3A_1008 : i32
        %mul3A_1010 = arith.constant 4 : i32
        %mul3A_1011 = arith.muli %scan3A_947, %mul3A_1010 : i32
        %add3A_1012 = arith.constant 1 : i32
        %add3A_1013 = arith.addi %mul3A_1011, %add3A_1012 : i32
        %mul3A_1014 = arith.constant 16 : i32
        %mul3A_1015 = arith.muli %add3A_1013, %mul3A_1014 : i32
        %add3A_1016 = arith.constant 0 : i32
        %add3A_1017 = arith.addi %add3A_1016, %mul3A_1015 : i32
        %get3A_1018 = arith.index_cast %add3A_1017 : i32 to index
        %get3A_1019 = tpu.vector_load %arg4[%get3A_1018] {strides = array<i32>} : memref<8192xf32, #tpu.memory_space<vmem>>, vector<16xf32>,
        %ge3A_1020 = arith.cmpf oge, %get3A_1019, %broadcast_in_dim3A_54 : vector<16xf32>
        %add3A_1021 = vector.broadcast %add3A_1017 : i32 to vector<16xi32>
        %add3A_1022 = arith.addi %add3A_1021, %iota3A : vector<16xi32>
        %swap3A_1023 = arith.index_cast %add3A_970 : i32 to index
        %swap3A_1024 = tpu.vector_load %arg6[%swap3A_1023] masked %ge3A_1020 {strides = array<i32>} : memref<8256xi32, #tpu.memory_space<vmem>>, vector<16xi32>, vector<16xi1>
        tpu.vector_store %arg6[%swap3A_1023], %add3A_1022 masked %ge3A_1020 {strides = array<i32>} : memref<8256xi32, #tpu.memory_space<vmem>>, vector<16xi32>, vector<16xi1>
        %all_reduce_population_count3A_1025 = tpu.all_reduce %ge3A_1020 {dim = 0 : i64, kind = #tpu.reduction_kind<sum>} : vector<16xi1> -> vector<16xi32>
        %slice3A_1026 = vector.extract_strided_slice %all_reduce_population_count3A_1025 {offsets = [0], sizes = [1], strides = [1]} : vector<16xi32> to vector<1xi32>
        %squeeze3A_1027 = vector.extract %slice3A_1026[0] : i32 from vector<1xi32>
        %add3A_1028 = arith.addi %add3A_970, %squeeze3A_1027 : i32
        %add3A_1029 = arith.constant 2048 : i32
        %add3A_1030 = arith.addi %add3A_1029, %mul3A_1015 : i32
        %get3A_1031 = arith.index_cast %add3A_1030 : i32 to index
        %get3A_1032 = tpu.vector_load %arg4[%get3A_1031] {strides = array<i32>} : memref<8192xf32, #tpu.memory_space<vmem>>, vector<16xf32>,
        %ge3A_1033 = arith.cmpf oge, %get3A_1032, %broadcast_in_dim3A_54 : vector<16xf32>
        %add3A_1034 = vector.broadcast %add3A_1030 : i32 to vector<16xi32>
        %add3A_1035 = arith.addi %add3A_1034, %iota3A : vector<16xi32>
        %swap3A_1036 = arith.index_cast %add3A_983 : i32 to index
        %swap3A_1037 = tpu.vector_load %arg6[%swap3A_1036] masked %ge3A_1033 {strides = array<i32>} : memref<8256xi32, #tpu.memory_space<vmem>>, vector<16xi32>, vector<16xi1>
        tpu.vector_store %arg6[%swap3A_1036], %add3A_1035 masked %ge3A_1033 {strides = array<i32>} : memref<8256xi32, #tpu.memory_space<vmem>>, vector<16xi32>, vector<16xi1>
        %all_reduce_population_count3A_1038 = tpu.all_reduce %ge3A_1033 {dim = 0 : i64, kind = #tpu.reduction_kind<sum>} : vector<16xi1> -> vector<16xi32>
        %slice3A_1039 = vector.extract_strided_slice %all_reduce_population_count3A_1038 {offsets = [0], sizes = [1], strides = [1]} : vector<16xi32> to vector<1xi32>
        %squeeze3A_1040 = vector.extract %slice3A_1039[0] : i32 from vector<1xi32>
        %add3A_1041 = arith.addi %add3A_983, %squeeze3A_1040 : i32
        %add3A_1042 = arith.constant 4096 : i32
        %add3A_1043 = arith.addi %add3A_1042, %mul3A_1015 : i32
        %get3A_1044 = arith.index_cast %add3A_1043 : i32 to index
        %get3A_1045 = tpu.vector_load %arg4[%get3A_1044] {strides = array<i32>} : memref<8192xf32, #tpu.memory_space<vmem>>, vector<16xf32>,
        %ge3A_1046 = arith.cmpf oge, %get3A_1045, %broadcast_in_dim3A_54 : vector<16xf32>
        %add3A_1047 = vector.broadcast %add3A_1043 : i32 to vector<16xi32>
        %add3A_1048 = arith.addi %add3A_1047, %iota3A : vector<16xi32>
        %swap3A_1049 = arith.index_cast %add3A_996 : i32 to index
        %swap3A_1050 = tpu.vector_load %arg6[%swap3A_1049] masked %ge3A_1046 {strides = array<i32>} : memref<8256xi32, #tpu.memory_space<vmem>>, vector<16xi32>, vector<16xi1>
        tpu.vector_store %arg6[%swap3A_1049], %add3A_1048 masked %ge3A_1046 {strides = array<i32>} : memref<8256xi32, #tpu.memory_space<vmem>>, vector<16xi32>, vector<16xi1>
        %all_reduce_population_count3A_1051 = tpu.all_reduce %ge3A_1046 {dim = 0 : i64, kind = #tpu.reduction_kind<sum>} : vector<16xi1> -> vector<16xi32>
        %slice3A_1052 = vector.extract_strided_slice %all_reduce_population_count3A_1051 {offsets = [0], sizes = [1], strides = [1]} : vector<16xi32> to vector<1xi32>
        %squeeze3A_1053 = vector.extract %slice3A_1052[0] : i32 from vector<1xi32>
        %add3A_1054 = arith.addi %add3A_996, %squeeze3A_1053 : i32
        %add3A_1055 = arith.constant 6144 : i32
        %add3A_1056 = arith.addi %add3A_1055, %mul3A_1015 : i32
        %get3A_1057 = arith.index_cast %add3A_1056 : i32 to index
        %get3A_1058 = tpu.vector_load %arg4[%get3A_1057] {strides = array<i32>} : memref<8192xf32, #tpu.memory_space<vmem>>, vector<16xf32>,
        %ge3A_1059 = arith.cmpf oge, %get3A_1058, %broadcast_in_dim3A_54 : vector<16xf32>
        %add3A_1060 = vector.broadcast %add3A_1056 : i32 to vector<16xi32>
        %add3A_1061 = arith.addi %add3A_1060, %iota3A : vector<16xi32>
        %swap3A_1062 = arith.index_cast %add3A_1009 : i32 to index
        %swap3A_1063 = tpu.vector_load %arg6[%swap3A_1062] masked %ge3A_1059 {strides = array<i32>} : memref<8256xi32, #tpu.memory_space<vmem>>, vector<16xi32>, vector<16xi1>
        tpu.vector_store %arg6[%swap3A_1062], %add3A_1061 masked %ge3A_1059 {strides = array<i32>} : memref<8256xi32, #tpu.memory_space<vmem>>, vector<16xi32>, vector<16xi1>
        %all_reduce_population_count3A_1064 = tpu.all_reduce %ge3A_1059 {dim = 0 : i64, kind = #tpu.reduction_kind<sum>} : vector<16xi1> -> vector<16xi32>
        %slice3A_1065 = vector.extract_strided_slice %all_reduce_population_count3A_1064 {offsets = [0], sizes = [1], strides = [1]} : vector<16xi32> to vector<1xi32>
        %squeeze3A_1066 = vector.extract %slice3A_1065[0] : i32 from vector<1xi32>
        %add3A_1067 = arith.addi %add3A_1009, %squeeze3A_1066 : i32
        %mul3A_1068 = arith.constant 4 : i32
        %mul3A_1069 = arith.muli %scan3A_947, %mul3A_1068 : i32
        %add3A_1070 = arith.constant 2 : i32
        %add3A_1071 = arith.addi %mul3A_1069, %add3A_1070 : i32
        %mul3A_1072 = arith.constant 16 : i32
        %mul3A_1073 = arith.muli %add3A_1071, %mul3A_1072 : i32
        %add3A_1074 = arith.constant 0 : i32
        %add3A_1075 = arith.addi %add3A_1074, %mul3A_1073 : i32
        %get3A_1076 = arith.index_cast %add3A_1075 : i32 to index
        %get3A_1077 = tpu.vector_load %arg4[%get3A_1076] {strides = array<i32>} : memref<8192xf32, #tpu.memory_space<vmem>>, vector<16xf32>,
        %ge3A_1078 = arith.cmpf oge, %get3A_1077, %broadcast_in_dim3A_54 : vector<16xf32>
        %add3A_1079 = vector.broadcast %add3A_1075 : i32 to vector<16xi32>
        %add3A_1080 = arith.addi %add3A_1079, %iota3A : vector<16xi32>
        %swap3A_1081 = arith.index_cast %add3A_1028 : i32 to index
        %swap3A_1082 = tpu.vector_load %arg6[%swap3A_1081] masked %ge3A_1078 {strides = array<i32>} : memref<8256xi32, #tpu.memory_space<vmem>>, vector<16xi32>, vector<16xi1>
        tpu.vector_store %arg6[%swap3A_1081], %add3A_1080 masked %ge3A_1078 {strides = array<i32>} : memref<8256xi32, #tpu.memory_space<vmem>>, vector<16xi32>, vector<16xi1>
        %all_reduce_population_count3A_1083 = tpu.all_reduce %ge3A_1078 {dim = 0 : i64, kind = #tpu.reduction_kind<sum>} : vector<16xi1> -> vector<16xi32>
        %slice3A_1084 = vector.extract_strided_slice %all_reduce_population_count3A_1083 {offsets = [0], sizes = [1], strides = [1]} : vector<16xi32> to vector<1xi32>
        %squeeze3A_1085 = vector.extract %slice3A_1084[0] : i32 from vector<1xi32>
        %add3A_1086 = arith.addi %add3A_1028, %squeeze3A_1085 : i32
        %add3A_1087 = arith.constant 2048 : i32
        %add3A_1088 = arith.addi %add3A_1087, %mul3A_1073 : i32
        %get3A_1089 = arith.index_cast %add3A_1088 : i32 to index
        %get3A_1090 = tpu.vector_load %arg4[%get3A_1089] {strides = array<i32>} : memref<8192xf32, #tpu.memory_space<vmem>>, vector<16xf32>,
        %ge3A_1091 = arith.cmpf oge, %get3A_1090, %broadcast_in_dim3A_54 : vector<16xf32>
        %add3A_1092 = vector.broadcast %add3A_1088 : i32 to vector<16xi32>
        %add3A_1093 = arith.addi %add3A_1092, %iota3A : vector<16xi32>
        %swap3A_1094 = arith.index_cast %add3A_1041 : i32 to index
        %swap3A_1095 = tpu.vector_load %arg6[%swap3A_1094] masked %ge3A_1091 {strides = array<i32>} : memref<8256xi32, #tpu.memory_space<vmem>>, vector<16xi32>, vector<16xi1>
        tpu.vector_store %arg6[%swap3A_1094], %add3A_1093 masked %ge3A_1091 {strides = array<i32>} : memref<8256xi32, #tpu.memory_space<vmem>>, vector<16xi32>, vector<16xi1>
        %all_reduce_population_count3A_1096 = tpu.all_reduce %ge3A_1091 {dim = 0 : i64, kind = #tpu.reduction_kind<sum>} : vector<16xi1> -> vector<16xi32>
        %slice3A_1097 = vector.extract_strided_slice %all_reduce_population_count3A_1096 {offsets = [0], sizes = [1], strides = [1]} : vector<16xi32> to vector<1xi32>
        %squeeze3A_1098 = vector.extract %slice3A_1097[0] : i32 from vector<1xi32>
        %add3A_1099 = arith.addi %add3A_1041, %squeeze3A_1098 : i32
        %add3A_1100 = arith.constant 4096 : i32
        %add3A_1101 = arith.addi %add3A_1100, %mul3A_1073 : i32
        %get3A_1102 = arith.index_cast %add3A_1101 : i32 to index
        %get3A_1103 = tpu.vector_load %arg4[%get3A_1102] {strides = array<i32>} : memref<8192xf32, #tpu.memory_space<vmem>>, vector<16xf32>,
        %ge3A_1104 = arith.cmpf oge, %get3A_1103, %broadcast_in_dim3A_54 : vector<16xf32>
        %add3A_1105 = vector.broadcast %add3A_1101 : i32 to vector<16xi32>
        %add3A_1106 = arith.addi %add3A_1105, %iota3A : vector<16xi32>
        %swap3A_1107 = arith.index_cast %add3A_1054 : i32 to index
        %swap3A_1108 = tpu.vector_load %arg6[%swap3A_1107] masked %ge3A_1104 {strides = array<i32>} : memref<8256xi32, #tpu.memory_space<vmem>>, vector<16xi32>, vector<16xi1>
        tpu.vector_store %arg6[%swap3A_1107], %add3A_1106 masked %ge3A_1104 {strides = array<i32>} : memref<8256xi32, #tpu.memory_space<vmem>>, vector<16xi32>, vector<16xi1>
        %all_reduce_population_count3A_1109 = tpu.all_reduce %ge3A_1104 {dim = 0 : i64, kind = #tpu.reduction_kind<sum>} : vector<16xi1> -> vector<16xi32>
        %slice3A_1110 = vector.extract_strided_slice %all_reduce_population_count3A_1109 {offsets = [0], sizes = [1], strides = [1]} : vector<16xi32> to vector<1xi32>
        %squeeze3A_1111 = vector.extract %slice3A_1110[0] : i32 from vector<1xi32>
        %add3A_1112 = arith.addi %add3A_1054, %squeeze3A_1111 : i32
        %add3A_1113 = arith.constant 6144 : i32
        %add3A_1114 = arith.addi %add3A_1113, %mul3A_1073 : i32
        %get3A_1115 = arith.index_cast %add3A_1114 : i32 to index
        %get3A_1116 = tpu.vector_load %arg4[%get3A_1115] {strides = array<i32>} : memref<8192xf32, #tpu.memory_space<vmem>>, vector<16xf32>,
        %ge3A_1117 = arith.cmpf oge, %get3A_1116, %broadcast_in_dim3A_54 : vector<16xf32>
        %add3A_1118 = vector.broadcast %add3A_1114 : i32 to vector<16xi32>
        %add3A_1119 = arith.addi %add3A_1118, %iota3A : vector<16xi32>
        %swap3A_1120 = arith.index_cast %add3A_1067 : i32 to index
        %swap3A_1121 = tpu.vector_load %arg6[%swap3A_1120] masked %ge3A_1117 {strides = array<i32>} : memref<8256xi32, #tpu.memory_space<vmem>>, vector<16xi32>, vector<16xi1>
        tpu.vector_store %arg6[%swap3A_1120], %add3A_1119 masked %ge3A_1117 {strides = array<i32>} : memref<8256xi32, #tpu.memory_space<vmem>>, vector<16xi32>, vector<16xi1>
        %all_reduce_population_count3A_1122 = tpu.all_reduce %ge3A_1117 {dim = 0 : i64, kind = #tpu.reduction_kind<sum>} : vector<16xi1> -> vector<16xi32>
        %slice3A_1123 = vector.extract_strided_slice %all_reduce_population_count3A_1122 {offsets = [0], sizes = [1], strides = [1]} : vector<16xi32> to vector<1xi32>
        %squeeze3A_1124 = vector.extract %slice3A_1123[0] : i32 from vector<1xi32>
        %add3A_1125 = arith.addi %add3A_1067, %squeeze3A_1124 : i32
        %mul3A_1126 = arith.constant 4 : i32
        %mul3A_1127 = arith.muli %scan3A_947, %mul3A_1126 : i32
        %add3A_1128 = arith.constant 3 : i32
        %add3A_1129 = arith.addi %mul3A_1127, %add3A_1128 : i32
        %mul3A_1130 = arith.constant 16 : i32
        %mul3A_1131 = arith.muli %add3A_1129, %mul3A_1130 : i32
        %add3A_1132 = arith.constant 0 : i32
        %add3A_1133 = arith.addi %add3A_1132, %mul3A_1131 : i32
        %get3A_1134 = arith.index_cast %add3A_1133 : i32 to index
        %get3A_1135 = tpu.vector_load %arg4[%get3A_1134] {strides = array<i32>} : memref<8192xf32, #tpu.memory_space<vmem>>, vector<16xf32>,
        %ge3A_1136 = arith.cmpf oge, %get3A_1135, %broadcast_in_dim3A_54 : vector<16xf32>
        %add3A_1137 = vector.broadcast %add3A_1133 : i32 to vector<16xi32>
        %add3A_1138 = arith.addi %add3A_1137, %iota3A : vector<16xi32>
        %swap3A_1139 = arith.index_cast %add3A_1086 : i32 to index
        %swap3A_1140 = tpu.vector_load %arg6[%swap3A_1139] masked %ge3A_1136 {strides = array<i32>} : memref<8256xi32, #tpu.memory_space<vmem>>, vector<16xi32>, vector<16xi1>
        tpu.vector_store %arg6[%swap3A_1139], %add3A_1138 masked %ge3A_1136 {strides = array<i32>} : memref<8256xi32, #tpu.memory_space<vmem>>, vector<16xi32>, vector<16xi1>
        %all_reduce_population_count3A_1141 = tpu.all_reduce %ge3A_1136 {dim = 0 : i64, kind = #tpu.reduction_kind<sum>} : vector<16xi1> -> vector<16xi32>
        %slice3A_1142 = vector.extract_strided_slice %all_reduce_population_count3A_1141 {offsets = [0], sizes = [1], strides = [1]} : vector<16xi32> to vector<1xi32>
        %squeeze3A_1143 = vector.extract %slice3A_1142[0] : i32 from vector<1xi32>
        %add3A_1144 = arith.addi %add3A_1086, %squeeze3A_1143 : i32
        %add3A_1145 = arith.constant 2048 : i32
        %add3A_1146 = arith.addi %add3A_1145, %mul3A_1131 : i32
        %get3A_1147 = arith.index_cast %add3A_1146 : i32 to index
        %get3A_1148 = tpu.vector_load %arg4[%get3A_1147] {strides = array<i32>} : memref<8192xf32, #tpu.memory_space<vmem>>, vector<16xf32>,
        %ge3A_1149 = arith.cmpf oge, %get3A_1148, %broadcast_in_dim3A_54 : vector<16xf32>
        %add3A_1150 = vector.broadcast %add3A_1146 : i32 to vector<16xi32>
        %add3A_1151 = arith.addi %add3A_1150, %iota3A : vector<16xi32>
        %swap3A_1152 = arith.index_cast %add3A_1099 : i32 to index
        %swap3A_1153 = tpu.vector_load %arg6[%swap3A_1152] masked %ge3A_1149 {strides = array<i32>} : memref<8256xi32, #tpu.memory_space<vmem>>, vector<16xi32>, vector<16xi1>
        tpu.vector_store %arg6[%swap3A_1152], %add3A_1151 masked %ge3A_1149 {strides = array<i32>} : memref<8256xi32, #tpu.memory_space<vmem>>, vector<16xi32>, vector<16xi1>
        %all_reduce_population_count3A_1154 = tpu.all_reduce %ge3A_1149 {dim = 0 : i64, kind = #tpu.reduction_kind<sum>} : vector<16xi1> -> vector<16xi32>
        %slice3A_1155 = vector.extract_strided_slice %all_reduce_population_count3A_1154 {offsets = [0], sizes = [1], strides = [1]} : vector<16xi32> to vector<1xi32>
        %squeeze3A_1156 = vector.extract %slice3A_1155[0] : i32 from vector<1xi32>
        %add3A_1157 = arith.addi %add3A_1099, %squeeze3A_1156 : i32
        %add3A_1158 = arith.constant 4096 : i32
        %add3A_1159 = arith.addi %add3A_1158, %mul3A_1131 : i32
        %get3A_1160 = arith.index_cast %add3A_1159 : i32 to index
        %get3A_1161 = tpu.vector_load %arg4[%get3A_1160] {strides = array<i32>} : memref<8192xf32, #tpu.memory_space<vmem>>, vector<16xf32>,
        %ge3A_1162 = arith.cmpf oge, %get3A_1161, %broadcast_in_dim3A_54 : vector<16xf32>
        %add3A_1163 = vector.broadcast %add3A_1159 : i32 to vector<16xi32>
        %add3A_1164 = arith.addi %add3A_1163, %iota3A : vector<16xi32>
        %swap3A_1165 = arith.index_cast %add3A_1112 : i32 to index
        %swap3A_1166 = tpu.vector_load %arg6[%swap3A_1165] masked %ge3A_1162 {strides = array<i32>} : memref<8256xi32, #tpu.memory_space<vmem>>, vector<16xi32>, vector<16xi1>
        tpu.vector_store %arg6[%swap3A_1165], %add3A_1164 masked %ge3A_1162 {strides = array<i32>} : memref<8256xi32, #tpu.memory_space<vmem>>, vector<16xi32>, vector<16xi1>
        %all_reduce_population_count3A_1167 = tpu.all_reduce %ge3A_1162 {dim = 0 : i64, kind = #tpu.reduction_kind<sum>} : vector<16xi1> -> vector<16xi32>
        %slice3A_1168 = vector.extract_strided_slice %all_reduce_population_count3A_1167 {offsets = [0], sizes = [1], strides = [1]} : vector<16xi32> to vector<1xi32>
        %squeeze3A_1169 = vector.extract %slice3A_1168[0] : i32 from vector<1xi32>
        %add3A_1170 = arith.addi %add3A_1112, %squeeze3A_1169 : i32
        %add3A_1171 = arith.constant 6144 : i32
        %add3A_1172 = arith.addi %add3A_1171, %mul3A_1131 : i32
        %get3A_1173 = arith.index_cast %add3A_1172 : i32 to index
        %get3A_1174 = tpu.vector_load %arg4[%get3A_1173] {strides = array<i32>} : memref<8192xf32, #tpu.memory_space<vmem>>, vector<16xf32>,
        %ge3A_1175 = arith.cmpf oge, %get3A_1174, %broadcast_in_dim3A_54 : vector<16xf32>
        %add3A_1176 = vector.broadcast %add3A_1172 : i32 to vector<16xi32>
        %add3A_1177 = arith.addi %add3A_1176, %iota3A : vector<16xi32>
        %swap3A_1178 = arith.index_cast %add3A_1125 : i32 to index
        %swap3A_1179 = tpu.vector_load %arg6[%swap3A_1178] masked %ge3A_1175 {strides = array<i32>} : memref<8256xi32, #tpu.memory_space<vmem>>, vector<16xi32>, vector<16xi1>
        tpu.vector_store %arg6[%swap3A_1178], %add3A_1177 masked %ge3A_1175 {strides = array<i32>} : memref<8256xi32, #tpu.memory_space<vmem>>, vector<16xi32>, vector<16xi1>
        %all_reduce_population_count3A_1180 = tpu.all_reduce %ge3A_1175 {dim = 0 : i64, kind = #tpu.reduction_kind<sum>} : vector<16xi1> -> vector<16xi32>
        %slice3A_1181 = vector.extract_strided_slice %all_reduce_population_count3A_1180 {offsets = [0], sizes = [1], strides = [1]} : vector<16xi32> to vector<1xi32>
        %squeeze3A_1182 = vector.extract %slice3A_1181[0] : i32 from vector<1xi32>
        %add3A_1183 = arith.addi %add3A_1125, %squeeze3A_1182 : i32
        scf.yield %add3A_1144, %add3A_1157, %add3A_1170, %add3A_1183 : i32, i32, i32, i32
      }
      %scan3A_64 = arith.constant 32 : i32
      %sub3A = arith.constant 0 : i32
      %sub3A_65 = arith.subi %scan3A_63#0, %sub3A : i32
      %sub3A_66 = arith.constant 2064 : i32
      %sub3A_67 = arith.subi %scan3A_63#1, %sub3A_66 : i32
      %sub3A_68 = arith.constant 4128 : i32
      %sub3A_69 = arith.subi %scan3A_63#2, %sub3A_68 : i32
      %sub3A_70 = arith.constant 6192 : i32
      %sub3A_71 = arith.subi %scan3A_63#3, %sub3A_70 : i32
      %swap3A = arith.constant 0 : index
      %swap3A_72 = tpu.vector_load %arg9[%swap3A] {strides = array<i32>} : memref<256xi32, #tpu.memory_space<vmem>>, vector<16xi32>,
      tpu.vector_store %arg9[%swap3A], %broadcast_in_dim3A_3 {strides = array<i32>} : memref<256xi32, #tpu.memory_space<vmem>>, vector<16xi32>,
      %swap3A_73 = arith.constant 16 : index
      %swap3A_74 = tpu.vector_load %arg9[%swap3A_73] {strides = array<i32>} : memref<256xi32, #tpu.memory_space<vmem>>, vector<16xi32>,
      tpu.vector_store %arg9[%swap3A_73], %broadcast_in_dim3A_3 {strides = array<i32>} : memref<256xi32, #tpu.memory_space<vmem>>, vector<16xi32>,
      %swap3A_75 = arith.constant 32 : index
      %swap3A_76 = tpu.vector_load %arg9[%swap3A_75] {strides = array<i32>} : memref<256xi32, #tpu.memory_space<vmem>>, vector<16xi32>,
      tpu.vector_store %arg9[%swap3A_75], %broadcast_in_dim3A_3 {strides = array<i32>} : memref<256xi32, #tpu.memory_space<vmem>>, vector<16xi32>,
      %swap3A_77 = arith.constant 48 : index
      %swap3A_78 = tpu.vector_load %arg9[%swap3A_77] {strides = array<i32>} : memref<256xi32, #tpu.memory_space<vmem>>, vector<16xi32>,
      tpu.vector_store %arg9[%swap3A_77], %broadcast_in_dim3A_3 {strides = array<i32>} : memref<256xi32, #tpu.memory_space<vmem>>, vector<16xi32>,
      %swap3A_79 = arith.constant 64 : index
      %swap3A_80 = tpu.vector_load %arg9[%swap3A_79] {strides = array<i32>} : memref<256xi32, #tpu.memory_space<vmem>>, vector<16xi32>,
      tpu.vector_store %arg9[%swap3A_79], %broadcast_in_dim3A_3 {strides = array<i32>} : memref<256xi32, #tpu.memory_space<vmem>>, vector<16xi32>,
      %swap3A_81 = arith.constant 80 : index
      %swap3A_82 = tpu.vector_load %arg9[%swap3A_81] {strides = array<i32>} : memref<256xi32, #tpu.memory_space<vmem>>, vector<16xi32>,
      tpu.vector_store %arg9[%swap3A_81], %broadcast_in_dim3A_3 {strides = array<i32>} : memref<256xi32, #tpu.memory_space<vmem>>, vector<16xi32>,
      %swap3A_83 = arith.constant 96 : index
      %swap3A_84 = tpu.vector_load %arg9[%swap3A_83] {strides = array<i32>} : memref<256xi32, #tpu.memory_space<vmem>>, vector<16xi32>,
      tpu.vector_store %arg9[%swap3A_83], %broadcast_in_dim3A_3 {strides = array<i32>} : memref<256xi32, #tpu.memory_space<vmem>>, vector<16xi32>,
      %swap3A_85 = arith.constant 112 : index
      %swap3A_86 = tpu.vector_load %arg9[%swap3A_85] {strides = array<i32>} : memref<256xi32, #tpu.memory_space<vmem>>, vector<16xi32>,
      tpu.vector_store %arg9[%swap3A_85], %broadcast_in_dim3A_3 {strides = array<i32>} : memref<256xi32, #tpu.memory_space<vmem>>, vector<16xi32>,
      %swap3A_87 = arith.constant 128 : index
      %swap3A_88 = tpu.vector_load %arg9[%swap3A_87] {strides = array<i32>} : memref<256xi32, #tpu.memory_space<vmem>>, vector<16xi32>,
      tpu.vector_store %arg9[%swap3A_87], %broadcast_in_dim3A_3 {strides = array<i32>} : memref<256xi32, #tpu.memory_space<vmem>>, vector<16xi32>,
      %swap3A_89 = arith.constant 144 : index
      %swap3A_90 = tpu.vector_load %arg9[%swap3A_89] {strides = array<i32>} : memref<256xi32, #tpu.memory_space<vmem>>, vector<16xi32>,
      tpu.vector_store %arg9[%swap3A_89], %broadcast_in_dim3A_3 {strides = array<i32>} : memref<256xi32, #tpu.memory_space<vmem>>, vector<16xi32>,
      %swap3A_91 = arith.constant 160 : index
      %swap3A_92 = tpu.vector_load %arg9[%swap3A_91] {strides = array<i32>} : memref<256xi32, #tpu.memory_space<vmem>>, vector<16xi32>,
      tpu.vector_store %arg9[%swap3A_91], %broadcast_in_dim3A_3 {strides = array<i32>} : memref<256xi32, #tpu.memory_space<vmem>>, vector<16xi32>,
      %swap3A_93 = arith.constant 176 : index
      %swap3A_94 = tpu.vector_load %arg9[%swap3A_93] {strides = array<i32>} : memref<256xi32, #tpu.memory_space<vmem>>, vector<16xi32>,
      tpu.vector_store %arg9[%swap3A_93], %broadcast_in_dim3A_3 {strides = array<i32>} : memref<256xi32, #tpu.memory_space<vmem>>, vector<16xi32>,
      %swap3A_95 = arith.constant 192 : index
      %swap3A_96 = tpu.vector_load %arg9[%swap3A_95] {strides = array<i32>} : memref<256xi32, #tpu.memory_space<vmem>>, vector<16xi32>,
      tpu.vector_store %arg9[%swap3A_95], %broadcast_in_dim3A_3 {strides = array<i32>} : memref<256xi32, #tpu.memory_space<vmem>>, vector<16xi32>,
      %swap3A_97 = arith.constant 208 : index
      %swap3A_98 = tpu.vector_load %arg9[%swap3A_97] {strides = array<i32>} : memref<256xi32, #tpu.memory_space<vmem>>, vector<16xi32>,
      tpu.vector_store %arg9[%swap3A_97], %broadcast_in_dim3A_3 {strides = array<i32>} : memref<256xi32, #tpu.memory_space<vmem>>, vector<16xi32>,
      %swap3A_99 = arith.constant 224 : index
      %swap3A_100 = tpu.vector_load %arg9[%swap3A_99] {strides = array<i32>} : memref<256xi32, #tpu.memory_space<vmem>>, vector<16xi32>,
      tpu.vector_store %arg9[%swap3A_99], %broadcast_in_dim3A_3 {strides = array<i32>} : memref<256xi32, #tpu.memory_space<vmem>>, vector<16xi32>,
      %swap3A_101 = arith.constant 240 : index
      %swap3A_102 = tpu.vector_load %arg9[%swap3A_101] {strides = array<i32>} : memref<256xi32, #tpu.memory_space<vmem>>, vector<16xi32>,
      tpu.vector_store %arg9[%swap3A_101], %broadcast_in_dim3A_3 {strides = array<i32>} : memref<256xi32, #tpu.memory_space<vmem>>, vector<16xi32>,
      %swap3A_103 = arith.constant 0 : index
      %swap3A_104 = tpu.vector_load %arg10[%swap3A_103] {strides = array<i32>} : memref<16xi32, #tpu.memory_space<vmem>>, vector<16xi32>,
      tpu.vector_store %arg10[%swap3A_103], %broadcast_in_dim3A_3 {strides = array<i32>} : memref<16xi32, #tpu.memory_space<vmem>>, vector<16xi32>,
      %add3A_105 = arith.constant 16 : i32
      %add3A_106 = arith.addi %sub3A_65, %add3A_105 : i32
      %sub3A_107 = arith.constant 1 : i32
      %sub3A_108 = arith.subi %add3A_106, %sub3A_107 : i32
      %jit3A = arith.constant 16 : i32
      %div3A = arith.divsi %sub3A_108, %jit3A : i32
      %sign3A = arith.constant 0 : i32
      %sign3A_109 = arith.cmpi sgt, %sub3A_108, %sign3A : i32
      %sign3A_110 = arith.extui %sign3A_109 : i1 to i32
      %sign3A_111 = arith.constant 0 : i32
      %sign3A_112 = arith.cmpi slt, %sub3A_108, %sign3A_111 : i32
      %sign3A_113 = arith.extui %sign3A_112 : i1 to i32
      %sign3A_114 = arith.subi %sign3A_110, %sign3A_113 : i32
      %sign3A_115 = arith.constant 0 : i32
      %sign3A_116 = arith.cmpi sgt, %jit3A, %sign3A_115 : i32
      %sign3A_117 = arith.extui %sign3A_116 : i1 to i32
      %sign3A_118 = arith.constant 0 : i32
      %sign3A_119 = arith.cmpi slt, %jit3A, %sign3A_118 : i32
      %sign3A_120 = arith.extui %sign3A_119 : i1 to i32
      %sign3A_121 = arith.subi %sign3A_117, %sign3A_120 : i32
      %ne3A = arith.cmpi ne, %sign3A_114, %sign3A_121 : i32
      %rem3A = arith.remsi %sub3A_108, %jit3A : i32
      %ne3A_122 = arith.constant 0 : i32
      %ne3A_123 = arith.cmpi ne, %rem3A, %ne3A_122 : i32
      %and3A = arith.andi %ne3A, %ne3A_123 : i1
      %sub3A_124 = arith.constant 1 : i32
      %sub3A_125 = arith.subi %div3A, %sub3A_124 : i32
      %select_n3A = arith.select %and3A, %sub3A_125, %div3A : i32
      %while3A = arith.constant 0 : i32
      %while3A_126 = arith.constant 0 : i32
      %while3A_127 = arith.subi %select_n3A, %while3A : i32
      %while3A_128 = arith.addi %while3A, %while3A_127 : i32
      %while3A_129 = arith.constant 1 : i32
      %while3A_130 = arith.divsi %while3A_127, %while3A_129 : i32
      %while3A_131 = arith.muli %while3A_130, %while3A_129 : i32
      %while3A_132 = arith.addi %while3A, %while3A_131 : i32
      %while3A_133 = arith.constant 1 : i32
      %while3A_134 = scf.for %while3A_947 = %while3A to %while3A_132 step %while3A_133 iter_args(%while3A_948 = %while3A_126) -> (i32)  : i32 {
        %mul3A_949 = arith.constant 16 : i32
        %mul3A_950 = arith.muli %while3A_947, %mul3A_949 : i32
        %add3A_951 = vector.broadcast %mul3A_950 : i32 to vector<16xi32>
        %add3A_952 = arith.addi %add3A_951, %iota3A : vector<16xi32>
        %lt3A = vector.broadcast %sub3A_65 : i32 to vector<16xi32>
        %lt3A_953 = arith.cmpi slt, %add3A_952, %lt3A : vector<16xi32>
        %mul3A_954 = arith.constant 16 : i32
        %mul3A_955 = arith.muli %while3A_947, %mul3A_954 : i32
        %add3A_956 = arith.constant 0 : i32
        %add3A_957 = arith.addi %add3A_956, %mul3A_955 : i32
        %get3A_958 = arith.index_cast %add3A_957 : i32 to index
        %get3A_959 = tpu.vector_load %arg6[%get3A_958] {strides = array<i32>} : memref<8256xi32, #tpu.memory_space<vmem>>, vector<16xi32>,
        %gather3A_960 = tpu.vector_load_idx %arg4[%get3A_959] masked %lt3A_953 : memref<8192xf32, #tpu.memory_space<vmem>>[vector<16xi32>], vector<16xf32>, vector<16xi1>
        %bitcast_convert_type3A = tpu.bitcast %gather3A_960 : vector<16xf32> -> vector<16xi32>
        %shift_right_arithmetic3A = arith.constant 31 : i32
        %shift_right_arithmetic3A_961 = vector.broadcast %shift_right_arithmetic3A : i32 to vector<16xi32>
        %shift_right_arithmetic3A_962 = arith.shrsi %bitcast_convert_type3A, %shift_right_arithmetic3A_961 : vector<16xi32>
        %and3A_963 = arith.constant 2147483647 : i32
        %and3A_964 = vector.broadcast %and3A_963 : i32 to vector<16xi32>
        %and3A_965 = arith.andi %shift_right_arithmetic3A_962, %and3A_964 : vector<16xi32>
        %xor3A = arith.xori %bitcast_convert_type3A, %and3A_965 : vector<16xi32>
        %shift_right_arithmetic3A_966 = arith.constant 24 : i32
        %shift_right_arithmetic3A_967 = vector.broadcast %shift_right_arithmetic3A_966 : i32 to vector<16xi32>
        %shift_right_arithmetic3A_968 = arith.shrsi %xor3A, %shift_right_arithmetic3A_967 : vector<16xi32>
        %and3A_969 = arith.constant 255 : i32
        %and3A_970 = vector.broadcast %and3A_969 : i32 to vector<16xi32>
        %and3A_971 = arith.andi %shift_right_arithmetic3A_968, %and3A_970 : vector<16xi32>
        %xor3A_972 = arith.constant 128 : i32
        %xor3A_973 = vector.broadcast %xor3A_972 : i32 to vector<16xi32>
        %xor3A_974 = arith.xori %and3A_971, %xor3A_973 : vector<16xi32>
        tpu.vector_store_idx %arg9[%xor3A_974], %broadcast_in_dim3A_1 masked %lt3A_953 {add = true} : memref<256xi32, #tpu.memory_space<vmem>>[vector<16xi32>], vector<16xi32>, vector<16xi1>
        %shift_right_arithmetic3A_975 = arith.constant 4 : i32
        %shift_right_arithmetic3A_976 = vector.broadcast %shift_right_arithmetic3A_975 : i32 to vector<16xi32>
        %shift_right_arithmetic3A_977 = arith.shrsi %xor3A_974, %shift_right_arithmetic3A_976 : vector<16xi32>
        tpu.vector_store_idx %arg10[%shift_right_arithmetic3A_977], %broadcast_in_dim3A_1 masked %lt3A_953 {add = true} : memref<16xi32, #tpu.memory_space<vmem>>[vector<16xi32>], vector<16xi32>, vector<16xi1>
        %while3A_978 = arith.constant 0 : i32
        scf.yield %while3A_978 : i32
      }
      %while3A_135 = arith.constant 1 : i32
      %while3A_136 = scf.for %while3A_947 = %while3A_132 to %while3A_128 step %while3A_135 iter_args(%while3A_948 = %while3A_134) -> (i32)  : i32 {
        %mul3A_949 = arith.constant 16 : i32
        %mul3A_950 = arith.muli %while3A_947, %mul3A_949 : i32
        %add3A_951 = vector.broadcast %mul3A_950 : i32 to vector<16xi32>
        %add3A_952 = arith.addi %add3A_951, %iota3A : vector<16xi32>
        %lt3A = vector.broadcast %sub3A_65 : i32 to vector<16xi32>
        %lt3A_953 = arith.cmpi slt, %add3A_952, %lt3A : vector<16xi32>
        %mul3A_954 = arith.constant 16 : i32
        %mul3A_955 = arith.muli %while3A_947, %mul3A_954 : i32
        %add3A_956 = arith.constant 0 : i32
        %add3A_957 = arith.addi %add3A_956, %mul3A_955 : i32
        %get3A_958 = arith.index_cast %add3A_957 : i32 to index
        %get3A_959 = tpu.vector_load %arg6[%get3A_958] {strides = array<i32>} : memref<8256xi32, #tpu.memory_space<vmem>>, vector<16xi32>,
        %gather3A_960 = tpu.vector_load_idx %arg4[%get3A_959] masked %lt3A_953 : memref<8192xf32, #tpu.memory_space<vmem>>[vector<16xi32>], vector<16xf32>, vector<16xi1>
        %bitcast_convert_type3A = tpu.bitcast %gather3A_960 : vector<16xf32> -> vector<16xi32>
        %shift_right_arithmetic3A = arith.constant 31 : i32
        %shift_right_arithmetic3A_961 = vector.broadcast %shift_right_arithmetic3A : i32 to vector<16xi32>
        %shift_right_arithmetic3A_962 = arith.shrsi %bitcast_convert_type3A, %shift_right_arithmetic3A_961 : vector<16xi32>
        %and3A_963 = arith.constant 2147483647 : i32
        %and3A_964 = vector.broadcast %and3A_963 : i32 to vector<16xi32>
        %and3A_965 = arith.andi %shift_right_arithmetic3A_962, %and3A_964 : vector<16xi32>
        %xor3A = arith.xori %bitcast_convert_type3A, %and3A_965 : vector<16xi32>
        %shift_right_arithmetic3A_966 = arith.constant 24 : i32
        %shift_right_arithmetic3A_967 = vector.broadcast %shift_right_arithmetic3A_966 : i32 to vector<16xi32>
        %shift_right_arithmetic3A_968 = arith.shrsi %xor3A, %shift_right_arithmetic3A_967 : vector<16xi32>
        %and3A_969 = arith.constant 255 : i32
        %and3A_970 = vector.broadcast %and3A_969 : i32 to vector<16xi32>
        %and3A_971 = arith.andi %shift_right_arithmetic3A_968, %and3A_970 : vector<16xi32>
        %xor3A_972 = arith.constant 128 : i32
        %xor3A_973 = vector.broadcast %xor3A_972 : i32 to vector<16xi32>
        %xor3A_974 = arith.xori %and3A_971, %xor3A_973 : vector<16xi32>
        tpu.vector_store_idx %arg9[%xor3A_974], %broadcast_in_dim3A_1 masked %lt3A_953 {add = true} : memref<256xi32, #tpu.memory_space<vmem>>[vector<16xi32>], vector<16xi32>, vector<16xi1>
        %shift_right_arithmetic3A_975 = arith.constant 4 : i32
        %shift_right_arithmetic3A_976 = vector.broadcast %shift_right_arithmetic3A_975 : i32 to vector<16xi32>
        %shift_right_arithmetic3A_977 = arith.shrsi %xor3A_974, %shift_right_arithmetic3A_976 : vector<16xi32>
        tpu.vector_store_idx %arg10[%shift_right_arithmetic3A_977], %broadcast_in_dim3A_1 masked %lt3A_953 {add = true} : memref<16xi32, #tpu.memory_space<vmem>>[vector<16xi32>], vector<16xi32>, vector<16xi1>
        %while3A_978 = arith.constant 0 : i32
        scf.yield %while3A_978 : i32
      }
      %add3A_137 = arith.constant 16 : i32
      %add3A_138 = arith.addi %sub3A_67, %add3A_137 : i32
      %sub3A_139 = arith.constant 1 : i32
      %sub3A_140 = arith.subi %add3A_138, %sub3A_139 : i32
      %jit3A_141 = arith.constant 16 : i32
      %div3A_142 = arith.divsi %sub3A_140, %jit3A_141 : i32
      %sign3A_143 = arith.constant 0 : i32
      %sign3A_144 = arith.cmpi sgt, %sub3A_140, %sign3A_143 : i32
      %sign3A_145 = arith.extui %sign3A_144 : i1 to i32
      %sign3A_146 = arith.constant 0 : i32
      %sign3A_147 = arith.cmpi slt, %sub3A_140, %sign3A_146 : i32
      %sign3A_148 = arith.extui %sign3A_147 : i1 to i32
      %sign3A_149 = arith.subi %sign3A_145, %sign3A_148 : i32
      %sign3A_150 = arith.constant 0 : i32
      %sign3A_151 = arith.cmpi sgt, %jit3A_141, %sign3A_150 : i32
      %sign3A_152 = arith.extui %sign3A_151 : i1 to i32
      %sign3A_153 = arith.constant 0 : i32
      %sign3A_154 = arith.cmpi slt, %jit3A_141, %sign3A_153 : i32
      %sign3A_155 = arith.extui %sign3A_154 : i1 to i32
      %sign3A_156 = arith.subi %sign3A_152, %sign3A_155 : i32
      %ne3A_157 = arith.cmpi ne, %sign3A_149, %sign3A_156 : i32
      %rem3A_158 = arith.remsi %sub3A_140, %jit3A_141 : i32
      %ne3A_159 = arith.constant 0 : i32
      %ne3A_160 = arith.cmpi ne, %rem3A_158, %ne3A_159 : i32
      %and3A_161 = arith.andi %ne3A_157, %ne3A_160 : i1
      %sub3A_162 = arith.constant 1 : i32
      %sub3A_163 = arith.subi %div3A_142, %sub3A_162 : i32
      %select_n3A_164 = arith.select %and3A_161, %sub3A_163, %div3A_142 : i32
      %while3A_165 = arith.constant 0 : i32
      %while3A_166 = arith.constant 0 : i32
      %while3A_167 = arith.subi %select_n3A_164, %while3A_165 : i32
      %while3A_168 = arith.addi %while3A_165, %while3A_167 : i32
      %while3A_169 = arith.constant 1 : i32
      %while3A_170 = arith.divsi %while3A_167, %while3A_169 : i32
      %while3A_171 = arith.muli %while3A_170, %while3A_169 : i32
      %while3A_172 = arith.addi %while3A_165, %while3A_171 : i32
      %while3A_173 = arith.constant 1 : i32
      %while3A_174 = scf.for %while3A_947 = %while3A_165 to %while3A_172 step %while3A_173 iter_args(%while3A_948 = %while3A_166) -> (i32)  : i32 {
        %mul3A_949 = arith.constant 16 : i32
        %mul3A_950 = arith.muli %while3A_947, %mul3A_949 : i32
        %add3A_951 = vector.broadcast %mul3A_950 : i32 to vector<16xi32>
        %add3A_952 = arith.addi %add3A_951, %iota3A : vector<16xi32>
        %lt3A = vector.broadcast %sub3A_67 : i32 to vector<16xi32>
        %lt3A_953 = arith.cmpi slt, %add3A_952, %lt3A : vector<16xi32>
        %mul3A_954 = arith.constant 16 : i32
        %mul3A_955 = arith.muli %while3A_947, %mul3A_954 : i32
        %add3A_956 = arith.constant 2064 : i32
        %add3A_957 = arith.addi %add3A_956, %mul3A_955 : i32
        %get3A_958 = arith.index_cast %add3A_957 : i32 to index
        %get3A_959 = tpu.vector_load %arg6[%get3A_958] {strides = array<i32>} : memref<8256xi32, #tpu.memory_space<vmem>>, vector<16xi32>,
        %gather3A_960 = tpu.vector_load_idx %arg4[%get3A_959] masked %lt3A_953 : memref<8192xf32, #tpu.memory_space<vmem>>[vector<16xi32>], vector<16xf32>, vector<16xi1>
        %bitcast_convert_type3A = tpu.bitcast %gather3A_960 : vector<16xf32> -> vector<16xi32>
        %shift_right_arithmetic3A = arith.constant 31 : i32
        %shift_right_arithmetic3A_961 = vector.broadcast %shift_right_arithmetic3A : i32 to vector<16xi32>
        %shift_right_arithmetic3A_962 = arith.shrsi %bitcast_convert_type3A, %shift_right_arithmetic3A_961 : vector<16xi32>
        %and3A_963 = arith.constant 2147483647 : i32
        %and3A_964 = vector.broadcast %and3A_963 : i32 to vector<16xi32>
        %and3A_965 = arith.andi %shift_right_arithmetic3A_962, %and3A_964 : vector<16xi32>
        %xor3A = arith.xori %bitcast_convert_type3A, %and3A_965 : vector<16xi32>
        %shift_right_arithmetic3A_966 = arith.constant 24 : i32
        %shift_right_arithmetic3A_967 = vector.broadcast %shift_right_arithmetic3A_966 : i32 to vector<16xi32>
        %shift_right_arithmetic3A_968 = arith.shrsi %xor3A, %shift_right_arithmetic3A_967 : vector<16xi32>
        %and3A_969 = arith.constant 255 : i32
        %and3A_970 = vector.broadcast %and3A_969 : i32 to vector<16xi32>
        %and3A_971 = arith.andi %shift_right_arithmetic3A_968, %and3A_970 : vector<16xi32>
        %xor3A_972 = arith.constant 128 : i32
        %xor3A_973 = vector.broadcast %xor3A_972 : i32 to vector<16xi32>
        %xor3A_974 = arith.xori %and3A_971, %xor3A_973 : vector<16xi32>
        tpu.vector_store_idx %arg9[%xor3A_974], %broadcast_in_dim3A_1 masked %lt3A_953 {add = true} : memref<256xi32, #tpu.memory_space<vmem>>[vector<16xi32>], vector<16xi32>, vector<16xi1>
        %shift_right_arithmetic3A_975 = arith.constant 4 : i32
        %shift_right_arithmetic3A_976 = vector.broadcast %shift_right_arithmetic3A_975 : i32 to vector<16xi32>
        %shift_right_arithmetic3A_977 = arith.shrsi %xor3A_974, %shift_right_arithmetic3A_976 : vector<16xi32>
        tpu.vector_store_idx %arg10[%shift_right_arithmetic3A_977], %broadcast_in_dim3A_1 masked %lt3A_953 {add = true} : memref<16xi32, #tpu.memory_space<vmem>>[vector<16xi32>], vector<16xi32>, vector<16xi1>
        %while3A_978 = arith.constant 0 : i32
        scf.yield %while3A_978 : i32
      }
      %while3A_175 = arith.constant 1 : i32
      %while3A_176 = scf.for %while3A_947 = %while3A_172 to %while3A_168 step %while3A_175 iter_args(%while3A_948 = %while3A_174) -> (i32)  : i32 {
        %mul3A_949 = arith.constant 16 : i32
        %mul3A_950 = arith.muli %while3A_947, %mul3A_949 : i32
        %add3A_951 = vector.broadcast %mul3A_950 : i32 to vector<16xi32>
        %add3A_952 = arith.addi %add3A_951, %iota3A : vector<16xi32>
        %lt3A = vector.broadcast %sub3A_67 : i32 to vector<16xi32>
        %lt3A_953 = arith.cmpi slt, %add3A_952, %lt3A : vector<16xi32>
        %mul3A_954 = arith.constant 16 : i32
        %mul3A_955 = arith.muli %while3A_947, %mul3A_954 : i32
        %add3A_956 = arith.constant 2064 : i32
        %add3A_957 = arith.addi %add3A_956, %mul3A_955 : i32
        %get3A_958 = arith.index_cast %add3A_957 : i32 to index
        %get3A_959 = tpu.vector_load %arg6[%get3A_958] {strides = array<i32>} : memref<8256xi32, #tpu.memory_space<vmem>>, vector<16xi32>,
        %gather3A_960 = tpu.vector_load_idx %arg4[%get3A_959] masked %lt3A_953 : memref<8192xf32, #tpu.memory_space<vmem>>[vector<16xi32>], vector<16xf32>, vector<16xi1>
        %bitcast_convert_type3A = tpu.bitcast %gather3A_960 : vector<16xf32> -> vector<16xi32>
        %shift_right_arithmetic3A = arith.constant 31 : i32
        %shift_right_arithmetic3A_961 = vector.broadcast %shift_right_arithmetic3A : i32 to vector<16xi32>
        %shift_right_arithmetic3A_962 = arith.shrsi %bitcast_convert_type3A, %shift_right_arithmetic3A_961 : vector<16xi32>
        %and3A_963 = arith.constant 2147483647 : i32
        %and3A_964 = vector.broadcast %and3A_963 : i32 to vector<16xi32>
        %and3A_965 = arith.andi %shift_right_arithmetic3A_962, %and3A_964 : vector<16xi32>
        %xor3A = arith.xori %bitcast_convert_type3A, %and3A_965 : vector<16xi32>
        %shift_right_arithmetic3A_966 = arith.constant 24 : i32
        %shift_right_arithmetic3A_967 = vector.broadcast %shift_right_arithmetic3A_966 : i32 to vector<16xi32>
        %shift_right_arithmetic3A_968 = arith.shrsi %xor3A, %shift_right_arithmetic3A_967 : vector<16xi32>
        %and3A_969 = arith.constant 255 : i32
        %and3A_970 = vector.broadcast %and3A_969 : i32 to vector<16xi32>
        %and3A_971 = arith.andi %shift_right_arithmetic3A_968, %and3A_970 : vector<16xi32>
        %xor3A_972 = arith.constant 128 : i32
        %xor3A_973 = vector.broadcast %xor3A_972 : i32 to vector<16xi32>
        %xor3A_974 = arith.xori %and3A_971, %xor3A_973 : vector<16xi32>
        tpu.vector_store_idx %arg9[%xor3A_974], %broadcast_in_dim3A_1 masked %lt3A_953 {add = true} : memref<256xi32, #tpu.memory_space<vmem>>[vector<16xi32>], vector<16xi32>, vector<16xi1>
        %shift_right_arithmetic3A_975 = arith.constant 4 : i32
        %shift_right_arithmetic3A_976 = vector.broadcast %shift_right_arithmetic3A_975 : i32 to vector<16xi32>
        %shift_right_arithmetic3A_977 = arith.shrsi %xor3A_974, %shift_right_arithmetic3A_976 : vector<16xi32>
        tpu.vector_store_idx %arg10[%shift_right_arithmetic3A_977], %broadcast_in_dim3A_1 masked %lt3A_953 {add = true} : memref<16xi32, #tpu.memory_space<vmem>>[vector<16xi32>], vector<16xi32>, vector<16xi1>
        %while3A_978 = arith.constant 0 : i32
        scf.yield %while3A_978 : i32
      }
      %add3A_177 = arith.constant 16 : i32
      %add3A_178 = arith.addi %sub3A_69, %add3A_177 : i32
      %sub3A_179 = arith.constant 1 : i32
      %sub3A_180 = arith.subi %add3A_178, %sub3A_179 : i32
      %jit3A_181 = arith.constant 16 : i32
      %div3A_182 = arith.divsi %sub3A_180, %jit3A_181 : i32
      %sign3A_183 = arith.constant 0 : i32
      %sign3A_184 = arith.cmpi sgt, %sub3A_180, %sign3A_183 : i32
      %sign3A_185 = arith.extui %sign3A_184 : i1 to i32
      %sign3A_186 = arith.constant 0 : i32
      %sign3A_187 = arith.cmpi slt, %sub3A_180, %sign3A_186 : i32
      %sign3A_188 = arith.extui %sign3A_187 : i1 to i32
      %sign3A_189 = arith.subi %sign3A_185, %sign3A_188 : i32
      %sign3A_190 = arith.constant 0 : i32
      %sign3A_191 = arith.cmpi sgt, %jit3A_181, %sign3A_190 : i32
      %sign3A_192 = arith.extui %sign3A_191 : i1 to i32
      %sign3A_193 = arith.constant 0 : i32
      %sign3A_194 = arith.cmpi slt, %jit3A_181, %sign3A_193 : i32
      %sign3A_195 = arith.extui %sign3A_194 : i1 to i32
      %sign3A_196 = arith.subi %sign3A_192, %sign3A_195 : i32
      %ne3A_197 = arith.cmpi ne, %sign3A_189, %sign3A_196 : i32
      %rem3A_198 = arith.remsi %sub3A_180, %jit3A_181 : i32
      %ne3A_199 = arith.constant 0 : i32
      %ne3A_200 = arith.cmpi ne, %rem3A_198, %ne3A_199 : i32
      %and3A_201 = arith.andi %ne3A_197, %ne3A_200 : i1
      %sub3A_202 = arith.constant 1 : i32
      %sub3A_203 = arith.subi %div3A_182, %sub3A_202 : i32
      %select_n3A_204 = arith.select %and3A_201, %sub3A_203, %div3A_182 : i32
      %while3A_205 = arith.constant 0 : i32
      %while3A_206 = arith.constant 0 : i32
      %while3A_207 = arith.subi %select_n3A_204, %while3A_205 : i32
      %while3A_208 = arith.addi %while3A_205, %while3A_207 : i32
      %while3A_209 = arith.constant 1 : i32
      %while3A_210 = arith.divsi %while3A_207, %while3A_209 : i32
      %while3A_211 = arith.muli %while3A_210, %while3A_209 : i32
      %while3A_212 = arith.addi %while3A_205, %while3A_211 : i32
      %while3A_213 = arith.constant 1 : i32
      %while3A_214 = scf.for %while3A_947 = %while3A_205 to %while3A_212 step %while3A_213 iter_args(%while3A_948 = %while3A_206) -> (i32)  : i32 {
        %mul3A_949 = arith.constant 16 : i32
        %mul3A_950 = arith.muli %while3A_947, %mul3A_949 : i32
        %add3A_951 = vector.broadcast %mul3A_950 : i32 to vector<16xi32>
        %add3A_952 = arith.addi %add3A_951, %iota3A : vector<16xi32>
        %lt3A = vector.broadcast %sub3A_69 : i32 to vector<16xi32>
        %lt3A_953 = arith.cmpi slt, %add3A_952, %lt3A : vector<16xi32>
        %mul3A_954 = arith.constant 16 : i32
        %mul3A_955 = arith.muli %while3A_947, %mul3A_954 : i32
        %add3A_956 = arith.constant 4128 : i32
        %add3A_957 = arith.addi %add3A_956, %mul3A_955 : i32
        %get3A_958 = arith.index_cast %add3A_957 : i32 to index
        %get3A_959 = tpu.vector_load %arg6[%get3A_958] {strides = array<i32>} : memref<8256xi32, #tpu.memory_space<vmem>>, vector<16xi32>,
        %gather3A_960 = tpu.vector_load_idx %arg4[%get3A_959] masked %lt3A_953 : memref<8192xf32, #tpu.memory_space<vmem>>[vector<16xi32>], vector<16xf32>, vector<16xi1>
        %bitcast_convert_type3A = tpu.bitcast %gather3A_960 : vector<16xf32> -> vector<16xi32>
        %shift_right_arithmetic3A = arith.constant 31 : i32
        %shift_right_arithmetic3A_961 = vector.broadcast %shift_right_arithmetic3A : i32 to vector<16xi32>
        %shift_right_arithmetic3A_962 = arith.shrsi %bitcast_convert_type3A, %shift_right_arithmetic3A_961 : vector<16xi32>
        %and3A_963 = arith.constant 2147483647 : i32
        %and3A_964 = vector.broadcast %and3A_963 : i32 to vector<16xi32>
        %and3A_965 = arith.andi %shift_right_arithmetic3A_962, %and3A_964 : vector<16xi32>
        %xor3A = arith.xori %bitcast_convert_type3A, %and3A_965 : vector<16xi32>
        %shift_right_arithmetic3A_966 = arith.constant 24 : i32
        %shift_right_arithmetic3A_967 = vector.broadcast %shift_right_arithmetic3A_966 : i32 to vector<16xi32>
        %shift_right_arithmetic3A_968 = arith.shrsi %xor3A, %shift_right_arithmetic3A_967 : vector<16xi32>
        %and3A_969 = arith.constant 255 : i32
        %and3A_970 = vector.broadcast %and3A_969 : i32 to vector<16xi32>
        %and3A_971 = arith.andi %shift_right_arithmetic3A_968, %and3A_970 : vector<16xi32>
        %xor3A_972 = arith.constant 128 : i32
        %xor3A_973 = vector.broadcast %xor3A_972 : i32 to vector<16xi32>
        %xor3A_974 = arith.xori %and3A_971, %xor3A_973 : vector<16xi32>
        tpu.vector_store_idx %arg9[%xor3A_974], %broadcast_in_dim3A_1 masked %lt3A_953 {add = true} : memref<256xi32, #tpu.memory_space<vmem>>[vector<16xi32>], vector<16xi32>, vector<16xi1>
        %shift_right_arithmetic3A_975 = arith.constant 4 : i32
        %shift_right_arithmetic3A_976 = vector.broadcast %shift_right_arithmetic3A_975 : i32 to vector<16xi32>
        %shift_right_arithmetic3A_977 = arith.shrsi %xor3A_974, %shift_right_arithmetic3A_976 : vector<16xi32>
        tpu.vector_store_idx %arg10[%shift_right_arithmetic3A_977], %broadcast_in_dim3A_1 masked %lt3A_953 {add = true} : memref<16xi32, #tpu.memory_space<vmem>>[vector<16xi32>], vector<16xi32>, vector<16xi1>
        %while3A_978 = arith.constant 0 : i32
        scf.yield %while3A_978 : i32
      }
      %while3A_215 = arith.constant 1 : i32
      %while3A_216 = scf.for %while3A_947 = %while3A_212 to %while3A_208 step %while3A_215 iter_args(%while3A_948 = %while3A_214) -> (i32)  : i32 {
        %mul3A_949 = arith.constant 16 : i32
        %mul3A_950 = arith.muli %while3A_947, %mul3A_949 : i32
        %add3A_951 = vector.broadcast %mul3A_950 : i32 to vector<16xi32>
        %add3A_952 = arith.addi %add3A_951, %iota3A : vector<16xi32>
        %lt3A = vector.broadcast %sub3A_69 : i32 to vector<16xi32>
        %lt3A_953 = arith.cmpi slt, %add3A_952, %lt3A : vector<16xi32>
        %mul3A_954 = arith.constant 16 : i32
        %mul3A_955 = arith.muli %while3A_947, %mul3A_954 : i32
        %add3A_956 = arith.constant 4128 : i32
        %add3A_957 = arith.addi %add3A_956, %mul3A_955 : i32
        %get3A_958 = arith.index_cast %add3A_957 : i32 to index
        %get3A_959 = tpu.vector_load %arg6[%get3A_958] {strides = array<i32>} : memref<8256xi32, #tpu.memory_space<vmem>>, vector<16xi32>,
        %gather3A_960 = tpu.vector_load_idx %arg4[%get3A_959] masked %lt3A_953 : memref<8192xf32, #tpu.memory_space<vmem>>[vector<16xi32>], vector<16xf32>, vector<16xi1>
        %bitcast_convert_type3A = tpu.bitcast %gather3A_960 : vector<16xf32> -> vector<16xi32>
        %shift_right_arithmetic3A = arith.constant 31 : i32
        %shift_right_arithmetic3A_961 = vector.broadcast %shift_right_arithmetic3A : i32 to vector<16xi32>
        %shift_right_arithmetic3A_962 = arith.shrsi %bitcast_convert_type3A, %shift_right_arithmetic3A_961 : vector<16xi32>
        %and3A_963 = arith.constant 2147483647 : i32
        %and3A_964 = vector.broadcast %and3A_963 : i32 to vector<16xi32>
        %and3A_965 = arith.andi %shift_right_arithmetic3A_962, %and3A_964 : vector<16xi32>
        %xor3A = arith.xori %bitcast_convert_type3A, %and3A_965 : vector<16xi32>
        %shift_right_arithmetic3A_966 = arith.constant 24 : i32
        %shift_right_arithmetic3A_967 = vector.broadcast %shift_right_arithmetic3A_966 : i32 to vector<16xi32>
        %shift_right_arithmetic3A_968 = arith.shrsi %xor3A, %shift_right_arithmetic3A_967 : vector<16xi32>
        %and3A_969 = arith.constant 255 : i32
        %and3A_970 = vector.broadcast %and3A_969 : i32 to vector<16xi32>
        %and3A_971 = arith.andi %shift_right_arithmetic3A_968, %and3A_970 : vector<16xi32>
        %xor3A_972 = arith.constant 128 : i32
        %xor3A_973 = vector.broadcast %xor3A_972 : i32 to vector<16xi32>
        %xor3A_974 = arith.xori %and3A_971, %xor3A_973 : vector<16xi32>
        tpu.vector_store_idx %arg9[%xor3A_974], %broadcast_in_dim3A_1 masked %lt3A_953 {add = true} : memref<256xi32, #tpu.memory_space<vmem>>[vector<16xi32>], vector<16xi32>, vector<16xi1>
        %shift_right_arithmetic3A_975 = arith.constant 4 : i32
        %shift_right_arithmetic3A_976 = vector.broadcast %shift_right_arithmetic3A_975 : i32 to vector<16xi32>
        %shift_right_arithmetic3A_977 = arith.shrsi %xor3A_974, %shift_right_arithmetic3A_976 : vector<16xi32>
        tpu.vector_store_idx %arg10[%shift_right_arithmetic3A_977], %broadcast_in_dim3A_1 masked %lt3A_953 {add = true} : memref<16xi32, #tpu.memory_space<vmem>>[vector<16xi32>], vector<16xi32>, vector<16xi1>
        %while3A_978 = arith.constant 0 : i32
        scf.yield %while3A_978 : i32
      }
      %add3A_217 = arith.constant 16 : i32
      %add3A_218 = arith.addi %sub3A_71, %add3A_217 : i32
      %sub3A_219 = arith.constant 1 : i32
      %sub3A_220 = arith.subi %add3A_218, %sub3A_219 : i32
      %jit3A_221 = arith.constant 16 : i32
      %div3A_222 = arith.divsi %sub3A_220, %jit3A_221 : i32
      %sign3A_223 = arith.constant 0 : i32
      %sign3A_224 = arith.cmpi sgt, %sub3A_220, %sign3A_223 : i32
      %sign3A_225 = arith.extui %sign3A_224 : i1 to i32
      %sign3A_226 = arith.constant 0 : i32
      %sign3A_227 = arith.cmpi slt, %sub3A_220, %sign3A_226 : i32
      %sign3A_228 = arith.extui %sign3A_227 : i1 to i32
      %sign3A_229 = arith.subi %sign3A_225, %sign3A_228 : i32
      %sign3A_230 = arith.constant 0 : i32
      %sign3A_231 = arith.cmpi sgt, %jit3A_221, %sign3A_230 : i32
      %sign3A_232 = arith.extui %sign3A_231 : i1 to i32
      %sign3A_233 = arith.constant 0 : i32
      %sign3A_234 = arith.cmpi slt, %jit3A_221, %sign3A_233 : i32
      %sign3A_235 = arith.extui %sign3A_234 : i1 to i32
      %sign3A_236 = arith.subi %sign3A_232, %sign3A_235 : i32
      %ne3A_237 = arith.cmpi ne, %sign3A_229, %sign3A_236 : i32
      %rem3A_238 = arith.remsi %sub3A_220, %jit3A_221 : i32
      %ne3A_239 = arith.constant 0 : i32
      %ne3A_240 = arith.cmpi ne, %rem3A_238, %ne3A_239 : i32
      %and3A_241 = arith.andi %ne3A_237, %ne3A_240 : i1
      %sub3A_242 = arith.constant 1 : i32
      %sub3A_243 = arith.subi %div3A_222, %sub3A_242 : i32
      %select_n3A_244 = arith.select %and3A_241, %sub3A_243, %div3A_222 : i32
      %while3A_245 = arith.constant 0 : i32
      %while3A_246 = arith.constant 0 : i32
      %while3A_247 = arith.subi %select_n3A_244, %while3A_245 : i32
      %while3A_248 = arith.addi %while3A_245, %while3A_247 : i32
      %while3A_249 = arith.constant 1 : i32
      %while3A_250 = arith.divsi %while3A_247, %while3A_249 : i32
      %while3A_251 = arith.muli %while3A_250, %while3A_249 : i32
      %while3A_252 = arith.addi %while3A_245, %while3A_251 : i32
      %while3A_253 = arith.constant 1 : i32
      %while3A_254 = scf.for %while3A_947 = %while3A_245 to %while3A_252 step %while3A_253 iter_args(%while3A_948 = %while3A_246) -> (i32)  : i32 {
        %mul3A_949 = arith.constant 16 : i32
        %mul3A_950 = arith.muli %while3A_947, %mul3A_949 : i32
        %add3A_951 = vector.broadcast %mul3A_950 : i32 to vector<16xi32>
        %add3A_952 = arith.addi %add3A_951, %iota3A : vector<16xi32>
        %lt3A = vector.broadcast %sub3A_71 : i32 to vector<16xi32>
        %lt3A_953 = arith.cmpi slt, %add3A_952, %lt3A : vector<16xi32>
        %mul3A_954 = arith.constant 16 : i32
        %mul3A_955 = arith.muli %while3A_947, %mul3A_954 : i32
        %add3A_956 = arith.constant 6192 : i32
        %add3A_957 = arith.addi %add3A_956, %mul3A_955 : i32
        %get3A_958 = arith.index_cast %add3A_957 : i32 to index
        %get3A_959 = tpu.vector_load %arg6[%get3A_958] {strides = array<i32>} : memref<8256xi32, #tpu.memory_space<vmem>>, vector<16xi32>,
        %gather3A_960 = tpu.vector_load_idx %arg4[%get3A_959] masked %lt3A_953 : memref<8192xf32, #tpu.memory_space<vmem>>[vector<16xi32>], vector<16xf32>, vector<16xi1>
        %bitcast_convert_type3A = tpu.bitcast %gather3A_960 : vector<16xf32> -> vector<16xi32>
        %shift_right_arithmetic3A = arith.constant 31 : i32
        %shift_right_arithmetic3A_961 = vector.broadcast %shift_right_arithmetic3A : i32 to vector<16xi32>
        %shift_right_arithmetic3A_962 = arith.shrsi %bitcast_convert_type3A, %shift_right_arithmetic3A_961 : vector<16xi32>
        %and3A_963 = arith.constant 2147483647 : i32
        %and3A_964 = vector.broadcast %and3A_963 : i32 to vector<16xi32>
        %and3A_965 = arith.andi %shift_right_arithmetic3A_962, %and3A_964 : vector<16xi32>
        %xor3A = arith.xori %bitcast_convert_type3A, %and3A_965 : vector<16xi32>
        %shift_right_arithmetic3A_966 = arith.constant 24 : i32
        %shift_right_arithmetic3A_967 = vector.broadcast %shift_right_arithmetic3A_966 : i32 to vector<16xi32>
        %shift_right_arithmetic3A_968 = arith.shrsi %xor3A, %shift_right_arithmetic3A_967 : vector<16xi32>
        %and3A_969 = arith.constant 255 : i32
        %and3A_970 = vector.broadcast %and3A_969 : i32 to vector<16xi32>
        %and3A_971 = arith.andi %shift_right_arithmetic3A_968, %and3A_970 : vector<16xi32>
        %xor3A_972 = arith.constant 128 : i32
        %xor3A_973 = vector.broadcast %xor3A_972 : i32 to vector<16xi32>
        %xor3A_974 = arith.xori %and3A_971, %xor3A_973 : vector<16xi32>
        tpu.vector_store_idx %arg9[%xor3A_974], %broadcast_in_dim3A_1 masked %lt3A_953 {add = true} : memref<256xi32, #tpu.memory_space<vmem>>[vector<16xi32>], vector<16xi32>, vector<16xi1>
        %shift_right_arithmetic3A_975 = arith.constant 4 : i32
        %shift_right_arithmetic3A_976 = vector.broadcast %shift_right_arithmetic3A_975 : i32 to vector<16xi32>
        %shift_right_arithmetic3A_977 = arith.shrsi %xor3A_974, %shift_right_arithmetic3A_976 : vector<16xi32>
        tpu.vector_store_idx %arg10[%shift_right_arithmetic3A_977], %broadcast_in_dim3A_1 masked %lt3A_953 {add = true} : memref<16xi32, #tpu.memory_space<vmem>>[vector<16xi32>], vector<16xi32>, vector<16xi1>
        %while3A_978 = arith.constant 0 : i32
        scf.yield %while3A_978 : i32
      }
      %while3A_255 = arith.constant 1 : i32
      %while3A_256 = scf.for %while3A_947 = %while3A_252 to %while3A_248 step %while3A_255 iter_args(%while3A_948 = %while3A_254) -> (i32)  : i32 {
        %mul3A_949 = arith.constant 16 : i32
        %mul3A_950 = arith.muli %while3A_947, %mul3A_949 : i32
        %add3A_951 = vector.broadcast %mul3A_950 : i32 to vector<16xi32>
        %add3A_952 = arith.addi %add3A_951, %iota3A : vector<16xi32>
        %lt3A = vector.broadcast %sub3A_71 : i32 to vector<16xi32>
        %lt3A_953 = arith.cmpi slt, %add3A_952, %lt3A : vector<16xi32>
        %mul3A_954 = arith.constant 16 : i32
        %mul3A_955 = arith.muli %while3A_947, %mul3A_954 : i32
        %add3A_956 = arith.constant 6192 : i32
        %add3A_957 = arith.addi %add3A_956, %mul3A_955 : i32
        %get3A_958 = arith.index_cast %add3A_957 : i32 to index
        %get3A_959 = tpu.vector_load %arg6[%get3A_958] {strides = array<i32>} : memref<8256xi32, #tpu.memory_space<vmem>>, vector<16xi32>,
        %gather3A_960 = tpu.vector_load_idx %arg4[%get3A_959] masked %lt3A_953 : memref<8192xf32, #tpu.memory_space<vmem>>[vector<16xi32>], vector<16xf32>, vector<16xi1>
        %bitcast_convert_type3A = tpu.bitcast %gather3A_960 : vector<16xf32> -> vector<16xi32>
        %shift_right_arithmetic3A = arith.constant 31 : i32
        %shift_right_arithmetic3A_961 = vector.broadcast %shift_right_arithmetic3A : i32 to vector<16xi32>
        %shift_right_arithmetic3A_962 = arith.shrsi %bitcast_convert_type3A, %shift_right_arithmetic3A_961 : vector<16xi32>
        %and3A_963 = arith.constant 2147483647 : i32
        %and3A_964 = vector.broadcast %and3A_963 : i32 to vector<16xi32>
        %and3A_965 = arith.andi %shift_right_arithmetic3A_962, %and3A_964 : vector<16xi32>
        %xor3A = arith.xori %bitcast_convert_type3A, %and3A_965 : vector<16xi32>
        %shift_right_arithmetic3A_966 = arith.constant 24 : i32
        %shift_right_arithmetic3A_967 = vector.broadcast %shift_right_arithmetic3A_966 : i32 to vector<16xi32>
        %shift_right_arithmetic3A_968 = arith.shrsi %xor3A, %shift_right_arithmetic3A_967 : vector<16xi32>
        %and3A_969 = arith.constant 255 : i32
        %and3A_970 = vector.broadcast %and3A_969 : i32 to vector<16xi32>
        %and3A_971 = arith.andi %shift_right_arithmetic3A_968, %and3A_970 : vector<16xi32>
        %xor3A_972 = arith.constant 128 : i32
        %xor3A_973 = vector.broadcast %xor3A_972 : i32 to vector<16xi32>
        %xor3A_974 = arith.xori %and3A_971, %xor3A_973 : vector<16xi32>
        tpu.vector_store_idx %arg9[%xor3A_974], %broadcast_in_dim3A_1 masked %lt3A_953 {add = true} : memref<256xi32, #tpu.memory_space<vmem>>[vector<16xi32>], vector<16xi32>, vector<16xi1>
        %shift_right_arithmetic3A_975 = arith.constant 4 : i32
        %shift_right_arithmetic3A_976 = vector.broadcast %shift_right_arithmetic3A_975 : i32 to vector<16xi32>
        %shift_right_arithmetic3A_977 = arith.shrsi %xor3A_974, %shift_right_arithmetic3A_976 : vector<16xi32>
        tpu.vector_store_idx %arg10[%shift_right_arithmetic3A_977], %broadcast_in_dim3A_1 masked %lt3A_953 {add = true} : memref<16xi32, #tpu.memory_space<vmem>>[vector<16xi32>], vector<16xi32>, vector<16xi1>
        %while3A_978 = arith.constant 0 : i32
        scf.yield %while3A_978 : i32
      }
      %broadcast_in_dim3A_257 = arith.constant 64 : i32
      %broadcast_in_dim3A_258 = vector.broadcast %broadcast_in_dim3A_257 : i32 to vector<16xi32>
      %get3A = arith.constant 0 : index
      %get3A_259 = tpu.vector_load %arg10[%get3A] {strides = array<i32>} : memref<16xi32, #tpu.memory_space<vmem>>, vector<16xi32>,
      %iota3A_260 = tpu.iota {dimensions = array<i32: 0>} : vector<16xi32>
      %rev3A = arith.constant 15 : i32
      %rev3A_261 = vector.broadcast %rev3A : i32 to vector<16xi32>
      %rev3A_262 = tpu.iota {dimensions = array<i32: 0>} : vector<16xi32>
      %rev3A_263 = arith.subi %rev3A_261, %rev3A_262 : vector<16xi32>
      %rev3A_264 = tpu.dynamic_gather %get3A_259[%rev3A_263] in [0] : vector<16xi32>, vector<16xi32> -> vector<16xi32>
      %broadcast_in_dim3A_265 = arith.constant true
      %broadcast_in_dim3A_266 = vector.broadcast %broadcast_in_dim3A_265 : i1 to vector<16xi1>
      %masked_cumsum3A = tpu.scan <sum>, %rev3A_264 masked %broadcast_in_dim3A_266 : vector<16xi32>, vector<16xi1> -> vector<16xi32>
      %rev3A_267 = arith.constant 15 : i32
      %rev3A_268 = vector.broadcast %rev3A_267 : i32 to vector<16xi32>
      %rev3A_269 = tpu.iota {dimensions = array<i32: 0>} : vector<16xi32>
      %rev3A_270 = arith.subi %rev3A_268, %rev3A_269 : vector<16xi32>
      %rev3A_271 = tpu.dynamic_gather %masked_cumsum3A[%rev3A_270] in [0] : vector<16xi32>, vector<16xi32> -> vector<16xi32>
      %ge3A = arith.cmpi sge, %rev3A_271, %broadcast_in_dim3A_258 : vector<16xi32>
      %all_reduce_population_count3A = tpu.all_reduce %ge3A {dim = 0 : i64, kind = #tpu.reduction_kind<sum>} : vector<16xi1> -> vector<16xi32>
      %sub3A_272 = arith.constant 1 : i32
      %sub3A_273 = vector.broadcast %sub3A_272 : i32 to vector<16xi32>
      %sub3A_274 = arith.subi %all_reduce_population_count3A, %sub3A_273 : vector<16xi32>
      %gt3A = arith.cmpi sgt, %iota3A_260, %sub3A_274 : vector<16xi32>
      %jit3A_275 = arith.constant 0 : i32
      %broadcast_in_dim3A_276 = vector.broadcast %jit3A_275 : i32 to vector<16xi32>
      %select_n3A_277 = arith.select %gt3A, %get3A_259, %broadcast_in_dim3A_276 : vector<16xi1>, vector<16xi32>
      %reduce_sum3A = arith.constant true
      %reduce_sum3A_278 = vector.broadcast %reduce_sum3A : i1 to vector<16xi1>
      %reduce_sum3A_279 = tpu.scan <sum>, %select_n3A_277 masked %reduce_sum3A_278 : vector<16xi32>, vector<16xi1> -> vector<16xi32>
      %reduce_sum3A_280 = vector.extract %reduce_sum3A_279[15] : i32 from vector<16xi32>
      %slice3A = vector.extract_strided_slice %sub3A_274 {offsets = [0], sizes = [1], strides = [1]} : vector<16xi32> to vector<1xi32>
      %squeeze3A = vector.extract %slice3A[0] : i32 from vector<1xi32>
      %mul3A_281 = arith.constant 16 : i32
      %mul3A_282 = arith.muli %squeeze3A, %mul3A_281 : i32
      %get3A_283 = arith.index_cast %mul3A_282 : i32 to index
      %get3A_284 = tpu.vector_load %arg9[%get3A_283] {strides = array<i32>} : memref<256xi32, #tpu.memory_space<vmem>>, vector<16xi32>,
      %rev3A_285 = arith.constant 15 : i32
      %rev3A_286 = vector.broadcast %rev3A_285 : i32 to vector<16xi32>
      %rev3A_287 = tpu.iota {dimensions = array<i32: 0>} : vector<16xi32>
      %rev3A_288 = arith.subi %rev3A_286, %rev3A_287 : vector<16xi32>
      %rev3A_289 = tpu.dynamic_gather %get3A_284[%rev3A_288] in [0] : vector<16xi32>, vector<16xi32> -> vector<16xi32>
      %broadcast_in_dim3A_290 = arith.constant true
      %broadcast_in_dim3A_291 = vector.broadcast %broadcast_in_dim3A_290 : i1 to vector<16xi1>
      %masked_cumsum3A_292 = tpu.scan <sum>, %rev3A_289 masked %broadcast_in_dim3A_291 : vector<16xi32>, vector<16xi1> -> vector<16xi32>
      %rev3A_293 = arith.constant 15 : i32
      %rev3A_294 = vector.broadcast %rev3A_293 : i32 to vector<16xi32>
      %rev3A_295 = tpu.iota {dimensions = array<i32: 0>} : vector<16xi32>
      %rev3A_296 = arith.subi %rev3A_294, %rev3A_295 : vector<16xi32>
      %rev3A_297 = tpu.dynamic_gather %masked_cumsum3A_292[%rev3A_296] in [0] : vector<16xi32>, vector<16xi32> -> vector<16xi32>
      %add3A_298 = vector.broadcast %reduce_sum3A_280 : i32 to vector<16xi32>
      %add3A_299 = arith.addi %rev3A_297, %add3A_298 : vector<16xi32>
      %ge3A_300 = arith.cmpi sge, %add3A_299, %broadcast_in_dim3A_258 : vector<16xi32>
      %all_reduce_population_count3A_301 = tpu.all_reduce %ge3A_300 {dim = 0 : i64, kind = #tpu.reduction_kind<sum>} : vector<16xi1> -> vector<16xi32>
      %sub3A_302 = arith.constant 1 : i32
      %sub3A_303 = vector.broadcast %sub3A_302 : i32 to vector<16xi32>
      %sub3A_304 = arith.subi %all_reduce_population_count3A_301, %sub3A_303 : vector<16xi32>
      %mul3A_305 = arith.constant 16 : i32
      %mul3A_306 = vector.broadcast %mul3A_305 : i32 to vector<16xi32>
      %mul3A_307 = arith.muli %sub3A_274, %mul3A_306 : vector<16xi32>
      %add3A_308 = arith.addi %mul3A_307, %sub3A_304 : vector<16xi32>
      %gt3A_309 = arith.cmpi sgt, %iota3A_260, %sub3A_304 : vector<16xi32>
      %jit3A_310 = arith.constant 0 : i32
      %broadcast_in_dim3A_311 = vector.broadcast %jit3A_310 : i32 to vector<16xi32>
      %select_n3A_312 = arith.select %gt3A_309, %get3A_284, %broadcast_in_dim3A_311 : vector<16xi1>, vector<16xi32>
      %reduce_sum3A_313 = arith.constant true
      %reduce_sum3A_314 = vector.broadcast %reduce_sum3A_313 : i1 to vector<16xi1>
      %reduce_sum3A_315 = tpu.scan <sum>, %select_n3A_312 masked %reduce_sum3A_314 : vector<16xi32>, vector<16xi1> -> vector<16xi32>
      %reduce_sum3A_316 = vector.extract %reduce_sum3A_315[15] : i32 from vector<16xi32>
      %add3A_317 = arith.addi %reduce_sum3A_316, %reduce_sum3A_280 : i32
      %sub3A_318 = vector.broadcast %add3A_317 : i32 to vector<16xi32>
      %sub3A_319 = arith.subi %broadcast_in_dim3A_258, %sub3A_318 : vector<16xi32>
      %swap3A_320 = arith.constant 0 : index
      %swap3A_321 = tpu.vector_load %arg9[%swap3A_320] {strides = array<i32>} : memref<256xi32, #tpu.memory_space<vmem>>, vector<16xi32>,
      tpu.vector_store %arg9[%swap3A_320], %broadcast_in_dim3A_3 {strides = array<i32>} : memref<256xi32, #tpu.memory_space<vmem>>, vector<16xi32>,
      %swap3A_322 = arith.constant 16 : index
      %swap3A_323 = tpu.vector_load %arg9[%swap3A_322] {strides = array<i32>} : memref<256xi32, #tpu.memory_space<vmem>>, vector<16xi32>,
      tpu.vector_store %arg9[%swap3A_322], %broadcast_in_dim3A_3 {strides = array<i32>} : memref<256xi32, #tpu.memory_space<vmem>>, vector<16xi32>,
      %swap3A_324 = arith.constant 32 : index
      %swap3A_325 = tpu.vector_load %arg9[%swap3A_324] {strides = array<i32>} : memref<256xi32, #tpu.memory_space<vmem>>, vector<16xi32>,
      tpu.vector_store %arg9[%swap3A_324], %broadcast_in_dim3A_3 {strides = array<i32>} : memref<256xi32, #tpu.memory_space<vmem>>, vector<16xi32>,
      %swap3A_326 = arith.constant 48 : index
      %swap3A_327 = tpu.vector_load %arg9[%swap3A_326] {strides = array<i32>} : memref<256xi32, #tpu.memory_space<vmem>>, vector<16xi32>,
      tpu.vector_store %arg9[%swap3A_326], %broadcast_in_dim3A_3 {strides = array<i32>} : memref<256xi32, #tpu.memory_space<vmem>>, vector<16xi32>,
      %swap3A_328 = arith.constant 64 : index
      %swap3A_329 = tpu.vector_load %arg9[%swap3A_328] {strides = array<i32>} : memref<256xi32, #tpu.memory_space<vmem>>, vector<16xi32>,
      tpu.vector_store %arg9[%swap3A_328], %broadcast_in_dim3A_3 {strides = array<i32>} : memref<256xi32, #tpu.memory_space<vmem>>, vector<16xi32>,
      %swap3A_330 = arith.constant 80 : index
      %swap3A_331 = tpu.vector_load %arg9[%swap3A_330] {strides = array<i32>} : memref<256xi32, #tpu.memory_space<vmem>>, vector<16xi32>,
      tpu.vector_store %arg9[%swap3A_330], %broadcast_in_dim3A_3 {strides = array<i32>} : memref<256xi32, #tpu.memory_space<vmem>>, vector<16xi32>,
      %swap3A_332 = arith.constant 96 : index
      %swap3A_333 = tpu.vector_load %arg9[%swap3A_332] {strides = array<i32>} : memref<256xi32, #tpu.memory_space<vmem>>, vector<16xi32>,
      tpu.vector_store %arg9[%swap3A_332], %broadcast_in_dim3A_3 {strides = array<i32>} : memref<256xi32, #tpu.memory_space<vmem>>, vector<16xi32>,
      %swap3A_334 = arith.constant 112 : index
      %swap3A_335 = tpu.vector_load %arg9[%swap3A_334] {strides = array<i32>} : memref<256xi32, #tpu.memory_space<vmem>>, vector<16xi32>,
      tpu.vector_store %arg9[%swap3A_334], %broadcast_in_dim3A_3 {strides = array<i32>} : memref<256xi32, #tpu.memory_space<vmem>>, vector<16xi32>,
      %swap3A_336 = arith.constant 128 : index
      %swap3A_337 = tpu.vector_load %arg9[%swap3A_336] {strides = array<i32>} : memref<256xi32, #tpu.memory_space<vmem>>, vector<16xi32>,
      tpu.vector_store %arg9[%swap3A_336], %broadcast_in_dim3A_3 {strides = array<i32>} : memref<256xi32, #tpu.memory_space<vmem>>, vector<16xi32>,
      %swap3A_338 = arith.constant 144 : index
      %swap3A_339 = tpu.vector_load %arg9[%swap3A_338] {strides = array<i32>} : memref<256xi32, #tpu.memory_space<vmem>>, vector<16xi32>,
      tpu.vector_store %arg9[%swap3A_338], %broadcast_in_dim3A_3 {strides = array<i32>} : memref<256xi32, #tpu.memory_space<vmem>>, vector<16xi32>,
      %swap3A_340 = arith.constant 160 : index
      %swap3A_341 = tpu.vector_load %arg9[%swap3A_340] {strides = array<i32>} : memref<256xi32, #tpu.memory_space<vmem>>, vector<16xi32>,
      tpu.vector_store %arg9[%swap3A_340], %broadcast_in_dim3A_3 {strides = array<i32>} : memref<256xi32, #tpu.memory_space<vmem>>, vector<16xi32>,
      %swap3A_342 = arith.constant 176 : index
      %swap3A_343 = tpu.vector_load %arg9[%swap3A_342] {strides = array<i32>} : memref<256xi32, #tpu.memory_space<vmem>>, vector<16xi32>,
      tpu.vector_store %arg9[%swap3A_342], %broadcast_in_dim3A_3 {strides = array<i32>} : memref<256xi32, #tpu.memory_space<vmem>>, vector<16xi32>,
      %swap3A_344 = arith.constant 192 : index
      %swap3A_345 = tpu.vector_load %arg9[%swap3A_344] {strides = array<i32>} : memref<256xi32, #tpu.memory_space<vmem>>, vector<16xi32>,
      tpu.vector_store %arg9[%swap3A_344], %broadcast_in_dim3A_3 {strides = array<i32>} : memref<256xi32, #tpu.memory_space<vmem>>, vector<16xi32>,
      %swap3A_346 = arith.constant 208 : index
      %swap3A_347 = tpu.vector_load %arg9[%swap3A_346] {strides = array<i32>} : memref<256xi32, #tpu.memory_space<vmem>>, vector<16xi32>,
      tpu.vector_store %arg9[%swap3A_346], %broadcast_in_dim3A_3 {strides = array<i32>} : memref<256xi32, #tpu.memory_space<vmem>>, vector<16xi32>,
      %swap3A_348 = arith.constant 224 : index
      %swap3A_349 = tpu.vector_load %arg9[%swap3A_348] {strides = array<i32>} : memref<256xi32, #tpu.memory_space<vmem>>, vector<16xi32>,
      tpu.vector_store %arg9[%swap3A_348], %broadcast_in_dim3A_3 {strides = array<i32>} : memref<256xi32, #tpu.memory_space<vmem>>, vector<16xi32>,
      %swap3A_350 = arith.constant 240 : index
      %swap3A_351 = tpu.vector_load %arg9[%swap3A_350] {strides = array<i32>} : memref<256xi32, #tpu.memory_space<vmem>>, vector<16xi32>,
      tpu.vector_store %arg9[%swap3A_350], %broadcast_in_dim3A_3 {strides = array<i32>} : memref<256xi32, #tpu.memory_space<vmem>>, vector<16xi32>,
      %swap3A_352 = arith.constant 0 : index
      %swap3A_353 = tpu.vector_load %arg10[%swap3A_352] {strides = array<i32>} : memref<16xi32, #tpu.memory_space<vmem>>, vector<16xi32>,
      tpu.vector_store %arg10[%swap3A_352], %broadcast_in_dim3A_3 {strides = array<i32>} : memref<16xi32, #tpu.memory_space<vmem>>, vector<16xi32>,
      %add3A_354 = arith.constant 16 : i32
      %add3A_355 = arith.addi %sub3A_65, %add3A_354 : i32
      %sub3A_356 = arith.constant 1 : i32
      %sub3A_357 = arith.subi %add3A_355, %sub3A_356 : i32
      %jit3A_358 = arith.constant 16 : i32
      %div3A_359 = arith.divsi %sub3A_357, %jit3A_358 : i32
      %sign3A_360 = arith.constant 0 : i32
      %sign3A_361 = arith.cmpi sgt, %sub3A_357, %sign3A_360 : i32
      %sign3A_362 = arith.extui %sign3A_361 : i1 to i32
      %sign3A_363 = arith.constant 0 : i32
      %sign3A_364 = arith.cmpi slt, %sub3A_357, %sign3A_363 : i32
      %sign3A_365 = arith.extui %sign3A_364 : i1 to i32
      %sign3A_366 = arith.subi %sign3A_362, %sign3A_365 : i32
      %sign3A_367 = arith.constant 0 : i32
      %sign3A_368 = arith.cmpi sgt, %jit3A_358, %sign3A_367 : i32
      %sign3A_369 = arith.extui %sign3A_368 : i1 to i32
      %sign3A_370 = arith.constant 0 : i32
      %sign3A_371 = arith.cmpi slt, %jit3A_358, %sign3A_370 : i32
      %sign3A_372 = arith.extui %sign3A_371 : i1 to i32
      %sign3A_373 = arith.subi %sign3A_369, %sign3A_372 : i32
      %ne3A_374 = arith.cmpi ne, %sign3A_366, %sign3A_373 : i32
      %rem3A_375 = arith.remsi %sub3A_357, %jit3A_358 : i32
      %ne3A_376 = arith.constant 0 : i32
      %ne3A_377 = arith.cmpi ne, %rem3A_375, %ne3A_376 : i32
      %and3A_378 = arith.andi %ne3A_374, %ne3A_377 : i1
      %sub3A_379 = arith.constant 1 : i32
      %sub3A_380 = arith.subi %div3A_359, %sub3A_379 : i32
      %select_n3A_381 = arith.select %and3A_378, %sub3A_380, %div3A_359 : i32
      %while3A_382 = arith.constant 0 : i32
      %while3A_383 = arith.constant 0 : i32
      %while3A_384 = arith.constant 0 : i32
      %while3A_385 = arith.subi %select_n3A_381, %while3A_382 : i32
      %while3A_386 = arith.addi %while3A_382, %while3A_385 : i32
      %while3A_387 = arith.constant 1 : i32
      %while3A_388 = arith.divsi %while3A_385, %while3A_387 : i32
      %while3A_389 = arith.muli %while3A_388, %while3A_387 : i32
      %while3A_390 = arith.addi %while3A_382, %while3A_389 : i32
      %while3A_391 = arith.constant 1 : i32
      %while3A_392:2 = scf.for %while3A_947 = %while3A_382 to %while3A_390 step %while3A_391 iter_args(%while3A_948 = %while3A_383, %while3A_949 = %while3A_384) -> (i32, i32)  : i32 {
        %mul3A_950 = arith.constant 16 : i32
        %mul3A_951 = arith.muli %while3A_947, %mul3A_950 : i32
        %add3A_952 = vector.broadcast %mul3A_951 : i32 to vector<16xi32>
        %add3A_953 = arith.addi %add3A_952, %iota3A : vector<16xi32>
        %lt3A = vector.broadcast %sub3A_65 : i32 to vector<16xi32>
        %lt3A_954 = arith.cmpi slt, %add3A_953, %lt3A : vector<16xi32>
        %mul3A_955 = arith.constant 16 : i32
        %mul3A_956 = arith.muli %while3A_947, %mul3A_955 : i32
        %add3A_957 = arith.constant 0 : i32
        %add3A_958 = arith.addi %add3A_957, %mul3A_956 : i32
        %get3A_959 = arith.index_cast %add3A_958 : i32 to index
        %get3A_960 = tpu.vector_load %arg6[%get3A_959] {strides = array<i32>} : memref<8256xi32, #tpu.memory_space<vmem>>, vector<16xi32>,
        %gather3A_961 = tpu.vector_load_idx %arg4[%get3A_960] masked %lt3A_954 : memref<8192xf32, #tpu.memory_space<vmem>>[vector<16xi32>], vector<16xf32>, vector<16xi1>
        %bitcast_convert_type3A = tpu.bitcast %gather3A_961 : vector<16xf32> -> vector<16xi32>
        %shift_right_arithmetic3A = arith.constant 31 : i32
        %shift_right_arithmetic3A_962 = vector.broadcast %shift_right_arithmetic3A : i32 to vector<16xi32>
        %shift_right_arithmetic3A_963 = arith.shrsi %bitcast_convert_type3A, %shift_right_arithmetic3A_962 : vector<16xi32>
        %and3A_964 = arith.constant 2147483647 : i32
        %and3A_965 = vector.broadcast %and3A_964 : i32 to vector<16xi32>
        %and3A_966 = arith.andi %shift_right_arithmetic3A_963, %and3A_965 : vector<16xi32>
        %xor3A = arith.xori %bitcast_convert_type3A, %and3A_966 : vector<16xi32>
        %shift_right_arithmetic3A_967 = arith.constant 24 : i32
        %shift_right_arithmetic3A_968 = vector.broadcast %shift_right_arithmetic3A_967 : i32 to vector<16xi32>
        %shift_right_arithmetic3A_969 = arith.shrsi %xor3A, %shift_right_arithmetic3A_968 : vector<16xi32>
        %and3A_970 = arith.constant 255 : i32
        %and3A_971 = vector.broadcast %and3A_970 : i32 to vector<16xi32>
        %and3A_972 = arith.andi %shift_right_arithmetic3A_969, %and3A_971 : vector<16xi32>
        %xor3A_973 = arith.constant 128 : i32
        %xor3A_974 = vector.broadcast %xor3A_973 : i32 to vector<16xi32>
        %xor3A_975 = arith.xori %and3A_972, %xor3A_974 : vector<16xi32>
        %gt3A_976 = arith.cmpi sgt, %xor3A_975, %add3A_308 : vector<16xi32>
        %and3A_977 = arith.andi %lt3A_954, %gt3A_976 : vector<16xi1>
        %eq3A = arith.cmpi eq, %xor3A_975, %add3A_308 : vector<16xi32>
        %and3A_978 = arith.andi %lt3A_954, %eq3A : vector<16xi1>
        %shift_right_arithmetic3A_979 = arith.constant 16 : i32
        %shift_right_arithmetic3A_980 = vector.broadcast %shift_right_arithmetic3A_979 : i32 to vector<16xi32>
        %shift_right_arithmetic3A_981 = arith.shrsi %xor3A, %shift_right_arithmetic3A_980 : vector<16xi32>
        %and3A_982 = arith.constant 255 : i32
        %and3A_983 = vector.broadcast %and3A_982 : i32 to vector<16xi32>
        %and3A_984 = arith.andi %shift_right_arithmetic3A_981, %and3A_983 : vector<16xi32>
        tpu.vector_store_idx %arg9[%and3A_984], %broadcast_in_dim3A_1 masked %and3A_978 {add = true} : memref<256xi32, #tpu.memory_space<vmem>>[vector<16xi32>], vector<16xi32>, vector<16xi1>
        %shift_right_arithmetic3A_985 = arith.constant 4 : i32
        %shift_right_arithmetic3A_986 = vector.broadcast %shift_right_arithmetic3A_985 : i32 to vector<16xi32>
        %shift_right_arithmetic3A_987 = arith.shrsi %and3A_984, %shift_right_arithmetic3A_986 : vector<16xi32>
        tpu.vector_store_idx %arg10[%shift_right_arithmetic3A_987], %broadcast_in_dim3A_1 masked %and3A_978 {add = true} : memref<16xi32, #tpu.memory_space<vmem>>[vector<16xi32>], vector<16xi32>, vector<16xi1>
        %swap3A_988 = arith.index_cast %while3A_948 : i32 to index
        %swap3A_989 = tpu.vector_load %arg8[%swap3A_988] masked %and3A_977 {strides = array<i32>} : memref<96xi32, #tpu.memory_space<vmem>>, vector<16xi32>, vector<16xi1>
        tpu.vector_store %arg8[%swap3A_988], %get3A_960 masked %and3A_977 {strides = array<i32>} : memref<96xi32, #tpu.memory_space<vmem>>, vector<16xi32>, vector<16xi1>
        %swap3A_990 = arith.index_cast %while3A_949 : i32 to index
        %swap3A_991 = tpu.vector_load %arg7[%swap3A_990] masked %and3A_978 {strides = array<i32>} : memref<8224xi32, #tpu.memory_space<vmem>>, vector<16xi32>, vector<16xi1>
        tpu.vector_store %arg7[%swap3A_990], %get3A_960 masked %and3A_978 {strides = array<i32>} : memref<8224xi32, #tpu.memory_space<vmem>>, vector<16xi32>, vector<16xi1>
        %all_reduce_population_count3A_992 = tpu.all_reduce %and3A_977 {dim = 0 : i64, kind = #tpu.reduction_kind<sum>} : vector<16xi1> -> vector<16xi32>
        %slice3A_993 = vector.extract_strided_slice %all_reduce_population_count3A_992 {offsets = [0], sizes = [1], strides = [1]} : vector<16xi32> to vector<1xi32>
        %squeeze3A_994 = vector.extract %slice3A_993[0] : i32 from vector<1xi32>
        %add3A_995 = arith.addi %while3A_948, %squeeze3A_994 : i32
        %all_reduce_population_count3A_996 = tpu.all_reduce %and3A_978 {dim = 0 : i64, kind = #tpu.reduction_kind<sum>} : vector<16xi1> -> vector<16xi32>
        %slice3A_997 = vector.extract_strided_slice %all_reduce_population_count3A_996 {offsets = [0], sizes = [1], strides = [1]} : vector<16xi32> to vector<1xi32>
        %squeeze3A_998 = vector.extract %slice3A_997[0] : i32 from vector<1xi32>
        %add3A_999 = arith.addi %while3A_949, %squeeze3A_998 : i32
        scf.yield %add3A_995, %add3A_999 : i32, i32
      }
      %while3A_393 = arith.constant 1 : i32
      %while3A_394:2 = scf.for %while3A_947 = %while3A_390 to %while3A_386 step %while3A_393 iter_args(%while3A_948 = %while3A_392#0, %while3A_949 = %while3A_392#1) -> (i32, i32)  : i32 {
        %mul3A_950 = arith.constant 16 : i32
        %mul3A_951 = arith.muli %while3A_947, %mul3A_950 : i32
        %add3A_952 = vector.broadcast %mul3A_951 : i32 to vector<16xi32>
        %add3A_953 = arith.addi %add3A_952, %iota3A : vector<16xi32>
        %lt3A = vector.broadcast %sub3A_65 : i32 to vector<16xi32>
        %lt3A_954 = arith.cmpi slt, %add3A_953, %lt3A : vector<16xi32>
        %mul3A_955 = arith.constant 16 : i32
        %mul3A_956 = arith.muli %while3A_947, %mul3A_955 : i32
        %add3A_957 = arith.constant 0 : i32
        %add3A_958 = arith.addi %add3A_957, %mul3A_956 : i32
        %get3A_959 = arith.index_cast %add3A_958 : i32 to index
        %get3A_960 = tpu.vector_load %arg6[%get3A_959] {strides = array<i32>} : memref<8256xi32, #tpu.memory_space<vmem>>, vector<16xi32>,
        %gather3A_961 = tpu.vector_load_idx %arg4[%get3A_960] masked %lt3A_954 : memref<8192xf32, #tpu.memory_space<vmem>>[vector<16xi32>], vector<16xf32>, vector<16xi1>
        %bitcast_convert_type3A = tpu.bitcast %gather3A_961 : vector<16xf32> -> vector<16xi32>
        %shift_right_arithmetic3A = arith.constant 31 : i32
        %shift_right_arithmetic3A_962 = vector.broadcast %shift_right_arithmetic3A : i32 to vector<16xi32>
        %shift_right_arithmetic3A_963 = arith.shrsi %bitcast_convert_type3A, %shift_right_arithmetic3A_962 : vector<16xi32>
        %and3A_964 = arith.constant 2147483647 : i32
        %and3A_965 = vector.broadcast %and3A_964 : i32 to vector<16xi32>
        %and3A_966 = arith.andi %shift_right_arithmetic3A_963, %and3A_965 : vector<16xi32>
        %xor3A = arith.xori %bitcast_convert_type3A, %and3A_966 : vector<16xi32>
        %shift_right_arithmetic3A_967 = arith.constant 24 : i32
        %shift_right_arithmetic3A_968 = vector.broadcast %shift_right_arithmetic3A_967 : i32 to vector<16xi32>
        %shift_right_arithmetic3A_969 = arith.shrsi %xor3A, %shift_right_arithmetic3A_968 : vector<16xi32>
        %and3A_970 = arith.constant 255 : i32
        %and3A_971 = vector.broadcast %and3A_970 : i32 to vector<16xi32>
        %and3A_972 = arith.andi %shift_right_arithmetic3A_969, %and3A_971 : vector<16xi32>
        %xor3A_973 = arith.constant 128 : i32
        %xor3A_974 = vector.broadcast %xor3A_973 : i32 to vector<16xi32>
        %xor3A_975 = arith.xori %and3A_972, %xor3A_974 : vector<16xi32>
        %gt3A_976 = arith.cmpi sgt, %xor3A_975, %add3A_308 : vector<16xi32>
        %and3A_977 = arith.andi %lt3A_954, %gt3A_976 : vector<16xi1>
        %eq3A = arith.cmpi eq, %xor3A_975, %add3A_308 : vector<16xi32>
        %and3A_978 = arith.andi %lt3A_954, %eq3A : vector<16xi1>
        %shift_right_arithmetic3A_979 = arith.constant 16 : i32
        %shift_right_arithmetic3A_980 = vector.broadcast %shift_right_arithmetic3A_979 : i32 to vector<16xi32>
        %shift_right_arithmetic3A_981 = arith.shrsi %xor3A, %shift_right_arithmetic3A_980 : vector<16xi32>
        %and3A_982 = arith.constant 255 : i32
        %and3A_983 = vector.broadcast %and3A_982 : i32 to vector<16xi32>
        %and3A_984 = arith.andi %shift_right_arithmetic3A_981, %and3A_983 : vector<16xi32>
        tpu.vector_store_idx %arg9[%and3A_984], %broadcast_in_dim3A_1 masked %and3A_978 {add = true} : memref<256xi32, #tpu.memory_space<vmem>>[vector<16xi32>], vector<16xi32>, vector<16xi1>
        %shift_right_arithmetic3A_985 = arith.constant 4 : i32
        %shift_right_arithmetic3A_986 = vector.broadcast %shift_right_arithmetic3A_985 : i32 to vector<16xi32>
        %shift_right_arithmetic3A_987 = arith.shrsi %and3A_984, %shift_right_arithmetic3A_986 : vector<16xi32>
        tpu.vector_store_idx %arg10[%shift_right_arithmetic3A_987], %broadcast_in_dim3A_1 masked %and3A_978 {add = true} : memref<16xi32, #tpu.memory_space<vmem>>[vector<16xi32>], vector<16xi32>, vector<16xi1>
        %swap3A_988 = arith.index_cast %while3A_948 : i32 to index
        %swap3A_989 = tpu.vector_load %arg8[%swap3A_988] masked %and3A_977 {strides = array<i32>} : memref<96xi32, #tpu.memory_space<vmem>>, vector<16xi32>, vector<16xi1>
        tpu.vector_store %arg8[%swap3A_988], %get3A_960 masked %and3A_977 {strides = array<i32>} : memref<96xi32, #tpu.memory_space<vmem>>, vector<16xi32>, vector<16xi1>
        %swap3A_990 = arith.index_cast %while3A_949 : i32 to index
        %swap3A_991 = tpu.vector_load %arg7[%swap3A_990] masked %and3A_978 {strides = array<i32>} : memref<8224xi32, #tpu.memory_space<vmem>>, vector<16xi32>, vector<16xi1>
        tpu.vector_store %arg7[%swap3A_990], %get3A_960 masked %and3A_978 {strides = array<i32>} : memref<8224xi32, #tpu.memory_space<vmem>>, vector<16xi32>, vector<16xi1>
        %all_reduce_population_count3A_992 = tpu.all_reduce %and3A_977 {dim = 0 : i64, kind = #tpu.reduction_kind<sum>} : vector<16xi1> -> vector<16xi32>
        %slice3A_993 = vector.extract_strided_slice %all_reduce_population_count3A_992 {offsets = [0], sizes = [1], strides = [1]} : vector<16xi32> to vector<1xi32>
        %squeeze3A_994 = vector.extract %slice3A_993[0] : i32 from vector<1xi32>
        %add3A_995 = arith.addi %while3A_948, %squeeze3A_994 : i32
        %all_reduce_population_count3A_996 = tpu.all_reduce %and3A_978 {dim = 0 : i64, kind = #tpu.reduction_kind<sum>} : vector<16xi1> -> vector<16xi32>
        %slice3A_997 = vector.extract_strided_slice %all_reduce_population_count3A_996 {offsets = [0], sizes = [1], strides = [1]} : vector<16xi32> to vector<1xi32>
        %squeeze3A_998 = vector.extract %slice3A_997[0] : i32 from vector<1xi32>
        %add3A_999 = arith.addi %while3A_949, %squeeze3A_998 : i32
        scf.yield %add3A_995, %add3A_999 : i32, i32
      }
      %add3A_395 = arith.constant 16 : i32
      %add3A_396 = arith.addi %sub3A_67, %add3A_395 : i32
      %sub3A_397 = arith.constant 1 : i32
      %sub3A_398 = arith.subi %add3A_396, %sub3A_397 : i32
      %jit3A_399 = arith.constant 16 : i32
      %div3A_400 = arith.divsi %sub3A_398, %jit3A_399 : i32
      %sign3A_401 = arith.constant 0 : i32
      %sign3A_402 = arith.cmpi sgt, %sub3A_398, %sign3A_401 : i32
      %sign3A_403 = arith.extui %sign3A_402 : i1 to i32
      %sign3A_404 = arith.constant 0 : i32
      %sign3A_405 = arith.cmpi slt, %sub3A_398, %sign3A_404 : i32
      %sign3A_406 = arith.extui %sign3A_405 : i1 to i32
      %sign3A_407 = arith.subi %sign3A_403, %sign3A_406 : i32
      %sign3A_408 = arith.constant 0 : i32
      %sign3A_409 = arith.cmpi sgt, %jit3A_399, %sign3A_408 : i32
      %sign3A_410 = arith.extui %sign3A_409 : i1 to i32
      %sign3A_411 = arith.constant 0 : i32
      %sign3A_412 = arith.cmpi slt, %jit3A_399, %sign3A_411 : i32
      %sign3A_413 = arith.extui %sign3A_412 : i1 to i32
      %sign3A_414 = arith.subi %sign3A_410, %sign3A_413 : i32
      %ne3A_415 = arith.cmpi ne, %sign3A_407, %sign3A_414 : i32
      %rem3A_416 = arith.remsi %sub3A_398, %jit3A_399 : i32
      %ne3A_417 = arith.constant 0 : i32
      %ne3A_418 = arith.cmpi ne, %rem3A_416, %ne3A_417 : i32
      %and3A_419 = arith.andi %ne3A_415, %ne3A_418 : i1
      %sub3A_420 = arith.constant 1 : i32
      %sub3A_421 = arith.subi %div3A_400, %sub3A_420 : i32
      %select_n3A_422 = arith.select %and3A_419, %sub3A_421, %div3A_400 : i32
      %while3A_423 = arith.constant 0 : i32
      %while3A_424 = arith.subi %select_n3A_422, %while3A_423 : i32
      %while3A_425 = arith.addi %while3A_423, %while3A_424 : i32
      %while3A_426 = arith.constant 1 : i32
      %while3A_427 = arith.divsi %while3A_424, %while3A_426 : i32
      %while3A_428 = arith.muli %while3A_427, %while3A_426 : i32
      %while3A_429 = arith.addi %while3A_423, %while3A_428 : i32
      %while3A_430 = arith.constant 1 : i32
      %while3A_431:2 = scf.for %while3A_947 = %while3A_423 to %while3A_429 step %while3A_430 iter_args(%while3A_948 = %while3A_394#0, %while3A_949 = %while3A_394#1) -> (i32, i32)  : i32 {
        %mul3A_950 = arith.constant 16 : i32
        %mul3A_951 = arith.muli %while3A_947, %mul3A_950 : i32
        %add3A_952 = vector.broadcast %mul3A_951 : i32 to vector<16xi32>
        %add3A_953 = arith.addi %add3A_952, %iota3A : vector<16xi32>
        %lt3A = vector.broadcast %sub3A_67 : i32 to vector<16xi32>
        %lt3A_954 = arith.cmpi slt, %add3A_953, %lt3A : vector<16xi32>
        %mul3A_955 = arith.constant 16 : i32
        %mul3A_956 = arith.muli %while3A_947, %mul3A_955 : i32
        %add3A_957 = arith.constant 2064 : i32
        %add3A_958 = arith.addi %add3A_957, %mul3A_956 : i32
        %get3A_959 = arith.index_cast %add3A_958 : i32 to index
        %get3A_960 = tpu.vector_load %arg6[%get3A_959] {strides = array<i32>} : memref<8256xi32, #tpu.memory_space<vmem>>, vector<16xi32>,
        %gather3A_961 = tpu.vector_load_idx %arg4[%get3A_960] masked %lt3A_954 : memref<8192xf32, #tpu.memory_space<vmem>>[vector<16xi32>], vector<16xf32>, vector<16xi1>
        %bitcast_convert_type3A = tpu.bitcast %gather3A_961 : vector<16xf32> -> vector<16xi32>
        %shift_right_arithmetic3A = arith.constant 31 : i32
        %shift_right_arithmetic3A_962 = vector.broadcast %shift_right_arithmetic3A : i32 to vector<16xi32>
        %shift_right_arithmetic3A_963 = arith.shrsi %bitcast_convert_type3A, %shift_right_arithmetic3A_962 : vector<16xi32>
        %and3A_964 = arith.constant 2147483647 : i32
        %and3A_965 = vector.broadcast %and3A_964 : i32 to vector<16xi32>
        %and3A_966 = arith.andi %shift_right_arithmetic3A_963, %and3A_965 : vector<16xi32>
        %xor3A = arith.xori %bitcast_convert_type3A, %and3A_966 : vector<16xi32>
        %shift_right_arithmetic3A_967 = arith.constant 24 : i32
        %shift_right_arithmetic3A_968 = vector.broadcast %shift_right_arithmetic3A_967 : i32 to vector<16xi32>
        %shift_right_arithmetic3A_969 = arith.shrsi %xor3A, %shift_right_arithmetic3A_968 : vector<16xi32>
        %and3A_970 = arith.constant 255 : i32
        %and3A_971 = vector.broadcast %and3A_970 : i32 to vector<16xi32>
        %and3A_972 = arith.andi %shift_right_arithmetic3A_969, %and3A_971 : vector<16xi32>
        %xor3A_973 = arith.constant 128 : i32
        %xor3A_974 = vector.broadcast %xor3A_973 : i32 to vector<16xi32>
        %xor3A_975 = arith.xori %and3A_972, %xor3A_974 : vector<16xi32>
        %gt3A_976 = arith.cmpi sgt, %xor3A_975, %add3A_308 : vector<16xi32>
        %and3A_977 = arith.andi %lt3A_954, %gt3A_976 : vector<16xi1>
        %eq3A = arith.cmpi eq, %xor3A_975, %add3A_308 : vector<16xi32>
        %and3A_978 = arith.andi %lt3A_954, %eq3A : vector<16xi1>
        %shift_right_arithmetic3A_979 = arith.constant 16 : i32
        %shift_right_arithmetic3A_980 = vector.broadcast %shift_right_arithmetic3A_979 : i32 to vector<16xi32>
        %shift_right_arithmetic3A_981 = arith.shrsi %xor3A, %shift_right_arithmetic3A_980 : vector<16xi32>
        %and3A_982 = arith.constant 255 : i32
        %and3A_983 = vector.broadcast %and3A_982 : i32 to vector<16xi32>
        %and3A_984 = arith.andi %shift_right_arithmetic3A_981, %and3A_983 : vector<16xi32>
        tpu.vector_store_idx %arg9[%and3A_984], %broadcast_in_dim3A_1 masked %and3A_978 {add = true} : memref<256xi32, #tpu.memory_space<vmem>>[vector<16xi32>], vector<16xi32>, vector<16xi1>
        %shift_right_arithmetic3A_985 = arith.constant 4 : i32
        %shift_right_arithmetic3A_986 = vector.broadcast %shift_right_arithmetic3A_985 : i32 to vector<16xi32>
        %shift_right_arithmetic3A_987 = arith.shrsi %and3A_984, %shift_right_arithmetic3A_986 : vector<16xi32>
        tpu.vector_store_idx %arg10[%shift_right_arithmetic3A_987], %broadcast_in_dim3A_1 masked %and3A_978 {add = true} : memref<16xi32, #tpu.memory_space<vmem>>[vector<16xi32>], vector<16xi32>, vector<16xi1>
        %swap3A_988 = arith.index_cast %while3A_948 : i32 to index
        %swap3A_989 = tpu.vector_load %arg8[%swap3A_988] masked %and3A_977 {strides = array<i32>} : memref<96xi32, #tpu.memory_space<vmem>>, vector<16xi32>, vector<16xi1>
        tpu.vector_store %arg8[%swap3A_988], %get3A_960 masked %and3A_977 {strides = array<i32>} : memref<96xi32, #tpu.memory_space<vmem>>, vector<16xi32>, vector<16xi1>
        %swap3A_990 = arith.index_cast %while3A_949 : i32 to index
        %swap3A_991 = tpu.vector_load %arg7[%swap3A_990] masked %and3A_978 {strides = array<i32>} : memref<8224xi32, #tpu.memory_space<vmem>>, vector<16xi32>, vector<16xi1>
        tpu.vector_store %arg7[%swap3A_990], %get3A_960 masked %and3A_978 {strides = array<i32>} : memref<8224xi32, #tpu.memory_space<vmem>>, vector<16xi32>, vector<16xi1>
        %all_reduce_population_count3A_992 = tpu.all_reduce %and3A_977 {dim = 0 : i64, kind = #tpu.reduction_kind<sum>} : vector<16xi1> -> vector<16xi32>
        %slice3A_993 = vector.extract_strided_slice %all_reduce_population_count3A_992 {offsets = [0], sizes = [1], strides = [1]} : vector<16xi32> to vector<1xi32>
        %squeeze3A_994 = vector.extract %slice3A_993[0] : i32 from vector<1xi32>
        %add3A_995 = arith.addi %while3A_948, %squeeze3A_994 : i32
        %all_reduce_population_count3A_996 = tpu.all_reduce %and3A_978 {dim = 0 : i64, kind = #tpu.reduction_kind<sum>} : vector<16xi1> -> vector<16xi32>
        %slice3A_997 = vector.extract_strided_slice %all_reduce_population_count3A_996 {offsets = [0], sizes = [1], strides = [1]} : vector<16xi32> to vector<1xi32>
        %squeeze3A_998 = vector.extract %slice3A_997[0] : i32 from vector<1xi32>
        %add3A_999 = arith.addi %while3A_949, %squeeze3A_998 : i32
        scf.yield %add3A_995, %add3A_999 : i32, i32
      }
      %while3A_432 = arith.constant 1 : i32
      %while3A_433:2 = scf.for %while3A_947 = %while3A_429 to %while3A_425 step %while3A_432 iter_args(%while3A_948 = %while3A_431#0, %while3A_949 = %while3A_431#1) -> (i32, i32)  : i32 {
        %mul3A_950 = arith.constant 16 : i32
        %mul3A_951 = arith.muli %while3A_947, %mul3A_950 : i32
        %add3A_952 = vector.broadcast %mul3A_951 : i32 to vector<16xi32>
        %add3A_953 = arith.addi %add3A_952, %iota3A : vector<16xi32>
        %lt3A = vector.broadcast %sub3A_67 : i32 to vector<16xi32>
        %lt3A_954 = arith.cmpi slt, %add3A_953, %lt3A : vector<16xi32>
        %mul3A_955 = arith.constant 16 : i32
        %mul3A_956 = arith.muli %while3A_947, %mul3A_955 : i32
        %add3A_957 = arith.constant 2064 : i32
        %add3A_958 = arith.addi %add3A_957, %mul3A_956 : i32
        %get3A_959 = arith.index_cast %add3A_958 : i32 to index
        %get3A_960 = tpu.vector_load %arg6[%get3A_959] {strides = array<i32>} : memref<8256xi32, #tpu.memory_space<vmem>>, vector<16xi32>,
        %gather3A_961 = tpu.vector_load_idx %arg4[%get3A_960] masked %lt3A_954 : memref<8192xf32, #tpu.memory_space<vmem>>[vector<16xi32>], vector<16xf32>, vector<16xi1>
        %bitcast_convert_type3A = tpu.bitcast %gather3A_961 : vector<16xf32> -> vector<16xi32>
        %shift_right_arithmetic3A = arith.constant 31 : i32
        %shift_right_arithmetic3A_962 = vector.broadcast %shift_right_arithmetic3A : i32 to vector<16xi32>
        %shift_right_arithmetic3A_963 = arith.shrsi %bitcast_convert_type3A, %shift_right_arithmetic3A_962 : vector<16xi32>
        %and3A_964 = arith.constant 2147483647 : i32
        %and3A_965 = vector.broadcast %and3A_964 : i32 to vector<16xi32>
        %and3A_966 = arith.andi %shift_right_arithmetic3A_963, %and3A_965 : vector<16xi32>
        %xor3A = arith.xori %bitcast_convert_type3A, %and3A_966 : vector<16xi32>
        %shift_right_arithmetic3A_967 = arith.constant 24 : i32
        %shift_right_arithmetic3A_968 = vector.broadcast %shift_right_arithmetic3A_967 : i32 to vector<16xi32>
        %shift_right_arithmetic3A_969 = arith.shrsi %xor3A, %shift_right_arithmetic3A_968 : vector<16xi32>
        %and3A_970 = arith.constant 255 : i32
        %and3A_971 = vector.broadcast %and3A_970 : i32 to vector<16xi32>
        %and3A_972 = arith.andi %shift_right_arithmetic3A_969, %and3A_971 : vector<16xi32>
        %xor3A_973 = arith.constant 128 : i32
        %xor3A_974 = vector.broadcast %xor3A_973 : i32 to vector<16xi32>
        %xor3A_975 = arith.xori %and3A_972, %xor3A_974 : vector<16xi32>
        %gt3A_976 = arith.cmpi sgt, %xor3A_975, %add3A_308 : vector<16xi32>
        %and3A_977 = arith.andi %lt3A_954, %gt3A_976 : vector<16xi1>
        %eq3A = arith.cmpi eq, %xor3A_975, %add3A_308 : vector<16xi32>
        %and3A_978 = arith.andi %lt3A_954, %eq3A : vector<16xi1>
        %shift_right_arithmetic3A_979 = arith.constant 16 : i32
        %shift_right_arithmetic3A_980 = vector.broadcast %shift_right_arithmetic3A_979 : i32 to vector<16xi32>
        %shift_right_arithmetic3A_981 = arith.shrsi %xor3A, %shift_right_arithmetic3A_980 : vector<16xi32>
        %and3A_982 = arith.constant 255 : i32
        %and3A_983 = vector.broadcast %and3A_982 : i32 to vector<16xi32>
        %and3A_984 = arith.andi %shift_right_arithmetic3A_981, %and3A_983 : vector<16xi32>
        tpu.vector_store_idx %arg9[%and3A_984], %broadcast_in_dim3A_1 masked %and3A_978 {add = true} : memref<256xi32, #tpu.memory_space<vmem>>[vector<16xi32>], vector<16xi32>, vector<16xi1>
        %shift_right_arithmetic3A_985 = arith.constant 4 : i32
        %shift_right_arithmetic3A_986 = vector.broadcast %shift_right_arithmetic3A_985 : i32 to vector<16xi32>
        %shift_right_arithmetic3A_987 = arith.shrsi %and3A_984, %shift_right_arithmetic3A_986 : vector<16xi32>
        tpu.vector_store_idx %arg10[%shift_right_arithmetic3A_987], %broadcast_in_dim3A_1 masked %and3A_978 {add = true} : memref<16xi32, #tpu.memory_space<vmem>>[vector<16xi32>], vector<16xi32>, vector<16xi1>
        %swap3A_988 = arith.index_cast %while3A_948 : i32 to index
        %swap3A_989 = tpu.vector_load %arg8[%swap3A_988] masked %and3A_977 {strides = array<i32>} : memref<96xi32, #tpu.memory_space<vmem>>, vector<16xi32>, vector<16xi1>
        tpu.vector_store %arg8[%swap3A_988], %get3A_960 masked %and3A_977 {strides = array<i32>} : memref<96xi32, #tpu.memory_space<vmem>>, vector<16xi32>, vector<16xi1>
        %swap3A_990 = arith.index_cast %while3A_949 : i32 to index
        %swap3A_991 = tpu.vector_load %arg7[%swap3A_990] masked %and3A_978 {strides = array<i32>} : memref<8224xi32, #tpu.memory_space<vmem>>, vector<16xi32>, vector<16xi1>
        tpu.vector_store %arg7[%swap3A_990], %get3A_960 masked %and3A_978 {strides = array<i32>} : memref<8224xi32, #tpu.memory_space<vmem>>, vector<16xi32>, vector<16xi1>
        %all_reduce_population_count3A_992 = tpu.all_reduce %and3A_977 {dim = 0 : i64, kind = #tpu.reduction_kind<sum>} : vector<16xi1> -> vector<16xi32>
        %slice3A_993 = vector.extract_strided_slice %all_reduce_population_count3A_992 {offsets = [0], sizes = [1], strides = [1]} : vector<16xi32> to vector<1xi32>
        %squeeze3A_994 = vector.extract %slice3A_993[0] : i32 from vector<1xi32>
        %add3A_995 = arith.addi %while3A_948, %squeeze3A_994 : i32
        %all_reduce_population_count3A_996 = tpu.all_reduce %and3A_978 {dim = 0 : i64, kind = #tpu.reduction_kind<sum>} : vector<16xi1> -> vector<16xi32>
        %slice3A_997 = vector.extract_strided_slice %all_reduce_population_count3A_996 {offsets = [0], sizes = [1], strides = [1]} : vector<16xi32> to vector<1xi32>
        %squeeze3A_998 = vector.extract %slice3A_997[0] : i32 from vector<1xi32>
        %add3A_999 = arith.addi %while3A_949, %squeeze3A_998 : i32
        scf.yield %add3A_995, %add3A_999 : i32, i32
      }
      %add3A_434 = arith.constant 16 : i32
      %add3A_435 = arith.addi %sub3A_69, %add3A_434 : i32
      %sub3A_436 = arith.constant 1 : i32
      %sub3A_437 = arith.subi %add3A_435, %sub3A_436 : i32
      %jit3A_438 = arith.constant 16 : i32
      %div3A_439 = arith.divsi %sub3A_437, %jit3A_438 : i32
      %sign3A_440 = arith.constant 0 : i32
      %sign3A_441 = arith.cmpi sgt, %sub3A_437, %sign3A_440 : i32
      %sign3A_442 = arith.extui %sign3A_441 : i1 to i32
      %sign3A_443 = arith.constant 0 : i32
      %sign3A_444 = arith.cmpi slt, %sub3A_437, %sign3A_443 : i32
      %sign3A_445 = arith.extui %sign3A_444 : i1 to i32
      %sign3A_446 = arith.subi %sign3A_442, %sign3A_445 : i32
      %sign3A_447 = arith.constant 0 : i32
      %sign3A_448 = arith.cmpi sgt, %jit3A_438, %sign3A_447 : i32
      %sign3A_449 = arith.extui %sign3A_448 : i1 to i32
      %sign3A_450 = arith.constant 0 : i32
      %sign3A_451 = arith.cmpi slt, %jit3A_438, %sign3A_450 : i32
      %sign3A_452 = arith.extui %sign3A_451 : i1 to i32
      %sign3A_453 = arith.subi %sign3A_449, %sign3A_452 : i32
      %ne3A_454 = arith.cmpi ne, %sign3A_446, %sign3A_453 : i32
      %rem3A_455 = arith.remsi %sub3A_437, %jit3A_438 : i32
      %ne3A_456 = arith.constant 0 : i32
      %ne3A_457 = arith.cmpi ne, %rem3A_455, %ne3A_456 : i32
      %and3A_458 = arith.andi %ne3A_454, %ne3A_457 : i1
      %sub3A_459 = arith.constant 1 : i32
      %sub3A_460 = arith.subi %div3A_439, %sub3A_459 : i32
      %select_n3A_461 = arith.select %and3A_458, %sub3A_460, %div3A_439 : i32
      %while3A_462 = arith.constant 0 : i32
      %while3A_463 = arith.subi %select_n3A_461, %while3A_462 : i32
      %while3A_464 = arith.addi %while3A_462, %while3A_463 : i32
      %while3A_465 = arith.constant 1 : i32
      %while3A_466 = arith.divsi %while3A_463, %while3A_465 : i32
      %while3A_467 = arith.muli %while3A_466, %while3A_465 : i32
      %while3A_468 = arith.addi %while3A_462, %while3A_467 : i32
      %while3A_469 = arith.constant 1 : i32
      %while3A_470:2 = scf.for %while3A_947 = %while3A_462 to %while3A_468 step %while3A_469 iter_args(%while3A_948 = %while3A_433#0, %while3A_949 = %while3A_433#1) -> (i32, i32)  : i32 {
        %mul3A_950 = arith.constant 16 : i32
        %mul3A_951 = arith.muli %while3A_947, %mul3A_950 : i32
        %add3A_952 = vector.broadcast %mul3A_951 : i32 to vector<16xi32>
        %add3A_953 = arith.addi %add3A_952, %iota3A : vector<16xi32>
        %lt3A = vector.broadcast %sub3A_69 : i32 to vector<16xi32>
        %lt3A_954 = arith.cmpi slt, %add3A_953, %lt3A : vector<16xi32>
        %mul3A_955 = arith.constant 16 : i32
        %mul3A_956 = arith.muli %while3A_947, %mul3A_955 : i32
        %add3A_957 = arith.constant 4128 : i32
        %add3A_958 = arith.addi %add3A_957, %mul3A_956 : i32
        %get3A_959 = arith.index_cast %add3A_958 : i32 to index
        %get3A_960 = tpu.vector_load %arg6[%get3A_959] {strides = array<i32>} : memref<8256xi32, #tpu.memory_space<vmem>>, vector<16xi32>,
        %gather3A_961 = tpu.vector_load_idx %arg4[%get3A_960] masked %lt3A_954 : memref<8192xf32, #tpu.memory_space<vmem>>[vector<16xi32>], vector<16xf32>, vector<16xi1>
        %bitcast_convert_type3A = tpu.bitcast %gather3A_961 : vector<16xf32> -> vector<16xi32>
        %shift_right_arithmetic3A = arith.constant 31 : i32
        %shift_right_arithmetic3A_962 = vector.broadcast %shift_right_arithmetic3A : i32 to vector<16xi32>
        %shift_right_arithmetic3A_963 = arith.shrsi %bitcast_convert_type3A, %shift_right_arithmetic3A_962 : vector<16xi32>
        %and3A_964 = arith.constant 2147483647 : i32
        %and3A_965 = vector.broadcast %and3A_964 : i32 to vector<16xi32>
        %and3A_966 = arith.andi %shift_right_arithmetic3A_963, %and3A_965 : vector<16xi32>
        %xor3A = arith.xori %bitcast_convert_type3A, %and3A_966 : vector<16xi32>
        %shift_right_arithmetic3A_967 = arith.constant 24 : i32
        %shift_right_arithmetic3A_968 = vector.broadcast %shift_right_arithmetic3A_967 : i32 to vector<16xi32>
        %shift_right_arithmetic3A_969 = arith.shrsi %xor3A, %shift_right_arithmetic3A_968 : vector<16xi32>
        %and3A_970 = arith.constant 255 : i32
        %and3A_971 = vector.broadcast %and3A_970 : i32 to vector<16xi32>
        %and3A_972 = arith.andi %shift_right_arithmetic3A_969, %and3A_971 : vector<16xi32>
        %xor3A_973 = arith.constant 128 : i32
        %xor3A_974 = vector.broadcast %xor3A_973 : i32 to vector<16xi32>
        %xor3A_975 = arith.xori %and3A_972, %xor3A_974 : vector<16xi32>
        %gt3A_976 = arith.cmpi sgt, %xor3A_975, %add3A_308 : vector<16xi32>
        %and3A_977 = arith.andi %lt3A_954, %gt3A_976 : vector<16xi1>
        %eq3A = arith.cmpi eq, %xor3A_975, %add3A_308 : vector<16xi32>
        %and3A_978 = arith.andi %lt3A_954, %eq3A : vector<16xi1>
        %shift_right_arithmetic3A_979 = arith.constant 16 : i32
        %shift_right_arithmetic3A_980 = vector.broadcast %shift_right_arithmetic3A_979 : i32 to vector<16xi32>
        %shift_right_arithmetic3A_981 = arith.shrsi %xor3A, %shift_right_arithmetic3A_980 : vector<16xi32>
        %and3A_982 = arith.constant 255 : i32
        %and3A_983 = vector.broadcast %and3A_982 : i32 to vector<16xi32>
        %and3A_984 = arith.andi %shift_right_arithmetic3A_981, %and3A_983 : vector<16xi32>
        tpu.vector_store_idx %arg9[%and3A_984], %broadcast_in_dim3A_1 masked %and3A_978 {add = true} : memref<256xi32, #tpu.memory_space<vmem>>[vector<16xi32>], vector<16xi32>, vector<16xi1>
        %shift_right_arithmetic3A_985 = arith.constant 4 : i32
        %shift_right_arithmetic3A_986 = vector.broadcast %shift_right_arithmetic3A_985 : i32 to vector<16xi32>
        %shift_right_arithmetic3A_987 = arith.shrsi %and3A_984, %shift_right_arithmetic3A_986 : vector<16xi32>
        tpu.vector_store_idx %arg10[%shift_right_arithmetic3A_987], %broadcast_in_dim3A_1 masked %and3A_978 {add = true} : memref<16xi32, #tpu.memory_space<vmem>>[vector<16xi32>], vector<16xi32>, vector<16xi1>
        %swap3A_988 = arith.index_cast %while3A_948 : i32 to index
        %swap3A_989 = tpu.vector_load %arg8[%swap3A_988] masked %and3A_977 {strides = array<i32>} : memref<96xi32, #tpu.memory_space<vmem>>, vector<16xi32>, vector<16xi1>
        tpu.vector_store %arg8[%swap3A_988], %get3A_960 masked %and3A_977 {strides = array<i32>} : memref<96xi32, #tpu.memory_space<vmem>>, vector<16xi32>, vector<16xi1>
        %swap3A_990 = arith.index_cast %while3A_949 : i32 to index
        %swap3A_991 = tpu.vector_load %arg7[%swap3A_990] masked %and3A_978 {strides = array<i32>} : memref<8224xi32, #tpu.memory_space<vmem>>, vector<16xi32>, vector<16xi1>
        tpu.vector_store %arg7[%swap3A_990], %get3A_960 masked %and3A_978 {strides = array<i32>} : memref<8224xi32, #tpu.memory_space<vmem>>, vector<16xi32>, vector<16xi1>
        %all_reduce_population_count3A_992 = tpu.all_reduce %and3A_977 {dim = 0 : i64, kind = #tpu.reduction_kind<sum>} : vector<16xi1> -> vector<16xi32>
        %slice3A_993 = vector.extract_strided_slice %all_reduce_population_count3A_992 {offsets = [0], sizes = [1], strides = [1]} : vector<16xi32> to vector<1xi32>
        %squeeze3A_994 = vector.extract %slice3A_993[0] : i32 from vector<1xi32>
        %add3A_995 = arith.addi %while3A_948, %squeeze3A_994 : i32
        %all_reduce_population_count3A_996 = tpu.all_reduce %and3A_978 {dim = 0 : i64, kind = #tpu.reduction_kind<sum>} : vector<16xi1> -> vector<16xi32>
        %slice3A_997 = vector.extract_strided_slice %all_reduce_population_count3A_996 {offsets = [0], sizes = [1], strides = [1]} : vector<16xi32> to vector<1xi32>
        %squeeze3A_998 = vector.extract %slice3A_997[0] : i32 from vector<1xi32>
        %add3A_999 = arith.addi %while3A_949, %squeeze3A_998 : i32
        scf.yield %add3A_995, %add3A_999 : i32, i32
      }
      %while3A_471 = arith.constant 1 : i32
      %while3A_472:2 = scf.for %while3A_947 = %while3A_468 to %while3A_464 step %while3A_471 iter_args(%while3A_948 = %while3A_470#0, %while3A_949 = %while3A_470#1) -> (i32, i32)  : i32 {
        %mul3A_950 = arith.constant 16 : i32
        %mul3A_951 = arith.muli %while3A_947, %mul3A_950 : i32
        %add3A_952 = vector.broadcast %mul3A_951 : i32 to vector<16xi32>
        %add3A_953 = arith.addi %add3A_952, %iota3A : vector<16xi32>
        %lt3A = vector.broadcast %sub3A_69 : i32 to vector<16xi32>
        %lt3A_954 = arith.cmpi slt, %add3A_953, %lt3A : vector<16xi32>
        %mul3A_955 = arith.constant 16 : i32
        %mul3A_956 = arith.muli %while3A_947, %mul3A_955 : i32
        %add3A_957 = arith.constant 4128 : i32
        %add3A_958 = arith.addi %add3A_957, %mul3A_956 : i32
        %get3A_959 = arith.index_cast %add3A_958 : i32 to index
        %get3A_960 = tpu.vector_load %arg6[%get3A_959] {strides = array<i32>} : memref<8256xi32, #tpu.memory_space<vmem>>, vector<16xi32>,
        %gather3A_961 = tpu.vector_load_idx %arg4[%get3A_960] masked %lt3A_954 : memref<8192xf32, #tpu.memory_space<vmem>>[vector<16xi32>], vector<16xf32>, vector<16xi1>
        %bitcast_convert_type3A = tpu.bitcast %gather3A_961 : vector<16xf32> -> vector<16xi32>
        %shift_right_arithmetic3A = arith.constant 31 : i32
        %shift_right_arithmetic3A_962 = vector.broadcast %shift_right_arithmetic3A : i32 to vector<16xi32>
        %shift_right_arithmetic3A_963 = arith.shrsi %bitcast_convert_type3A, %shift_right_arithmetic3A_962 : vector<16xi32>
        %and3A_964 = arith.constant 2147483647 : i32
        %and3A_965 = vector.broadcast %and3A_964 : i32 to vector<16xi32>
        %and3A_966 = arith.andi %shift_right_arithmetic3A_963, %and3A_965 : vector<16xi32>
        %xor3A = arith.xori %bitcast_convert_type3A, %and3A_966 : vector<16xi32>
        %shift_right_arithmetic3A_967 = arith.constant 24 : i32
        %shift_right_arithmetic3A_968 = vector.broadcast %shift_right_arithmetic3A_967 : i32 to vector<16xi32>
        %shift_right_arithmetic3A_969 = arith.shrsi %xor3A, %shift_right_arithmetic3A_968 : vector<16xi32>
        %and3A_970 = arith.constant 255 : i32
        %and3A_971 = vector.broadcast %and3A_970 : i32 to vector<16xi32>
        %and3A_972 = arith.andi %shift_right_arithmetic3A_969, %and3A_971 : vector<16xi32>
        %xor3A_973 = arith.constant 128 : i32
        %xor3A_974 = vector.broadcast %xor3A_973 : i32 to vector<16xi32>
        %xor3A_975 = arith.xori %and3A_972, %xor3A_974 : vector<16xi32>
        %gt3A_976 = arith.cmpi sgt, %xor3A_975, %add3A_308 : vector<16xi32>
        %and3A_977 = arith.andi %lt3A_954, %gt3A_976 : vector<16xi1>
        %eq3A = arith.cmpi eq, %xor3A_975, %add3A_308 : vector<16xi32>
        %and3A_978 = arith.andi %lt3A_954, %eq3A : vector<16xi1>
        %shift_right_arithmetic3A_979 = arith.constant 16 : i32
        %shift_right_arithmetic3A_980 = vector.broadcast %shift_right_arithmetic3A_979 : i32 to vector<16xi32>
        %shift_right_arithmetic3A_981 = arith.shrsi %xor3A, %shift_right_arithmetic3A_980 : vector<16xi32>
        %and3A_982 = arith.constant 255 : i32
        %and3A_983 = vector.broadcast %and3A_982 : i32 to vector<16xi32>
        %and3A_984 = arith.andi %shift_right_arithmetic3A_981, %and3A_983 : vector<16xi32>
        tpu.vector_store_idx %arg9[%and3A_984], %broadcast_in_dim3A_1 masked %and3A_978 {add = true} : memref<256xi32, #tpu.memory_space<vmem>>[vector<16xi32>], vector<16xi32>, vector<16xi1>
        %shift_right_arithmetic3A_985 = arith.constant 4 : i32
        %shift_right_arithmetic3A_986 = vector.broadcast %shift_right_arithmetic3A_985 : i32 to vector<16xi32>
        %shift_right_arithmetic3A_987 = arith.shrsi %and3A_984, %shift_right_arithmetic3A_986 : vector<16xi32>
        tpu.vector_store_idx %arg10[%shift_right_arithmetic3A_987], %broadcast_in_dim3A_1 masked %and3A_978 {add = true} : memref<16xi32, #tpu.memory_space<vmem>>[vector<16xi32>], vector<16xi32>, vector<16xi1>
        %swap3A_988 = arith.index_cast %while3A_948 : i32 to index
        %swap3A_989 = tpu.vector_load %arg8[%swap3A_988] masked %and3A_977 {strides = array<i32>} : memref<96xi32, #tpu.memory_space<vmem>>, vector<16xi32>, vector<16xi1>
        tpu.vector_store %arg8[%swap3A_988], %get3A_960 masked %and3A_977 {strides = array<i32>} : memref<96xi32, #tpu.memory_space<vmem>>, vector<16xi32>, vector<16xi1>
        %swap3A_990 = arith.index_cast %while3A_949 : i32 to index
        %swap3A_991 = tpu.vector_load %arg7[%swap3A_990] masked %and3A_978 {strides = array<i32>} : memref<8224xi32, #tpu.memory_space<vmem>>, vector<16xi32>, vector<16xi1>
        tpu.vector_store %arg7[%swap3A_990], %get3A_960 masked %and3A_978 {strides = array<i32>} : memref<8224xi32, #tpu.memory_space<vmem>>, vector<16xi32>, vector<16xi1>
        %all_reduce_population_count3A_992 = tpu.all_reduce %and3A_977 {dim = 0 : i64, kind = #tpu.reduction_kind<sum>} : vector<16xi1> -> vector<16xi32>
        %slice3A_993 = vector.extract_strided_slice %all_reduce_population_count3A_992 {offsets = [0], sizes = [1], strides = [1]} : vector<16xi32> to vector<1xi32>
        %squeeze3A_994 = vector.extract %slice3A_993[0] : i32 from vector<1xi32>
        %add3A_995 = arith.addi %while3A_948, %squeeze3A_994 : i32
        %all_reduce_population_count3A_996 = tpu.all_reduce %and3A_978 {dim = 0 : i64, kind = #tpu.reduction_kind<sum>} : vector<16xi1> -> vector<16xi32>
        %slice3A_997 = vector.extract_strided_slice %all_reduce_population_count3A_996 {offsets = [0], sizes = [1], strides = [1]} : vector<16xi32> to vector<1xi32>
        %squeeze3A_998 = vector.extract %slice3A_997[0] : i32 from vector<1xi32>
        %add3A_999 = arith.addi %while3A_949, %squeeze3A_998 : i32
        scf.yield %add3A_995, %add3A_999 : i32, i32
      }
      %add3A_473 = arith.constant 16 : i32
      %add3A_474 = arith.addi %sub3A_71, %add3A_473 : i32
      %sub3A_475 = arith.constant 1 : i32
      %sub3A_476 = arith.subi %add3A_474, %sub3A_475 : i32
      %jit3A_477 = arith.constant 16 : i32
      %div3A_478 = arith.divsi %sub3A_476, %jit3A_477 : i32
      %sign3A_479 = arith.constant 0 : i32
      %sign3A_480 = arith.cmpi sgt, %sub3A_476, %sign3A_479 : i32
      %sign3A_481 = arith.extui %sign3A_480 : i1 to i32
      %sign3A_482 = arith.constant 0 : i32
      %sign3A_483 = arith.cmpi slt, %sub3A_476, %sign3A_482 : i32
      %sign3A_484 = arith.extui %sign3A_483 : i1 to i32
      %sign3A_485 = arith.subi %sign3A_481, %sign3A_484 : i32
      %sign3A_486 = arith.constant 0 : i32
      %sign3A_487 = arith.cmpi sgt, %jit3A_477, %sign3A_486 : i32
      %sign3A_488 = arith.extui %sign3A_487 : i1 to i32
      %sign3A_489 = arith.constant 0 : i32
      %sign3A_490 = arith.cmpi slt, %jit3A_477, %sign3A_489 : i32
      %sign3A_491 = arith.extui %sign3A_490 : i1 to i32
      %sign3A_492 = arith.subi %sign3A_488, %sign3A_491 : i32
      %ne3A_493 = arith.cmpi ne, %sign3A_485, %sign3A_492 : i32
      %rem3A_494 = arith.remsi %sub3A_476, %jit3A_477 : i32
      %ne3A_495 = arith.constant 0 : i32
      %ne3A_496 = arith.cmpi ne, %rem3A_494, %ne3A_495 : i32
      %and3A_497 = arith.andi %ne3A_493, %ne3A_496 : i1
      %sub3A_498 = arith.constant 1 : i32
      %sub3A_499 = arith.subi %div3A_478, %sub3A_498 : i32
      %select_n3A_500 = arith.select %and3A_497, %sub3A_499, %div3A_478 : i32
      %while3A_501 = arith.constant 0 : i32
      %while3A_502 = arith.subi %select_n3A_500, %while3A_501 : i32
      %while3A_503 = arith.addi %while3A_501, %while3A_502 : i32
      %while3A_504 = arith.constant 1 : i32
      %while3A_505 = arith.divsi %while3A_502, %while3A_504 : i32
      %while3A_506 = arith.muli %while3A_505, %while3A_504 : i32
      %while3A_507 = arith.addi %while3A_501, %while3A_506 : i32
      %while3A_508 = arith.constant 1 : i32
      %while3A_509:2 = scf.for %while3A_947 = %while3A_501 to %while3A_507 step %while3A_508 iter_args(%while3A_948 = %while3A_472#0, %while3A_949 = %while3A_472#1) -> (i32, i32)  : i32 {
        %mul3A_950 = arith.constant 16 : i32
        %mul3A_951 = arith.muli %while3A_947, %mul3A_950 : i32
        %add3A_952 = vector.broadcast %mul3A_951 : i32 to vector<16xi32>
        %add3A_953 = arith.addi %add3A_952, %iota3A : vector<16xi32>
        %lt3A = vector.broadcast %sub3A_71 : i32 to vector<16xi32>
        %lt3A_954 = arith.cmpi slt, %add3A_953, %lt3A : vector<16xi32>
        %mul3A_955 = arith.constant 16 : i32
        %mul3A_956 = arith.muli %while3A_947, %mul3A_955 : i32
        %add3A_957 = arith.constant 6192 : i32
        %add3A_958 = arith.addi %add3A_957, %mul3A_956 : i32
        %get3A_959 = arith.index_cast %add3A_958 : i32 to index
        %get3A_960 = tpu.vector_load %arg6[%get3A_959] {strides = array<i32>} : memref<8256xi32, #tpu.memory_space<vmem>>, vector<16xi32>,
        %gather3A_961 = tpu.vector_load_idx %arg4[%get3A_960] masked %lt3A_954 : memref<8192xf32, #tpu.memory_space<vmem>>[vector<16xi32>], vector<16xf32>, vector<16xi1>
        %bitcast_convert_type3A = tpu.bitcast %gather3A_961 : vector<16xf32> -> vector<16xi32>
        %shift_right_arithmetic3A = arith.constant 31 : i32
        %shift_right_arithmetic3A_962 = vector.broadcast %shift_right_arithmetic3A : i32 to vector<16xi32>
        %shift_right_arithmetic3A_963 = arith.shrsi %bitcast_convert_type3A, %shift_right_arithmetic3A_962 : vector<16xi32>
        %and3A_964 = arith.constant 2147483647 : i32
        %and3A_965 = vector.broadcast %and3A_964 : i32 to vector<16xi32>
        %and3A_966 = arith.andi %shift_right_arithmetic3A_963, %and3A_965 : vector<16xi32>
        %xor3A = arith.xori %bitcast_convert_type3A, %and3A_966 : vector<16xi32>
        %shift_right_arithmetic3A_967 = arith.constant 24 : i32
        %shift_right_arithmetic3A_968 = vector.broadcast %shift_right_arithmetic3A_967 : i32 to vector<16xi32>
        %shift_right_arithmetic3A_969 = arith.shrsi %xor3A, %shift_right_arithmetic3A_968 : vector<16xi32>
        %and3A_970 = arith.constant 255 : i32
        %and3A_971 = vector.broadcast %and3A_970 : i32 to vector<16xi32>
        %and3A_972 = arith.andi %shift_right_arithmetic3A_969, %and3A_971 : vector<16xi32>
        %xor3A_973 = arith.constant 128 : i32
        %xor3A_974 = vector.broadcast %xor3A_973 : i32 to vector<16xi32>
        %xor3A_975 = arith.xori %and3A_972, %xor3A_974 : vector<16xi32>
        %gt3A_976 = arith.cmpi sgt, %xor3A_975, %add3A_308 : vector<16xi32>
        %and3A_977 = arith.andi %lt3A_954, %gt3A_976 : vector<16xi1>
        %eq3A = arith.cmpi eq, %xor3A_975, %add3A_308 : vector<16xi32>
        %and3A_978 = arith.andi %lt3A_954, %eq3A : vector<16xi1>
        %shift_right_arithmetic3A_979 = arith.constant 16 : i32
        %shift_right_arithmetic3A_980 = vector.broadcast %shift_right_arithmetic3A_979 : i32 to vector<16xi32>
        %shift_right_arithmetic3A_981 = arith.shrsi %xor3A, %shift_right_arithmetic3A_980 : vector<16xi32>
        %and3A_982 = arith.constant 255 : i32
        %and3A_983 = vector.broadcast %and3A_982 : i32 to vector<16xi32>
        %and3A_984 = arith.andi %shift_right_arithmetic3A_981, %and3A_983 : vector<16xi32>
        tpu.vector_store_idx %arg9[%and3A_984], %broadcast_in_dim3A_1 masked %and3A_978 {add = true} : memref<256xi32, #tpu.memory_space<vmem>>[vector<16xi32>], vector<16xi32>, vector<16xi1>
        %shift_right_arithmetic3A_985 = arith.constant 4 : i32
        %shift_right_arithmetic3A_986 = vector.broadcast %shift_right_arithmetic3A_985 : i32 to vector<16xi32>
        %shift_right_arithmetic3A_987 = arith.shrsi %and3A_984, %shift_right_arithmetic3A_986 : vector<16xi32>
        tpu.vector_store_idx %arg10[%shift_right_arithmetic3A_987], %broadcast_in_dim3A_1 masked %and3A_978 {add = true} : memref<16xi32, #tpu.memory_space<vmem>>[vector<16xi32>], vector<16xi32>, vector<16xi1>
        %swap3A_988 = arith.index_cast %while3A_948 : i32 to index
        %swap3A_989 = tpu.vector_load %arg8[%swap3A_988] masked %and3A_977 {strides = array<i32>} : memref<96xi32, #tpu.memory_space<vmem>>, vector<16xi32>, vector<16xi1>
        tpu.vector_store %arg8[%swap3A_988], %get3A_960 masked %and3A_977 {strides = array<i32>} : memref<96xi32, #tpu.memory_space<vmem>>, vector<16xi32>, vector<16xi1>
        %swap3A_990 = arith.index_cast %while3A_949 : i32 to index
        %swap3A_991 = tpu.vector_load %arg7[%swap3A_990] masked %and3A_978 {strides = array<i32>} : memref<8224xi32, #tpu.memory_space<vmem>>, vector<16xi32>, vector<16xi1>
        tpu.vector_store %arg7[%swap3A_990], %get3A_960 masked %and3A_978 {strides = array<i32>} : memref<8224xi32, #tpu.memory_space<vmem>>, vector<16xi32>, vector<16xi1>
        %all_reduce_population_count3A_992 = tpu.all_reduce %and3A_977 {dim = 0 : i64, kind = #tpu.reduction_kind<sum>} : vector<16xi1> -> vector<16xi32>
        %slice3A_993 = vector.extract_strided_slice %all_reduce_population_count3A_992 {offsets = [0], sizes = [1], strides = [1]} : vector<16xi32> to vector<1xi32>
        %squeeze3A_994 = vector.extract %slice3A_993[0] : i32 from vector<1xi32>
        %add3A_995 = arith.addi %while3A_948, %squeeze3A_994 : i32
        %all_reduce_population_count3A_996 = tpu.all_reduce %and3A_978 {dim = 0 : i64, kind = #tpu.reduction_kind<sum>} : vector<16xi1> -> vector<16xi32>
        %slice3A_997 = vector.extract_strided_slice %all_reduce_population_count3A_996 {offsets = [0], sizes = [1], strides = [1]} : vector<16xi32> to vector<1xi32>
        %squeeze3A_998 = vector.extract %slice3A_997[0] : i32 from vector<1xi32>
        %add3A_999 = arith.addi %while3A_949, %squeeze3A_998 : i32
        scf.yield %add3A_995, %add3A_999 : i32, i32
      }
      %while3A_510 = arith.constant 1 : i32
      %while3A_511:2 = scf.for %while3A_947 = %while3A_507 to %while3A_503 step %while3A_510 iter_args(%while3A_948 = %while3A_509#0, %while3A_949 = %while3A_509#1) -> (i32, i32)  : i32 {
        %mul3A_950 = arith.constant 16 : i32
        %mul3A_951 = arith.muli %while3A_947, %mul3A_950 : i32
        %add3A_952 = vector.broadcast %mul3A_951 : i32 to vector<16xi32>
        %add3A_953 = arith.addi %add3A_952, %iota3A : vector<16xi32>
        %lt3A = vector.broadcast %sub3A_71 : i32 to vector<16xi32>
        %lt3A_954 = arith.cmpi slt, %add3A_953, %lt3A : vector<16xi32>
        %mul3A_955 = arith.constant 16 : i32
        %mul3A_956 = arith.muli %while3A_947, %mul3A_955 : i32
        %add3A_957 = arith.constant 6192 : i32
        %add3A_958 = arith.addi %add3A_957, %mul3A_956 : i32
        %get3A_959 = arith.index_cast %add3A_958 : i32 to index
        %get3A_960 = tpu.vector_load %arg6[%get3A_959] {strides = array<i32>} : memref<8256xi32, #tpu.memory_space<vmem>>, vector<16xi32>,
        %gather3A_961 = tpu.vector_load_idx %arg4[%get3A_960] masked %lt3A_954 : memref<8192xf32, #tpu.memory_space<vmem>>[vector<16xi32>], vector<16xf32>, vector<16xi1>
        %bitcast_convert_type3A = tpu.bitcast %gather3A_961 : vector<16xf32> -> vector<16xi32>
        %shift_right_arithmetic3A = arith.constant 31 : i32
        %shift_right_arithmetic3A_962 = vector.broadcast %shift_right_arithmetic3A : i32 to vector<16xi32>
        %shift_right_arithmetic3A_963 = arith.shrsi %bitcast_convert_type3A, %shift_right_arithmetic3A_962 : vector<16xi32>
        %and3A_964 = arith.constant 2147483647 : i32
        %and3A_965 = vector.broadcast %and3A_964 : i32 to vector<16xi32>
        %and3A_966 = arith.andi %shift_right_arithmetic3A_963, %and3A_965 : vector<16xi32>
        %xor3A = arith.xori %bitcast_convert_type3A, %and3A_966 : vector<16xi32>
        %shift_right_arithmetic3A_967 = arith.constant 24 : i32
        %shift_right_arithmetic3A_968 = vector.broadcast %shift_right_arithmetic3A_967 : i32 to vector<16xi32>
        %shift_right_arithmetic3A_969 = arith.shrsi %xor3A, %shift_right_arithmetic3A_968 : vector<16xi32>
        %and3A_970 = arith.constant 255 : i32
        %and3A_971 = vector.broadcast %and3A_970 : i32 to vector<16xi32>
        %and3A_972 = arith.andi %shift_right_arithmetic3A_969, %and3A_971 : vector<16xi32>
        %xor3A_973 = arith.constant 128 : i32
        %xor3A_974 = vector.broadcast %xor3A_973 : i32 to vector<16xi32>
        %xor3A_975 = arith.xori %and3A_972, %xor3A_974 : vector<16xi32>
        %gt3A_976 = arith.cmpi sgt, %xor3A_975, %add3A_308 : vector<16xi32>
        %and3A_977 = arith.andi %lt3A_954, %gt3A_976 : vector<16xi1>
        %eq3A = arith.cmpi eq, %xor3A_975, %add3A_308 : vector<16xi32>
        %and3A_978 = arith.andi %lt3A_954, %eq3A : vector<16xi1>
        %shift_right_arithmetic3A_979 = arith.constant 16 : i32
        %shift_right_arithmetic3A_980 = vector.broadcast %shift_right_arithmetic3A_979 : i32 to vector<16xi32>
        %shift_right_arithmetic3A_981 = arith.shrsi %xor3A, %shift_right_arithmetic3A_980 : vector<16xi32>
        %and3A_982 = arith.constant 255 : i32
        %and3A_983 = vector.broadcast %and3A_982 : i32 to vector<16xi32>
        %and3A_984 = arith.andi %shift_right_arithmetic3A_981, %and3A_983 : vector<16xi32>
        tpu.vector_store_idx %arg9[%and3A_984], %broadcast_in_dim3A_1 masked %and3A_978 {add = true} : memref<256xi32, #tpu.memory_space<vmem>>[vector<16xi32>], vector<16xi32>, vector<16xi1>
        %shift_right_arithmetic3A_985 = arith.constant 4 : i32
        %shift_right_arithmetic3A_986 = vector.broadcast %shift_right_arithmetic3A_985 : i32 to vector<16xi32>
        %shift_right_arithmetic3A_987 = arith.shrsi %and3A_984, %shift_right_arithmetic3A_986 : vector<16xi32>
        tpu.vector_store_idx %arg10[%shift_right_arithmetic3A_987], %broadcast_in_dim3A_1 masked %and3A_978 {add = true} : memref<16xi32, #tpu.memory_space<vmem>>[vector<16xi32>], vector<16xi32>, vector<16xi1>
        %swap3A_988 = arith.index_cast %while3A_948 : i32 to index
        %swap3A_989 = tpu.vector_load %arg8[%swap3A_988] masked %and3A_977 {strides = array<i32>} : memref<96xi32, #tpu.memory_space<vmem>>, vector<16xi32>, vector<16xi1>
        tpu.vector_store %arg8[%swap3A_988], %get3A_960 masked %and3A_977 {strides = array<i32>} : memref<96xi32, #tpu.memory_space<vmem>>, vector<16xi32>, vector<16xi1>
        %swap3A_990 = arith.index_cast %while3A_949 : i32 to index
        %swap3A_991 = tpu.vector_load %arg7[%swap3A_990] masked %and3A_978 {strides = array<i32>} : memref<8224xi32, #tpu.memory_space<vmem>>, vector<16xi32>, vector<16xi1>
        tpu.vector_store %arg7[%swap3A_990], %get3A_960 masked %and3A_978 {strides = array<i32>} : memref<8224xi32, #tpu.memory_space<vmem>>, vector<16xi32>, vector<16xi1>
        %all_reduce_population_count3A_992 = tpu.all_reduce %and3A_977 {dim = 0 : i64, kind = #tpu.reduction_kind<sum>} : vector<16xi1> -> vector<16xi32>
        %slice3A_993 = vector.extract_strided_slice %all_reduce_population_count3A_992 {offsets = [0], sizes = [1], strides = [1]} : vector<16xi32> to vector<1xi32>
        %squeeze3A_994 = vector.extract %slice3A_993[0] : i32 from vector<1xi32>
        %add3A_995 = arith.addi %while3A_948, %squeeze3A_994 : i32
        %all_reduce_population_count3A_996 = tpu.all_reduce %and3A_978 {dim = 0 : i64, kind = #tpu.reduction_kind<sum>} : vector<16xi1> -> vector<16xi32>
        %slice3A_997 = vector.extract_strided_slice %all_reduce_population_count3A_996 {offsets = [0], sizes = [1], strides = [1]} : vector<16xi32> to vector<1xi32>
        %squeeze3A_998 = vector.extract %slice3A_997[0] : i32 from vector<1xi32>
        %add3A_999 = arith.addi %while3A_949, %squeeze3A_998 : i32
        scf.yield %add3A_995, %add3A_999 : i32, i32
      }
      %get3A_512 = arith.constant 0 : index
      %get3A_513 = tpu.vector_load %arg10[%get3A_512] {strides = array<i32>} : memref<16xi32, #tpu.memory_space<vmem>>, vector<16xi32>,
      %iota3A_514 = tpu.iota {dimensions = array<i32: 0>} : vector<16xi32>
      %rev3A_515 = arith.constant 15 : i32
      %rev3A_516 = vector.broadcast %rev3A_515 : i32 to vector<16xi32>
      %rev3A_517 = tpu.iota {dimensions = array<i32: 0>} : vector<16xi32>
      %rev3A_518 = arith.subi %rev3A_516, %rev3A_517 : vector<16xi32>
      %rev3A_519 = tpu.dynamic_gather %get3A_513[%rev3A_518] in [0] : vector<16xi32>, vector<16xi32> -> vector<16xi32>
      %broadcast_in_dim3A_520 = arith.constant true
      %broadcast_in_dim3A_521 = vector.broadcast %broadcast_in_dim3A_520 : i1 to vector<16xi1>
      %masked_cumsum3A_522 = tpu.scan <sum>, %rev3A_519 masked %broadcast_in_dim3A_521 : vector<16xi32>, vector<16xi1> -> vector<16xi32>
      %rev3A_523 = arith.constant 15 : i32
      %rev3A_524 = vector.broadcast %rev3A_523 : i32 to vector<16xi32>
      %rev3A_525 = tpu.iota {dimensions = array<i32: 0>} : vector<16xi32>
      %rev3A_526 = arith.subi %rev3A_524, %rev3A_525 : vector<16xi32>
      %rev3A_527 = tpu.dynamic_gather %masked_cumsum3A_522[%rev3A_526] in [0] : vector<16xi32>, vector<16xi32> -> vector<16xi32>
      %ge3A_528 = arith.cmpi sge, %rev3A_527, %sub3A_319 : vector<16xi32>
      %all_reduce_population_count3A_529 = tpu.all_reduce %ge3A_528 {dim = 0 : i64, kind = #tpu.reduction_kind<sum>} : vector<16xi1> -> vector<16xi32>
      %sub3A_530 = arith.constant 1 : i32
      %sub3A_531 = vector.broadcast %sub3A_530 : i32 to vector<16xi32>
      %sub3A_532 = arith.subi %all_reduce_population_count3A_529, %sub3A_531 : vector<16xi32>
      %gt3A_533 = arith.cmpi sgt, %iota3A_514, %sub3A_532 : vector<16xi32>
      %jit3A_534 = arith.constant 0 : i32
      %broadcast_in_dim3A_535 = vector.broadcast %jit3A_534 : i32 to vector<16xi32>
      %select_n3A_536 = arith.select %gt3A_533, %get3A_513, %broadcast_in_dim3A_535 : vector<16xi1>, vector<16xi32>
      %reduce_sum3A_537 = arith.constant true
      %reduce_sum3A_538 = vector.broadcast %reduce_sum3A_537 : i1 to vector<16xi1>
      %reduce_sum3A_539 = tpu.scan <sum>, %select_n3A_536 masked %reduce_sum3A_538 : vector<16xi32>, vector<16xi1> -> vector<16xi32>
      %reduce_sum3A_540 = vector.extract %reduce_sum3A_539[15] : i32 from vector<16xi32>
      %slice3A_541 = vector.extract_strided_slice %sub3A_532 {offsets = [0], sizes = [1], strides = [1]} : vector<16xi32> to vector<1xi32>
      %squeeze3A_542 = vector.extract %slice3A_541[0] : i32 from vector<1xi32>
      %mul3A_543 = arith.constant 16 : i32
      %mul3A_544 = arith.muli %squeeze3A_542, %mul3A_543 : i32
      %get3A_545 = arith.index_cast %mul3A_544 : i32 to index
      %get3A_546 = tpu.vector_load %arg9[%get3A_545] {strides = array<i32>} : memref<256xi32, #tpu.memory_space<vmem>>, vector<16xi32>,
      %rev3A_547 = arith.constant 15 : i32
      %rev3A_548 = vector.broadcast %rev3A_547 : i32 to vector<16xi32>
      %rev3A_549 = tpu.iota {dimensions = array<i32: 0>} : vector<16xi32>
      %rev3A_550 = arith.subi %rev3A_548, %rev3A_549 : vector<16xi32>
      %rev3A_551 = tpu.dynamic_gather %get3A_546[%rev3A_550] in [0] : vector<16xi32>, vector<16xi32> -> vector<16xi32>
      %broadcast_in_dim3A_552 = arith.constant true
      %broadcast_in_dim3A_553 = vector.broadcast %broadcast_in_dim3A_552 : i1 to vector<16xi1>
      %masked_cumsum3A_554 = tpu.scan <sum>, %rev3A_551 masked %broadcast_in_dim3A_553 : vector<16xi32>, vector<16xi1> -> vector<16xi32>
      %rev3A_555 = arith.constant 15 : i32
      %rev3A_556 = vector.broadcast %rev3A_555 : i32 to vector<16xi32>
      %rev3A_557 = tpu.iota {dimensions = array<i32: 0>} : vector<16xi32>
      %rev3A_558 = arith.subi %rev3A_556, %rev3A_557 : vector<16xi32>
      %rev3A_559 = tpu.dynamic_gather %masked_cumsum3A_554[%rev3A_558] in [0] : vector<16xi32>, vector<16xi32> -> vector<16xi32>
      %add3A_560 = vector.broadcast %reduce_sum3A_540 : i32 to vector<16xi32>
      %add3A_561 = arith.addi %rev3A_559, %add3A_560 : vector<16xi32>
      %ge3A_562 = arith.cmpi sge, %add3A_561, %sub3A_319 : vector<16xi32>
      %all_reduce_population_count3A_563 = tpu.all_reduce %ge3A_562 {dim = 0 : i64, kind = #tpu.reduction_kind<sum>} : vector<16xi1> -> vector<16xi32>
      %sub3A_564 = arith.constant 1 : i32
      %sub3A_565 = vector.broadcast %sub3A_564 : i32 to vector<16xi32>
      %sub3A_566 = arith.subi %all_reduce_population_count3A_563, %sub3A_565 : vector<16xi32>
      %mul3A_567 = arith.constant 16 : i32
      %mul3A_568 = vector.broadcast %mul3A_567 : i32 to vector<16xi32>
      %mul3A_569 = arith.muli %sub3A_532, %mul3A_568 : vector<16xi32>
      %add3A_570 = arith.addi %mul3A_569, %sub3A_566 : vector<16xi32>
      %gt3A_571 = arith.cmpi sgt, %iota3A_514, %sub3A_566 : vector<16xi32>
      %jit3A_572 = arith.constant 0 : i32
      %broadcast_in_dim3A_573 = vector.broadcast %jit3A_572 : i32 to vector<16xi32>
      %select_n3A_574 = arith.select %gt3A_571, %get3A_546, %broadcast_in_dim3A_573 : vector<16xi1>, vector<16xi32>
      %reduce_sum3A_575 = arith.constant true
      %reduce_sum3A_576 = vector.broadcast %reduce_sum3A_575 : i1 to vector<16xi1>
      %reduce_sum3A_577 = tpu.scan <sum>, %select_n3A_574 masked %reduce_sum3A_576 : vector<16xi32>, vector<16xi1> -> vector<16xi32>
      %reduce_sum3A_578 = vector.extract %reduce_sum3A_577[15] : i32 from vector<16xi32>
      %add3A_579 = arith.addi %reduce_sum3A_578, %reduce_sum3A_540 : i32
      %sub3A_580 = vector.broadcast %add3A_579 : i32 to vector<16xi32>
      %sub3A_581 = arith.subi %sub3A_319, %sub3A_580 : vector<16xi32>
      %swap3A_582 = arith.constant 0 : index
      %swap3A_583 = tpu.vector_load %arg9[%swap3A_582] {strides = array<i32>} : memref<256xi32, #tpu.memory_space<vmem>>, vector<16xi32>,
      tpu.vector_store %arg9[%swap3A_582], %broadcast_in_dim3A_3 {strides = array<i32>} : memref<256xi32, #tpu.memory_space<vmem>>, vector<16xi32>,
      %swap3A_584 = arith.constant 16 : index
      %swap3A_585 = tpu.vector_load %arg9[%swap3A_584] {strides = array<i32>} : memref<256xi32, #tpu.memory_space<vmem>>, vector<16xi32>,
      tpu.vector_store %arg9[%swap3A_584], %broadcast_in_dim3A_3 {strides = array<i32>} : memref<256xi32, #tpu.memory_space<vmem>>, vector<16xi32>,
      %swap3A_586 = arith.constant 32 : index
      %swap3A_587 = tpu.vector_load %arg9[%swap3A_586] {strides = array<i32>} : memref<256xi32, #tpu.memory_space<vmem>>, vector<16xi32>,
      tpu.vector_store %arg9[%swap3A_586], %broadcast_in_dim3A_3 {strides = array<i32>} : memref<256xi32, #tpu.memory_space<vmem>>, vector<16xi32>,
      %swap3A_588 = arith.constant 48 : index
      %swap3A_589 = tpu.vector_load %arg9[%swap3A_588] {strides = array<i32>} : memref<256xi32, #tpu.memory_space<vmem>>, vector<16xi32>,
      tpu.vector_store %arg9[%swap3A_588], %broadcast_in_dim3A_3 {strides = array<i32>} : memref<256xi32, #tpu.memory_space<vmem>>, vector<16xi32>,
      %swap3A_590 = arith.constant 64 : index
      %swap3A_591 = tpu.vector_load %arg9[%swap3A_590] {strides = array<i32>} : memref<256xi32, #tpu.memory_space<vmem>>, vector<16xi32>,
      tpu.vector_store %arg9[%swap3A_590], %broadcast_in_dim3A_3 {strides = array<i32>} : memref<256xi32, #tpu.memory_space<vmem>>, vector<16xi32>,
      %swap3A_592 = arith.constant 80 : index
      %swap3A_593 = tpu.vector_load %arg9[%swap3A_592] {strides = array<i32>} : memref<256xi32, #tpu.memory_space<vmem>>, vector<16xi32>,
      tpu.vector_store %arg9[%swap3A_592], %broadcast_in_dim3A_3 {strides = array<i32>} : memref<256xi32, #tpu.memory_space<vmem>>, vector<16xi32>,
      %swap3A_594 = arith.constant 96 : index
      %swap3A_595 = tpu.vector_load %arg9[%swap3A_594] {strides = array<i32>} : memref<256xi32, #tpu.memory_space<vmem>>, vector<16xi32>,
      tpu.vector_store %arg9[%swap3A_594], %broadcast_in_dim3A_3 {strides = array<i32>} : memref<256xi32, #tpu.memory_space<vmem>>, vector<16xi32>,
      %swap3A_596 = arith.constant 112 : index
      %swap3A_597 = tpu.vector_load %arg9[%swap3A_596] {strides = array<i32>} : memref<256xi32, #tpu.memory_space<vmem>>, vector<16xi32>,
      tpu.vector_store %arg9[%swap3A_596], %broadcast_in_dim3A_3 {strides = array<i32>} : memref<256xi32, #tpu.memory_space<vmem>>, vector<16xi32>,
      %swap3A_598 = arith.constant 128 : index
      %swap3A_599 = tpu.vector_load %arg9[%swap3A_598] {strides = array<i32>} : memref<256xi32, #tpu.memory_space<vmem>>, vector<16xi32>,
      tpu.vector_store %arg9[%swap3A_598], %broadcast_in_dim3A_3 {strides = array<i32>} : memref<256xi32, #tpu.memory_space<vmem>>, vector<16xi32>,
      %swap3A_600 = arith.constant 144 : index
      %swap3A_601 = tpu.vector_load %arg9[%swap3A_600] {strides = array<i32>} : memref<256xi32, #tpu.memory_space<vmem>>, vector<16xi32>,
      tpu.vector_store %arg9[%swap3A_600], %broadcast_in_dim3A_3 {strides = array<i32>} : memref<256xi32, #tpu.memory_space<vmem>>, vector<16xi32>,
      %swap3A_602 = arith.constant 160 : index
      %swap3A_603 = tpu.vector_load %arg9[%swap3A_602] {strides = array<i32>} : memref<256xi32, #tpu.memory_space<vmem>>, vector<16xi32>,
      tpu.vector_store %arg9[%swap3A_602], %broadcast_in_dim3A_3 {strides = array<i32>} : memref<256xi32, #tpu.memory_space<vmem>>, vector<16xi32>,
      %swap3A_604 = arith.constant 176 : index
      %swap3A_605 = tpu.vector_load %arg9[%swap3A_604] {strides = array<i32>} : memref<256xi32, #tpu.memory_space<vmem>>, vector<16xi32>,
      tpu.vector_store %arg9[%swap3A_604], %broadcast_in_dim3A_3 {strides = array<i32>} : memref<256xi32, #tpu.memory_space<vmem>>, vector<16xi32>,
      %swap3A_606 = arith.constant 192 : index
      %swap3A_607 = tpu.vector_load %arg9[%swap3A_606] {strides = array<i32>} : memref<256xi32, #tpu.memory_space<vmem>>, vector<16xi32>,
      tpu.vector_store %arg9[%swap3A_606], %broadcast_in_dim3A_3 {strides = array<i32>} : memref<256xi32, #tpu.memory_space<vmem>>, vector<16xi32>,
      %swap3A_608 = arith.constant 208 : index
      %swap3A_609 = tpu.vector_load %arg9[%swap3A_608] {strides = array<i32>} : memref<256xi32, #tpu.memory_space<vmem>>, vector<16xi32>,
      tpu.vector_store %arg9[%swap3A_608], %broadcast_in_dim3A_3 {strides = array<i32>} : memref<256xi32, #tpu.memory_space<vmem>>, vector<16xi32>,
      %swap3A_610 = arith.constant 224 : index
      %swap3A_611 = tpu.vector_load %arg9[%swap3A_610] {strides = array<i32>} : memref<256xi32, #tpu.memory_space<vmem>>, vector<16xi32>,
      tpu.vector_store %arg9[%swap3A_610], %broadcast_in_dim3A_3 {strides = array<i32>} : memref<256xi32, #tpu.memory_space<vmem>>, vector<16xi32>,
      %swap3A_612 = arith.constant 240 : index
      %swap3A_613 = tpu.vector_load %arg9[%swap3A_612] {strides = array<i32>} : memref<256xi32, #tpu.memory_space<vmem>>, vector<16xi32>,
      tpu.vector_store %arg9[%swap3A_612], %broadcast_in_dim3A_3 {strides = array<i32>} : memref<256xi32, #tpu.memory_space<vmem>>, vector<16xi32>,
      %swap3A_614 = arith.constant 0 : index
      %swap3A_615 = tpu.vector_load %arg10[%swap3A_614] {strides = array<i32>} : memref<16xi32, #tpu.memory_space<vmem>>, vector<16xi32>,
      tpu.vector_store %arg10[%swap3A_614], %broadcast_in_dim3A_3 {strides = array<i32>} : memref<16xi32, #tpu.memory_space<vmem>>, vector<16xi32>,
      %add3A_616 = arith.constant 16 : i32
      %add3A_617 = arith.addi %while3A_511#1, %add3A_616 : i32
      %sub3A_618 = arith.constant 1 : i32
      %sub3A_619 = arith.subi %add3A_617, %sub3A_618 : i32
      %jit3A_620 = arith.constant 16 : i32
      %div3A_621 = arith.divsi %sub3A_619, %jit3A_620 : i32
      %sign3A_622 = arith.constant 0 : i32
      %sign3A_623 = arith.cmpi sgt, %sub3A_619, %sign3A_622 : i32
      %sign3A_624 = arith.extui %sign3A_623 : i1 to i32
      %sign3A_625 = arith.constant 0 : i32
      %sign3A_626 = arith.cmpi slt, %sub3A_619, %sign3A_625 : i32
      %sign3A_627 = arith.extui %sign3A_626 : i1 to i32
      %sign3A_628 = arith.subi %sign3A_624, %sign3A_627 : i32
      %sign3A_629 = arith.constant 0 : i32
      %sign3A_630 = arith.cmpi sgt, %jit3A_620, %sign3A_629 : i32
      %sign3A_631 = arith.extui %sign3A_630 : i1 to i32
      %sign3A_632 = arith.constant 0 : i32
      %sign3A_633 = arith.cmpi slt, %jit3A_620, %sign3A_632 : i32
      %sign3A_634 = arith.extui %sign3A_633 : i1 to i32
      %sign3A_635 = arith.subi %sign3A_631, %sign3A_634 : i32
      %ne3A_636 = arith.cmpi ne, %sign3A_628, %sign3A_635 : i32
      %rem3A_637 = arith.remsi %sub3A_619, %jit3A_620 : i32
      %ne3A_638 = arith.constant 0 : i32
      %ne3A_639 = arith.cmpi ne, %rem3A_637, %ne3A_638 : i32
      %and3A_640 = arith.andi %ne3A_636, %ne3A_639 : i1
      %sub3A_641 = arith.constant 1 : i32
      %sub3A_642 = arith.subi %div3A_621, %sub3A_641 : i32
      %select_n3A_643 = arith.select %and3A_640, %sub3A_642, %div3A_621 : i32
      %while3A_644 = arith.constant 0 : i32
      %while3A_645 = arith.constant 0 : i32
      %while3A_646 = arith.subi %select_n3A_643, %while3A_644 : i32
      %while3A_647 = arith.addi %while3A_644, %while3A_646 : i32
      %while3A_648 = arith.constant 1 : i32
      %while3A_649 = arith.divsi %while3A_646, %while3A_648 : i32
      %while3A_650 = arith.muli %while3A_649, %while3A_648 : i32
      %while3A_651 = arith.addi %while3A_644, %while3A_650 : i32
      %while3A_652 = arith.constant 1 : i32
      %while3A_653:2 = scf.for %while3A_947 = %while3A_644 to %while3A_651 step %while3A_652 iter_args(%while3A_948 = %while3A_511#0, %while3A_949 = %while3A_645) -> (i32, i32)  : i32 {
        %mul3A_950 = arith.constant 16 : i32
        %mul3A_951 = arith.muli %while3A_947, %mul3A_950 : i32
        %add3A_952 = vector.broadcast %mul3A_951 : i32 to vector<16xi32>
        %add3A_953 = arith.addi %add3A_952, %iota3A : vector<16xi32>
        %lt3A = vector.broadcast %while3A_511#1 : i32 to vector<16xi32>
        %lt3A_954 = arith.cmpi slt, %add3A_953, %lt3A : vector<16xi32>
        %mul3A_955 = arith.constant 16 : i32
        %mul3A_956 = arith.muli %while3A_947, %mul3A_955 : i32
        %get3A_957 = arith.index_cast %mul3A_956 : i32 to index
        %get3A_958 = tpu.vector_load %arg7[%get3A_957] {strides = array<i32>} : memref<8224xi32, #tpu.memory_space<vmem>>, vector<16xi32>,
        %gather3A_959 = tpu.vector_load_idx %arg4[%get3A_958] masked %lt3A_954 : memref<8192xf32, #tpu.memory_space<vmem>>[vector<16xi32>], vector<16xf32>, vector<16xi1>
        %bitcast_convert_type3A = tpu.bitcast %gather3A_959 : vector<16xf32> -> vector<16xi32>
        %shift_right_arithmetic3A = arith.constant 31 : i32
        %shift_right_arithmetic3A_960 = vector.broadcast %shift_right_arithmetic3A : i32 to vector<16xi32>
        %shift_right_arithmetic3A_961 = arith.shrsi %bitcast_convert_type3A, %shift_right_arithmetic3A_960 : vector<16xi32>
        %and3A_962 = arith.constant 2147483647 : i32
        %and3A_963 = vector.broadcast %and3A_962 : i32 to vector<16xi32>
        %and3A_964 = arith.andi %shift_right_arithmetic3A_961, %and3A_963 : vector<16xi32>
        %xor3A = arith.xori %bitcast_convert_type3A, %and3A_964 : vector<16xi32>
        %shift_right_arithmetic3A_965 = arith.constant 16 : i32
        %shift_right_arithmetic3A_966 = vector.broadcast %shift_right_arithmetic3A_965 : i32 to vector<16xi32>
        %shift_right_arithmetic3A_967 = arith.shrsi %xor3A, %shift_right_arithmetic3A_966 : vector<16xi32>
        %and3A_968 = arith.constant 255 : i32
        %and3A_969 = vector.broadcast %and3A_968 : i32 to vector<16xi32>
        %and3A_970 = arith.andi %shift_right_arithmetic3A_967, %and3A_969 : vector<16xi32>
        %gt3A_971 = arith.cmpi sgt, %and3A_970, %add3A_570 : vector<16xi32>
        %and3A_972 = arith.andi %lt3A_954, %gt3A_971 : vector<16xi1>
        %eq3A = arith.cmpi eq, %and3A_970, %add3A_570 : vector<16xi32>
        %and3A_973 = arith.andi %lt3A_954, %eq3A : vector<16xi1>
        %shift_right_arithmetic3A_974 = arith.constant 8 : i32
        %shift_right_arithmetic3A_975 = vector.broadcast %shift_right_arithmetic3A_974 : i32 to vector<16xi32>
        %shift_right_arithmetic3A_976 = arith.shrsi %xor3A, %shift_right_arithmetic3A_975 : vector<16xi32>
        %and3A_977 = arith.constant 255 : i32
        %and3A_978 = vector.broadcast %and3A_977 : i32 to vector<16xi32>
        %and3A_979 = arith.andi %shift_right_arithmetic3A_976, %and3A_978 : vector<16xi32>
        tpu.vector_store_idx %arg9[%and3A_979], %broadcast_in_dim3A_1 masked %and3A_973 {add = true} : memref<256xi32, #tpu.memory_space<vmem>>[vector<16xi32>], vector<16xi32>, vector<16xi1>
        %shift_right_arithmetic3A_980 = arith.constant 4 : i32
        %shift_right_arithmetic3A_981 = vector.broadcast %shift_right_arithmetic3A_980 : i32 to vector<16xi32>
        %shift_right_arithmetic3A_982 = arith.shrsi %and3A_979, %shift_right_arithmetic3A_981 : vector<16xi32>
        tpu.vector_store_idx %arg10[%shift_right_arithmetic3A_982], %broadcast_in_dim3A_1 masked %and3A_973 {add = true} : memref<16xi32, #tpu.memory_space<vmem>>[vector<16xi32>], vector<16xi32>, vector<16xi1>
        %swap3A_983 = arith.index_cast %while3A_948 : i32 to index
        %swap3A_984 = tpu.vector_load %arg8[%swap3A_983] masked %and3A_972 {strides = array<i32>} : memref<96xi32, #tpu.memory_space<vmem>>, vector<16xi32>, vector<16xi1>
        tpu.vector_store %arg8[%swap3A_983], %get3A_958 masked %and3A_972 {strides = array<i32>} : memref<96xi32, #tpu.memory_space<vmem>>, vector<16xi32>, vector<16xi1>
        %swap3A_985 = arith.index_cast %while3A_949 : i32 to index
        %swap3A_986 = tpu.vector_load %arg7[%swap3A_985] masked %and3A_973 {strides = array<i32>} : memref<8224xi32, #tpu.memory_space<vmem>>, vector<16xi32>, vector<16xi1>
        tpu.vector_store %arg7[%swap3A_985], %get3A_958 masked %and3A_973 {strides = array<i32>} : memref<8224xi32, #tpu.memory_space<vmem>>, vector<16xi32>, vector<16xi1>
        %all_reduce_population_count3A_987 = tpu.all_reduce %and3A_972 {dim = 0 : i64, kind = #tpu.reduction_kind<sum>} : vector<16xi1> -> vector<16xi32>
        %slice3A_988 = vector.extract_strided_slice %all_reduce_population_count3A_987 {offsets = [0], sizes = [1], strides = [1]} : vector<16xi32> to vector<1xi32>
        %squeeze3A_989 = vector.extract %slice3A_988[0] : i32 from vector<1xi32>
        %add3A_990 = arith.addi %while3A_948, %squeeze3A_989 : i32
        %all_reduce_population_count3A_991 = tpu.all_reduce %and3A_973 {dim = 0 : i64, kind = #tpu.reduction_kind<sum>} : vector<16xi1> -> vector<16xi32>
        %slice3A_992 = vector.extract_strided_slice %all_reduce_population_count3A_991 {offsets = [0], sizes = [1], strides = [1]} : vector<16xi32> to vector<1xi32>
        %squeeze3A_993 = vector.extract %slice3A_992[0] : i32 from vector<1xi32>
        %add3A_994 = arith.addi %while3A_949, %squeeze3A_993 : i32
        scf.yield %add3A_990, %add3A_994 : i32, i32
      }
      %while3A_654 = arith.constant 1 : i32
      %while3A_655:2 = scf.for %while3A_947 = %while3A_651 to %while3A_647 step %while3A_654 iter_args(%while3A_948 = %while3A_653#0, %while3A_949 = %while3A_653#1) -> (i32, i32)  : i32 {
        %mul3A_950 = arith.constant 16 : i32
        %mul3A_951 = arith.muli %while3A_947, %mul3A_950 : i32
        %add3A_952 = vector.broadcast %mul3A_951 : i32 to vector<16xi32>
        %add3A_953 = arith.addi %add3A_952, %iota3A : vector<16xi32>
        %lt3A = vector.broadcast %while3A_511#1 : i32 to vector<16xi32>
        %lt3A_954 = arith.cmpi slt, %add3A_953, %lt3A : vector<16xi32>
        %mul3A_955 = arith.constant 16 : i32
        %mul3A_956 = arith.muli %while3A_947, %mul3A_955 : i32
        %get3A_957 = arith.index_cast %mul3A_956 : i32 to index
        %get3A_958 = tpu.vector_load %arg7[%get3A_957] {strides = array<i32>} : memref<8224xi32, #tpu.memory_space<vmem>>, vector<16xi32>,
        %gather3A_959 = tpu.vector_load_idx %arg4[%get3A_958] masked %lt3A_954 : memref<8192xf32, #tpu.memory_space<vmem>>[vector<16xi32>], vector<16xf32>, vector<16xi1>
        %bitcast_convert_type3A = tpu.bitcast %gather3A_959 : vector<16xf32> -> vector<16xi32>
        %shift_right_arithmetic3A = arith.constant 31 : i32
        %shift_right_arithmetic3A_960 = vector.broadcast %shift_right_arithmetic3A : i32 to vector<16xi32>
        %shift_right_arithmetic3A_961 = arith.shrsi %bitcast_convert_type3A, %shift_right_arithmetic3A_960 : vector<16xi32>
        %and3A_962 = arith.constant 2147483647 : i32
        %and3A_963 = vector.broadcast %and3A_962 : i32 to vector<16xi32>
        %and3A_964 = arith.andi %shift_right_arithmetic3A_961, %and3A_963 : vector<16xi32>
        %xor3A = arith.xori %bitcast_convert_type3A, %and3A_964 : vector<16xi32>
        %shift_right_arithmetic3A_965 = arith.constant 16 : i32
        %shift_right_arithmetic3A_966 = vector.broadcast %shift_right_arithmetic3A_965 : i32 to vector<16xi32>
        %shift_right_arithmetic3A_967 = arith.shrsi %xor3A, %shift_right_arithmetic3A_966 : vector<16xi32>
        %and3A_968 = arith.constant 255 : i32
        %and3A_969 = vector.broadcast %and3A_968 : i32 to vector<16xi32>
        %and3A_970 = arith.andi %shift_right_arithmetic3A_967, %and3A_969 : vector<16xi32>
        %gt3A_971 = arith.cmpi sgt, %and3A_970, %add3A_570 : vector<16xi32>
        %and3A_972 = arith.andi %lt3A_954, %gt3A_971 : vector<16xi1>
        %eq3A = arith.cmpi eq, %and3A_970, %add3A_570 : vector<16xi32>
        %and3A_973 = arith.andi %lt3A_954, %eq3A : vector<16xi1>
        %shift_right_arithmetic3A_974 = arith.constant 8 : i32
        %shift_right_arithmetic3A_975 = vector.broadcast %shift_right_arithmetic3A_974 : i32 to vector<16xi32>
        %shift_right_arithmetic3A_976 = arith.shrsi %xor3A, %shift_right_arithmetic3A_975 : vector<16xi32>
        %and3A_977 = arith.constant 255 : i32
        %and3A_978 = vector.broadcast %and3A_977 : i32 to vector<16xi32>
        %and3A_979 = arith.andi %shift_right_arithmetic3A_976, %and3A_978 : vector<16xi32>
        tpu.vector_store_idx %arg9[%and3A_979], %broadcast_in_dim3A_1 masked %and3A_973 {add = true} : memref<256xi32, #tpu.memory_space<vmem>>[vector<16xi32>], vector<16xi32>, vector<16xi1>
        %shift_right_arithmetic3A_980 = arith.constant 4 : i32
        %shift_right_arithmetic3A_981 = vector.broadcast %shift_right_arithmetic3A_980 : i32 to vector<16xi32>
        %shift_right_arithmetic3A_982 = arith.shrsi %and3A_979, %shift_right_arithmetic3A_981 : vector<16xi32>
        tpu.vector_store_idx %arg10[%shift_right_arithmetic3A_982], %broadcast_in_dim3A_1 masked %and3A_973 {add = true} : memref<16xi32, #tpu.memory_space<vmem>>[vector<16xi32>], vector<16xi32>, vector<16xi1>
        %swap3A_983 = arith.index_cast %while3A_948 : i32 to index
        %swap3A_984 = tpu.vector_load %arg8[%swap3A_983] masked %and3A_972 {strides = array<i32>} : memref<96xi32, #tpu.memory_space<vmem>>, vector<16xi32>, vector<16xi1>
        tpu.vector_store %arg8[%swap3A_983], %get3A_958 masked %and3A_972 {strides = array<i32>} : memref<96xi32, #tpu.memory_space<vmem>>, vector<16xi32>, vector<16xi1>
        %swap3A_985 = arith.index_cast %while3A_949 : i32 to index
        %swap3A_986 = tpu.vector_load %arg7[%swap3A_985] masked %and3A_973 {strides = array<i32>} : memref<8224xi32, #tpu.memory_space<vmem>>, vector<16xi32>, vector<16xi1>
        tpu.vector_store %arg7[%swap3A_985], %get3A_958 masked %and3A_973 {strides = array<i32>} : memref<8224xi32, #tpu.memory_space<vmem>>, vector<16xi32>, vector<16xi1>
        %all_reduce_population_count3A_987 = tpu.all_reduce %and3A_972 {dim = 0 : i64, kind = #tpu.reduction_kind<sum>} : vector<16xi1> -> vector<16xi32>
        %slice3A_988 = vector.extract_strided_slice %all_reduce_population_count3A_987 {offsets = [0], sizes = [1], strides = [1]} : vector<16xi32> to vector<1xi32>
        %squeeze3A_989 = vector.extract %slice3A_988[0] : i32 from vector<1xi32>
        %add3A_990 = arith.addi %while3A_948, %squeeze3A_989 : i32
        %all_reduce_population_count3A_991 = tpu.all_reduce %and3A_973 {dim = 0 : i64, kind = #tpu.reduction_kind<sum>} : vector<16xi1> -> vector<16xi32>
        %slice3A_992 = vector.extract_strided_slice %all_reduce_population_count3A_991 {offsets = [0], sizes = [1], strides = [1]} : vector<16xi32> to vector<1xi32>
        %squeeze3A_993 = vector.extract %slice3A_992[0] : i32 from vector<1xi32>
        %add3A_994 = arith.addi %while3A_949, %squeeze3A_993 : i32
        scf.yield %add3A_990, %add3A_994 : i32, i32
      }
      %get3A_656 = arith.constant 0 : index
      %get3A_657 = tpu.vector_load %arg10[%get3A_656] {strides = array<i32>} : memref<16xi32, #tpu.memory_space<vmem>>, vector<16xi32>,
      %iota3A_658 = tpu.iota {dimensions = array<i32: 0>} : vector<16xi32>
      %rev3A_659 = arith.constant 15 : i32
      %rev3A_660 = vector.broadcast %rev3A_659 : i32 to vector<16xi32>
      %rev3A_661 = tpu.iota {dimensions = array<i32: 0>} : vector<16xi32>
      %rev3A_662 = arith.subi %rev3A_660, %rev3A_661 : vector<16xi32>
      %rev3A_663 = tpu.dynamic_gather %get3A_657[%rev3A_662] in [0] : vector<16xi32>, vector<16xi32> -> vector<16xi32>
      %broadcast_in_dim3A_664 = arith.constant true
      %broadcast_in_dim3A_665 = vector.broadcast %broadcast_in_dim3A_664 : i1 to vector<16xi1>
      %masked_cumsum3A_666 = tpu.scan <sum>, %rev3A_663 masked %broadcast_in_dim3A_665 : vector<16xi32>, vector<16xi1> -> vector<16xi32>
      %rev3A_667 = arith.constant 15 : i32
      %rev3A_668 = vector.broadcast %rev3A_667 : i32 to vector<16xi32>
      %rev3A_669 = tpu.iota {dimensions = array<i32: 0>} : vector<16xi32>
      %rev3A_670 = arith.subi %rev3A_668, %rev3A_669 : vector<16xi32>
      %rev3A_671 = tpu.dynamic_gather %masked_cumsum3A_666[%rev3A_670] in [0] : vector<16xi32>, vector<16xi32> -> vector<16xi32>
      %ge3A_672 = arith.cmpi sge, %rev3A_671, %sub3A_581 : vector<16xi32>
      %all_reduce_population_count3A_673 = tpu.all_reduce %ge3A_672 {dim = 0 : i64, kind = #tpu.reduction_kind<sum>} : vector<16xi1> -> vector<16xi32>
      %sub3A_674 = arith.constant 1 : i32
      %sub3A_675 = vector.broadcast %sub3A_674 : i32 to vector<16xi32>
      %sub3A_676 = arith.subi %all_reduce_population_count3A_673, %sub3A_675 : vector<16xi32>
      %gt3A_677 = arith.cmpi sgt, %iota3A_658, %sub3A_676 : vector<16xi32>
      %jit3A_678 = arith.constant 0 : i32
      %broadcast_in_dim3A_679 = vector.broadcast %jit3A_678 : i32 to vector<16xi32>
      %select_n3A_680 = arith.select %gt3A_677, %get3A_657, %broadcast_in_dim3A_679 : vector<16xi1>, vector<16xi32>
      %reduce_sum3A_681 = arith.constant true
      %reduce_sum3A_682 = vector.broadcast %reduce_sum3A_681 : i1 to vector<16xi1>
      %reduce_sum3A_683 = tpu.scan <sum>, %select_n3A_680 masked %reduce_sum3A_682 : vector<16xi32>, vector<16xi1> -> vector<16xi32>
      %reduce_sum3A_684 = vector.extract %reduce_sum3A_683[15] : i32 from vector<16xi32>
      %slice3A_685 = vector.extract_strided_slice %sub3A_676 {offsets = [0], sizes = [1], strides = [1]} : vector<16xi32> to vector<1xi32>
      %squeeze3A_686 = vector.extract %slice3A_685[0] : i32 from vector<1xi32>
      %mul3A_687 = arith.constant 16 : i32
      %mul3A_688 = arith.muli %squeeze3A_686, %mul3A_687 : i32
      %get3A_689 = arith.index_cast %mul3A_688 : i32 to index
      %get3A_690 = tpu.vector_load %arg9[%get3A_689] {strides = array<i32>} : memref<256xi32, #tpu.memory_space<vmem>>, vector<16xi32>,
      %rev3A_691 = arith.constant 15 : i32
      %rev3A_692 = vector.broadcast %rev3A_691 : i32 to vector<16xi32>
      %rev3A_693 = tpu.iota {dimensions = array<i32: 0>} : vector<16xi32>
      %rev3A_694 = arith.subi %rev3A_692, %rev3A_693 : vector<16xi32>
      %rev3A_695 = tpu.dynamic_gather %get3A_690[%rev3A_694] in [0] : vector<16xi32>, vector<16xi32> -> vector<16xi32>
      %broadcast_in_dim3A_696 = arith.constant true
      %broadcast_in_dim3A_697 = vector.broadcast %broadcast_in_dim3A_696 : i1 to vector<16xi1>
      %masked_cumsum3A_698 = tpu.scan <sum>, %rev3A_695 masked %broadcast_in_dim3A_697 : vector<16xi32>, vector<16xi1> -> vector<16xi32>
      %rev3A_699 = arith.constant 15 : i32
      %rev3A_700 = vector.broadcast %rev3A_699 : i32 to vector<16xi32>
      %rev3A_701 = tpu.iota {dimensions = array<i32: 0>} : vector<16xi32>
      %rev3A_702 = arith.subi %rev3A_700, %rev3A_701 : vector<16xi32>
      %rev3A_703 = tpu.dynamic_gather %masked_cumsum3A_698[%rev3A_702] in [0] : vector<16xi32>, vector<16xi32> -> vector<16xi32>
      %add3A_704 = vector.broadcast %reduce_sum3A_684 : i32 to vector<16xi32>
      %add3A_705 = arith.addi %rev3A_703, %add3A_704 : vector<16xi32>
      %ge3A_706 = arith.cmpi sge, %add3A_705, %sub3A_581 : vector<16xi32>
      %all_reduce_population_count3A_707 = tpu.all_reduce %ge3A_706 {dim = 0 : i64, kind = #tpu.reduction_kind<sum>} : vector<16xi1> -> vector<16xi32>
      %sub3A_708 = arith.constant 1 : i32
      %sub3A_709 = vector.broadcast %sub3A_708 : i32 to vector<16xi32>
      %sub3A_710 = arith.subi %all_reduce_population_count3A_707, %sub3A_709 : vector<16xi32>
      %mul3A_711 = arith.constant 16 : i32
      %mul3A_712 = vector.broadcast %mul3A_711 : i32 to vector<16xi32>
      %mul3A_713 = arith.muli %sub3A_676, %mul3A_712 : vector<16xi32>
      %add3A_714 = arith.addi %mul3A_713, %sub3A_710 : vector<16xi32>
      %gt3A_715 = arith.cmpi sgt, %iota3A_658, %sub3A_710 : vector<16xi32>
      %jit3A_716 = arith.constant 0 : i32
      %broadcast_in_dim3A_717 = vector.broadcast %jit3A_716 : i32 to vector<16xi32>
      %select_n3A_718 = arith.select %gt3A_715, %get3A_690, %broadcast_in_dim3A_717 : vector<16xi1>, vector<16xi32>
      %reduce_sum3A_719 = arith.constant true
      %reduce_sum3A_720 = vector.broadcast %reduce_sum3A_719 : i1 to vector<16xi1>
      %reduce_sum3A_721 = tpu.scan <sum>, %select_n3A_718 masked %reduce_sum3A_720 : vector<16xi32>, vector<16xi1> -> vector<16xi32>
      %reduce_sum3A_722 = vector.extract %reduce_sum3A_721[15] : i32 from vector<16xi32>
      %add3A_723 = arith.addi %reduce_sum3A_722, %reduce_sum3A_684 : i32
      %sub3A_724 = vector.broadcast %add3A_723 : i32 to vector<16xi32>
      %sub3A_725 = arith.subi %sub3A_581, %sub3A_724 : vector<16xi32>
      %swap3A_726 = arith.constant 0 : index
      %swap3A_727 = tpu.vector_load %arg9[%swap3A_726] {strides = array<i32>} : memref<256xi32, #tpu.memory_space<vmem>>, vector<16xi32>,
      tpu.vector_store %arg9[%swap3A_726], %broadcast_in_dim3A_3 {strides = array<i32>} : memref<256xi32, #tpu.memory_space<vmem>>, vector<16xi32>,
      %swap3A_728 = arith.constant 16 : index
      %swap3A_729 = tpu.vector_load %arg9[%swap3A_728] {strides = array<i32>} : memref<256xi32, #tpu.memory_space<vmem>>, vector<16xi32>,
      tpu.vector_store %arg9[%swap3A_728], %broadcast_in_dim3A_3 {strides = array<i32>} : memref<256xi32, #tpu.memory_space<vmem>>, vector<16xi32>,
      %swap3A_730 = arith.constant 32 : index
      %swap3A_731 = tpu.vector_load %arg9[%swap3A_730] {strides = array<i32>} : memref<256xi32, #tpu.memory_space<vmem>>, vector<16xi32>,
      tpu.vector_store %arg9[%swap3A_730], %broadcast_in_dim3A_3 {strides = array<i32>} : memref<256xi32, #tpu.memory_space<vmem>>, vector<16xi32>,
      %swap3A_732 = arith.constant 48 : index
      %swap3A_733 = tpu.vector_load %arg9[%swap3A_732] {strides = array<i32>} : memref<256xi32, #tpu.memory_space<vmem>>, vector<16xi32>,
      tpu.vector_store %arg9[%swap3A_732], %broadcast_in_dim3A_3 {strides = array<i32>} : memref<256xi32, #tpu.memory_space<vmem>>, vector<16xi32>,
      %swap3A_734 = arith.constant 64 : index
      %swap3A_735 = tpu.vector_load %arg9[%swap3A_734] {strides = array<i32>} : memref<256xi32, #tpu.memory_space<vmem>>, vector<16xi32>,
      tpu.vector_store %arg9[%swap3A_734], %broadcast_in_dim3A_3 {strides = array<i32>} : memref<256xi32, #tpu.memory_space<vmem>>, vector<16xi32>,
      %swap3A_736 = arith.constant 80 : index
      %swap3A_737 = tpu.vector_load %arg9[%swap3A_736] {strides = array<i32>} : memref<256xi32, #tpu.memory_space<vmem>>, vector<16xi32>,
      tpu.vector_store %arg9[%swap3A_736], %broadcast_in_dim3A_3 {strides = array<i32>} : memref<256xi32, #tpu.memory_space<vmem>>, vector<16xi32>,
      %swap3A_738 = arith.constant 96 : index
      %swap3A_739 = tpu.vector_load %arg9[%swap3A_738] {strides = array<i32>} : memref<256xi32, #tpu.memory_space<vmem>>, vector<16xi32>,
      tpu.vector_store %arg9[%swap3A_738], %broadcast_in_dim3A_3 {strides = array<i32>} : memref<256xi32, #tpu.memory_space<vmem>>, vector<16xi32>,
      %swap3A_740 = arith.constant 112 : index
      %swap3A_741 = tpu.vector_load %arg9[%swap3A_740] {strides = array<i32>} : memref<256xi32, #tpu.memory_space<vmem>>, vector<16xi32>,
      tpu.vector_store %arg9[%swap3A_740], %broadcast_in_dim3A_3 {strides = array<i32>} : memref<256xi32, #tpu.memory_space<vmem>>, vector<16xi32>,
      %swap3A_742 = arith.constant 128 : index
      %swap3A_743 = tpu.vector_load %arg9[%swap3A_742] {strides = array<i32>} : memref<256xi32, #tpu.memory_space<vmem>>, vector<16xi32>,
      tpu.vector_store %arg9[%swap3A_742], %broadcast_in_dim3A_3 {strides = array<i32>} : memref<256xi32, #tpu.memory_space<vmem>>, vector<16xi32>,
      %swap3A_744 = arith.constant 144 : index
      %swap3A_745 = tpu.vector_load %arg9[%swap3A_744] {strides = array<i32>} : memref<256xi32, #tpu.memory_space<vmem>>, vector<16xi32>,
      tpu.vector_store %arg9[%swap3A_744], %broadcast_in_dim3A_3 {strides = array<i32>} : memref<256xi32, #tpu.memory_space<vmem>>, vector<16xi32>,
      %swap3A_746 = arith.constant 160 : index
      %swap3A_747 = tpu.vector_load %arg9[%swap3A_746] {strides = array<i32>} : memref<256xi32, #tpu.memory_space<vmem>>, vector<16xi32>,
      tpu.vector_store %arg9[%swap3A_746], %broadcast_in_dim3A_3 {strides = array<i32>} : memref<256xi32, #tpu.memory_space<vmem>>, vector<16xi32>,
      %swap3A_748 = arith.constant 176 : index
      %swap3A_749 = tpu.vector_load %arg9[%swap3A_748] {strides = array<i32>} : memref<256xi32, #tpu.memory_space<vmem>>, vector<16xi32>,
      tpu.vector_store %arg9[%swap3A_748], %broadcast_in_dim3A_3 {strides = array<i32>} : memref<256xi32, #tpu.memory_space<vmem>>, vector<16xi32>,
      %swap3A_750 = arith.constant 192 : index
      %swap3A_751 = tpu.vector_load %arg9[%swap3A_750] {strides = array<i32>} : memref<256xi32, #tpu.memory_space<vmem>>, vector<16xi32>,
      tpu.vector_store %arg9[%swap3A_750], %broadcast_in_dim3A_3 {strides = array<i32>} : memref<256xi32, #tpu.memory_space<vmem>>, vector<16xi32>,
      %swap3A_752 = arith.constant 208 : index
      %swap3A_753 = tpu.vector_load %arg9[%swap3A_752] {strides = array<i32>} : memref<256xi32, #tpu.memory_space<vmem>>, vector<16xi32>,
      tpu.vector_store %arg9[%swap3A_752], %broadcast_in_dim3A_3 {strides = array<i32>} : memref<256xi32, #tpu.memory_space<vmem>>, vector<16xi32>,
      %swap3A_754 = arith.constant 224 : index
      %swap3A_755 = tpu.vector_load %arg9[%swap3A_754] {strides = array<i32>} : memref<256xi32, #tpu.memory_space<vmem>>, vector<16xi32>,
      tpu.vector_store %arg9[%swap3A_754], %broadcast_in_dim3A_3 {strides = array<i32>} : memref<256xi32, #tpu.memory_space<vmem>>, vector<16xi32>,
      %swap3A_756 = arith.constant 240 : index
      %swap3A_757 = tpu.vector_load %arg9[%swap3A_756] {strides = array<i32>} : memref<256xi32, #tpu.memory_space<vmem>>, vector<16xi32>,
      tpu.vector_store %arg9[%swap3A_756], %broadcast_in_dim3A_3 {strides = array<i32>} : memref<256xi32, #tpu.memory_space<vmem>>, vector<16xi32>,
      %swap3A_758 = arith.constant 0 : index
      %swap3A_759 = tpu.vector_load %arg10[%swap3A_758] {strides = array<i32>} : memref<16xi32, #tpu.memory_space<vmem>>, vector<16xi32>,
      tpu.vector_store %arg10[%swap3A_758], %broadcast_in_dim3A_3 {strides = array<i32>} : memref<16xi32, #tpu.memory_space<vmem>>, vector<16xi32>,
      %add3A_760 = arith.constant 16 : i32
      %add3A_761 = arith.addi %while3A_655#1, %add3A_760 : i32
      %sub3A_762 = arith.constant 1 : i32
      %sub3A_763 = arith.subi %add3A_761, %sub3A_762 : i32
      %jit3A_764 = arith.constant 16 : i32
      %div3A_765 = arith.divsi %sub3A_763, %jit3A_764 : i32
      %sign3A_766 = arith.constant 0 : i32
      %sign3A_767 = arith.cmpi sgt, %sub3A_763, %sign3A_766 : i32
      %sign3A_768 = arith.extui %sign3A_767 : i1 to i32
      %sign3A_769 = arith.constant 0 : i32
      %sign3A_770 = arith.cmpi slt, %sub3A_763, %sign3A_769 : i32
      %sign3A_771 = arith.extui %sign3A_770 : i1 to i32
      %sign3A_772 = arith.subi %sign3A_768, %sign3A_771 : i32
      %sign3A_773 = arith.constant 0 : i32
      %sign3A_774 = arith.cmpi sgt, %jit3A_764, %sign3A_773 : i32
      %sign3A_775 = arith.extui %sign3A_774 : i1 to i32
      %sign3A_776 = arith.constant 0 : i32
      %sign3A_777 = arith.cmpi slt, %jit3A_764, %sign3A_776 : i32
      %sign3A_778 = arith.extui %sign3A_777 : i1 to i32
      %sign3A_779 = arith.subi %sign3A_775, %sign3A_778 : i32
      %ne3A_780 = arith.cmpi ne, %sign3A_772, %sign3A_779 : i32
      %rem3A_781 = arith.remsi %sub3A_763, %jit3A_764 : i32
      %ne3A_782 = arith.constant 0 : i32
      %ne3A_783 = arith.cmpi ne, %rem3A_781, %ne3A_782 : i32
      %and3A_784 = arith.andi %ne3A_780, %ne3A_783 : i1
      %sub3A_785 = arith.constant 1 : i32
      %sub3A_786 = arith.subi %div3A_765, %sub3A_785 : i32
      %select_n3A_787 = arith.select %and3A_784, %sub3A_786, %div3A_765 : i32
      %while3A_788 = arith.constant 0 : i32
      %while3A_789 = arith.constant 0 : i32
      %while3A_790 = arith.subi %select_n3A_787, %while3A_788 : i32
      %while3A_791 = arith.addi %while3A_788, %while3A_790 : i32
      %while3A_792 = arith.constant 1 : i32
      %while3A_793 = arith.divsi %while3A_790, %while3A_792 : i32
      %while3A_794 = arith.muli %while3A_793, %while3A_792 : i32
      %while3A_795 = arith.addi %while3A_788, %while3A_794 : i32
      %while3A_796 = arith.constant 1 : i32
      %while3A_797:2 = scf.for %while3A_947 = %while3A_788 to %while3A_795 step %while3A_796 iter_args(%while3A_948 = %while3A_655#0, %while3A_949 = %while3A_789) -> (i32, i32)  : i32 {
        %mul3A_950 = arith.constant 16 : i32
        %mul3A_951 = arith.muli %while3A_947, %mul3A_950 : i32
        %add3A_952 = vector.broadcast %mul3A_951 : i32 to vector<16xi32>
        %add3A_953 = arith.addi %add3A_952, %iota3A : vector<16xi32>
        %lt3A = vector.broadcast %while3A_655#1 : i32 to vector<16xi32>
        %lt3A_954 = arith.cmpi slt, %add3A_953, %lt3A : vector<16xi32>
        %mul3A_955 = arith.constant 16 : i32
        %mul3A_956 = arith.muli %while3A_947, %mul3A_955 : i32
        %get3A_957 = arith.index_cast %mul3A_956 : i32 to index
        %get3A_958 = tpu.vector_load %arg7[%get3A_957] {strides = array<i32>} : memref<8224xi32, #tpu.memory_space<vmem>>, vector<16xi32>,
        %gather3A_959 = tpu.vector_load_idx %arg4[%get3A_958] masked %lt3A_954 : memref<8192xf32, #tpu.memory_space<vmem>>[vector<16xi32>], vector<16xf32>, vector<16xi1>
        %bitcast_convert_type3A = tpu.bitcast %gather3A_959 : vector<16xf32> -> vector<16xi32>
        %shift_right_arithmetic3A = arith.constant 31 : i32
        %shift_right_arithmetic3A_960 = vector.broadcast %shift_right_arithmetic3A : i32 to vector<16xi32>
        %shift_right_arithmetic3A_961 = arith.shrsi %bitcast_convert_type3A, %shift_right_arithmetic3A_960 : vector<16xi32>
        %and3A_962 = arith.constant 2147483647 : i32
        %and3A_963 = vector.broadcast %and3A_962 : i32 to vector<16xi32>
        %and3A_964 = arith.andi %shift_right_arithmetic3A_961, %and3A_963 : vector<16xi32>
        %xor3A = arith.xori %bitcast_convert_type3A, %and3A_964 : vector<16xi32>
        %shift_right_arithmetic3A_965 = arith.constant 8 : i32
        %shift_right_arithmetic3A_966 = vector.broadcast %shift_right_arithmetic3A_965 : i32 to vector<16xi32>
        %shift_right_arithmetic3A_967 = arith.shrsi %xor3A, %shift_right_arithmetic3A_966 : vector<16xi32>
        %and3A_968 = arith.constant 255 : i32
        %and3A_969 = vector.broadcast %and3A_968 : i32 to vector<16xi32>
        %and3A_970 = arith.andi %shift_right_arithmetic3A_967, %and3A_969 : vector<16xi32>
        %gt3A_971 = arith.cmpi sgt, %and3A_970, %add3A_714 : vector<16xi32>
        %and3A_972 = arith.andi %lt3A_954, %gt3A_971 : vector<16xi1>
        %eq3A = arith.cmpi eq, %and3A_970, %add3A_714 : vector<16xi32>
        %and3A_973 = arith.andi %lt3A_954, %eq3A : vector<16xi1>
        %and3A_974 = arith.constant 255 : i32
        %and3A_975 = vector.broadcast %and3A_974 : i32 to vector<16xi32>
        %and3A_976 = arith.andi %xor3A, %and3A_975 : vector<16xi32>
        tpu.vector_store_idx %arg9[%and3A_976], %broadcast_in_dim3A_1 masked %and3A_973 {add = true} : memref<256xi32, #tpu.memory_space<vmem>>[vector<16xi32>], vector<16xi32>, vector<16xi1>
        %shift_right_arithmetic3A_977 = arith.constant 4 : i32
        %shift_right_arithmetic3A_978 = vector.broadcast %shift_right_arithmetic3A_977 : i32 to vector<16xi32>
        %shift_right_arithmetic3A_979 = arith.shrsi %and3A_976, %shift_right_arithmetic3A_978 : vector<16xi32>
        tpu.vector_store_idx %arg10[%shift_right_arithmetic3A_979], %broadcast_in_dim3A_1 masked %and3A_973 {add = true} : memref<16xi32, #tpu.memory_space<vmem>>[vector<16xi32>], vector<16xi32>, vector<16xi1>
        %swap3A_980 = arith.index_cast %while3A_948 : i32 to index
        %swap3A_981 = tpu.vector_load %arg8[%swap3A_980] masked %and3A_972 {strides = array<i32>} : memref<96xi32, #tpu.memory_space<vmem>>, vector<16xi32>, vector<16xi1>
        tpu.vector_store %arg8[%swap3A_980], %get3A_958 masked %and3A_972 {strides = array<i32>} : memref<96xi32, #tpu.memory_space<vmem>>, vector<16xi32>, vector<16xi1>
        %swap3A_982 = arith.index_cast %while3A_949 : i32 to index
        %swap3A_983 = tpu.vector_load %arg7[%swap3A_982] masked %and3A_973 {strides = array<i32>} : memref<8224xi32, #tpu.memory_space<vmem>>, vector<16xi32>, vector<16xi1>
        tpu.vector_store %arg7[%swap3A_982], %get3A_958 masked %and3A_973 {strides = array<i32>} : memref<8224xi32, #tpu.memory_space<vmem>>, vector<16xi32>, vector<16xi1>
        %all_reduce_population_count3A_984 = tpu.all_reduce %and3A_972 {dim = 0 : i64, kind = #tpu.reduction_kind<sum>} : vector<16xi1> -> vector<16xi32>
        %slice3A_985 = vector.extract_strided_slice %all_reduce_population_count3A_984 {offsets = [0], sizes = [1], strides = [1]} : vector<16xi32> to vector<1xi32>
        %squeeze3A_986 = vector.extract %slice3A_985[0] : i32 from vector<1xi32>
        %add3A_987 = arith.addi %while3A_948, %squeeze3A_986 : i32
        %all_reduce_population_count3A_988 = tpu.all_reduce %and3A_973 {dim = 0 : i64, kind = #tpu.reduction_kind<sum>} : vector<16xi1> -> vector<16xi32>
        %slice3A_989 = vector.extract_strided_slice %all_reduce_population_count3A_988 {offsets = [0], sizes = [1], strides = [1]} : vector<16xi32> to vector<1xi32>
        %squeeze3A_990 = vector.extract %slice3A_989[0] : i32 from vector<1xi32>
        %add3A_991 = arith.addi %while3A_949, %squeeze3A_990 : i32
        scf.yield %add3A_987, %add3A_991 : i32, i32
      }
      %while3A_798 = arith.constant 1 : i32
      %while3A_799:2 = scf.for %while3A_947 = %while3A_795 to %while3A_791 step %while3A_798 iter_args(%while3A_948 = %while3A_797#0, %while3A_949 = %while3A_797#1) -> (i32, i32)  : i32 {
        %mul3A_950 = arith.constant 16 : i32
        %mul3A_951 = arith.muli %while3A_947, %mul3A_950 : i32
        %add3A_952 = vector.broadcast %mul3A_951 : i32 to vector<16xi32>
        %add3A_953 = arith.addi %add3A_952, %iota3A : vector<16xi32>
        %lt3A = vector.broadcast %while3A_655#1 : i32 to vector<16xi32>
        %lt3A_954 = arith.cmpi slt, %add3A_953, %lt3A : vector<16xi32>
        %mul3A_955 = arith.constant 16 : i32
        %mul3A_956 = arith.muli %while3A_947, %mul3A_955 : i32
        %get3A_957 = arith.index_cast %mul3A_956 : i32 to index
        %get3A_958 = tpu.vector_load %arg7[%get3A_957] {strides = array<i32>} : memref<8224xi32, #tpu.memory_space<vmem>>, vector<16xi32>,
        %gather3A_959 = tpu.vector_load_idx %arg4[%get3A_958] masked %lt3A_954 : memref<8192xf32, #tpu.memory_space<vmem>>[vector<16xi32>], vector<16xf32>, vector<16xi1>
        %bitcast_convert_type3A = tpu.bitcast %gather3A_959 : vector<16xf32> -> vector<16xi32>
        %shift_right_arithmetic3A = arith.constant 31 : i32
        %shift_right_arithmetic3A_960 = vector.broadcast %shift_right_arithmetic3A : i32 to vector<16xi32>
        %shift_right_arithmetic3A_961 = arith.shrsi %bitcast_convert_type3A, %shift_right_arithmetic3A_960 : vector<16xi32>
        %and3A_962 = arith.constant 2147483647 : i32
        %and3A_963 = vector.broadcast %and3A_962 : i32 to vector<16xi32>
        %and3A_964 = arith.andi %shift_right_arithmetic3A_961, %and3A_963 : vector<16xi32>
        %xor3A = arith.xori %bitcast_convert_type3A, %and3A_964 : vector<16xi32>
        %shift_right_arithmetic3A_965 = arith.constant 8 : i32
        %shift_right_arithmetic3A_966 = vector.broadcast %shift_right_arithmetic3A_965 : i32 to vector<16xi32>
        %shift_right_arithmetic3A_967 = arith.shrsi %xor3A, %shift_right_arithmetic3A_966 : vector<16xi32>
        %and3A_968 = arith.constant 255 : i32
        %and3A_969 = vector.broadcast %and3A_968 : i32 to vector<16xi32>
        %and3A_970 = arith.andi %shift_right_arithmetic3A_967, %and3A_969 : vector<16xi32>
        %gt3A_971 = arith.cmpi sgt, %and3A_970, %add3A_714 : vector<16xi32>
        %and3A_972 = arith.andi %lt3A_954, %gt3A_971 : vector<16xi1>
        %eq3A = arith.cmpi eq, %and3A_970, %add3A_714 : vector<16xi32>
        %and3A_973 = arith.andi %lt3A_954, %eq3A : vector<16xi1>
        %and3A_974 = arith.constant 255 : i32
        %and3A_975 = vector.broadcast %and3A_974 : i32 to vector<16xi32>
        %and3A_976 = arith.andi %xor3A, %and3A_975 : vector<16xi32>
        tpu.vector_store_idx %arg9[%and3A_976], %broadcast_in_dim3A_1 masked %and3A_973 {add = true} : memref<256xi32, #tpu.memory_space<vmem>>[vector<16xi32>], vector<16xi32>, vector<16xi1>
        %shift_right_arithmetic3A_977 = arith.constant 4 : i32
        %shift_right_arithmetic3A_978 = vector.broadcast %shift_right_arithmetic3A_977 : i32 to vector<16xi32>
        %shift_right_arithmetic3A_979 = arith.shrsi %and3A_976, %shift_right_arithmetic3A_978 : vector<16xi32>
        tpu.vector_store_idx %arg10[%shift_right_arithmetic3A_979], %broadcast_in_dim3A_1 masked %and3A_973 {add = true} : memref<16xi32, #tpu.memory_space<vmem>>[vector<16xi32>], vector<16xi32>, vector<16xi1>
        %swap3A_980 = arith.index_cast %while3A_948 : i32 to index
        %swap3A_981 = tpu.vector_load %arg8[%swap3A_980] masked %and3A_972 {strides = array<i32>} : memref<96xi32, #tpu.memory_space<vmem>>, vector<16xi32>, vector<16xi1>
        tpu.vector_store %arg8[%swap3A_980], %get3A_958 masked %and3A_972 {strides = array<i32>} : memref<96xi32, #tpu.memory_space<vmem>>, vector<16xi32>, vector<16xi1>
        %swap3A_982 = arith.index_cast %while3A_949 : i32 to index
        %swap3A_983 = tpu.vector_load %arg7[%swap3A_982] masked %and3A_973 {strides = array<i32>} : memref<8224xi32, #tpu.memory_space<vmem>>, vector<16xi32>, vector<16xi1>
        tpu.vector_store %arg7[%swap3A_982], %get3A_958 masked %and3A_973 {strides = array<i32>} : memref<8224xi32, #tpu.memory_space<vmem>>, vector<16xi32>, vector<16xi1>
        %all_reduce_population_count3A_984 = tpu.all_reduce %and3A_972 {dim = 0 : i64, kind = #tpu.reduction_kind<sum>} : vector<16xi1> -> vector<16xi32>
        %slice3A_985 = vector.extract_strided_slice %all_reduce_population_count3A_984 {offsets = [0], sizes = [1], strides = [1]} : vector<16xi32> to vector<1xi32>
        %squeeze3A_986 = vector.extract %slice3A_985[0] : i32 from vector<1xi32>
        %add3A_987 = arith.addi %while3A_948, %squeeze3A_986 : i32
        %all_reduce_population_count3A_988 = tpu.all_reduce %and3A_973 {dim = 0 : i64, kind = #tpu.reduction_kind<sum>} : vector<16xi1> -> vector<16xi32>
        %slice3A_989 = vector.extract_strided_slice %all_reduce_population_count3A_988 {offsets = [0], sizes = [1], strides = [1]} : vector<16xi32> to vector<1xi32>
        %squeeze3A_990 = vector.extract %slice3A_989[0] : i32 from vector<1xi32>
        %add3A_991 = arith.addi %while3A_949, %squeeze3A_990 : i32
        scf.yield %add3A_987, %add3A_991 : i32, i32
      }
      %get3A_800 = arith.constant 0 : index
      %get3A_801 = tpu.vector_load %arg10[%get3A_800] {strides = array<i32>} : memref<16xi32, #tpu.memory_space<vmem>>, vector<16xi32>,
      %iota3A_802 = tpu.iota {dimensions = array<i32: 0>} : vector<16xi32>
      %rev3A_803 = arith.constant 15 : i32
      %rev3A_804 = vector.broadcast %rev3A_803 : i32 to vector<16xi32>
      %rev3A_805 = tpu.iota {dimensions = array<i32: 0>} : vector<16xi32>
      %rev3A_806 = arith.subi %rev3A_804, %rev3A_805 : vector<16xi32>
      %rev3A_807 = tpu.dynamic_gather %get3A_801[%rev3A_806] in [0] : vector<16xi32>, vector<16xi32> -> vector<16xi32>
      %broadcast_in_dim3A_808 = arith.constant true
      %broadcast_in_dim3A_809 = vector.broadcast %broadcast_in_dim3A_808 : i1 to vector<16xi1>
      %masked_cumsum3A_810 = tpu.scan <sum>, %rev3A_807 masked %broadcast_in_dim3A_809 : vector<16xi32>, vector<16xi1> -> vector<16xi32>
      %rev3A_811 = arith.constant 15 : i32
      %rev3A_812 = vector.broadcast %rev3A_811 : i32 to vector<16xi32>
      %rev3A_813 = tpu.iota {dimensions = array<i32: 0>} : vector<16xi32>
      %rev3A_814 = arith.subi %rev3A_812, %rev3A_813 : vector<16xi32>
      %rev3A_815 = tpu.dynamic_gather %masked_cumsum3A_810[%rev3A_814] in [0] : vector<16xi32>, vector<16xi32> -> vector<16xi32>
      %ge3A_816 = arith.cmpi sge, %rev3A_815, %sub3A_725 : vector<16xi32>
      %all_reduce_population_count3A_817 = tpu.all_reduce %ge3A_816 {dim = 0 : i64, kind = #tpu.reduction_kind<sum>} : vector<16xi1> -> vector<16xi32>
      %sub3A_818 = arith.constant 1 : i32
      %sub3A_819 = vector.broadcast %sub3A_818 : i32 to vector<16xi32>
      %sub3A_820 = arith.subi %all_reduce_population_count3A_817, %sub3A_819 : vector<16xi32>
      %gt3A_821 = arith.cmpi sgt, %iota3A_802, %sub3A_820 : vector<16xi32>
      %jit3A_822 = arith.constant 0 : i32
      %broadcast_in_dim3A_823 = vector.broadcast %jit3A_822 : i32 to vector<16xi32>
      %select_n3A_824 = arith.select %gt3A_821, %get3A_801, %broadcast_in_dim3A_823 : vector<16xi1>, vector<16xi32>
      %reduce_sum3A_825 = arith.constant true
      %reduce_sum3A_826 = vector.broadcast %reduce_sum3A_825 : i1 to vector<16xi1>
      %reduce_sum3A_827 = tpu.scan <sum>, %select_n3A_824 masked %reduce_sum3A_826 : vector<16xi32>, vector<16xi1> -> vector<16xi32>
      %reduce_sum3A_828 = vector.extract %reduce_sum3A_827[15] : i32 from vector<16xi32>
      %slice3A_829 = vector.extract_strided_slice %sub3A_820 {offsets = [0], sizes = [1], strides = [1]} : vector<16xi32> to vector<1xi32>
      %squeeze3A_830 = vector.extract %slice3A_829[0] : i32 from vector<1xi32>
      %mul3A_831 = arith.constant 16 : i32
      %mul3A_832 = arith.muli %squeeze3A_830, %mul3A_831 : i32
      %get3A_833 = arith.index_cast %mul3A_832 : i32 to index
      %get3A_834 = tpu.vector_load %arg9[%get3A_833] {strides = array<i32>} : memref<256xi32, #tpu.memory_space<vmem>>, vector<16xi32>,
      %rev3A_835 = arith.constant 15 : i32
      %rev3A_836 = vector.broadcast %rev3A_835 : i32 to vector<16xi32>
      %rev3A_837 = tpu.iota {dimensions = array<i32: 0>} : vector<16xi32>
      %rev3A_838 = arith.subi %rev3A_836, %rev3A_837 : vector<16xi32>
      %rev3A_839 = tpu.dynamic_gather %get3A_834[%rev3A_838] in [0] : vector<16xi32>, vector<16xi32> -> vector<16xi32>
      %broadcast_in_dim3A_840 = arith.constant true
      %broadcast_in_dim3A_841 = vector.broadcast %broadcast_in_dim3A_840 : i1 to vector<16xi1>
      %masked_cumsum3A_842 = tpu.scan <sum>, %rev3A_839 masked %broadcast_in_dim3A_841 : vector<16xi32>, vector<16xi1> -> vector<16xi32>
      %rev3A_843 = arith.constant 15 : i32
      %rev3A_844 = vector.broadcast %rev3A_843 : i32 to vector<16xi32>
      %rev3A_845 = tpu.iota {dimensions = array<i32: 0>} : vector<16xi32>
      %rev3A_846 = arith.subi %rev3A_844, %rev3A_845 : vector<16xi32>
      %rev3A_847 = tpu.dynamic_gather %masked_cumsum3A_842[%rev3A_846] in [0] : vector<16xi32>, vector<16xi32> -> vector<16xi32>
      %add3A_848 = vector.broadcast %reduce_sum3A_828 : i32 to vector<16xi32>
      %add3A_849 = arith.addi %rev3A_847, %add3A_848 : vector<16xi32>
      %ge3A_850 = arith.cmpi sge, %add3A_849, %sub3A_725 : vector<16xi32>
      %all_reduce_population_count3A_851 = tpu.all_reduce %ge3A_850 {dim = 0 : i64, kind = #tpu.reduction_kind<sum>} : vector<16xi1> -> vector<16xi32>
      %sub3A_852 = arith.constant 1 : i32
      %sub3A_853 = vector.broadcast %sub3A_852 : i32 to vector<16xi32>
      %sub3A_854 = arith.subi %all_reduce_population_count3A_851, %sub3A_853 : vector<16xi32>
      %mul3A_855 = arith.constant 16 : i32
      %mul3A_856 = vector.broadcast %mul3A_855 : i32 to vector<16xi32>
      %mul3A_857 = arith.muli %sub3A_820, %mul3A_856 : vector<16xi32>
      %add3A_858 = arith.addi %mul3A_857, %sub3A_854 : vector<16xi32>
      %gt3A_859 = arith.cmpi sgt, %iota3A_802, %sub3A_854 : vector<16xi32>
      %jit3A_860 = arith.constant 0 : i32
      %broadcast_in_dim3A_861 = vector.broadcast %jit3A_860 : i32 to vector<16xi32>
      %select_n3A_862 = arith.select %gt3A_859, %get3A_834, %broadcast_in_dim3A_861 : vector<16xi1>, vector<16xi32>
      %reduce_sum3A_863 = arith.constant true
      %reduce_sum3A_864 = vector.broadcast %reduce_sum3A_863 : i1 to vector<16xi1>
      %reduce_sum3A_865 = tpu.scan <sum>, %select_n3A_862 masked %reduce_sum3A_864 : vector<16xi32>, vector<16xi1> -> vector<16xi32>
      %reduce_sum3A_866 = vector.extract %reduce_sum3A_865[15] : i32 from vector<16xi32>
      %add3A_867 = arith.addi %reduce_sum3A_866, %reduce_sum3A_828 : i32
      %sub3A_868 = vector.broadcast %add3A_867 : i32 to vector<16xi32>
      %sub3A_869 = arith.subi %sub3A_725, %sub3A_868 : vector<16xi32>
      %add3A_870 = arith.constant 16 : i32
      %add3A_871 = arith.addi %while3A_799#1, %add3A_870 : i32
      %sub3A_872 = arith.constant 1 : i32
      %sub3A_873 = arith.subi %add3A_871, %sub3A_872 : i32
      %jit3A_874 = arith.constant 16 : i32
      %div3A_875 = arith.divsi %sub3A_873, %jit3A_874 : i32
      %sign3A_876 = arith.constant 0 : i32
      %sign3A_877 = arith.cmpi sgt, %sub3A_873, %sign3A_876 : i32
      %sign3A_878 = arith.extui %sign3A_877 : i1 to i32
      %sign3A_879 = arith.constant 0 : i32
      %sign3A_880 = arith.cmpi slt, %sub3A_873, %sign3A_879 : i32
      %sign3A_881 = arith.extui %sign3A_880 : i1 to i32
      %sign3A_882 = arith.subi %sign3A_878, %sign3A_881 : i32
      %sign3A_883 = arith.constant 0 : i32
      %sign3A_884 = arith.cmpi sgt, %jit3A_874, %sign3A_883 : i32
      %sign3A_885 = arith.extui %sign3A_884 : i1 to i32
      %sign3A_886 = arith.constant 0 : i32
      %sign3A_887 = arith.cmpi slt, %jit3A_874, %sign3A_886 : i32
      %sign3A_888 = arith.extui %sign3A_887 : i1 to i32
      %sign3A_889 = arith.subi %sign3A_885, %sign3A_888 : i32
      %ne3A_890 = arith.cmpi ne, %sign3A_882, %sign3A_889 : i32
      %rem3A_891 = arith.remsi %sub3A_873, %jit3A_874 : i32
      %ne3A_892 = arith.constant 0 : i32
      %ne3A_893 = arith.cmpi ne, %rem3A_891, %ne3A_892 : i32
      %and3A_894 = arith.andi %ne3A_890, %ne3A_893 : i1
      %sub3A_895 = arith.constant 1 : i32
      %sub3A_896 = arith.subi %div3A_875, %sub3A_895 : i32
      %select_n3A_897 = arith.select %and3A_894, %sub3A_896, %div3A_875 : i32
      %while3A_898 = arith.constant 0 : i32
      %while3A_899 = arith.subi %select_n3A_897, %while3A_898 : i32
      %while3A_900 = arith.addi %while3A_898, %while3A_899 : i32
      %while3A_901 = arith.constant 1 : i32
      %while3A_902 = arith.divsi %while3A_899, %while3A_901 : i32
      %while3A_903 = arith.muli %while3A_902, %while3A_901 : i32
      %while3A_904 = arith.addi %while3A_898, %while3A_903 : i32
      %while3A_905 = arith.constant 1 : i32
      %while3A_906:2 = scf.for %while3A_947 = %while3A_898 to %while3A_904 step %while3A_905 iter_args(%while3A_948 = %while3A_799#0, %while3A_949 = %broadcast_in_dim3A_3) -> (i32, vector<16xi32>)  : i32 {
        %mul3A_950 = arith.constant 16 : i32
        %mul3A_951 = arith.muli %while3A_947, %mul3A_950 : i32
        %add3A_952 = vector.broadcast %mul3A_951 : i32 to vector<16xi32>
        %add3A_953 = arith.addi %add3A_952, %iota3A : vector<16xi32>
        %lt3A = vector.broadcast %while3A_799#1 : i32 to vector<16xi32>
        %lt3A_954 = arith.cmpi slt, %add3A_953, %lt3A : vector<16xi32>
        %mul3A_955 = arith.constant 16 : i32
        %mul3A_956 = arith.muli %while3A_947, %mul3A_955 : i32
        %get3A_957 = arith.index_cast %mul3A_956 : i32 to index
        %get3A_958 = tpu.vector_load %arg7[%get3A_957] {strides = array<i32>} : memref<8224xi32, #tpu.memory_space<vmem>>, vector<16xi32>,
        %gather3A_959 = tpu.vector_load_idx %arg4[%get3A_958] masked %lt3A_954 : memref<8192xf32, #tpu.memory_space<vmem>>[vector<16xi32>], vector<16xf32>, vector<16xi1>
        %bitcast_convert_type3A = tpu.bitcast %gather3A_959 : vector<16xf32> -> vector<16xi32>
        %shift_right_arithmetic3A = arith.constant 31 : i32
        %shift_right_arithmetic3A_960 = vector.broadcast %shift_right_arithmetic3A : i32 to vector<16xi32>
        %shift_right_arithmetic3A_961 = arith.shrsi %bitcast_convert_type3A, %shift_right_arithmetic3A_960 : vector<16xi32>
        %and3A_962 = arith.constant 2147483647 : i32
        %and3A_963 = vector.broadcast %and3A_962 : i32 to vector<16xi32>
        %and3A_964 = arith.andi %shift_right_arithmetic3A_961, %and3A_963 : vector<16xi32>
        %xor3A = arith.xori %bitcast_convert_type3A, %and3A_964 : vector<16xi32>
        %and3A_965 = arith.constant 255 : i32
        %and3A_966 = vector.broadcast %and3A_965 : i32 to vector<16xi32>
        %and3A_967 = arith.andi %xor3A, %and3A_966 : vector<16xi32>
        %gt3A_968 = arith.cmpi sgt, %and3A_967, %add3A_858 : vector<16xi32>
        %and3A_969 = arith.andi %lt3A_954, %gt3A_968 : vector<16xi1>
        %swap3A_970 = arith.index_cast %while3A_948 : i32 to index
        %swap3A_971 = tpu.vector_load %arg8[%swap3A_970] masked %and3A_969 {strides = array<i32>} : memref<96xi32, #tpu.memory_space<vmem>>, vector<16xi32>, vector<16xi1>
        tpu.vector_store %arg8[%swap3A_970], %get3A_958 masked %and3A_969 {strides = array<i32>} : memref<96xi32, #tpu.memory_space<vmem>>, vector<16xi32>, vector<16xi1>
        %all_reduce_population_count3A_972 = tpu.all_reduce %and3A_969 {dim = 0 : i64, kind = #tpu.reduction_kind<sum>} : vector<16xi1> -> vector<16xi32>
        %slice3A_973 = vector.extract_strided_slice %all_reduce_population_count3A_972 {offsets = [0], sizes = [1], strides = [1]} : vector<16xi32> to vector<1xi32>
        %squeeze3A_974 = vector.extract %slice3A_973[0] : i32 from vector<1xi32>
        %add3A_975 = arith.addi %while3A_948, %squeeze3A_974 : i32
        %eq3A = arith.cmpi eq, %and3A_967, %add3A_858 : vector<16xi32>
        %and3A_976 = arith.andi %lt3A_954, %eq3A : vector<16xi1>
        %convert_element_type3A = arith.extui %and3A_976 : vector<16xi1> to vector<16xi32>
        %broadcast_in_dim3A_977 = arith.constant true
        %broadcast_in_dim3A_978 = vector.broadcast %broadcast_in_dim3A_977 : i1 to vector<16xi1>
        %masked_cumsum3A_979 = tpu.scan <sum>, %convert_element_type3A masked %broadcast_in_dim3A_978 : vector<16xi32>, vector<16xi1> -> vector<16xi32>
        %add3A_980 = arith.addi %masked_cumsum3A_979, %while3A_949 : vector<16xi32>
        %le3A = arith.cmpi sle, %add3A_980, %sub3A_869 : vector<16xi32>
        %and3A_981 = arith.andi %and3A_976, %le3A : vector<16xi1>
        %swap3A_982 = arith.index_cast %add3A_975 : i32 to index
        %swap3A_983 = tpu.vector_load %arg8[%swap3A_982] masked %and3A_981 {strides = array<i32>} : memref<96xi32, #tpu.memory_space<vmem>>, vector<16xi32>, vector<16xi1>
        tpu.vector_store %arg8[%swap3A_982], %get3A_958 masked %and3A_981 {strides = array<i32>} : memref<96xi32, #tpu.memory_space<vmem>>, vector<16xi32>, vector<16xi1>
        %all_reduce_population_count3A_984 = tpu.all_reduce %and3A_981 {dim = 0 : i64, kind = #tpu.reduction_kind<sum>} : vector<16xi1> -> vector<16xi32>
        %slice3A_985 = vector.extract_strided_slice %all_reduce_population_count3A_984 {offsets = [0], sizes = [1], strides = [1]} : vector<16xi32> to vector<1xi32>
        %squeeze3A_986 = vector.extract %slice3A_985[0] : i32 from vector<1xi32>
        %add3A_987 = arith.addi %add3A_975, %squeeze3A_986 : i32
        %all_reduce_population_count3A_988 = tpu.all_reduce %and3A_976 {dim = 0 : i64, kind = #tpu.reduction_kind<sum>} : vector<16xi1> -> vector<16xi32>
        %add3A_989 = arith.addi %while3A_949, %all_reduce_population_count3A_988 : vector<16xi32>
        scf.yield %add3A_987, %add3A_989 : i32, vector<16xi32>
      }
      %while3A_907 = arith.constant 1 : i32
      %while3A_908:2 = scf.for %while3A_947 = %while3A_904 to %while3A_900 step %while3A_907 iter_args(%while3A_948 = %while3A_906#0, %while3A_949 = %while3A_906#1) -> (i32, vector<16xi32>)  : i32 {
        %mul3A_950 = arith.constant 16 : i32
        %mul3A_951 = arith.muli %while3A_947, %mul3A_950 : i32
        %add3A_952 = vector.broadcast %mul3A_951 : i32 to vector<16xi32>
        %add3A_953 = arith.addi %add3A_952, %iota3A : vector<16xi32>
        %lt3A = vector.broadcast %while3A_799#1 : i32 to vector<16xi32>
        %lt3A_954 = arith.cmpi slt, %add3A_953, %lt3A : vector<16xi32>
        %mul3A_955 = arith.constant 16 : i32
        %mul3A_956 = arith.muli %while3A_947, %mul3A_955 : i32
        %get3A_957 = arith.index_cast %mul3A_956 : i32 to index
        %get3A_958 = tpu.vector_load %arg7[%get3A_957] {strides = array<i32>} : memref<8224xi32, #tpu.memory_space<vmem>>, vector<16xi32>,
        %gather3A_959 = tpu.vector_load_idx %arg4[%get3A_958] masked %lt3A_954 : memref<8192xf32, #tpu.memory_space<vmem>>[vector<16xi32>], vector<16xf32>, vector<16xi1>
        %bitcast_convert_type3A = tpu.bitcast %gather3A_959 : vector<16xf32> -> vector<16xi32>
        %shift_right_arithmetic3A = arith.constant 31 : i32
        %shift_right_arithmetic3A_960 = vector.broadcast %shift_right_arithmetic3A : i32 to vector<16xi32>
        %shift_right_arithmetic3A_961 = arith.shrsi %bitcast_convert_type3A, %shift_right_arithmetic3A_960 : vector<16xi32>
        %and3A_962 = arith.constant 2147483647 : i32
        %and3A_963 = vector.broadcast %and3A_962 : i32 to vector<16xi32>
        %and3A_964 = arith.andi %shift_right_arithmetic3A_961, %and3A_963 : vector<16xi32>
        %xor3A = arith.xori %bitcast_convert_type3A, %and3A_964 : vector<16xi32>
        %and3A_965 = arith.constant 255 : i32
        %and3A_966 = vector.broadcast %and3A_965 : i32 to vector<16xi32>
        %and3A_967 = arith.andi %xor3A, %and3A_966 : vector<16xi32>
        %gt3A_968 = arith.cmpi sgt, %and3A_967, %add3A_858 : vector<16xi32>
        %and3A_969 = arith.andi %lt3A_954, %gt3A_968 : vector<16xi1>
        %swap3A_970 = arith.index_cast %while3A_948 : i32 to index
        %swap3A_971 = tpu.vector_load %arg8[%swap3A_970] masked %and3A_969 {strides = array<i32>} : memref<96xi32, #tpu.memory_space<vmem>>, vector<16xi32>, vector<16xi1>
        tpu.vector_store %arg8[%swap3A_970], %get3A_958 masked %and3A_969 {strides = array<i32>} : memref<96xi32, #tpu.memory_space<vmem>>, vector<16xi32>, vector<16xi1>
        %all_reduce_population_count3A_972 = tpu.all_reduce %and3A_969 {dim = 0 : i64, kind = #tpu.reduction_kind<sum>} : vector<16xi1> -> vector<16xi32>
        %slice3A_973 = vector.extract_strided_slice %all_reduce_population_count3A_972 {offsets = [0], sizes = [1], strides = [1]} : vector<16xi32> to vector<1xi32>
        %squeeze3A_974 = vector.extract %slice3A_973[0] : i32 from vector<1xi32>
        %add3A_975 = arith.addi %while3A_948, %squeeze3A_974 : i32
        %eq3A = arith.cmpi eq, %and3A_967, %add3A_858 : vector<16xi32>
        %and3A_976 = arith.andi %lt3A_954, %eq3A : vector<16xi1>
        %convert_element_type3A = arith.extui %and3A_976 : vector<16xi1> to vector<16xi32>
        %broadcast_in_dim3A_977 = arith.constant true
        %broadcast_in_dim3A_978 = vector.broadcast %broadcast_in_dim3A_977 : i1 to vector<16xi1>
        %masked_cumsum3A_979 = tpu.scan <sum>, %convert_element_type3A masked %broadcast_in_dim3A_978 : vector<16xi32>, vector<16xi1> -> vector<16xi32>
        %add3A_980 = arith.addi %masked_cumsum3A_979, %while3A_949 : vector<16xi32>
        %le3A = arith.cmpi sle, %add3A_980, %sub3A_869 : vector<16xi32>
        %and3A_981 = arith.andi %and3A_976, %le3A : vector<16xi1>
        %swap3A_982 = arith.index_cast %add3A_975 : i32 to index
        %swap3A_983 = tpu.vector_load %arg8[%swap3A_982] masked %and3A_981 {strides = array<i32>} : memref<96xi32, #tpu.memory_space<vmem>>, vector<16xi32>, vector<16xi1>
        tpu.vector_store %arg8[%swap3A_982], %get3A_958 masked %and3A_981 {strides = array<i32>} : memref<96xi32, #tpu.memory_space<vmem>>, vector<16xi32>, vector<16xi1>
        %all_reduce_population_count3A_984 = tpu.all_reduce %and3A_981 {dim = 0 : i64, kind = #tpu.reduction_kind<sum>} : vector<16xi1> -> vector<16xi32>
        %slice3A_985 = vector.extract_strided_slice %all_reduce_population_count3A_984 {offsets = [0], sizes = [1], strides = [1]} : vector<16xi32> to vector<1xi32>
        %squeeze3A_986 = vector.extract %slice3A_985[0] : i32 from vector<1xi32>
        %add3A_987 = arith.addi %add3A_975, %squeeze3A_986 : i32
        %all_reduce_population_count3A_988 = tpu.all_reduce %and3A_976 {dim = 0 : i64, kind = #tpu.reduction_kind<sum>} : vector<16xi1> -> vector<16xi32>
        %add3A_989 = arith.addi %while3A_949, %all_reduce_population_count3A_988 : vector<16xi32>
        scf.yield %add3A_987, %add3A_989 : i32, vector<16xi32>
      }
      %get3A_909 = arith.constant 0 : index
      %get3A_910 = tpu.vector_load %arg8[%get3A_909] {strides = array<i32>} : memref<96xi32, #tpu.memory_space<vmem>>, vector<16xi32>,
      %get3A_911 = arith.constant 16 : index
      %get3A_912 = tpu.vector_load %arg8[%get3A_911] {strides = array<i32>} : memref<96xi32, #tpu.memory_space<vmem>>, vector<16xi32>,
      %get3A_913 = arith.constant 32 : index
      %get3A_914 = tpu.vector_load %arg8[%get3A_913] {strides = array<i32>} : memref<96xi32, #tpu.memory_space<vmem>>, vector<16xi32>,
      %get3A_915 = arith.constant 48 : index
      %get3A_916 = tpu.vector_load %arg8[%get3A_915] {strides = array<i32>} : memref<96xi32, #tpu.memory_space<vmem>>, vector<16xi32>,
      %gather3A = tpu.vector_load_idx %arg4[%get3A_910] : memref<8192xf32, #tpu.memory_space<vmem>>[vector<16xi32>], vector<16xf32>,
      %sub3A_917 = vector.broadcast %reduce_max3A_48 : f32 to vector<16xf32>
      %sub3A_918 = arith.subf %gather3A, %sub3A_917 : vector<16xf32>
      %exp3A = math.exp %sub3A_918 : vector<16xf32>
      %gather3A_919 = tpu.vector_load_idx %arg4[%get3A_912] : memref<8192xf32, #tpu.memory_space<vmem>>[vector<16xi32>], vector<16xf32>,
      %sub3A_920 = vector.broadcast %reduce_max3A_48 : f32 to vector<16xf32>
      %sub3A_921 = arith.subf %gather3A_919, %sub3A_920 : vector<16xf32>
      %exp3A_922 = math.exp %sub3A_921 : vector<16xf32>
      %gather3A_923 = tpu.vector_load_idx %arg4[%get3A_914] : memref<8192xf32, #tpu.memory_space<vmem>>[vector<16xi32>], vector<16xf32>,
      %sub3A_924 = vector.broadcast %reduce_max3A_48 : f32 to vector<16xf32>
      %sub3A_925 = arith.subf %gather3A_923, %sub3A_924 : vector<16xf32>
      %exp3A_926 = math.exp %sub3A_925 : vector<16xf32>
      %gather3A_927 = tpu.vector_load_idx %arg4[%get3A_916] : memref<8192xf32, #tpu.memory_space<vmem>>[vector<16xi32>], vector<16xf32>,
      %sub3A_928 = vector.broadcast %reduce_max3A_48 : f32 to vector<16xf32>
      %sub3A_929 = arith.subf %gather3A_927, %sub3A_928 : vector<16xf32>
      %exp3A_930 = math.exp %sub3A_929 : vector<16xf32>
      %add3A_931 = arith.addf %exp3A, %exp3A_922 : vector<16xf32>
      %add3A_932 = arith.addf %exp3A_926, %exp3A_930 : vector<16xf32>
      %add3A_933 = arith.addf %add3A_931, %add3A_932 : vector<16xf32>
      %reduce_sum3A_934 = arith.constant true
      %reduce_sum3A_935 = vector.broadcast %reduce_sum3A_934 : i1 to vector<16xi1>
      %reduce_sum3A_936 = tpu.scan <sum>, %add3A_933 masked %reduce_sum3A_935 : vector<16xf32>, vector<16xi1> -> vector<16xf32>
      %reduce_sum3A_937 = vector.extract %reduce_sum3A_936[15] : f32 from vector<16xf32>
      %broadcast_in_dim3A_938 = arith.constant 1.000000e+00 : f32
      %broadcast_in_dim3A_939 = vector.broadcast %broadcast_in_dim3A_938 : f32 to vector<16xf32>
      %broadcast_in_dim3A_940 = vector.broadcast %reduce_sum3A_937 : f32 to vector<16xf32>
      %div3A_941 = arith.divf %broadcast_in_dim3A_939, %broadcast_in_dim3A_940 : vector<16xf32>
      %mul3A_942 = arith.mulf %exp3A, %div3A_941 : vector<16xf32>
      tpu.vector_store_idx %arg5[%get3A_910], %mul3A_942 : memref<8192xf32, #tpu.memory_space<vmem>>[vector<16xi32>], vector<16xf32>,
      %mul3A_943 = arith.mulf %exp3A_922, %div3A_941 : vector<16xf32>
      tpu.vector_store_idx %arg5[%get3A_912], %mul3A_943 : memref<8192xf32, #tpu.memory_space<vmem>>[vector<16xi32>], vector<16xf32>,
      %mul3A_944 = arith.mulf %exp3A_926, %div3A_941 : vector<16xf32>
      tpu.vector_store_idx %arg5[%get3A_914], %mul3A_944 : memref<8192xf32, #tpu.memory_space<vmem>>[vector<16xi32>], vector<16xf32>,
      %mul3A_945 = arith.mulf %exp3A_930, %div3A_941 : vector<16xf32>
      tpu.vector_store_idx %arg5[%get3A_916], %mul3A_945 : memref<8192xf32, #tpu.memory_space<vmem>>[vector<16xi32>], vector<16xf32>,
      "tpu.region"() ({
        %run_scoped3A = tpu.sem_alloc : memref<!tpu.dma_semaphore, #tpu.memory_space<semaphore_mem>>
        %dma_start3A = arith.constant 0 : i32
        %dma_start3A_947 = tpu.memref_slice %arg3[%add3A_23, %dma_start3A] : memref<128x8192xf32, #tpu.memory_space<hbm>> -> memref<1x8192xf32, #tpu.memory_space<hbm>>
        %dma_start3A_948 = tpu.memref_squeeze %dma_start3A_947 : memref<1x8192xf32, #tpu.memory_space<hbm>> -> memref<8192xf32, #tpu.memory_space<hbm>>
        %dma_start3A_949 = arith.constant 0 : i32
        %dma_start3A_950 = tpu.memref_slice %arg3[%add3A_23, %dma_start3A_949] : memref<128x8192xf32, #tpu.memory_space<hbm>> -> memref<1x8192xf32, #tpu.memory_space<hbm>>
        %dma_start3A_951 = tpu.memref_squeeze %dma_start3A_950 : memref<1x8192xf32, #tpu.memory_space<hbm>> -> memref<8192xf32, #tpu.memory_space<hbm>>
        tpu.enqueue_dma source(%arg5 : memref<8192xf32, #tpu.memory_space<vmem>>) target(%dma_start3A_951 : memref<8192xf32, #tpu.memory_space<hbm>>) target_semaphore(%run_scoped3A : memref<!tpu.dma_semaphore, #tpu.memory_space<semaphore_mem>>)
        %dma_wait3A = arith.constant 0 : i32
        %dma_wait3A_952 = tpu.memref_slice %arg3[%add3A_23, %dma_wait3A] : memref<128x8192xf32, #tpu.memory_space<hbm>> -> memref<1x8192xf32, #tpu.memory_space<hbm>>
        %dma_wait3A_953 = tpu.memref_squeeze %dma_wait3A_952 : memref<1x8192xf32, #tpu.memory_space<hbm>> -> memref<8192xf32, #tpu.memory_space<hbm>>
        %dma_wait3A_954 = arith.constant 0 : i32
        %dma_wait3A_955 = tpu.memref_slice %arg3[%add3A_23, %dma_wait3A_954] : memref<128x8192xf32, #tpu.memory_space<hbm>> -> memref<1x8192xf32, #tpu.memory_space<hbm>>
        %dma_wait3A_956 = tpu.memref_squeeze %dma_wait3A_955 : memref<1x8192xf32, #tpu.memory_space<hbm>> -> memref<8192xf32, #tpu.memory_space<hbm>>
        tpu.wait_dma2 semaphore(%run_scoped3A : memref<!tpu.dma_semaphore, #tpu.memory_space<semaphore_mem>>) src(%arg5 : memref<8192xf32, #tpu.memory_space<vmem>>) dst(%dma_wait3A_956 : memref<8192xf32, #tpu.memory_space<hbm>>)
        tpu.yield
      }) : () -> ()
      tpu.vector_store_idx %arg5[%get3A_910], %broadcast_in_dim3A_5 : memref<8192xf32, #tpu.memory_space<vmem>>[vector<16xi32>], vector<16xf32>,
      tpu.vector_store_idx %arg5[%get3A_912], %broadcast_in_dim3A_5 : memref<8192xf32, #tpu.memory_space<vmem>>[vector<16xi32>], vector<16xf32>,
      tpu.vector_store_idx %arg5[%get3A_914], %broadcast_in_dim3A_5 : memref<8192xf32, #tpu.memory_space<vmem>>[vector<16xi32>], vector<16xf32>,
      tpu.vector_store_idx %arg5[%get3A_916], %broadcast_in_dim3A_5 : memref<8192xf32, #tpu.memory_space<vmem>>[vector<16xi32>], vector<16xf32>,
      %scan3A_946 = arith.constant 0 : i32
      scf.yield %scan3A_946 : i32
    }
    %scan3A_18 = arith.constant 4 : i32
    return
  }
}

</mosaic_0001>

<sc_bundles>
// kernel: kernel.3.cloned.1.call-start
scs
__scs_entry_jumppad:
0x0: {  	(pc) =	sbr.rel $0x88, $3  }
0x1: {  	(tag) =	ssettag $0x0;
	lr =	simm.s32 $0x1  }
0x2: {  	[smem:$0x3FA0] =	sst lr;
	_ =	strace $0xD0000000  }
0x3: {  	_ = 	snop  }
0x4: {  	_ = 	snop  }
0x5: {  	_ = 	snop  }
0x6: {  	_ = 	snop  }
0x7: {  	_ = 	snop  }
__scs_overlays_trampoline_lowered:
0x8: {  	[smem:$0x3FAF] =	sst s0  }
0x9: {  	[smem:$0x3FB0] =	sst s1  }
0xa: {  	[smem:$0x3FB1] =	sst s2  }
0xb: {  	[smem:$0x3FB2] =	sst s3  }
0xc: {  	[smem:$0x3FB3] =	sst s4  }
0xd: {  	[smem:$0x3FB4] =	sst s5  }
0xe: {  	[smem:$0x3FB5] =	sst s6  }
0xf: {  	[smem:$0x3FB6] =	sst s7  }
0x10: {  	[smem:$0x3FB7] =	sst s8  }
0x11: {  	[smem:$0x3FB8] =	sst s9;
	s0 =	simm.s32 @!p0 $0x0  }
0x12: {  	s1 =	sld [smem:$0x3F9E];
	s0 =	simm.s32 @p0 $0x1  }
0x13: {  	[smem:$0x3FB9] =	sst s0;
	s0 =	simm.s32 @!p1 $0x0  }
0x14: {  	s2 =	sld [smem:$0x3F9D];
	s0 =	simm.s32 @p1 $0x1  }
0x15: {  	[smem:$0x3FBA] =	sst s0;
	s0 =	simm.s32 @!p2 $0x0  }
0x16: {  	s3 =	sld [smem:$0x3FDB];
	s0 =	simm.s32 @p2 $0x1  }
0x17: {  	s4 =	simm.s32 $0x1BF5;
	[smem:$0x3FBC] =	sst s0  }
0x18: {  	s0 =	sld [smem:$0x3F9F];
	_ =	swait.ge [sflag:s4], $0x0  }
0x19: {  	s7 =	sld [smem:$0x3FA0]  }
0x1a: {  	s8 =	sadd.s32 $0xFFFFE003, lr  }
0x1b: {  	s9 =	sadd.s32 $0xFFFFFEF7, lr;
	s5 =	simm.s32 $0xFFFFFFFF;
	p2 =	slt.u32 s8, $0xFFFFF086  }
0x1c: {  	p1 =	slt.u32 s9, $0xF7A;
	s5 =	simm.s32 @!p2 $0x0  }
0x1d: {  	s5 =	simm.s32 @p1 $0x1;
	p0 =	seq.s32 s7, s2  }
0x1e: {  	s7 =	smul.u32 @!p0 $0xF7A, s2;
	p2 =	seq.s32 @!p0 s5, $0x0  }
0x1f: {  	s9 =	smul.u32 $0xF7A, s1;
	s8 =	simm.s32 @!p0 $0x1BF5;
	p2 =	por !p2, p0  }
0x20: {  	[sflag:s8] =	ssyncset.s32 @!p0 $0xFFFFF086;
	s6 =	sadd.s32 @!p0 s3, s7;
	s7 =	simm.s32 @!p0 $0x108  }
0x21: {  	s3 =	sadd.s32 s3, s9;
	s6 =	sadd.s32 @!p0 $0x88, s6;
	s7 =	simm.s32 @p2 $0x1082  }
0x22: {  	[simem:s7], [sflag:s8] =	dma.local @!p0 [hbm:s6], $0xF7A  }
0x23: {  	s9 =	sor.u32 $0xD0000000, s2;
	s6 =	simm.s32 $0x108;
	_ =	swait.ge @!p0 [sflag:s8], $0x0  }
0x24: {  	s3 =	sadd.s32 $0x88, s3;
	s6 =	simm.s32 @!p1 $0x1082;
	[sflag:s4] =	ssyncset.s32 $0xFFFFF086  }
0x25: {  	[simem:s6], [sflag:s4] =	dma.local [hbm:s3], $0xF7A  }
0x26: {  	[smem:$0x3FA0] =	sst s1;
	(tag) =	ssettag s2;
	_ =	strace s9  }
0x27: {  	s1 =	sld [smem:$0x3FB0]  }
0x28: {  	s2 =	sld [smem:$0x3FB1]  }
0x29: {  	s4 =	sld [smem:$0x3FB3]  }
0x2a: {  	p0 =	seq.s32 s5, $0x0;
	s5 =	sld [smem:$0x3FB4]  }
0x2b: {  	s6 =	sld [smem:$0x3FB5]  }
0x2c: {  	s7 =	sld [smem:$0x3FB6]  }
0x2d: {  	s3 =	simm.s32 $0x108;
	s8 =	sld [smem:$0x3FB7]  }
0x2e: {  	s3 =	simm.s32 @!p0 $0x1082;
	s9 =	sld [smem:$0x3FB8]  }
0x2f: {  	lr =	sadd.s32 s0, s3;
	s0 =	sld [smem:$0x3FAF]  }
0x30: {  	s3 =	sld [smem:$0x3FB2]  }
0x31: {  	[smem:$0x3FBB] =	sst s10  }
0x32: {  	s10 =	sld [smem:$0x3FB9];
	_ =	sdelay $0x3  }
0x33: {  	p0 =	seq.s32 s10, $0x1;
	s10 =	sld [smem:$0x3FBB];
	_ =	sdelay $0x3  }
0x34: {  	[smem:$0x3FBB] =	sst s10  }
0x35: {  	s10 =	sld [smem:$0x3FBA];
	_ =	sdelay $0x3  }
0x36: {  	p1 =	seq.s32 s10, $0x1;
	s10 =	sld [smem:$0x3FBB];
	_ =	sdelay $0x3  }
0x37: {  	[smem:$0x3FBB] =	sst s10  }
0x38: {  	s10 =	sld [smem:$0x3FBC]  }
0x39: {  	_ = 	snop;
	(pc) =	sbr.ind lr, $3  }
0x3a: {  	_ = 	snop  }
0x3b: {  	_ = 	snop  }
0x3c: {  	p2 =	seq.s32 s10, $0x1;
	s10 =	sld [smem:$0x3FBB]  }
0x3d: {  	_ =	shalt  }
0x3e: {  	_ =	shalt  }
0x3f: {  	_ =	shalt  }
0x40: {  	_ =	shalt  }
0x41: {  	_ =	shalt  }
0x42: {  	_ =	shalt  }
0x43: {  	_ =	shalt  }
0x44: {  	_ =	shalt  }
0x45: {  	_ =	shalt  }
0x46: {  	_ =	shalt  }
0x47: {  	_ =	shalt  }
0x48: {  	_ =	shalt  }
0x49: {  	_ =	shalt  }
0x4a: {  	_ =	shalt  }
0x4b: {  	_ =	shalt  }
0x4c: {  	_ =	shalt  }
0x4d: {  	_ =	shalt  }
0x4e: {  	_ =	shalt  }
0x4f: {  	_ =	shalt  }
0x50: {  	_ =	shalt  }
0x51: {  	_ =	shalt  }
0x52: {  	_ =	shalt  }
0x53: {  	_ =	shalt  }
0x54: {  	_ =	shalt  }
0x55: {  	_ =	shalt  }
0x56: {  	_ =	shalt  }
0x57: {  	_ =	shalt  }
0x58: {  	_ =	shalt  }
0x59: {  	_ =	shalt  }
0x5a: {  	_ =	shalt  }
0x5b: {  	_ =	shalt  }
0x5c: {  	_ =	shalt  }
0x5d: {  	_ =	shalt  }
0x5e: {  	_ =	shalt  }
0x5f: {  	_ =	shalt  }
0x60: {  	_ =	shalt  }
0x61: {  	_ =	shalt  }
0x62: {  	_ =	shalt  }
0x63: {  	_ =	shalt  }
0x64: {  	_ =	shalt  }
0x65: {  	_ =	shalt  }
0x66: {  	_ =	shalt  }
0x67: {  	_ =	shalt  }
0x68: {  	_ =	shalt  }
0x69: {  	_ =	shalt  }
0x6a: {  	_ =	shalt  }
0x6b: {  	_ =	shalt  }
0x6c: {  	_ =	shalt  }
0x6d: {  	_ =	shalt  }
0x6e: {  	_ =	shalt  }
0x6f: {  	_ =	shalt  }
0x70: {  	_ =	shalt  }
0x71: {  	_ =	shalt  }
0x72: {  	_ =	shalt  }
0x73: {  	_ =	shalt  }
0x74: {  	_ =	shalt  }
0x75: {  	_ =	shalt  }
0x76: {  	_ =	shalt  }
0x77: {  	_ =	shalt  }
0x78: {  	_ =	shalt  }
0x79: {  	_ =	shalt  }
0x7a: {  	_ =	shalt  }
0x7b: {  	_ =	shalt  }
0x7c: {  	_ =	shalt  }
0x7d: {  	_ =	shalt  }
0x7e: {  	_ =	shalt  }
0x7f: {  	_ =	shalt  }
0x80: {  	_ =	shalt  }
0x81: {  	_ =	shalt  }
0x82: {  	_ =	shalt  }
0x83: {  	_ =	shalt  }
0x84: {  	_ =	shalt  }
0x85: {  	_ =	shalt  }
0x86: {  	_ =	shalt  }
0x87: {  	_ =	shalt  }
.Lfunc_end0:
.L_simem_size_0:
called_computation_lowered:
.L_overlay_start_0:
0x88: {  	s2 =	sld [smem:$0x3FD9]  }
0x89: {  	s3 =	sld [smem:$0x3FFE];
	_ =	sdelay $0x1  }
0x8a: {  	s1 =	srdreg.scid  }
0x8b: {  	s0 =	sand.u32 $0x1, s1  }
0x8c: {  	s18 =	sshll.u32 s0, $0xA;
	s2 =	sadd.s32 s3, s2  }
0x8d: {  	s2 =	sadd.s32 s2, s18  }
0x8e: {  	[smem:$0x3FC7] =	sst s2  }
0x8f: {  	_ = 	snop  }
0x90: {  	s2 =	sld [smem:$0x3FC9]  }
0x91: {  	s19 =	sld [smem:$0x3FD0];
	(tm) =	ssettm $0x1  }
0x92: {  	s4 =	sld [smem:$0x3FFB];
	_ =	sdelay $0x3  }
0x93: {  	_ =	strace s4  }
0x94: {  	s4 =	sld [smem:$0x3FFC];
	_ =	sdelay $0x3  }
0x95: {  	_ =	strace s4  }
0x96: {  	s4 =	sld [smem:$0x3FFD];
	_ =	sdelay $0x3  }
0x97: {  	_ =	strace s4  }
0x98: {  	_ =	strace $0x8FFFFFFF  }
0x99: {  	s20 =	sld [smem:$0x3FDB];
	_ =	sdelay $0x1  }
0x9a: {  	s5 =	simm.s32 $_scs_section_size  }
0x9b: {  	s6 =	simm.s32 $_size__tile_overlayer_lowered;
	s7 =	simm.s32 $_tile_overlayer_lowered  }
0x9c: {  	s23 =	simm.s32 $0x1BFF;
	s22 =	sshll.u32 s7, $0x1;
	s4 =	sadd.s32 s5, s20  }
0x9d: {  	s8 =	simm.s32 $0x0;
	s21 =	sshll.u32 s6, $0x1;
	s6 =	sadd.s32 s22, s4  }
0x9e: {  	[timem:s8], [sflag:s23] =	dma.local [hbm:s6], s21  }
0x9f: {  	_ =	swait.ge [sflag:s23], s21  }
0xa0: {  	s5 =	ssub.s32 $0x0, s21;
	[sflag:s23] =	ssyncset.done $0x0  }
0xa1: {  	[sflag:s23] =	ssyncadd.s32 s5;
	_ =	sdelay $0x1  }
0xa2: {  	s24 =	simm.s32 $0x1B8B  }
0xa3: {  	_ =	swait.ge [sflag:s24], $0x1  }
0xa4: {  	[sflag:s24] =	ssyncset.done $0x0  }
0xa5: {  	s25 =	simm.s32 $0x1B8E;
	[sflag:s24] =	ssyncadd.s32 $0xFFFFFFFF  }
0xa6: {  	s26 =	simm.s32 $execute0_lowered;
	[smem:$0x3FD2] =	sst s25  }
0xa7: {  	s5 =	sshll.u32 s26, $0x1;
	_ =	strace $0x80000046;
	[dreg:$0x1] =	wrdreg $0xFFFFFFFF  }
0xa8: {  	s28 =	simm.s32 $_size_execute0_lowered;
	s4 =	sadd.s32 s4, s5;
	[dreg:$0x0] =	wrdreg $0x0  }
0xa9: {  	s5 =	sshll.u32 s28, $0x1;
	[dreg:$0x2] =	wrdreg s4  }
0xaa: {  	[dreg:$0x3] =	wrdreg s5  }
0xab: {  	[dreg:$0x4] =	wrdreg $0xC0  }
0xac: {  	_ =	task [dreg:s8], $0x5FFFF  }
0xad: {  	[dreg:$0x1] =	wrdreg $0xFFFFFFFF  }
0xae: {  	[dreg:$0x0] =	wrdreg $0x60  }
0xaf: {  	[dreg:$0x2] =	wrdreg s2  }
0xb0: {  	[dreg:$0x3] =	wrdreg s19  }
0xb1: {  	[dreg:$0x4] =	wrdreg $0x9  }
0xb2: {  	_ =	task.clear_ibuf [dreg:s8], $0x5FFFF;
	_ =	strace $0x90000046  }
0xb3: {  	s29 =	simm.s32 $0x9;
	_ =	strace $0x80000048  }
0xb4: {  	_ =	swait.ge [sflag:s29], $0x1  }
0xb5: {  	[sflag:s29] =	ssyncadd.s32 $0xFFFFFFFF  }
0xb6: {  	_ =	strace $0x90000048  }
0xb7: {  	_ =	sfence  }
0xb8: {  	s30 =	sld [smem:$0x0];
	_ =	sdelay $0x2  }
0xb9: {  	s31 =	sshll.u32 s1, $0xD;
	s1 =	sshrl.u32 s1, $0x2  }
0xba: {  	s3 =	sand.u32 $0x4000, s31;
	s1 =	sadd.s32 s1, s30  }
0xbb: {  	s0 =	sor.u32 s3, s0;
	s1 =	sshll.u32 s1, $0x11  }
0xbc: {  	s0 =	sor.u32 s1, s0  }
0xbd: {  	s0 =	sadd.s32 $0x8F2B, s0  }
0xbe: {  	[sflag:s0] =	ssyncadd.remote.s32 $0x1  }
0xbf: {  	_ =	sfence.sel $0xFFFF  }
0xc0: {  	[dreg:$0x0] =	wrdreg $0xFFFFFFFF;
	(pc) =	sbr.abs _section_cstart, $3  }
0xc1: {  	[dreg:$0x1] =	wrdreg $0xFFFFFFFF  }
0xc2: {  	_ =	task.clear_ibuf [dreg:s8], $0x2FFFF;
	_ =	strace $0x9FFFFFFF  }
0xc3: {  	(tm) =	ssettm $0x7FFFFFFF  }
tec
execute0_lowered:
.L_overlay_start_1:
0x0: {  	(tag) =	ssettag $0x1  }
0x1: {  	s1 =	rddreg [dreg:$0x0]  }
0x2: {  	s2 =	rddreg [dreg:$0x1];
	s4 =	srdreg.scid  }
0x3: {  	s0 =	rddreg [dreg:$0x2];
	s3 =	simm.s32 $0x0;
	s8 =	simm.s32 $0x400  }
0x4: {  	s9 =	simm.s32 $0x1;
	s10 =	simm.s32 $0x8180;
	s11 =	simm.s32 $0x8280  }
.Ltmp0:
0x5: {  	s12 =	simm.s32 $0x2000;
	s5 =	sand.u32 $0x1, s4;
	(pc) =	sbr.rel .LBB2_1-.Ltmp0, $4  }
0x6: {  	v0 =	vlaneseq.u32;
	s13 =	simm.s32 $0x0;
	[smem:$0x7FF] =	sst s3;
	s6 =	ssub.s32 $0x2, s5  }
0x7: {  	s4 =	stileid.u32;
	v4 =	vmul.u32 $0xFFFFFFFF, v0;
	_ =	strace $0x80000047;
	s7 =	sshrl.u32 s6, $0x1  }
0x8: {  	v1 =	vimm.f32 $0.0e+00;
	s31 =	sshll.u32 s4, $0xD;
	s5 =	sshll.u32 s5, $0x6;
	s6 =	ssub.s32 s6, s7  }
0x9: {  	v2 =	vimm.s32 $0x0;
	v3 =	vimm.s32 $0x1;
	s5 =	sor.u32 s31, s5;
	v4 =	vadd.s32 $0xF, v4;
	s7 =	simm.s32 $0x80;
	s6 =	smax.u32 s6, $0x1  }
.LBB2_67:
0xa: {  	s13 =	sadd.s32 $0x1, s13  }
0xb: {  	p0 =	sne.s32 s13, s6  }
.Ltmp1:
0xc: {  	_ = 	snop;
	(pc) =	sbr.rel @!p0 .LBB2_68-.Ltmp1, $1  }
0xd: {  	_ =	sdelay $0x3  }
.LBB2_1:
0xe: {  	s14 =	simm.s32 $0x40;
	s15 =	simm.s32 $0x0  }
.LBB2_2:
0xf: {  	p0 =	sne.s32 s14, $0x7FC0;
	[tilespmem:s15+$0x2000] =	vst v1;
	s15 =	smov.u32 s14;
	s14 =	sadd.s32 $0x40, s14  }
.Ltmp2:
0x10: {  	(pc) =	sbr.rel @p0 .LBB2_2-.Ltmp2, $2  }
0x11: {  	_ =	sdelay $0x2  }
0x12: {  	s15 =	sshra.s32 s15, $0x2  }
.Ltmp3:
0x13: {  	(pc) =	sbr.rel .LBB2_4-.Ltmp3, $2  }
0x14: {  	_ =	sdelay $0x2  }
0x15: {  	[tilespmem:s15+$0x2000] =	vst v1;
	s14 =	simm.s32 $0x0;
	s15 =	simm.s32 $0x0  }
.LBB2_60:
0x16: {  	s23 =	smov.u32 s17;
	s20 =	simm.s32 $0x6080;
	s21 =	simm.s32 $0x0  }
.LBB2_65:
0x17: {  	_ =	sdelay $0x2  }
0x18: {  	v11, _, _ =	vpop @p0 (xrf0)  }
0x19: {  	v11 =	vadd.s32 @p0 v12, v11  }
0x1a: {  	vm2 =	vle.s32 @p0 v11, v6;
	s22 =	spop @p0 (v2sf)  }
0x1b: {  	[tilespmem:s23+$0x8100] =	vst.msk @p0 vm0, v10;
	s20 =	sadd.s32 @p0 $0x10, s20;
	s22 =	sadd.s32 @p0 s23, s22;
	vm0 =	vmand @p0 vm1, vm2  }
0x1c: {  	s19 =	smov.u32 @p0 s20;
	s20 =	sadd.s32 @p0 $0x10, s21;
	[tilespmem:s22+$0x8100] =	vst.msk @p0 vm0, v10  }
0x1d: {  	s18 =	smov.u32 @p0 s20;
	v10 =	vld [tilespmem:s19+$0x0]  }
0x1e: {  	v60 =	vor.u32 s18, v0  }
0x1f: {  	vm12 =	vlt.s32 v60, v9;
	_ =	sdelay $0x5  }
0x20: {  	v9 =	vld.idx.msk [tilespmem:v10+s3+$0x0], vm12;
	_ =	sdelay $0x4  }
0x21: {  	v61 =	vshra.s32 v9, $0x1F  }
0x22: {  	v9 =	vxor.u32 v9, v61  }
0x23: {  	v9 =	vand.u32 $0xFF, v9  }
0x24: {  	vm13 =	veq.s32 v9, v7  }
0x25: {  	vm2 =	vmand vm12, vm13  }
0x26: {  	v62 =	vsel vm2, $0x1, v2  }
0x27: {  	(xrf0) =	vadd.scan.msk.s32 $0xffff, v62;
	_ =	sdelay $0x5  }
0x28: {  	v11 =	vmpcnt.ones.xlane @p0 vm0;
	vm14 =	vgt.s32 v9, v7;
	v7, _, _ =	vpop (xrf0)  }
0x29: {  	vm0 =	vmand vm12, vm14;
	v7 =	vadd.s32 v8, v7  }
0x2a: {  	(v2sf) =	vpush @p0 v11, $0x0;
	v63 =	vmpcnt.ones.xlane vm0;
	vm15 =	vle.s32 v7, v6  }
0x2b: {  	vm1 =	vmand vm2, vm15  }
0x2c: {  	(v2sf) =	vpush v63, $0x0;
	v6 =	vmpcnt.ones.xlane vm1;
	_ =	sdelay $0x1  }
0x2d: {  	(v2sf) =	vpush v6, $0x0;
	_ =	sdelay $0xa  }
0x2e: {  	s18 =	spop @p0 (v2sf)  }
0x2f: {  	s18 =	sadd.s32 @p0 s22, s18  }
0x30: {  	s17 =	smov.u32 @p0 s18;
	s30 =	spop (v2sf)  }
0x31: {  	[tilespmem:s17+$0x8100] =	vst.msk vm0, v10;
	s17 =	sadd.s32 s17, s30  }
0x32: {  	[tilespmem:s17+$0x8100] =	vst.msk vm1, v10;
	s31 =	spop (v2sf)  }
.LBB2_66:
0x33: {  	v6 =	vld [tilespmem:$0x8100]  }
0x34: {  	v7 =	vld [tilespmem:$0x8110]  }
0x35: {  	v8 =	vld [tilespmem:$0x8120]  }
0x36: {  	v9 =	vld [tilespmem:$0x8130];
	_ =	sdelay $0x4  }
0x37: {  	v10 =	vld.idx.msk [tilespmem:v6+s3+$0x0], $0xffff  }
0x38: {  	v11 =	vld.idx.msk [tilespmem:v7+s3+$0x0], $0xffff  }
0x39: {  	v12 =	vld.idx.msk [tilespmem:v8+s3+$0x0], $0xffff  }
0x3a: {  	v5 =	vbroadcast v5, $0xF;
	v13 =	vld.idx.msk [tilespmem:v9+s3+$0x0], $0xffff;
	_ =	sdelay $0x1  }
0x3b: {  	v10 =	vsub.f32 v10, v5  }
0x3c: {  	v11 =	vsub.f32 v11, v5  }
0x3d: {  	v12 =	vsub.f32 v12, v5;
	v10 =	vmul.f32 $1.442695020e+00, v10  }
0x3e: {  	v5 =	vsub.f32 v13, v5;
	v11 =	vmul.f32 $1.442695020e+00, v11  }
0x3f: {  	v58 =	vmul.f32 $1.442695020e+00, v12;
	(erf) = vpow2.f32 v10  }
0x40: {  	v5 =	vmul.f32 $1.442695020e+00, v5;
	(erf) = vpow2.f32 v11  }
0x41: {  	(erf) = vpow2.f32 v58  }
0x42: {  	(erf) = vpow2.f32 v5;
	_ =	sdelay $0x5  }
0x43: {  	v5 =	vpop (erf)  }
0x44: {  	v59 =	vpop (erf)  }
0x45: {  	v60 =	vpop (erf)  }
0x46: {  	v61 =	vpop (erf)  }
0x47: {  	v62 =	vadd.f32 v59, v5;
	v14 =	vadd.f32 v61, v60;
	_ =	sdelay $0x1  }
0x48: {  	v13 =	vadd.f32 v14, v62;
	_ =	sdelay $0x1  }
0x49: {  	(xrf2) =	vadd.scan.msk.f32 $0xffff, v13;
	_ =	sdelay $0x9  }
0x4a: {  	v13, _, _ =	vpop (xrf2)  }
0x4b: {  	v13 =	vbroadcast v13, $0xF;
	_ =	sdelay $0x1  }
0x4c: {  	(erf) = vrcp.f32 v13;
	_ =	sdelay $0x8  }
0x4d: {  	v13 =	vpop (erf)  }
0x4e: {  	v5 =	vmul.f32 v13, v5  }
0x4f: {  	v10 =	vmul.f32 v13, v59  }
0x50: {  	[tilespmem:v6+s12+$0x0] =	vst.idx.msk $0xffff, v5;
	v5 =	vmul.f32 v13, v60  }
0x51: {  	v63 =	vmul.f32 v13, v61;
	[tilespmem:v7+s12+$0x0] =	vst.idx.msk $0xffff, v10  }
0x52: {  	[tilespmem:v8+s12+$0x0] =	vst.idx.msk $0xffff, v5  }
0x53: {  	s16 =	sadd.s32 s2, s16;
	[tilespmem:v9+s12+$0x0] =	vst.idx.msk $0xffff, v63  }
0x54: {  	[hbm4b:s16+s7] =	stream.strided.scatter [tilespmem:s12], [sflag:$0x1], $0x2000, s8, s7, $0x38;
	[tilespmem:$0x8300] =	vst v63  }
0x55: {  	s15 =	sadd.s32 $0x1, s15;
	_ =	swait.ge [sflag:s9], $0x2000  }
0x56: {  	p0 =	sne.s32 s15, $0x4;
	[sflag:s9] =	ssyncset.done $0x0  }
.Ltmp4:
0x57: {  	[sflag:s9] =	ssyncadd.s32 $0xFFFFE000;
	(pc) =	sbr.rel @!p0 .LBB2_67-.Ltmp4, $4  }
0x58: {  	[tilespmem:v6+s12+$0x0] =	vst.idx.msk $0xffff, v1  }
0x59: {  	[tilespmem:v7+s12+$0x0] =	vst.idx.msk $0xffff, v1  }
0x5a: {  	[tilespmem:v8+s12+$0x0] =	vst.idx.msk $0xffff, v1  }
0x5b: {  	[tilespmem:v9+s12+$0x0] =	vst.idx.msk $0xffff, v1  }
.LBB2_4:
0x5c: {  	s16 =	sshll.u32 s15, $0x4  }
0x5d: {  	s16 =	sadd.s32 s5, s16  }
0x5e: {  	s17 =	sadd.s32 s1, s16  }
0x5f: {  	[tilespmem:s14], [sflag:$0x1] =	stream.strided.gather [hbm4b:s17+s7], $0x2000, s8, s7, $0x38;
	[tilespmem:$0x8300] =	vst v63  }
0x60: {  	_ =	swait.ge [sflag:s9], $0x2000  }
0x61: {  	[sflag:s9] =	ssyncset.done $0x0  }
0x62: {  	s19 =	simm.s32 $0x0;
	[sflag:s9] =	ssyncadd.s32 $0xFFFFE000  }
0x63: {  	v5 =	vld [tilespmem:s19+$0xF0]  }
0x64: {  	v6 =	vld [tilespmem:s19+$0x0]  }
0x65: {  	v8 =	vld [tilespmem:s19+$0x10]  }
0x66: {  	v9 =	vld [tilespmem:s19+$0x20]  }
0x67: {  	v10 =	vld [tilespmem:s19+$0x30]  }
0x68: {  	v11 =	vld [tilespmem:s19+$0x40]  }
0x69: {  	v12 =	vld [tilespmem:s19+$0x50]  }
0x6a: {  	v13 =	vld [tilespmem:s19+$0x60]  }
0x6b: {  	v14 =	vld [tilespmem:s19+$0x70]  }
0x6c: {  	v15 =	vld [tilespmem:s19+$0x80]  }
0x6d: {  	v16 =	vimm.f32 $-Inf;
	v17 =	vld [tilespmem:s19+$0x90]  }
0x6e: {  	v20 =	vimm.f32 $-Inf;
	v18 =	vimm.f32 $-Inf;
	v19 =	vimm.f32 $-Inf;
	v21 =	vld [tilespmem:s19+$0xA0]  }
0x6f: {  	v22 =	vld [tilespmem:s19+$0xB0];
	v7 =	vmax.f32 v16, v5;
	v5 =	vmax.f32 v16, v6;
	v6 =	vmax.f32 v16, v8  }
0x70: {  	v23 =	vld [tilespmem:s19+$0xC0];
	v8 =	vmax.f32 v16, v9;
	v9 =	vmax.f32 v16, v10;
	v10 =	vmax.f32 v16, v11  }
0x71: {  	v24 =	vld [tilespmem:s19+$0xD0];
	v11 =	vmax.f32 v16, v12;
	v12 =	vmax.f32 v16, v13;
	v13 =	vmax.f32 v16, v14  }
0x72: {  	s18 =	simm.s32 $0x800;
	s17 =	simm.s32 $0x100;
	v25 =	vld [tilespmem:s19+$0xE0];
	v14 =	vmax.f32 v16, v15;
	v15 =	vmax.f32 v16, v17;
	v17 =	vimm.f32 $-Inf  }
.LBB2_5:
0x73: {  	p0 =	sne.s32 s18, $0x7C00;
	v26 =	vld [tilespmem:s17+$0xF0];
	v16 =	vmax.f32 v16, v21  }
0x74: {  	v21 =	vld [tilespmem:s17+$0x0];
	v17 =	vmax.f32 v17, v22  }
0x75: {  	v22 =	vld [tilespmem:s17+$0x10];
	v20 =	vmax.f32 v20, v23  }
0x76: {  	v23 =	vld [tilespmem:s17+$0x20];
	v18 =	vmax.f32 v18, v24  }
0x77: {  	v24 =	vld [tilespmem:s17+$0x30];
	v19 =	vmax.f32 v19, v25  }
0x78: {  	v25 =	vld [tilespmem:s17+$0x40];
	v7 =	vmax.f32 v7, v26  }
0x79: {  	v5 =	vmax.f32 v5, v21;
	v21 =	vld [tilespmem:s17+$0x50]  }
0x7a: {  	v6 =	vmax.f32 v6, v22;
	v22 =	vld [tilespmem:s17+$0x60]  }
0x7b: {  	v8 =	vmax.f32 v8, v23;
	v23 =	vld [tilespmem:s17+$0x70]  }
0x7c: {  	v9 =	vmax.f32 v9, v24;
	v24 =	vld [tilespmem:s17+$0x80]  }
0x7d: {  	v10 =	vmax.f32 v10, v25;
	v25 =	vld [tilespmem:s17+$0x90]  }
.Ltmp5:
0x7e: {  	v11 =	vmax.f32 v11, v21;
	v21 =	vld [tilespmem:s17+$0xA0];
	(pc) =	sbr.rel @p0 .LBB2_5-.Ltmp5, $4  }
0x7f: {  	v12 =	vmax.f32 v12, v22;
	v22 =	vld [tilespmem:s17+$0xB0]  }
0x80: {  	v13 =	vmax.f32 v13, v23;
	v23 =	vld [tilespmem:s17+$0xC0]  }
0x81: {  	v14 =	vmax.f32 v14, v24;
	v24 =	vld [tilespmem:s17+$0xD0]  }
0x82: {  	v15 =	vmax.f32 v15, v25;
	v25 =	vld [tilespmem:s17+$0xE0];
	s17 =	sshra.s32 s18, $0x2;
	s18 =	sadd.s32 $0x400, s18  }
0x83: {  	v26 =	vld [tilespmem:s17+$0xF0]  }
0x84: {  	v27 =	vld [tilespmem:s17+$0x0]  }
0x85: {  	v28 =	vld [tilespmem:s17+$0x10]  }
0x86: {  	v29 =	vld [tilespmem:s17+$0x20]  }
0x87: {  	v30 =	vld [tilespmem:s17+$0x30]  }
0x88: {  	v31 =	vld [tilespmem:s17+$0x40]  }
0x89: {  	v32 =	vld [tilespmem:s17+$0x50]  }
0x8a: {  	v33 =	vld [tilespmem:s17+$0x60]  }
0x8b: {  	v34 =	vld [tilespmem:s17+$0x70]  }
0x8c: {  	v35 =	vld [tilespmem:s17+$0x80]  }
0x8d: {  	v36 =	vld [tilespmem:s17+$0x90]  }
0x8e: {  	v37 =	vld [tilespmem:s17+$0xA0]  }
0x8f: {  	v38 =	vld [tilespmem:s17+$0xB0]  }
0x90: {  	v39 =	vld [tilespmem:s17+$0xC0]  }
0x91: {  	v16 =	vmax.f32 v16, v21;
	v60 =	vld [tilespmem:s17+$0xD0];
	v17 =	vmax.f32 v17, v22;
	v20 =	vmax.f32 v20, v23  }
0x92: {  	v61 =	vld [tilespmem:s17+$0xE0];
	v18 =	vmax.f32 v18, v24;
	v19 =	vmax.f32 v19, v25;
	v7 =	vmax.f32 v7, v26  }
0x93: {  	v5 =	vmax.f32 v5, v27;
	v6 =	vmax.f32 v6, v28;
	v8 =	vmax.f32 v8, v29  }
0x94: {  	v9 =	vmax.f32 v9, v30;
	v10 =	vmax.f32 v10, v31;
	v11 =	vmax.f32 v11, v32  }
0x95: {  	v12 =	vmax.f32 v12, v33;
	v13 =	vmax.f32 v13, v34;
	v14 =	vmax.f32 v14, v35  }
0x96: {  	v15 =	vmax.f32 v15, v36;
	v16 =	vmax.f32 v16, v37;
	v17 =	vmax.f32 v17, v38  }
0x97: {  	v20 =	vmax.f32 v20, v39;
	v18 =	vmax.f32 v18, v60;
	v19 =	vmax.f32 v19, v61  }
0x98: {  	v5 =	vmax.f32 v5, v14;
	v6 =	vmax.f32 v6, v15;
	v8 =	vmax.f32 v8, v16  }
0x99: {  	v9 =	vmax.f32 v9, v17;
	v10 =	vmax.f32 v10, v20;
	v11 =	vmax.f32 v11, v18  }
0x9a: {  	v12 =	vmax.f32 v12, v19;
	v13 =	vmax.f32 v13, v7;
	v5 =	vmax.f32 v5, v10  }
0x9b: {  	v6 =	vmax.f32 v6, v11;
	v7 =	vmax.f32 v8, v12;
	v8 =	vmax.f32 v9, v13  }
0x9c: {  	v9 =	vmin.f32 v5, v6;
	v10 =	vmin.f32 v7, v8  }
0x9d: {  	v9 =	vmin.f32 v9, v10  }
0x9e: {  	(xrf0) =	vmin.scan.msk.f32 $0xffff, v9;
	_ =	sdelay $0x2  }
0x9f: {  	s17 =	simm.s32 $0x1010  }
0xa0: {  	v10 =	vld [tilespmem:s17+$0xFFFFEFF0];
	_ =	sdelay $0x1  }
0xa1: {  	v9, _, _ =	vpop (xrf0)  }
0xa2: {  	v9 =	vbroadcast v9, $0xF  }
0xa3: {  	s18 =	simm.s32 $0x0;
	s19 =	simm.s32 $0x800  }
0xa4: {  	s20 =	simm.s32 $0x0;
	s21 =	sand.u32 $0xF80, s19;
	vm0 =	vge.f32 v10, v9;
	v10 =	vor.u32 s18, v0;
	s18 =	sand.u32 $0x40, s18  }
0xa5: {  	[tilespmem:s20+$0x4000] =	vst.msk vm0, v10;
	s24 =	sor.u32 s18, s21  }
0xa6: {  	v10 =	vld [tilespmem:s24+$0x0];
	_ =	sdelay $0x3  }
0xa7: {  	s25 =	simm.s32 $0x1000  }
0xa8: {  	s26 =	simm.s32 $0x810;
	s28 =	sand.u32 $0x1780, s25;
	vm1 =	vge.f32 v10, v9;
	v10 =	vor.u32 s19, v0  }
0xa9: {  	s19 =	sor.u32 s18, s28;
	[tilespmem:s26+$0x4000] =	vst.msk vm1, v10  }
0xaa: {  	v10 =	vld [tilespmem:s19+$0x0]  }
0xab: {  	v11 =	vmpcnt.ones.xlane vm0;
	_ =	sdelay $0x1  }
0xac: {  	(v2sf) =	vpush v11, $0x0  }
0xad: {  	s29 =	simm.s32 $0x1800  }
0xae: {  	s30 =	simm.s32 $0x1020;
	s31 =	sand.u32 $0x1F80, s29;
	vm12 =	vge.f32 v10, v9;
	v10 =	vor.u32 s25, v0  }
0xaf: {  	s18 =	sor.u32 s18, s31;
	[tilespmem:s30+$0x4000] =	vst.msk vm12, v10  }
0xb0: {  	v10 =	vmpcnt.ones.xlane vm12;
	v11 =	vld [tilespmem:s18+$0x0]  }
0xb1: {  	v62 =	vmpcnt.ones.xlane vm1  }
0xb2: {  	(v2sf) =	vpush v10, $0x0  }
0xb3: {  	(v2sf) =	vpush v62, $0x0;
	_ =	sdelay $0x1  }
0xb4: {  	s21 =	simm.s32 $0x1830;
	v10 =	vor.u32 s29, v0;
	vm13 =	vge.f32 v11, v9  }
0xb5: {  	[tilespmem:s21+$0x4000] =	vst.msk vm13, v10  }
0xb6: {  	v10 =	vld [tilespmem:s17+$0xFFFFF000];
	_ =	sdelay $0x3  }
0xb7: {  	s23 =	simm.s32 $0x10;
	s22 =	spop (v2sf)  }
0xb8: {  	s18 =	sadd.s32 $0x0, s22;
	vm14 =	vge.f32 v10, v9;
	v10 =	vor.u32 s23, v0  }
0xb9: {  	[tilespmem:s18+$0x4000] =	vst.msk vm14, v10  }
0xba: {  	v10 =	vld [tilespmem:s17+$0xFFFFF800]  }
0xbb: {  	v11 =	vmpcnt.ones.xlane vm13;
	_ =	sdelay $0x1  }
0xbc: {  	(v2sf) =	vpush v11, $0x0;
	s24 =	spop (v2sf)  }
0xbd: {  	s25 =	simm.s32 $0x810;
	s26 =	spop (v2sf)  }
0xbe: {  	s21 =	sadd.s32 $0x810, s26;
	vm15 =	vge.f32 v10, v9;
	v10 =	vor.u32 s25, v0  }
0xbf: {  	[tilespmem:s21+$0x4000] =	vst.msk vm15, v10  }
0xc0: {  	v10 =	vmpcnt.ones.xlane vm15;
	v11 =	vld [tilespmem:s17+$0x0]  }
0xc1: {  	v63 =	vmpcnt.ones.xlane vm14  }
0xc2: {  	(v2sf) =	vpush v10, $0x0  }
0xc3: {  	(v2sf) =	vpush v63, $0x0  }
0xc4: {  	s28 =	simm.s32 $0x1010  }
0xc5: {  	s19 =	sadd.s32 $0x1020, s24;
	v10 =	vor.u32 s28, v0;
	vm4 =	vge.f32 v11, v9  }
0xc6: {  	[tilespmem:s19+$0x4000] =	vst.msk vm4, v10  }
0xc7: {  	v10 =	vld [tilespmem:s17+$0x800];
	_ =	sdelay $0x3  }
0xc8: {  	s22 =	simm.s32 $0x1810;
	s29 =	spop (v2sf)  }
0xc9: {  	s20 =	sadd.s32 $0x1830, s29;
	vm5 =	vge.f32 v10, v9;
	v10 =	vor.u32 s22, v0  }
0xca: {  	[tilespmem:s20+$0x4000] =	vst.msk vm5, v10  }
0xcb: {  	v10 =	vld [tilespmem:s17+$0xFFFFF010]  }
0xcc: {  	v11 =	vmpcnt.ones.xlane vm4;
	_ =	sdelay $0x1  }
0xcd: {  	(v2sf) =	vpush v11, $0x0;
	s30 =	spop (v2sf)  }
0xce: {  	s23 =	simm.s32 $0x20;
	s24 =	spop (v2sf)  }
0xcf: {  	s18 =	sadd.s32 s18, s24;
	vm6 =	vge.f32 v10, v9;
	v10 =	vor.u32 s23, v0  }
0xd0: {  	[tilespmem:s18+$0x4000] =	vst.msk vm6, v10  }
0xd1: {  	v10 =	vld [tilespmem:s17+$0xFFFFF810]  }
0xd2: {  	v11 =	vmpcnt.ones.xlane vm5;
	_ =	sdelay $0x1  }
0xd3: {  	(v2sf) =	vpush v11, $0x0  }
0xd4: {  	s31 =	simm.s32 $0x820  }
0xd5: {  	s21 =	sadd.s32 s21, s30;
	vm7 =	vge.f32 v10, v9;
	v10 =	vor.u32 s31, v0  }
0xd6: {  	[tilespmem:s21+$0x4000] =	vst.msk vm7, v10  }
0xd7: {  	v10 =	vld [tilespmem:s17+$0x10]  }
0xd8: {  	v11 =	vmpcnt.ones.xlane vm6;
	_ =	sdelay $0x1  }
0xd9: {  	(v2sf) =	vpush v11, $0x0  }
0xda: {  	s24 =	simm.s32 $0x1020;
	s23 =	spop (v2sf)  }
0xdb: {  	s19 =	sadd.s32 s19, s23;
	vm8 =	vge.f32 v10, v9;
	v10 =	vor.u32 s24, v0  }
0xdc: {  	[tilespmem:s19+$0x4000] =	vst.msk vm8, v10  }
0xdd: {  	v10 =	vld [tilespmem:s17+$0x810]  }
0xde: {  	v11 =	vmpcnt.ones.xlane vm7;
	_ =	sdelay $0x1  }
0xdf: {  	(v2sf) =	vpush v11, $0x0  }
0xe0: {  	s26 =	simm.s32 $0x1820;
	s25 =	spop (v2sf)  }
0xe1: {  	s20 =	sadd.s32 s20, s25;
	vm9 =	vge.f32 v10, v9;
	v10 =	vor.u32 s26, v0  }
0xe2: {  	[tilespmem:s20+$0x4000] =	vst.msk vm9, v10  }
0xe3: {  	v10 =	vld [tilespmem:s17+$0xFFFFF020]  }
0xe4: {  	v11 =	vmpcnt.ones.xlane vm8;
	_ =	sdelay $0x1  }
0xe5: {  	(v2sf) =	vpush v11, $0x0  }
0xe6: {  	s29 =	simm.s32 $0x30;
	s28 =	spop (v2sf)  }
0xe7: {  	s18 =	sadd.s32 s18, s28;
	vm10 =	vge.f32 v10, v9;
	v10 =	vor.u32 s29, v0  }
0xe8: {  	[tilespmem:s18+$0x4000] =	vst.msk vm10, v10  }
0xe9: {  	v10 =	vld [tilespmem:s17+$0xFFFFF820];
	_ =	sdelay $0x1  }
0xea: {  	v11 =	vmpcnt.ones.xlane vm9;
	_ =	sdelay $0x1  }
0xeb: {  	s31 =	simm.s32 $0x830;
	s30 =	spop (v2sf);
	(v2sf) =	vpush v11, $0x0  }
0xec: {  	s22 =	sadd.s32 s21, s30;
	vm11 =	vge.f32 v10, v9;
	v10 =	vor.u32 s31, v0  }
0xed: {  	[tilespmem:s22+$0x4000] =	vst.msk vm11, v10  }
0xee: {  	v10 =	vld [tilespmem:s17+$0x20];
	_ =	sdelay $0x1  }
0xef: {  	v11 =	vmpcnt.ones.xlane vm10;
	_ =	sdelay $0x1  }
0xf0: {  	s25 =	simm.s32 $0x1030;
	s24 =	spop (v2sf);
	(v2sf) =	vpush v11, $0x0  }
0xf1: {  	s19 =	sadd.s32 s19, s24;
	vm12 =	vge.f32 v10, v9;
	v10 =	vor.u32 s25, v0  }
0xf2: {  	[tilespmem:s19+$0x4000] =	vst.msk vm12, v10  }
0xf3: {  	v10 =	vld [tilespmem:s17+$0x820]  }
0xf4: {  	v11 =	vmpcnt.ones.xlane vm11;
	_ =	sdelay $0x1  }
0xf5: {  	(v2sf) =	vpush v11, $0x0;
	v11 =	vmpcnt.ones.xlane vm12;
	_ =	sdelay $0x1  }
0xf6: {  	s28 =	simm.s32 $0x1830;
	s26 =	spop (v2sf);
	(v2sf) =	vpush v11, $0x0;
	vm13 =	vge.f32 v10, v9  }
0xf7: {  	s20 =	sadd.s32 s20, s26;
	v11 =	vor.u32 s28, v0;
	v10 =	vmpcnt.ones.xlane vm13  }
0xf8: {  	s17 =	simm.s32 $0x1050;
	[tilespmem:s20+$0x4000] =	vst.msk vm13, v11  }
0xf9: {  	(v2sf) =	vpush v10, $0x0;
	v10 =	vld [tilespmem:s17+$0xFFFFEFF0];
	_ =	sdelay $0x3  }
0xfa: {  	s30 =	simm.s32 $0x40;
	s31 =	simm.s32 $0x840;
	s29 =	spop (v2sf)  }
0xfb: {  	s25 =	sand.u32 $0x40, s30;
	s28 =	sand.u32 $0xF80, s31;
	s21 =	sadd.s32 s18, s29;
	vm14 =	vge.f32 v10, v9;
	v10 =	vor.u32 s30, v0  }
0xfc: {  	s18 =	sor.u32 s25, s28;
	[tilespmem:s21+$0x4000] =	vst.msk vm14, v10  }
0xfd: {  	v10 =	vld [tilespmem:s18+$0x0];
	_ =	sdelay $0x2  }
0xfe: {  	v11 =	vmpcnt.ones.xlane vm14  }
0xff: {  	s29 =	spop (v2sf)  }
0x100: {  	vm15 =	vge.f32 v10, v9;
	v10 =	vor.u32 s31, v0;
	s31 =	spop (v2sf);
	(v2sf) =	vpush v11, $0x0;
	_ =	sdelay $0x2  }
0x101: {  	s26 =	simm.s32 $0x1040  }
0x102: {  	s22 =	sadd.s32 s22, s29;
	s30 =	sand.u32 $0x1780, s26  }
0x103: {  	s28 =	sor.u32 s25, s30;
	[tilespmem:s22+$0x4000] =	vst.msk vm15, v10  }
0x104: {  	s18 =	simm.s32 $0x860;
	v11 =	vld [tilespmem:s28+$0x0]  }
0x105: {  	s23 =	sadd.s32 s19, s31;
	s19 =	simm.s32 $0x8A0;
	v10 =	vmpcnt.ones.xlane vm15;
	s24 =	spop (v2sf)  }
.LBB2_7:
0x106: {  	p0 =	sne.s32 s19, $0xFE0  }
0x107: {  	s24 =	sadd.s32 s20, s24;
	s20 =	smov.u32 s19;
	s19 =	sadd.s32 $0x40, s19  }
0x108: {  	s28 =	sadd.s32 $0xFE0, s18  }
0x109: {  	vm0 =	vge.f32 v11, v9;
	v11 =	vor.u32 s26, v0;
	s26 =	sand.u32 $0x1F80, s28  }
0x10a: {  	[tilespmem:s23+$0x4000] =	vst.msk vm0, v11;
	v11 =	vmpcnt.ones.xlane vm0;
	s25 =	sor.u32 s25, s26  }
0x10b: {  	v12 =	vld [tilespmem:s25+$0x0]  }
0x10c: {  	(v2sf) =	vpush v11, $0x0  }
0x10d: {  	s25 =	spop (v2sf)  }
0x10e: {  	(v2sf) =	vpush v10, $0x0;
	_ =	sdelay $0x1  }
0x10f: {  	v10 =	vor.u32 s28, v0;
	vm0 =	vge.f32 v12, v9  }
0x110: {  	[tilespmem:s24+$0x4000] =	vst.msk vm0, v10;
	v10 =	vmpcnt.ones.xlane vm0  }
0x111: {  	v11 =	vld [tilespmem:s17+$0xFFFFF000]  }
0x112: {  	(v2sf) =	vpush v10, $0x0;
	_ =	sdelay $0x2  }
0x113: {  	s26 =	sadd.s32 $0xFFFFF7F0, s18  }
0x114: {  	s21 =	sadd.s32 s21, s25;
	v10 =	vor.u32 s26, v0;
	vm0 =	vge.f32 v11, v9  }
0x115: {  	[tilespmem:s21+$0x4000] =	vst.msk vm0, v10;
	v10 =	vmpcnt.ones.xlane vm0  }
0x116: {  	v11 =	vld [tilespmem:s17+$0xFFFFF800];
	_ =	sdelay $0x1  }
0x117: {  	s25 =	spop (v2sf);
	_ =	sdelay $0x1  }
0x118: {  	s26 =	sadd.s32 $0xFFFFFFF0, s18;
	s28 =	spop (v2sf)  }
0x119: {  	s22 =	sadd.s32 s22, s28;
	vm0 =	vge.f32 v11, v9;
	v11 =	vor.u32 s26, v0  }
0x11a: {  	[tilespmem:s22+$0x4000] =	vst.msk vm0, v11;
	v11 =	vmpcnt.ones.xlane vm0  }
0x11b: {  	v12 =	vld [tilespmem:s17+$0x0]  }
0x11c: {  	(v2sf) =	vpush v11, $0x0  }
0x11d: {  	s26 =	spop (v2sf)  }
0x11e: {  	(v2sf) =	vpush v10, $0x0  }
0x11f: {  	s28 =	sadd.s32 $0x7F0, s18  }
0x120: {  	s25 =	sadd.s32 s23, s25;
	v10 =	vor.u32 s28, v0;
	vm0 =	vge.f32 v12, v9  }
0x121: {  	[tilespmem:s25+$0x4000] =	vst.msk vm0, v10;
	v10 =	vmpcnt.ones.xlane vm0  }
0x122: {  	v11 =	vld [tilespmem:s17+$0x800]  }
0x123: {  	(v2sf) =	vpush v10, $0x0;
	_ =	sdelay $0x2  }
0x124: {  	s23 =	sadd.s32 $0xFF0, s18  }
0x125: {  	s26 =	sadd.s32 s24, s26;
	v10 =	vor.u32 s23, v0;
	vm0 =	vge.f32 v11, v9  }
0x126: {  	[tilespmem:s26+$0x4000] =	vst.msk vm0, v10;
	v10 =	vmpcnt.ones.xlane vm0  }
0x127: {  	v11 =	vld [tilespmem:s17+$0xFFFFF010]  }
0x128: {  	(v2sf) =	vpush v10, $0x0  }
0x129: {  	s23 =	spop (v2sf)  }
0x12a: {  	s23 =	sadd.s32 s22, s23  }
0x12b: {  	s22 =	sadd.s32 $0xFFFFF800, s18;
	s24 =	spop (v2sf)  }
0x12c: {  	v10 =	vor.u32 s22, v0;
	s24 =	sadd.s32 s21, s24;
	vm0 =	vge.f32 v11, v9  }
0x12d: {  	[tilespmem:s24+$0x4000] =	vst.msk vm0, v10;
	v10 =	vmpcnt.ones.xlane vm0  }
0x12e: {  	v11 =	vld [tilespmem:s17+$0xFFFFF810]  }
0x12f: {  	(v2sf) =	vpush v10, $0x0  }
0x130: {  	s21 =	spop (v2sf)  }
0x131: {  	s21 =	sadd.s32 s25, s21;
	_ =	sdelay $0x1  }
0x132: {  	v10 =	vor.u32 s18, v0;
	vm0 =	vge.f32 v11, v9  }
0x133: {  	[tilespmem:s23+$0x4000] =	vst.msk vm0, v10;
	v10 =	vmpcnt.ones.xlane vm0  }
0x134: {  	v11 =	vld [tilespmem:s17+$0x10]  }
0x135: {  	(v2sf) =	vpush v10, $0x0  }
0x136: {  	s22 =	spop (v2sf)  }
0x137: {  	s22 =	sadd.s32 s26, s22  }
0x138: {  	s25 =	sadd.s32 $0x800, s18  }
0x139: {  	v10 =	vor.u32 s25, v0;
	vm0 =	vge.f32 v11, v9  }
0x13a: {  	[tilespmem:s21+$0x4000] =	vst.msk vm0, v10;
	v10 =	vmpcnt.ones.xlane vm0  }
0x13b: {  	v11 =	vld [tilespmem:s17+$0x810]  }
0x13c: {  	(v2sf) =	vpush v10, $0x0  }
0x13d: {  	s25 =	spop (v2sf);
	_ =	sdelay $0x1  }
0x13e: {  	s26 =	sadd.s32 $0x1000, s18  }
0x13f: {  	v10 =	vor.u32 s26, v0;
	vm0 =	vge.f32 v11, v9  }
0x140: {  	[tilespmem:s22+$0x4000] =	vst.msk vm0, v10;
	v10 =	vmpcnt.ones.xlane vm0  }
0x141: {  	v11 =	vld [tilespmem:s17+$0xFFFFF020]  }
0x142: {  	(v2sf) =	vpush v10, $0x0  }
0x143: {  	s26 =	spop (v2sf)  }
0x144: {  	s23 =	sadd.s32 s23, s26  }
0x145: {  	s26 =	sadd.s32 $0xFFFFF810, s18  }
0x146: {  	s24 =	sadd.s32 s24, s25;
	v10 =	vor.u32 s26, v0;
	vm0 =	vge.f32 v11, v9  }
0x147: {  	[tilespmem:s24+$0x4000] =	vst.msk vm0, v10;
	v10 =	vmpcnt.ones.xlane vm0  }
0x148: {  	v11 =	vld [tilespmem:s17+$0xFFFFF820]  }
0x149: {  	(v2sf) =	vpush v10, $0x0  }
0x14a: {  	s25 =	spop (v2sf);
	_ =	sdelay $0x1  }
0x14b: {  	s26 =	sadd.s32 $0x10, s18  }
0x14c: {  	v10 =	vor.u32 s26, v0;
	vm0 =	vge.f32 v11, v9  }
0x14d: {  	[tilespmem:s23+$0x4000] =	vst.msk vm0, v10;
	v10 =	vmpcnt.ones.xlane vm0  }
0x14e: {  	v11 =	vld [tilespmem:s17+$0x20]  }
0x14f: {  	(v2sf) =	vpush v10, $0x0  }
0x150: {  	s26 =	spop (v2sf);
	_ =	sdelay $0x1  }
0x151: {  	s28 =	sadd.s32 $0x810, s18  }
0x152: {  	s29 =	sadd.s32 s21, s25;
	v10 =	vor.u32 s28, v0;
	vm0 =	vge.f32 v11, v9  }
0x153: {  	[tilespmem:s29+$0x4000] =	vst.msk vm0, v10;
	v10 =	vmpcnt.ones.xlane vm0  }
0x154: {  	v11 =	vld [tilespmem:s17+$0x820]  }
0x155: {  	(v2sf) =	vpush v10, $0x0  }
0x156: {  	s21 =	spop (v2sf)  }
0x157: {  	s21 =	sadd.s32 s24, s21  }
0x158: {  	s24 =	sadd.s32 $0x1010, s18;
	s18 =	smov.u32 s20  }
0x159: {  	s20 =	sadd.s32 s22, s26;
	v10 =	vor.u32 s24, v0;
	vm0 =	vge.f32 v11, v9  }
0x15a: {  	s17 =	sadd.s32 $0x40, s17;
	[tilespmem:s20+$0x4000] =	vst.msk vm0, v10;
	v10 =	vmpcnt.ones.xlane vm0  }
0x15b: {  	v11 =	vld [tilespmem:s17+$0xFFFFEFF0]  }
0x15c: {  	(v2sf) =	vpush v10, $0x0  }
0x15d: {  	s22 =	spop (v2sf)  }
0x15e: {  	s22 =	sadd.s32 s23, s22  }
0x15f: {  	s24 =	sadd.s32 $0xFFFFFFE0, s18;
	s23 =	sadd.s32 $0xFFFFF7E0, s18  }
0x160: {  	s26 =	sand.u32 $0xF80, s24;
	v10 =	vor.u32 s23, v0;
	s25 =	sand.u32 $0x40, s23;
	vm0 =	vge.f32 v11, v9  }
0x161: {  	s23 =	sor.u32 s25, s26;
	[tilespmem:s21+$0x4000] =	vst.msk vm0, v10;
	v10 =	vmpcnt.ones.xlane vm0  }
0x162: {  	v11 =	vld [tilespmem:s23+$0x0]  }
0x163: {  	(v2sf) =	vpush v10, $0x0  }
0x164: {  	s23 =	spop (v2sf)  }
0x165: {  	s23 =	sadd.s32 s29, s23  }
0x166: {  	s26 =	sadd.s32 $0x7E0, s18  }
.Ltmp6:
0x167: {  	v10 =	vor.u32 s24, v0;
	s24 =	sand.u32 $0x1780, s26;
	vm0 =	vge.f32 v11, v9;
	(pc) =	sbr.rel @p0 .LBB2_7-.Ltmp6, $3  }
0x168: {  	s24 =	sor.u32 s25, s24;
	[tilespmem:s22+$0x4000] =	vst.msk vm0, v10;
	v10 =	vmpcnt.ones.xlane vm0  }
0x169: {  	v11 =	vld [tilespmem:s24+$0x0];
	_ =	sdelay $0x1  }
0x16a: {  	s24 =	spop (v2sf)  }
0x16b: {  	_ = 	snop  }
0x16c: {  	s19 =	sadd.s32 $0xFE0, s18  }
0x16d: {  	s31 =	sand.u32 $0x1F80, s19;
	vm0 =	vge.f32 v11, v9;
	v11 =	vor.u32 s26, v0  }
0x16e: {  	s25 =	sor.u32 s25, s31;
	[tilespmem:s23+$0x4000] =	vst.msk vm0, v11  }
0x16f: {  	v11 =	vmpcnt.ones.xlane vm0;
	v12 =	vld [tilespmem:s25+$0x0];
	_ =	sdelay $0x1  }
0x170: {  	(v2sf) =	vpush v11, $0x0  }
0x171: {  	(v2sf) =	vpush v10, $0x0;
	_ =	sdelay $0x1  }
0x172: {  	s20 =	sadd.s32 s20, s24;
	v10 =	vor.u32 s19, v0;
	vm4 =	vge.f32 v12, v9  }
0x173: {  	[tilespmem:s20+$0x4000] =	vst.msk vm4, v10  }
0x174: {  	v10 =	vld [tilespmem:s17+$0xFFFFF000];
	_ =	sdelay $0x3  }
0x175: {  	s28 =	sadd.s32 $0xFFFFF7F0, s18;
	s26 =	spop (v2sf)  }
0x176: {  	s19 =	sadd.s32 s21, s26;
	vm1 =	vge.f32 v10, v9;
	v10 =	vor.u32 s28, v0  }
0x177: {  	[tilespmem:s19+$0x4000] =	vst.msk vm1, v10  }
0x178: {  	v10 =	vld [tilespmem:s17+$0xFFFFF800]  }
0x179: {  	v11 =	vmpcnt.ones.xlane vm4;
	_ =	sdelay $0x1  }
0x17a: {  	(v2sf) =	vpush v11, $0x0;
	s29 =	spop (v2sf)  }
0x17b: {  	s30 =	sadd.s32 $0xFFFFFFF0, s18;
	s31 =	spop (v2sf)  }
0x17c: {  	s22 =	sadd.s32 s22, s31;
	vm5 =	vge.f32 v10, v9;
	v10 =	vor.u32 s30, v0  }
0x17d: {  	[tilespmem:s22+$0x4000] =	vst.msk vm5, v10  }
0x17e: {  	v10 =	vmpcnt.ones.xlane vm5;
	v11 =	vld [tilespmem:s17+$0x0]  }
0x17f: {  	v62 =	vmpcnt.ones.xlane vm1  }
0x180: {  	(v2sf) =	vpush v10, $0x0  }
0x181: {  	(v2sf) =	vpush v62, $0x0  }
0x182: {  	s25 =	sadd.s32 $0x7F0, s18  }
0x183: {  	s21 =	sadd.s32 s23, s29;
	v10 =	vor.u32 s25, v0;
	vm6 =	vge.f32 v11, v9  }
0x184: {  	[tilespmem:s21+$0x4000] =	vst.msk vm6, v10  }
0x185: {  	v10 =	vld [tilespmem:s17+$0x800];
	_ =	sdelay $0x3  }
0x186: {  	s28 =	sadd.s32 $0xFF0, s18;
	s26 =	spop (v2sf)  }
0x187: {  	s20 =	sadd.s32 s20, s26;
	vm7 =	vge.f32 v10, v9;
	v10 =	vor.u32 s28, v0  }
0x188: {  	[tilespmem:s20+$0x4000] =	vst.msk vm7, v10  }
0x189: {  	v10 =	vld [tilespmem:s17+$0xFFFFF010]  }
0x18a: {  	v11 =	vmpcnt.ones.xlane vm6;
	_ =	sdelay $0x1  }
0x18b: {  	(v2sf) =	vpush v11, $0x0;
	s29 =	spop (v2sf)  }
0x18c: {  	s30 =	sadd.s32 $0xFFFFF800, s18;
	s31 =	spop (v2sf)  }
0x18d: {  	s19 =	sadd.s32 s19, s31;
	vm8 =	vge.f32 v10, v9;
	v10 =	vor.u32 s30, v0  }
0x18e: {  	[tilespmem:s19+$0x4000] =	vst.msk vm8, v10  }
0x18f: {  	v10 =	vld [tilespmem:s17+$0xFFFFF810]  }
0x190: {  	v11 =	vmpcnt.ones.xlane vm7;
	_ =	sdelay $0x1  }
0x191: {  	(v2sf) =	vpush v11, $0x0;
	_ =	sdelay $0x1  }
0x192: {  	s22 =	sadd.s32 s22, s29;
	vm9 =	vge.f32 v10, v9;
	v10 =	vor.u32 s18, v0  }
0x193: {  	[tilespmem:s22+$0x4000] =	vst.msk vm9, v10  }
0x194: {  	v10 =	vld [tilespmem:s17+$0x10]  }
0x195: {  	v11 =	vmpcnt.ones.xlane vm8;
	_ =	sdelay $0x1  }
0x196: {  	(v2sf) =	vpush v11, $0x0  }
0x197: {  	s26 =	sadd.s32 $0x800, s18;
	s25 =	spop (v2sf)  }
0x198: {  	s21 =	sadd.s32 s21, s25;
	vm10 =	vge.f32 v10, v9;
	v10 =	vor.u32 s26, v0  }
0x199: {  	[tilespmem:s21+$0x4000] =	vst.msk vm10, v10  }
0x19a: {  	v10 =	vld [tilespmem:s17+$0x810]  }
0x19b: {  	v11 =	vmpcnt.ones.xlane vm9;
	_ =	sdelay $0x1  }
0x19c: {  	(v2sf) =	vpush v11, $0x0  }
0x19d: {  	s29 =	sadd.s32 $0x1000, s18;
	s28 =	spop (v2sf)  }
0x19e: {  	s20 =	sadd.s32 s20, s28;
	vm11 =	vge.f32 v10, v9;
	v10 =	vor.u32 s29, v0  }
0x19f: {  	[tilespmem:s20+$0x4000] =	vst.msk vm11, v10  }
0x1a0: {  	v10 =	vld [tilespmem:s17+$0xFFFFF020]  }
0x1a1: {  	v11 =	vmpcnt.ones.xlane vm10;
	_ =	sdelay $0x1  }
0x1a2: {  	(v2sf) =	vpush v11, $0x0  }
0x1a3: {  	s31 =	sadd.s32 $0xFFFFF810, s18;
	s30 =	spop (v2sf)  }
0x1a4: {  	s23 =	sadd.s32 s19, s30;
	vm12 =	vge.f32 v10, v9;
	v10 =	vor.u32 s31, v0  }
0x1a5: {  	[tilespmem:s23+$0x4000] =	vst.msk vm12, v10  }
0x1a6: {  	v10 =	vld [tilespmem:s17+$0xFFFFF820];
	_ =	sdelay $0x1  }
0x1a7: {  	v11 =	vmpcnt.ones.xlane vm11;
	_ =	sdelay $0x1  }
0x1a8: {  	s26 =	sadd.s32 $0x10, s18;
	(v2sf) =	vpush v11, $0x0;
	s25 =	spop (v2sf)  }
0x1a9: {  	s19 =	sadd.s32 s22, s25;
	vm13 =	vge.f32 v10, v9;
	v10 =	vor.u32 s26, v0  }
0x1aa: {  	[tilespmem:s19+$0x4000] =	vst.msk vm13, v10  }
0x1ab: {  	v11 =	vmpcnt.ones.xlane vm12;
	v10 =	vld [tilespmem:s17+$0x20];
	_ =	sdelay $0x1  }
0x1ac: {  	(v2sf) =	vpush v11, $0x0;
	_ =	sdelay $0x1  }
0x1ad: {  	s29 =	sadd.s32 $0x810, s18;
	s28 =	spop (v2sf)  }
0x1ae: {  	s21 =	sadd.s32 s21, s28;
	vm14 =	vge.f32 v10, v9;
	v10 =	vor.u32 s29, v0  }
0x1af: {  	[tilespmem:s21+$0x4000] =	vst.msk vm14, v10  }
0x1b0: {  	v10 =	vld [tilespmem:s17+$0x820];
	_ =	sdelay $0x3  }
0x1b1: {  	v11 =	vmpcnt.ones.xlane vm13  }
0x1b2: {  	s31 =	sadd.s32 $0x1010, s18;
	s30 =	spop (v2sf);
	v63 =	vmpcnt.ones.xlane vm14;
	vm15 =	vge.f32 v10, v9  }
0x1b3: {  	(v2sf) =	vpush v11, $0x0;
	s22 =	sadd.s32 s20, s30;
	v9 =	vor.u32 s31, v0;
	v10 =	vmpcnt.ones.xlane vm15  }
0x1b4: {  	(v2sf) =	vpush v63, $0x0;
	[tilespmem:s22+$0x4000] =	vst.msk vm15, v9  }
0x1b5: {  	[tilespmem:$0x8180] =	vst v2;
	(v2sf) =	vpush v10, $0x0  }
0x1b6: {  	[tilespmem:$0x8190] =	vst v2  }
0x1b7: {  	s24 =	spop (v2sf);
	[tilespmem:$0x81A0] =	vst v2  }
0x1b8: {  	s23 =	sadd.s32 s23, s24;
	[tilespmem:$0x81B0] =	vst v2  }
0x1b9: {  	s17 =	sadd.s32 $0xF, s23;
	[tilespmem:$0x81C0] =	vst v2  }
0x1ba: {  	s25 =	sand.u32 $0xF, s17;
	[tilespmem:$0x81D0] =	vst v2  }
0x1bb: {  	s26 =	sshra.s32 s17, $0x1F;
	p0 =	slt.s32 s17, $0x1;
	p1 =	sne.s32 s25, $0x0;
	[tilespmem:$0x81E0] =	vst v2  }
0x1bc: {  	s28 =	sshrl.u32 s26, $0x1C;
	[tilespmem:$0x81F0] =	vst v2;
	p0 =	por !p0, !p1  }
0x1bd: {  	v5 =	vmax.f32 v5, v6;
	v6 =	vmax.f32 v7, v8;
	s18 =	simm.s32 $0x1;
	[tilespmem:$0x8200] =	vst v2;
	s17 =	sadd.s32 s28, s17;
	p0 =	por !p0, !p0  }
0x1be: {  	v5 =	vmax.f32 v5, v6;
	[tilespmem:$0x8210] =	vst v2;
	s17 =	sshra.s32 s17, $0x4;
	s18 =	simm.s32 @!p0 $0x0  }
0x1bf: {  	(xrf0) =	vmax.scan.msk.f32 $0xffff, v5;
	[tilespmem:$0x8220] =	vst v2;
	s17 =	ssub.s32 s17, s18  }
0x1c0: {  	[tilespmem:$0x8230] =	vst v2;
	p3 =	slt.s32 s17, $0x1  }
.Ltmp7:
0x1c1: {  	[tilespmem:$0x8240] =	vst v2;
	(pc) =	sbr.rel @p3 .LBB2_11-.Ltmp7, $4  }
0x1c2: {  	[tilespmem:$0x8250] =	vst v2;
	s29 =	spop (v2sf)  }
0x1c3: {  	[tilespmem:$0x8260] =	vst v2;
	s30 =	spop (v2sf)  }
0x1c4: {  	[tilespmem:$0x8270] =	vst v2;
	s31 =	spop (v2sf)  }
0x1c5: {  	v5, _, _ =	vpop (xrf0);
	[tilespmem:$0x8280] =	vst v2;
	v10 =	vmov s23;
	s20 =	sadd.s32 s19, s29;
	s19 =	sadd.s32 s21, s30;
	s18 =	sadd.s32 s22, s31  }
0x1c6: {  	s21 =	simm.s32 $0x4000;
	s22 =	simm.s32 $0x0;
	s23 =	smov.u32 s17  }
.LBB2_10:
0x1c7: {  	v6 =	vld [tilespmem:s21+$0x0]  }
0x1c8: {  	v7 =	vor.u32 s22, v0  }
0x1c9: {  	vm0 =	vlt.s32 v7, v10;
	_ =	sdelay $0x5  }
0x1ca: {  	v6 =	vld.idx.msk [tilespmem:v6+s3+$0x0], vm0;
	_ =	sdelay $0x4  }
0x1cb: {  	v7 =	vshra.s32 v6, $0x1F  }
0x1cc: {  	v7 =	vand.u32 $0x7F000000, v7  }
0x1cd: {  	v6 =	vxor.u32 v6, v7  }
0x1ce: {  	v6 =	vshrl.u32 v6, $0x18  }
0x1cf: {  	v7 =	vxor.u32 $0x80, v6  }
0x1d0: {  	v6 =	vand.u32 $0x7F, v6;
	v8 =	vand.u32 $0x80, v7  }
0x1d1: {  	v6 =	vor.u32 v6, v8  }
0x1d2: {  	p0 =	sne.s32 s23, $0x1;
	v7 =	vshrl.u32 v7, $0x4  }
.Ltmp8:
0x1d3: {  	_ = 	snop;
	(pc) =	sbr.rel @p0 .LBB2_10-.Ltmp8, $3  }
0x1d4: {  	_ =	sdelay $0x1  }
0x1d5: {  	[tilespmem:v6+s10+$0x0] =	vst.idx.add.s32.msk vm0, v3  }
0x1d6: {  	s21 =	sadd.s32 $0x10, s21;
	s22 =	sadd.s32 $0x10, s22;
	s23 =	sadd.s32 $0xFFFFFFFF, s23;
	[tilespmem:v7+s11+$0x0] =	vst.idx.add.s32.msk vm0, v3  }
.LBB2_11:
0x1d7: {  	s21 =	sadd.s32 $0xFFFFF7FF, s20  }
0x1d8: {  	s22 =	sand.u32 $0xF, s21  }
0x1d9: {  	s30 =	sshra.s32 s21, $0x1F;
	p1 =	slt.s32 s21, $0x1;
	p0 =	sne.s32 s22, $0x0  }
0x1da: {  	s22 =	sshrl.u32 s30, $0x1C;
	p0 =	por !p1, !p0  }
0x1db: {  	s21 =	sadd.s32 s22, s21;
	s22 =	simm.s32 $0x1;
	p0 =	por !p0, !p0  }
0x1dc: {  	s21 =	sshra.s32 s21, $0x4;
	s22 =	simm.s32 @!p0 $0x0  }
0x1dd: {  	s23 =	ssub.s32 s21, s22  }
0x1de: {  	p2 =	slt.s32 s23, $0x1  }
.Ltmp9:
0x1df: {  	_ = 	snop;
	(pc) =	sbr.rel @p2 .LBB2_14-.Ltmp9, $3  }
0x1e0: {  	_ =	sdelay $0x1  }
0x1e1: {  	s31 =	sadd.s32 $0xFFFFF7F0, s20  }
0x1e2: {  	v9 =	vmov s31  }
0x1e3: {  	s20 =	simm.s32 $0x4810;
	s21 =	simm.s32 $0x0;
	s22 =	smov.u32 s23  }
.LBB2_13:
0x1e4: {  	v6 =	vld [tilespmem:s20+$0x0]  }
0x1e5: {  	v7 =	vor.u32 s21, v0  }
0x1e6: {  	vm0 =	vlt.s32 v7, v9;
	_ =	sdelay $0x5  }
0x1e7: {  	v6 =	vld.idx.msk [tilespmem:v6+s3+$0x0], vm0;
	_ =	sdelay $0x4  }
0x1e8: {  	v7 =	vshra.s32 v6, $0x1F  }
0x1e9: {  	v7 =	vand.u32 $0x7F000000, v7  }
0x1ea: {  	v6 =	vxor.u32 v6, v7  }
0x1eb: {  	v6 =	vshrl.u32 v6, $0x18  }
0x1ec: {  	v7 =	vxor.u32 $0x80, v6  }
0x1ed: {  	v6 =	vand.u32 $0x7F, v6;
	v8 =	vand.u32 $0x80, v7  }
0x1ee: {  	v6 =	vor.u32 v6, v8  }
0x1ef: {  	p0 =	sne.s32 s22, $0x1;
	v7 =	vshrl.u32 v7, $0x4  }
.Ltmp10:
0x1f0: {  	_ = 	snop;
	(pc) =	sbr.rel @p0 .LBB2_13-.Ltmp10, $3  }
0x1f1: {  	_ =	sdelay $0x1  }
0x1f2: {  	[tilespmem:v6+s10+$0x0] =	vst.idx.add.s32.msk vm0, v3  }
0x1f3: {  	s20 =	sadd.s32 $0x10, s20;
	s21 =	sadd.s32 $0x10, s21;
	s22 =	sadd.s32 $0xFFFFFFFF, s22;
	[tilespmem:v7+s11+$0x0] =	vst.idx.add.s32.msk vm0, v3  }
.LBB2_14:
0x1f4: {  	s20 =	sadd.s32 $0xFFFFEFEF, s19  }
0x1f5: {  	s21 =	sand.u32 $0xF, s20  }
0x1f6: {  	s30 =	sshra.s32 s20, $0x1F;
	p1 =	slt.s32 s20, $0x1;
	p0 =	sne.s32 s21, $0x0  }
0x1f7: {  	s21 =	sshrl.u32 s30, $0x1C;
	p0 =	por !p1, !p0  }
0x1f8: {  	s20 =	sadd.s32 s21, s20;
	s21 =	simm.s32 $0x1;
	p0 =	por !p0, !p0  }
0x1f9: {  	s20 =	sshra.s32 s20, $0x4;
	s21 =	simm.s32 @!p0 $0x0  }
0x1fa: {  	s22 =	ssub.s32 s20, s21  }
0x1fb: {  	p1 =	slt.s32 s22, $0x1  }
.Ltmp11:
0x1fc: {  	_ = 	snop;
	(pc) =	sbr.rel @p1 .LBB2_17-.Ltmp11, $3  }
0x1fd: {  	_ =	sdelay $0x1  }
0x1fe: {  	s31 =	sadd.s32 $0xFFFFEFE0, s19  }
0x1ff: {  	v8 =	vmov s31  }
0x200: {  	s19 =	simm.s32 $0x5020;
	s20 =	simm.s32 $0x0;
	s21 =	smov.u32 s22  }
.LBB2_16:
0x201: {  	v6 =	vld [tilespmem:s19+$0x0]  }
0x202: {  	v7 =	vor.u32 s20, v0  }
0x203: {  	vm0 =	vlt.s32 v7, v8;
	_ =	sdelay $0x5  }
0x204: {  	v6 =	vld.idx.msk [tilespmem:v6+s3+$0x0], vm0;
	_ =	sdelay $0x4  }
0x205: {  	v7 =	vshra.s32 v6, $0x1F  }
0x206: {  	v7 =	vand.u32 $0x7F000000, v7  }
0x207: {  	v6 =	vxor.u32 v6, v7  }
0x208: {  	v6 =	vshrl.u32 v6, $0x18  }
0x209: {  	v7 =	vxor.u32 $0x80, v6  }
0x20a: {  	v6 =	vand.u32 $0x7F, v6;
	v11 =	vand.u32 $0x80, v7  }
0x20b: {  	v6 =	vor.u32 v6, v11  }
0x20c: {  	p0 =	sne.s32 s21, $0x1;
	v7 =	vshrl.u32 v7, $0x4  }
.Ltmp12:
0x20d: {  	_ = 	snop;
	(pc) =	sbr.rel @p0 .LBB2_16-.Ltmp12, $3  }
0x20e: {  	_ =	sdelay $0x1  }
0x20f: {  	[tilespmem:v6+s10+$0x0] =	vst.idx.add.s32.msk vm0, v3  }
0x210: {  	s19 =	sadd.s32 $0x10, s19;
	s20 =	sadd.s32 $0x10, s20;
	s21 =	sadd.s32 $0xFFFFFFFF, s21;
	[tilespmem:v7+s11+$0x0] =	vst.idx.add.s32.msk vm0, v3  }
.LBB2_17:
0x211: {  	s19 =	sadd.s32 $0xFFFFE7DF, s18  }
0x212: {  	s20 =	sand.u32 $0xF, s19  }
0x213: {  	s30 =	sshra.s32 s19, $0x1F;
	p4 =	slt.s32 s19, $0x1;
	p0 =	sne.s32 s20, $0x0  }
0x214: {  	s20 =	sshrl.u32 s30, $0x1C;
	p0 =	por !p4, !p0  }
0x215: {  	s19 =	sadd.s32 s20, s19;
	s20 =	simm.s32 $0x1;
	p0 =	por !p0, !p0  }
0x216: {  	s19 =	sshra.s32 s19, $0x4;
	s20 =	simm.s32 @!p0 $0x0  }
0x217: {  	s20 =	ssub.s32 s19, s20  }
0x218: {  	p0 =	slt.s32 s20, $0x1  }
.Ltmp13:
0x219: {  	_ = 	snop;
	(pc) =	sbr.rel @p0 .LBB2_20-.Ltmp13, $3  }
0x21a: {  	_ =	sdelay $0x1  }
0x21b: {  	s31 =	sadd.s32 $0xFFFFE7D0, s18  }
0x21c: {  	v6 =	vmov s31  }
0x21d: {  	s18 =	simm.s32 $0x5830;
	s19 =	simm.s32 $0x0;
	s21 =	smov.u32 s20  }
.LBB2_19:
0x21e: {  	v7 =	vld [tilespmem:s18+$0x0]  }
0x21f: {  	v11 =	vor.u32 s19, v0  }
0x220: {  	vm0 =	vlt.s32 v11, v6;
	_ =	sdelay $0x5  }
0x221: {  	v7 =	vld.idx.msk [tilespmem:v7+s3+$0x0], vm0;
	_ =	sdelay $0x4  }
0x222: {  	v11 =	vshra.s32 v7, $0x1F  }
0x223: {  	v11 =	vand.u32 $0x7F000000, v11  }
0x224: {  	v7 =	vxor.u32 v7, v11  }
0x225: {  	v7 =	vshrl.u32 v7, $0x18  }
0x226: {  	v11 =	vxor.u32 $0x80, v7  }
0x227: {  	v7 =	vand.u32 $0x7F, v7;
	v12 =	vand.u32 $0x80, v11  }
0x228: {  	v7 =	vor.u32 v7, v12  }
0x229: {  	p4 =	sne.s32 s21, $0x1;
	v11 =	vshrl.u32 v11, $0x4  }
.Ltmp14:
0x22a: {  	_ = 	snop;
	(pc) =	sbr.rel @p4 .LBB2_19-.Ltmp14, $3  }
0x22b: {  	_ =	sdelay $0x1  }
0x22c: {  	[tilespmem:v7+s10+$0x0] =	vst.idx.add.s32.msk vm0, v3  }
0x22d: {  	s18 =	sadd.s32 $0x10, s18;
	s19 =	sadd.s32 $0x10, s19;
	s21 =	sadd.s32 $0xFFFFFFFF, s21;
	[tilespmem:v11+s11+$0x0] =	vst.idx.add.s32.msk vm0, v3  }
.LBB2_20:
0x22e: {  	v7 =	vld [tilespmem:$0x8280];
	_ =	sdelay $0x4  }
0x22f: {  	v11 =	vperm.xlane v7, v4;
	_ =	sdelay $0x1  }
0x230: {  	(xrf0) =	vadd.scan.msk.s32 $0xffff, v11;
	_ =	sdelay $0x5  }
0x231: {  	v11, _, _ =	vpop (xrf0)  }
0x232: {  	v11 =	vperm.xlane v11, v4;
	_ =	sdelay $0x1  }
0x233: {  	vm0 =	vgt.s32 v11, $0x3F  }
0x234: {  	v11 =	vmpcnt.ones.xlane vm0;
	_ =	sdelay $0x1  }
0x235: {  	v11 =	vadd.s32 $0xFFFFFFFF, v11  }
0x236: {  	vm13 =	vlt.s32 v11, v0  }
0x237: {  	v7 =	vnsel vm13, $0x0, v7  }
0x238: {  	(xrf0) =	vadd.scan.msk.s32 $0xffff, v7;
	_ =	sdelay $0x5  }
0x239: {  	v7, _, _ =	vpop (xrf0)  }
0x23a: {  	(v2sf) =	vpush v7, $0xF  }
0x23b: {  	(v2sf) =	vpush v11, $0x0;
	_ =	sdelay $0xd  }
0x23c: {  	s18 =	spop (v2sf)  }
0x23d: {  	s19 =	spop (v2sf)  }
0x23e: {  	s19 =	sshll.u32 s19, $0x6  }
0x23f: {  	s19 =	sshra.s32 s19, $0x2  }
0x240: {  	v12 =	vld [tilespmem:s19+$0x8180];
	_ =	sdelay $0x4  }
0x241: {  	v13 =	vperm.xlane v12, v4;
	_ =	sdelay $0x1  }
0x242: {  	(xrf0) =	vadd.scan.msk.s32 $0xffff, v13;
	_ =	sdelay $0x5  }
0x243: {  	v13, _, _ =	vpop (xrf0)  }
0x244: {  	v7 =	vbroadcast v7, $0xF;
	v13 =	vperm.xlane v13, v4;
	_ =	sdelay $0x1  }
0x245: {  	v7 =	vadd.s32 v13, v7  }
0x246: {  	vm14 =	vgt.s32 v7, $0x3F  }
0x247: {  	v7 =	vmpcnt.ones.xlane vm14;
	_ =	sdelay $0x1  }
0x248: {  	v7 =	vadd.s32 $0xFFFFFFFF, v7  }
0x249: {  	vm15 =	vlt.s32 v7, v0  }
0x24a: {  	v12 =	vnsel vm15, $0x0, v12  }
0x24b: {  	(xrf0) =	vadd.scan.msk.s32 $0xffff, v12;
	_ =	sdelay $0x5  }
0x24c: {  	[tilespmem:$0x8180] =	vst v2;
	v12, _, _ =	vpop (xrf0)  }
0x24d: {  	[tilespmem:$0x8190] =	vst v2;
	(v2sf) =	vpush v12, $0xF  }
0x24e: {  	[tilespmem:$0x81A0] =	vst v2  }
0x24f: {  	[tilespmem:$0x81B0] =	vst v2  }
0x250: {  	[tilespmem:$0x81C0] =	vst v2  }
0x251: {  	[tilespmem:$0x81D0] =	vst v2  }
0x252: {  	[tilespmem:$0x81E0] =	vst v2  }
0x253: {  	[tilespmem:$0x81F0] =	vst v2  }
0x254: {  	[tilespmem:$0x8200] =	vst v2  }
0x255: {  	[tilespmem:$0x8210] =	vst v2  }
0x256: {  	[tilespmem:$0x8220] =	vst v2  }
0x257: {  	[tilespmem:$0x8230] =	vst v2  }
.Ltmp15:
0x258: {  	[tilespmem:$0x8240] =	vst v2;
	(pc) =	sbr.rel @p3 .LBB2_21-.Ltmp15, $4  }
0x259: {  	[tilespmem:$0x8250] =	vst v2  }
0x25a: {  	[tilespmem:$0x8260] =	vst v2  }
0x25b: {  	v11 =	vshll.u32 v11, $0x4;
	[tilespmem:$0x8270] =	vst v2  }
0x25c: {  	[tilespmem:$0x8280] =	vst v2;
	v7 =	vadd.s32 v11, v7;
	s19 =	spop (v2sf)  }
0x25d: {  	p4 =	seq.s32 s17, $0x1  }
.Ltmp16:
0x25e: {  	_ = 	snop;
	(pc) =	sbr.rel @p4 .LBB2_30-.Ltmp16, $4  }
0x25f: {  	_ = 	snop  }
0x260: {  	s24 =	simm.s32 $0x4000;
	s21 =	simm.s32 $0x0  }
0x261: {  	s29 =	sadd.s32 $0xFFFFFFFF, s17;
	p3 =	por $0x0, $0x0;
	s17 =	simm.s32 $0x0  }
0x262: {  	s25 =	simm.s32 $0x0;
	s26 =	simm.s32 $0x4000;
	s28 =	simm.s32 $0x0  }
0x263: {  	v11 =	vld [tilespmem:s24+$0x0]  }
0x264: {  	v12 =	vor.u32 s21, v0  }
0x265: {  	vm0 =	vlt.s32 v12, v10;
	_ =	sdelay $0x5  }
0x266: {  	v12 =	vld.idx.msk [tilespmem:v11+s3+$0x0], vm0;
	_ =	sdelay $0x4  }
0x267: {  	v13 =	vshra.s32 v12, $0x1F  }
0x268: {  	p4 =	seq.s32 s29, $0x1;
	v13 =	vand.u32 $0x7FFFFFFF, v13  }
.Ltmp17:
0x269: {  	v13 =	vxor.u32 v12, v13;
	(pc) =	sbr.rel @p4 .LBB2_28-.Ltmp17, $4  }
0x26a: {  	v12 =	vshrl.u32 v13, $0x18  }
0x26b: {  	v12 =	vxor.u32 $0x80, v12  }
0x26c: {  	s29 =	sadd.s32 $0xFFFFFFFF, s29;
	p3 =	por $0x1, $0x1;
	s17 =	simm.s32 $0x0;
	vm1 =	veq.s32 v12, v7  }
0x26d: {  	s25 =	simm.s32 $0x0;
	s26 =	simm.s32 $0x4000;
	s28 =	simm.s32 $0x0;
	v14 =	vshrl.u32 v13, $0x10;
	vm1 =	vmand vm0, vm1  }
.LBB2_29:
0x26e: {  	p4 =	seq.s32 s29, $0x1;
	v14 =	vand.u32 $0xFF, v14;
	v13 =	vshrl.u32 v13, $0x14;
	v15 =	vmpcnt.ones.xlane vm1  }
0x26f: {  	v13 =	vand.u32 $0xF, v13  }
0x270: {  	(v2sf) =	vpush v15, $0x0;
	_ =	sdelay $0x2  }
0x271: {  	vm2 =	vgt.s32 v12, v7;
	[tilespmem:v14+s10+$0x0] =	vst.idx.add.s32.msk vm1, v3  }
0x272: {  	vm0 =	vmand vm0, vm2;
	[tilespmem:v13+s11+$0x0] =	vst.idx.add.s32.msk vm1, v3  }
0x273: {  	v12 =	vmpcnt.ones.xlane vm0;
	[tilespmem:s17+$0x8100] =	vst.msk vm0, v11  }
0x274: {  	s26 =	sadd.s32 $0x10, s26;
	[tilespmem:s25+$0x6080] =	vst.msk vm1, v11  }
0x275: {  	s28 =	sadd.s32 $0x10, s28;
	v11 =	vld [tilespmem:s26+$0x0];
	(v2sf) =	vpush v12, $0x0  }
0x276: {  	v12 =	vor.u32 s28, v0  }
0x277: {  	vm0 =	vlt.s32 v12, v10;
	_ =	sdelay $0x5  }
0x278: {  	v12 =	vld.idx.msk [tilespmem:v11+s3+$0x0], vm0;
	s30 =	spop (v2sf)  }
0x279: {  	s25 =	sadd.s32 s25, s30;
	_ =	sdelay $0x4  }
0x27a: {  	v13 =	vshra.s32 v12, $0x1F  }
0x27b: {  	v13 =	vand.u32 $0x7FFFFFFF, v13;
	s30 =	spop (v2sf)  }
.Ltmp18:
0x27c: {  	v13 =	vxor.u32 v12, v13;
	s17 =	sadd.s32 s17, s30;
	(pc) =	sbr.rel @!p4 .LBB2_29-.Ltmp18, $4  }
0x27d: {  	v12 =	vshrl.u32 v13, $0x18  }
0x27e: {  	v12 =	vxor.u32 $0x80, v12  }
0x27f: {  	vm1 =	veq.s32 v12, v7  }
0x280: {  	s29 =	sadd.s32 $0xFFFFFFFF, s29;
	v14 =	vshrl.u32 v13, $0x10;
	vm1 =	vmand vm0, vm1  }
.LBB2_30:
0x281: {  	v14 =	vand.u32 @p3 $0xFF, v14;
	v13 =	vshrl.u32 @p3 v13, $0x14  }
0x282: {  	v13 =	vand.u32 @p3 $0xF, v13;
	_ =	sdelay $0x3  }
0x283: {  	vm2 =	vgt.s32 @p3 v12, v7;
	[tilespmem:v14+s10+$0x0] =	vst.idx.add.s32.msk @p3 vm1, v3  }
0x284: {  	vm0 =	vmand @p3 vm0, vm2;
	[tilespmem:v13+s11+$0x0] =	vst.idx.add.s32.msk @p3 vm1, v3  }
0x285: {  	s26 =	sadd.s32 @p3 $0x10, s26;
	[tilespmem:s17+$0x8100] =	vst.msk @p3 vm0, v11  }
0x286: {  	s24 =	smov.u32 @p3 s26;
	s26 =	sadd.s32 @p3 $0x10, s28;
	s28 =	simm.s32 $0x0;
	[tilespmem:s25+$0x6080] =	vst.msk @p3 vm1, v11  }
0x287: {  	s28 =	smov.u32 @p3 s26;
	v11 =	vld [tilespmem:s24+$0x0]  }
0x288: {  	v59 =	vor.u32 s28, v0  }
0x289: {  	vm13 =	vlt.s32 v59, v10;
	_ =	sdelay $0x5  }
0x28a: {  	v10 =	vld.idx.msk [tilespmem:v11+s3+$0x0], vm13;
	_ =	sdelay $0x4  }
0x28b: {  	v60 =	vshra.s32 v10, $0x1F  }
0x28c: {  	v12 =	vand.u32 $0x7FFFFFFF, v60  }
0x28d: {  	v10 =	vxor.u32 v10, v12  }
0x28e: {  	v12 =	vshrl.u32 v10, $0x18  }
0x28f: {  	v13 =	vmpcnt.ones.xlane @p3 vm1;
	v12 =	vxor.u32 $0x80, v12  }
0x290: {  	v14 =	vmpcnt.ones.xlane @p3 vm0;
	vm14 =	veq.s32 v12, v7  }
0x291: {  	(v2sf) =	vpush @p3 v13, $0x0;
	vm15 =	vgt.s32 v12, v7;
	vm0 =	vmand vm13, vm14  }
0x292: {  	(v2sf) =	vpush @p3 v14, $0x0;
	vm1 =	vmand vm13, vm15;
	v61 =	vmpcnt.ones.xlane vm0  }
0x293: {  	v62 =	vmpcnt.ones.xlane vm1  }
0x294: {  	(v2sf) =	vpush v61, $0x0  }
0x295: {  	(v2sf) =	vpush v62, $0x0;
	_ =	sdelay $0x6  }
0x296: {  	v63 =	vshrl.u32 v10, $0x10  }
0x297: {  	v10 =	vshrl.u32 v10, $0x14;
	v12 =	vand.u32 $0xFF, v63  }
0x298: {  	v10 =	vand.u32 $0xF, v10;
	_ =	sdelay $0x1  }
0x299: {  	s24 =	spop @p3 (v2sf)  }
.Ltmp19:
0x29a: {  	s26 =	spop @p3 (v2sf);
	(pc) =	sbr.rel .LBB2_22-.Ltmp19, $4  }
0x29b: {  	s17 =	sadd.s32 @p3 s17, s26;
	s26 =	simm.s32 $0x0;
	[tilespmem:v12+s10+$0x0] =	vst.idx.add.s32.msk vm0, v3  }
0x29c: {  	s24 =	sadd.s32 @p3 s25, s24;
	s26 =	smov.u32 @p3 s17;
	[tilespmem:v10+s11+$0x0] =	vst.idx.add.s32.msk vm0, v3;
	s30 =	spop (v2sf)  }
0x29d: {  	s21 =	smov.u32 @p3 s24;
	[tilespmem:s26+$0x8100] =	vst.msk vm1, v11;
	s31 =	spop (v2sf)  }
0x29e: {  	[tilespmem:s21+$0x6080] =	vst.msk vm0, v11;
	s21 =	sadd.s32 s21, s30;
	s17 =	sadd.s32 s26, s31  }
.LBB2_21:
0x29f: {  	s17 =	simm.s32 $0x0;
	s21 =	simm.s32 $0x0  }
.LBB2_22:
.Ltmp20:
0x2a0: {  	(pc) =	sbr.rel @p2 .LBB2_31-.Ltmp20, $1  }
0x2a1: {  	_ =	sdelay $0x3  }
0x2a2: {  	p3 =	seq.s32 s23, $0x1  }
.Ltmp21:
0x2a3: {  	_ = 	snop;
	(pc) =	sbr.rel @p3 .LBB2_36-.Ltmp21, $4  }
0x2a4: {  	_ = 	snop  }
0x2a5: {  	s25 =	simm.s32 $0x4810;
	s24 =	simm.s32 $0x0  }
0x2a6: {  	s30 =	sadd.s32 $0xFFFFFFFF, s23;
	p2 =	por $0x0, $0x0;
	s23 =	smov.u32 s17  }
0x2a7: {  	s26 =	smov.u32 s21;
	s28 =	simm.s32 $0x4810;
	s29 =	simm.s32 $0x0  }
0x2a8: {  	v10 =	vld [tilespmem:s25+$0x0]  }
0x2a9: {  	v11 =	vor.u32 s24, v0  }
0x2aa: {  	vm0 =	vlt.s32 v11, v9;
	_ =	sdelay $0x5  }
0x2ab: {  	v11 =	vld.idx.msk [tilespmem:v10+s3+$0x0], vm0;
	_ =	sdelay $0x4  }
0x2ac: {  	v12 =	vshra.s32 v11, $0x1F  }
0x2ad: {  	p3 =	seq.s32 s30, $0x1;
	v12 =	vand.u32 $0x7FFFFFFF, v12  }
.Ltmp22:
0x2ae: {  	v12 =	vxor.u32 v11, v12;
	(pc) =	sbr.rel @p3 .LBB2_25-.Ltmp22, $4  }
0x2af: {  	v11 =	vshrl.u32 v12, $0x18  }
0x2b0: {  	v11 =	vxor.u32 $0x80, v11  }
0x2b1: {  	s30 =	sadd.s32 $0xFFFFFFFF, s30;
	p2 =	por $0x1, $0x1;
	s23 =	smov.u32 s17;
	vm1 =	veq.s32 v11, v7  }
0x2b2: {  	s26 =	smov.u32 s21;
	s28 =	simm.s32 $0x4810;
	s29 =	simm.s32 $0x0;
	v13 =	vshrl.u32 v12, $0x10;
	vm1 =	vmand vm0, vm1  }
.LBB2_35:
0x2b3: {  	p3 =	seq.s32 s30, $0x1;
	v13 =	vand.u32 $0xFF, v13;
	v12 =	vshrl.u32 v12, $0x14;
	v14 =	vmpcnt.ones.xlane vm1  }
0x2b4: {  	v12 =	vand.u32 $0xF, v12  }
0x2b5: {  	(v2sf) =	vpush v14, $0x0;
	_ =	sdelay $0x2  }
0x2b6: {  	vm2 =	vgt.s32 v11, v7;
	[tilespmem:v13+s10+$0x0] =	vst.idx.add.s32.msk vm1, v3  }
0x2b7: {  	vm0 =	vmand vm0, vm2;
	[tilespmem:v12+s11+$0x0] =	vst.idx.add.s32.msk vm1, v3  }
0x2b8: {  	v11 =	vmpcnt.ones.xlane vm0;
	[tilespmem:s23+$0x8100] =	vst.msk vm0, v10  }
0x2b9: {  	s28 =	sadd.s32 $0x10, s28;
	[tilespmem:s26+$0x6080] =	vst.msk vm1, v10  }
0x2ba: {  	s29 =	sadd.s32 $0x10, s29;
	v10 =	vld [tilespmem:s28+$0x0];
	(v2sf) =	vpush v11, $0x0  }
0x2bb: {  	v11 =	vor.u32 s29, v0  }
0x2bc: {  	vm0 =	vlt.s32 v11, v9;
	_ =	sdelay $0x5  }
0x2bd: {  	v11 =	vld.idx.msk [tilespmem:v10+s3+$0x0], vm0;
	s31 =	spop (v2sf)  }
0x2be: {  	s26 =	sadd.s32 s26, s31;
	_ =	sdelay $0x4  }
0x2bf: {  	v12 =	vshra.s32 v11, $0x1F  }
0x2c0: {  	v12 =	vand.u32 $0x7FFFFFFF, v12;
	s31 =	spop (v2sf)  }
.Ltmp23:
0x2c1: {  	v12 =	vxor.u32 v11, v12;
	s23 =	sadd.s32 s23, s31;
	(pc) =	sbr.rel @!p3 .LBB2_35-.Ltmp23, $4  }
0x2c2: {  	v11 =	vshrl.u32 v12, $0x18  }
0x2c3: {  	v11 =	vxor.u32 $0x80, v11  }
0x2c4: {  	vm1 =	veq.s32 v11, v7  }
0x2c5: {  	s30 =	sadd.s32 $0xFFFFFFFF, s30;
	v13 =	vshrl.u32 v12, $0x10;
	vm1 =	vmand vm0, vm1  }
.LBB2_36:
0x2c6: {  	v13 =	vand.u32 @p2 $0xFF, v13;
	v12 =	vshrl.u32 @p2 v12, $0x14  }
0x2c7: {  	v12 =	vand.u32 @p2 $0xF, v12;
	_ =	sdelay $0x3  }
0x2c8: {  	vm2 =	vgt.s32 @p2 v11, v7;
	[tilespmem:v13+s10+$0x0] =	vst.idx.add.s32.msk @p2 vm1, v3  }
0x2c9: {  	vm0 =	vmand @p2 vm0, vm2;
	[tilespmem:v12+s11+$0x0] =	vst.idx.add.s32.msk @p2 vm1, v3  }
0x2ca: {  	s28 =	sadd.s32 @p2 $0x10, s28;
	[tilespmem:s23+$0x8100] =	vst.msk @p2 vm0, v10  }
0x2cb: {  	s25 =	smov.u32 @p2 s28;
	s28 =	sadd.s32 @p2 $0x10, s29;
	[tilespmem:s26+$0x6080] =	vst.msk @p2 vm1, v10  }
0x2cc: {  	s24 =	smov.u32 @p2 s28;
	v10 =	vld [tilespmem:s25+$0x0]  }
0x2cd: {  	v11 =	vor.u32 s24, v0  }
0x2ce: {  	vm13 =	vlt.s32 v11, v9;
	_ =	sdelay $0x5  }
0x2cf: {  	v9 =	vld.idx.msk [tilespmem:v10+s3+$0x0], vm13;
	_ =	sdelay $0x4  }
0x2d0: {  	v11 =	vshra.s32 v9, $0x1F  }
0x2d1: {  	v11 =	vand.u32 $0x7FFFFFFF, v11  }
0x2d2: {  	v9 =	vxor.u32 v9, v11  }
0x2d3: {  	v62 =	vshrl.u32 v9, $0x18  }
0x2d4: {  	v11 =	vmpcnt.ones.xlane @p2 vm1;
	v12 =	vxor.u32 $0x80, v62  }
0x2d5: {  	v13 =	vmpcnt.ones.xlane @p2 vm0;
	vm14 =	veq.s32 v12, v7  }
0x2d6: {  	(v2sf) =	vpush @p2 v11, $0x0;
	vm15 =	vgt.s32 v12, v7;
	vm0 =	vmand vm13, vm14  }
0x2d7: {  	(v2sf) =	vpush @p2 v13, $0x0;
	vm1 =	vmand vm13, vm15;
	v11 =	vmpcnt.ones.xlane vm0  }
0x2d8: {  	v63 =	vmpcnt.ones.xlane vm1  }
0x2d9: {  	(v2sf) =	vpush v11, $0x0  }
0x2da: {  	(v2sf) =	vpush v63, $0x0;
	_ =	sdelay $0x6  }
0x2db: {  	v11 =	vshrl.u32 v9, $0x10  }
0x2dc: {  	v9 =	vshrl.u32 v9, $0x14;
	v11 =	vand.u32 $0xFF, v11  }
0x2dd: {  	v9 =	vand.u32 $0xF, v9;
	_ =	sdelay $0x1  }
0x2de: {  	s24 =	spop @p2 (v2sf)  }
0x2df: {  	s25 =	spop @p2 (v2sf)  }
0x2e0: {  	[tilespmem:v11+s10+$0x0] =	vst.idx.add.s32.msk vm0, v3;
	s23 =	sadd.s32 @p2 s23, s25  }
0x2e1: {  	[tilespmem:v9+s11+$0x0] =	vst.idx.add.s32.msk vm0, v3;
	s24 =	sadd.s32 @p2 s26, s24;
	s17 =	smov.u32 @p2 s23;
	s30 =	spop (v2sf)  }
0x2e2: {  	s21 =	smov.u32 @p2 s24;
	[tilespmem:s17+$0x8100] =	vst.msk vm1, v10;
	s31 =	spop (v2sf)  }
0x2e3: {  	[tilespmem:s21+$0x6080] =	vst.msk vm0, v10;
	s21 =	sadd.s32 s21, s30;
	s17 =	sadd.s32 s17, s31  }
.LBB2_31:
.Ltmp24:
0x2e4: {  	(pc) =	sbr.rel @p1 .LBB2_37-.Ltmp24, $1  }
0x2e5: {  	_ =	sdelay $0x3  }
0x2e6: {  	p2 =	seq.s32 s22, $0x1  }
.Ltmp25:
0x2e7: {  	_ = 	snop;
	(pc) =	sbr.rel @p2 .LBB2_42-.Ltmp25, $4  }
0x2e8: {  	_ = 	snop  }
0x2e9: {  	s24 =	simm.s32 $0x5020;
	s23 =	simm.s32 $0x0  }
0x2ea: {  	s29 =	sadd.s32 $0xFFFFFFFF, s22;
	p1 =	por $0x0, $0x0;
	s22 =	smov.u32 s17  }
0x2eb: {  	s25 =	smov.u32 s21;
	s26 =	simm.s32 $0x5020;
	s28 =	simm.s32 $0x0  }
0x2ec: {  	v9 =	vld [tilespmem:s24+$0x0]  }
0x2ed: {  	v10 =	vor.u32 s23, v0  }
0x2ee: {  	vm0 =	vlt.s32 v10, v8;
	_ =	sdelay $0x5  }
0x2ef: {  	v10 =	vld.idx.msk [tilespmem:v9+s3+$0x0], vm0;
	_ =	sdelay $0x4  }
0x2f0: {  	v11 =	vshra.s32 v10, $0x1F  }
0x2f1: {  	p2 =	seq.s32 s29, $0x1;
	v11 =	vand.u32 $0x7FFFFFFF, v11  }
.Ltmp26:
0x2f2: {  	v11 =	vxor.u32 v10, v11;
	(pc) =	sbr.rel @p2 .LBB2_34-.Ltmp26, $4  }
0x2f3: {  	v10 =	vshrl.u32 v11, $0x18  }
0x2f4: {  	v10 =	vxor.u32 $0x80, v10  }
0x2f5: {  	s29 =	sadd.s32 $0xFFFFFFFF, s29;
	p1 =	por $0x1, $0x1;
	s22 =	smov.u32 s17;
	vm1 =	veq.s32 v10, v7  }
0x2f6: {  	s25 =	smov.u32 s21;
	s26 =	simm.s32 $0x5020;
	s28 =	simm.s32 $0x0;
	v12 =	vshrl.u32 v11, $0x10;
	vm1 =	vmand vm0, vm1  }
.LBB2_41:
0x2f7: {  	p2 =	seq.s32 s29, $0x1;
	v12 =	vand.u32 $0xFF, v12;
	v11 =	vshrl.u32 v11, $0x14;
	v13 =	vmpcnt.ones.xlane vm1  }
0x2f8: {  	v11 =	vand.u32 $0xF, v11  }
0x2f9: {  	(v2sf) =	vpush v13, $0x0;
	_ =	sdelay $0x2  }
0x2fa: {  	vm2 =	vgt.s32 v10, v7;
	[tilespmem:v12+s10+$0x0] =	vst.idx.add.s32.msk vm1, v3  }
0x2fb: {  	vm0 =	vmand vm0, vm2;
	[tilespmem:v11+s11+$0x0] =	vst.idx.add.s32.msk vm1, v3  }
0x2fc: {  	v10 =	vmpcnt.ones.xlane vm0;
	[tilespmem:s22+$0x8100] =	vst.msk vm0, v9  }
0x2fd: {  	s26 =	sadd.s32 $0x10, s26;
	[tilespmem:s25+$0x6080] =	vst.msk vm1, v9  }
0x2fe: {  	s28 =	sadd.s32 $0x10, s28;
	v9 =	vld [tilespmem:s26+$0x0];
	(v2sf) =	vpush v10, $0x0  }
0x2ff: {  	v10 =	vor.u32 s28, v0  }
0x300: {  	vm0 =	vlt.s32 v10, v8;
	_ =	sdelay $0x5  }
0x301: {  	v10 =	vld.idx.msk [tilespmem:v9+s3+$0x0], vm0;
	s30 =	spop (v2sf)  }
0x302: {  	s25 =	sadd.s32 s25, s30;
	_ =	sdelay $0x4  }
0x303: {  	v11 =	vshra.s32 v10, $0x1F  }
0x304: {  	v11 =	vand.u32 $0x7FFFFFFF, v11;
	s30 =	spop (v2sf)  }
.Ltmp27:
0x305: {  	v11 =	vxor.u32 v10, v11;
	s22 =	sadd.s32 s22, s30;
	(pc) =	sbr.rel @!p2 .LBB2_41-.Ltmp27, $4  }
0x306: {  	v10 =	vshrl.u32 v11, $0x18  }
0x307: {  	v10 =	vxor.u32 $0x80, v10  }
0x308: {  	vm1 =	veq.s32 v10, v7  }
0x309: {  	s29 =	sadd.s32 $0xFFFFFFFF, s29;
	v12 =	vshrl.u32 v11, $0x10;
	vm1 =	vmand vm0, vm1  }
.LBB2_42:
0x30a: {  	v12 =	vand.u32 @p1 $0xFF, v12;
	v11 =	vshrl.u32 @p1 v11, $0x14  }
0x30b: {  	v11 =	vand.u32 @p1 $0xF, v11;
	_ =	sdelay $0x3  }
0x30c: {  	vm2 =	vgt.s32 @p1 v10, v7;
	[tilespmem:v12+s10+$0x0] =	vst.idx.add.s32.msk @p1 vm1, v3  }
0x30d: {  	vm0 =	vmand @p1 vm0, vm2;
	[tilespmem:v11+s11+$0x0] =	vst.idx.add.s32.msk @p1 vm1, v3  }
0x30e: {  	s26 =	sadd.s32 @p1 $0x10, s26;
	[tilespmem:s22+$0x8100] =	vst.msk @p1 vm0, v9  }
0x30f: {  	s24 =	smov.u32 @p1 s26;
	s26 =	sadd.s32 @p1 $0x10, s28;
	[tilespmem:s25+$0x6080] =	vst.msk @p1 vm1, v9  }
0x310: {  	s23 =	smov.u32 @p1 s26;
	v9 =	vld [tilespmem:s24+$0x0]  }
0x311: {  	v58 =	vor.u32 s23, v0  }
0x312: {  	vm13 =	vlt.s32 v58, v8;
	_ =	sdelay $0x5  }
0x313: {  	v8 =	vld.idx.msk [tilespmem:v9+s3+$0x0], vm13;
	_ =	sdelay $0x4  }
0x314: {  	v59 =	vshra.s32 v8, $0x1F  }
0x315: {  	v10 =	vand.u32 $0x7FFFFFFF, v59  }
0x316: {  	v8 =	vxor.u32 v8, v10  }
0x317: {  	v60 =	vshrl.u32 v8, $0x18  }
0x318: {  	v10 =	vmpcnt.ones.xlane @p1 vm1;
	v11 =	vxor.u32 $0x80, v60  }
0x319: {  	v12 =	vmpcnt.ones.xlane @p1 vm0;
	vm14 =	veq.s32 v11, v7  }
0x31a: {  	(v2sf) =	vpush @p1 v10, $0x0;
	vm15 =	vgt.s32 v11, v7;
	vm0 =	vmand vm13, vm14  }
0x31b: {  	(v2sf) =	vpush @p1 v12, $0x0;
	vm1 =	vmand vm13, vm15;
	v61 =	vmpcnt.ones.xlane vm0  }
0x31c: {  	v62 =	vmpcnt.ones.xlane vm1  }
0x31d: {  	(v2sf) =	vpush v61, $0x0  }
0x31e: {  	(v2sf) =	vpush v62, $0x0;
	_ =	sdelay $0x6  }
0x31f: {  	v63 =	vshrl.u32 v8, $0x10  }
0x320: {  	v8 =	vshrl.u32 v8, $0x14;
	v10 =	vand.u32 $0xFF, v63  }
0x321: {  	v8 =	vand.u32 $0xF, v8;
	_ =	sdelay $0x1  }
0x322: {  	s23 =	spop @p1 (v2sf)  }
0x323: {  	s24 =	spop @p1 (v2sf)  }
0x324: {  	[tilespmem:v10+s10+$0x0] =	vst.idx.add.s32.msk vm0, v3;
	s22 =	sadd.s32 @p1 s22, s24  }
0x325: {  	[tilespmem:v8+s11+$0x0] =	vst.idx.add.s32.msk vm0, v3;
	s23 =	sadd.s32 @p1 s25, s23;
	s17 =	smov.u32 @p1 s22;
	s30 =	spop (v2sf)  }
0x326: {  	s21 =	smov.u32 @p1 s23;
	[tilespmem:s17+$0x8100] =	vst.msk vm1, v9;
	s31 =	spop (v2sf)  }
0x327: {  	[tilespmem:s21+$0x6080] =	vst.msk vm0, v9;
	s21 =	sadd.s32 s21, s30;
	s17 =	sadd.s32 s17, s31  }
.LBB2_37:
.Ltmp28:
0x328: {  	(pc) =	sbr.rel @p0 .LBB2_45-.Ltmp28, $1  }
0x329: {  	_ =	sdelay $0x3  }
0x32a: {  	p1 =	sne.s32 s20, $0x1  }
.Ltmp29:
0x32b: {  	_ = 	snop;
	(pc) =	sbr.rel @!p1 .LBB2_44-.Ltmp29, $4  }
0x32c: {  	_ = 	snop  }
0x32d: {  	s23 =	simm.s32 $0x5830;
	s22 =	simm.s32 $0x0  }
0x32e: {  	s28 =	sadd.s32 $0xFFFFFFFF, s20;
	p0 =	por $0x0, $0x0;
	s20 =	smov.u32 s17  }
0x32f: {  	s24 =	smov.u32 s21;
	s25 =	simm.s32 $0x5830;
	s26 =	simm.s32 $0x0  }
0x330: {  	v8 =	vld [tilespmem:s23+$0x0]  }
0x331: {  	v9 =	vor.u32 s22, v0  }
0x332: {  	vm0 =	vlt.s32 v9, v6;
	_ =	sdelay $0x5  }
0x333: {  	v9 =	vld.idx.msk [tilespmem:v8+s3+$0x0], vm0;
	_ =	sdelay $0x4  }
0x334: {  	v10 =	vshra.s32 v9, $0x1F  }
0x335: {  	p1 =	sne.s32 s28, $0x1;
	v10 =	vand.u32 $0x7FFFFFFF, v10  }
.Ltmp30:
0x336: {  	v10 =	vxor.u32 v9, v10;
	(pc) =	sbr.rel @!p1 .LBB2_40-.Ltmp30, $4  }
0x337: {  	v9 =	vshrl.u32 v10, $0x18  }
0x338: {  	v9 =	vxor.u32 $0x80, v9  }
0x339: {  	s28 =	sadd.s32 $0xFFFFFFFF, s28;
	p0 =	por $0x1, $0x1;
	s20 =	smov.u32 s17;
	vm1 =	veq.s32 v9, v7  }
0x33a: {  	s24 =	smov.u32 s21;
	s25 =	simm.s32 $0x5830;
	s26 =	simm.s32 $0x0;
	v11 =	vshrl.u32 v10, $0x10;
	vm1 =	vmand vm0, vm1  }
.LBB2_43:
0x33b: {  	p1 =	sne.s32 s28, $0x1;
	v11 =	vand.u32 $0xFF, v11;
	v10 =	vshrl.u32 v10, $0x14;
	v12 =	vmpcnt.ones.xlane vm1  }
0x33c: {  	v10 =	vand.u32 $0xF, v10  }
0x33d: {  	(v2sf) =	vpush v12, $0x0;
	_ =	sdelay $0x2  }
0x33e: {  	vm2 =	vgt.s32 v9, v7;
	[tilespmem:v11+s10+$0x0] =	vst.idx.add.s32.msk vm1, v3  }
0x33f: {  	vm0 =	vmand vm0, vm2;
	[tilespmem:v10+s11+$0x0] =	vst.idx.add.s32.msk vm1, v3  }
0x340: {  	v9 =	vmpcnt.ones.xlane vm0;
	[tilespmem:s20+$0x8100] =	vst.msk vm0, v8  }
0x341: {  	s25 =	sadd.s32 $0x10, s25;
	[tilespmem:s24+$0x6080] =	vst.msk vm1, v8  }
0x342: {  	s26 =	sadd.s32 $0x10, s26;
	v8 =	vld [tilespmem:s25+$0x0];
	(v2sf) =	vpush v9, $0x0  }
0x343: {  	v9 =	vor.u32 s26, v0  }
0x344: {  	vm0 =	vlt.s32 v9, v6;
	_ =	sdelay $0x5  }
0x345: {  	v9 =	vld.idx.msk [tilespmem:v8+s3+$0x0], vm0;
	s29 =	spop (v2sf)  }
0x346: {  	s24 =	sadd.s32 s24, s29;
	_ =	sdelay $0x4  }
0x347: {  	v10 =	vshra.s32 v9, $0x1F  }
0x348: {  	v10 =	vand.u32 $0x7FFFFFFF, v10;
	s29 =	spop (v2sf)  }
.Ltmp31:
0x349: {  	v10 =	vxor.u32 v9, v10;
	s20 =	sadd.s32 s20, s29;
	(pc) =	sbr.rel @p1 .LBB2_43-.Ltmp31, $4  }
0x34a: {  	v9 =	vshrl.u32 v10, $0x18  }
0x34b: {  	v9 =	vxor.u32 $0x80, v9  }
0x34c: {  	vm1 =	veq.s32 v9, v7  }
0x34d: {  	s28 =	sadd.s32 $0xFFFFFFFF, s28;
	v11 =	vshrl.u32 v10, $0x10;
	vm1 =	vmand vm0, vm1  }
.LBB2_44:
0x34e: {  	v11 =	vand.u32 @p0 $0xFF, v11;
	v10 =	vshrl.u32 @p0 v10, $0x14  }
0x34f: {  	v10 =	vand.u32 @p0 $0xF, v10;
	_ =	sdelay $0x3  }
0x350: {  	vm2 =	vgt.s32 @p0 v9, v7;
	[tilespmem:v11+s10+$0x0] =	vst.idx.add.s32.msk @p0 vm1, v3  }
0x351: {  	vm0 =	vmand @p0 vm0, vm2;
	[tilespmem:v10+s11+$0x0] =	vst.idx.add.s32.msk @p0 vm1, v3  }
0x352: {  	s25 =	sadd.s32 @p0 $0x10, s25;
	[tilespmem:s20+$0x8100] =	vst.msk @p0 vm0, v8  }
0x353: {  	s23 =	smov.u32 @p0 s25;
	s25 =	sadd.s32 @p0 $0x10, s26;
	[tilespmem:s24+$0x6080] =	vst.msk @p0 vm1, v8  }
0x354: {  	s22 =	smov.u32 @p0 s25;
	v8 =	vld [tilespmem:s23+$0x0]  }
0x355: {  	v60 =	vor.u32 s22, v0  }
0x356: {  	vm13 =	vlt.s32 v60, v6;
	_ =	sdelay $0x5  }
0x357: {  	v6 =	vld.idx.msk [tilespmem:v8+s3+$0x0], vm13;
	_ =	sdelay $0x4  }
0x358: {  	v61 =	vshra.s32 v6, $0x1F  }
0x359: {  	v9 =	vand.u32 $0x7FFFFFFF, v61  }
0x35a: {  	v6 =	vxor.u32 v6, v9  }
0x35b: {  	v62 =	vshrl.u32 v6, $0x18  }
0x35c: {  	v9 =	vmpcnt.ones.xlane @p0 vm1;
	v10 =	vxor.u32 $0x80, v62  }
0x35d: {  	v11 =	vmpcnt.ones.xlane @p0 vm0;
	vm14 =	veq.s32 v10, v7  }
0x35e: {  	(v2sf) =	vpush @p0 v9, $0x0;
	vm15 =	vgt.s32 v10, v7;
	vm0 =	vmand vm13, vm14  }
0x35f: {  	(v2sf) =	vpush @p0 v11, $0x0;
	vm1 =	vmand vm13, vm15;
	v7 =	vmpcnt.ones.xlane vm0  }
0x360: {  	v63 =	vmpcnt.ones.xlane vm1  }
0x361: {  	(v2sf) =	vpush v7, $0x0  }
0x362: {  	(v2sf) =	vpush v63, $0x0;
	_ =	sdelay $0x6  }
0x363: {  	v7 =	vshrl.u32 v6, $0x10  }
0x364: {  	v6 =	vshrl.u32 v6, $0x14;
	v7 =	vand.u32 $0xFF, v7  }
0x365: {  	v6 =	vand.u32 $0xF, v6;
	_ =	sdelay $0x1  }
0x366: {  	s22 =	spop @p0 (v2sf)  }
0x367: {  	s23 =	spop @p0 (v2sf)  }
0x368: {  	[tilespmem:v7+s10+$0x0] =	vst.idx.add.s32.msk vm0, v3;
	s20 =	sadd.s32 @p0 s20, s23  }
0x369: {  	[tilespmem:v6+s11+$0x0] =	vst.idx.add.s32.msk vm0, v3;
	s22 =	sadd.s32 @p0 s24, s22;
	s17 =	smov.u32 @p0 s20;
	s30 =	spop (v2sf)  }
0x36a: {  	s21 =	smov.u32 @p0 s22;
	[tilespmem:s17+$0x8100] =	vst.msk vm1, v8;
	s31 =	spop (v2sf)  }
0x36b: {  	[tilespmem:s21+$0x6080] =	vst.msk vm0, v8;
	s21 =	sadd.s32 s21, s30;
	s17 =	sadd.s32 s17, s31  }
.LBB2_45:
0x36c: {  	v8 =	vld [tilespmem:$0x8280];
	_ =	sdelay $0x4  }
0x36d: {  	v6 =	vperm.xlane v8, v4;
	_ =	sdelay $0x1  }
0x36e: {  	(xrf0) =	vadd.scan.msk.s32 $0xffff, v6;
	_ =	sdelay $0x3  }
0x36f: {  	s18 =	sadd.s32 s18, s19  }
0x370: {  	v6 =	vmov s18  }
0x371: {  	v6 =	vsub.s32 $0x40, v6;
	v7, _, _ =	vpop (xrf0)  }
0x372: {  	v9 =	vbroadcast v6, $0x0;
	v7 =	vperm.xlane v7, v4;
	_ =	sdelay $0x1  }
0x373: {  	vm0 =	vge.s32 v7, v9  }
0x374: {  	v7 =	vmpcnt.ones.xlane vm0;
	_ =	sdelay $0x1  }
0x375: {  	v7 =	vadd.s32 $0xFFFFFFFF, v7  }
0x376: {  	vm13 =	vlt.s32 v7, v0  }
0x377: {  	v8 =	vnsel vm13, $0x0, v8  }
0x378: {  	(xrf0) =	vadd.scan.msk.s32 $0xffff, v8;
	_ =	sdelay $0x5  }
0x379: {  	v8, _, _ =	vpop (xrf0)  }
0x37a: {  	(v2sf) =	vpush v8, $0xF  }
0x37b: {  	(v2sf) =	vpush v7, $0x0;
	_ =	sdelay $0xd  }
0x37c: {  	s19 =	spop (v2sf)  }
0x37d: {  	s29 =	spop (v2sf)  }
0x37e: {  	s18 =	sshll.u32 s29, $0x6  }
0x37f: {  	s18 =	sshra.s32 s18, $0x2  }
0x380: {  	v10 =	vld [tilespmem:s18+$0x8180];
	_ =	sdelay $0x4  }
0x381: {  	v11 =	vperm.xlane v10, v4;
	_ =	sdelay $0x1  }
0x382: {  	(xrf0) =	vadd.scan.msk.s32 $0xffff, v11;
	_ =	sdelay $0x5  }
0x383: {  	v11, _, _ =	vpop (xrf0)  }
0x384: {  	v8 =	vbroadcast v8, $0xF;
	v11 =	vperm.xlane v11, v4;
	_ =	sdelay $0x1  }
0x385: {  	v8 =	vadd.s32 v11, v8  }
0x386: {  	vm14 =	vge.s32 v8, v9  }
0x387: {  	v8 =	vmpcnt.ones.xlane vm14;
	_ =	sdelay $0x1  }
0x388: {  	v8 =	vadd.s32 $0xFFFFFFFF, v8  }
0x389: {  	vm15 =	vlt.s32 v8, v0  }
0x38a: {  	v9 =	vnsel vm15, $0x0, v10  }
0x38b: {  	(xrf0) =	vadd.scan.msk.s32 $0xffff, v9;
	_ =	sdelay $0x5  }
0x38c: {  	[tilespmem:$0x8180] =	vst v2;
	v9, _, _ =	vpop (xrf0)  }
0x38d: {  	[tilespmem:$0x8190] =	vst v2;
	(v2sf) =	vpush v9, $0xF  }
0x38e: {  	[tilespmem:$0x81A0] =	vst v2  }
0x38f: {  	[tilespmem:$0x81B0] =	vst v2  }
0x390: {  	s30 =	sadd.s32 $0xF, s21;
	[tilespmem:$0x81C0] =	vst v2  }
0x391: {  	s20 =	sand.u32 $0xF, s30;
	[tilespmem:$0x81D0] =	vst v2  }
0x392: {  	s22 =	sshra.s32 s30, $0x1F;
	p0 =	slt.s32 s30, $0x1;
	p1 =	sne.s32 s20, $0x0;
	[tilespmem:$0x81E0] =	vst v2  }
0x393: {  	s31 =	sshrl.u32 s22, $0x1C;
	p0 =	por !p0, !p1;
	[tilespmem:$0x81F0] =	vst v2  }
0x394: {  	s20 =	simm.s32 $0x1;
	p0 =	por !p0, !p0;
	[tilespmem:$0x8200] =	vst v2;
	s18 =	sadd.s32 s31, s30  }
0x395: {  	s20 =	simm.s32 @!p0 $0x0;
	[tilespmem:$0x8210] =	vst v2;
	s18 =	sshra.s32 s18, $0x4  }
0x396: {  	[tilespmem:$0x8220] =	vst v2;
	s24 =	ssub.s32 s18, s20  }
0x397: {  	[tilespmem:$0x8230] =	vst v2;
	p0 =	slt.s32 s24, $0x1  }
.Ltmp32:
0x398: {  	[tilespmem:$0x8240] =	vst v2;
	(pc) =	sbr.rel @p0 .LBB2_46-.Ltmp32, $4  }
0x399: {  	[tilespmem:$0x8250] =	vst v2  }
0x39a: {  	[tilespmem:$0x8260] =	vst v2  }
0x39b: {  	[tilespmem:$0x8270] =	vst v2  }
0x39c: {  	[tilespmem:$0x8280] =	vst v2;
	s18 =	simm.s32 $0x0;
	s20 =	spop (v2sf)  }
0x39d: {  	p1 =	sne.s32 s24, $0x1  }
.Ltmp33:
0x39e: {  	_ = 	snop;
	(pc) =	sbr.rel @!p1 .LBB2_51-.Ltmp33, $4  }
0x39f: {  	_ = 	snop  }
0x3a0: {  	s23 =	simm.s32 $0x6080;
	s22 =	simm.s32 $0x0  }
0x3a1: {  	v7 =	vshll.u32 v7, $0x4;
	s28 =	sadd.s32 $0xFFFFFFFF, s24;
	p0 =	por $0x0, $0x0;
	s24 =	simm.s32 $0x0  }
0x3a2: {  	s25 =	simm.s32 $0x6080;
	s26 =	simm.s32 $0x0;
	v7 =	vadd.s32 v7, v8;
	v8 =	vmov s21;
	s21 =	smov.u32 s17  }
0x3a3: {  	v9 =	vld [tilespmem:s23+$0x0]  }
0x3a4: {  	v10 =	vor.u32 s22, v0  }
0x3a5: {  	vm0 =	vlt.s32 v10, v8;
	_ =	sdelay $0x5  }
0x3a6: {  	v10 =	vld.idx.msk [tilespmem:v9+s3+$0x0], vm0;
	_ =	sdelay $0x4  }
0x3a7: {  	v11 =	vshra.s32 v10, $0x1F  }
0x3a8: {  	p1 =	sne.s32 s28, $0x1;
	v11 =	vand.u32 $0x7FFFFFFF, v11  }
.Ltmp34:
0x3a9: {  	v11 =	vxor.u32 v10, v11;
	(pc) =	sbr.rel @!p1 .LBB2_49-.Ltmp34, $4  }
0x3aa: {  	v10 =	vshrl.u32 v11, $0x10  }
0x3ab: {  	v10 =	vand.u32 $0xFF, v10  }
0x3ac: {  	s28 =	sadd.s32 $0xFFFFFFFF, s28;
	p0 =	por $0x1, $0x1;
	s21 =	smov.u32 s17;
	vm1 =	veq.s32 v10, v7  }
0x3ad: {  	s24 =	simm.s32 $0x0;
	s25 =	simm.s32 $0x6080;
	s26 =	simm.s32 $0x0;
	v12 =	vshrl.u32 v11, $0x8;
	vm1 =	vmand vm0, vm1  }
.LBB2_50:
0x3ae: {  	p1 =	sne.s32 s28, $0x1;
	v12 =	vand.u32 $0xFF, v12;
	v11 =	vshrl.u32 v11, $0xC;
	v13 =	vmpcnt.ones.xlane vm1  }
0x3af: {  	v11 =	vand.u32 $0xF, v11  }
0x3b0: {  	(v2sf) =	vpush v13, $0x0;
	_ =	sdelay $0x2  }
0x3b1: {  	vm2 =	vgt.s32 v10, v7;
	[tilespmem:v12+s10+$0x0] =	vst.idx.add.s32.msk vm1, v3  }
0x3b2: {  	vm0 =	vmand vm0, vm2;
	[tilespmem:v11+s11+$0x0] =	vst.idx.add.s32.msk vm1, v3  }
0x3b3: {  	v10 =	vmpcnt.ones.xlane vm0;
	[tilespmem:s21+$0x8100] =	vst.msk vm0, v9  }
0x3b4: {  	s25 =	sadd.s32 $0x10, s25;
	[tilespmem:s24+$0x6080] =	vst.msk vm1, v9  }
0x3b5: {  	s26 =	sadd.s32 $0x10, s26;
	v9 =	vld [tilespmem:s25+$0x0];
	(v2sf) =	vpush v10, $0x0  }
0x3b6: {  	v10 =	vor.u32 s26, v0  }
0x3b7: {  	vm0 =	vlt.s32 v10, v8;
	_ =	sdelay $0x5  }
0x3b8: {  	v10 =	vld.idx.msk [tilespmem:v9+s3+$0x0], vm0;
	s29 =	spop (v2sf)  }
0x3b9: {  	s24 =	sadd.s32 s24, s29;
	_ =	sdelay $0x4  }
0x3ba: {  	v11 =	vshra.s32 v10, $0x1F  }
0x3bb: {  	v11 =	vand.u32 $0x7FFFFFFF, v11;
	s29 =	spop (v2sf)  }
.Ltmp35:
0x3bc: {  	v11 =	vxor.u32 v10, v11;
	s21 =	sadd.s32 s21, s29;
	(pc) =	sbr.rel @p1 .LBB2_50-.Ltmp35, $4  }
0x3bd: {  	v10 =	vshrl.u32 v11, $0x10  }
0x3be: {  	v10 =	vand.u32 $0xFF, v10  }
0x3bf: {  	vm1 =	veq.s32 v10, v7  }
0x3c0: {  	s28 =	sadd.s32 $0xFFFFFFFF, s28;
	v12 =	vshrl.u32 v11, $0x8;
	vm1 =	vmand vm0, vm1  }
.LBB2_51:
0x3c1: {  	v12 =	vand.u32 @p0 $0xFF, v12;
	v11 =	vshrl.u32 @p0 v11, $0xC  }
0x3c2: {  	v11 =	vand.u32 @p0 $0xF, v11;
	_ =	sdelay $0x3  }
0x3c3: {  	vm2 =	vgt.s32 @p0 v10, v7;
	[tilespmem:v12+s10+$0x0] =	vst.idx.add.s32.msk @p0 vm1, v3  }
0x3c4: {  	vm0 =	vmand @p0 vm0, vm2;
	[tilespmem:v11+s11+$0x0] =	vst.idx.add.s32.msk @p0 vm1, v3  }
0x3c5: {  	s25 =	sadd.s32 @p0 $0x10, s25;
	[tilespmem:s21+$0x8100] =	vst.msk @p0 vm0, v9  }
0x3c6: {  	s23 =	smov.u32 @p0 s25;
	s25 =	sadd.s32 @p0 $0x10, s26;
	s26 =	simm.s32 $0x0;
	[tilespmem:s24+$0x6080] =	vst.msk @p0 vm1, v9  }
0x3c7: {  	s26 =	smov.u32 @p0 s25;
	v9 =	vld [tilespmem:s23+$0x0]  }
0x3c8: {  	v61 =	vor.u32 s26, v0  }
0x3c9: {  	vm13 =	vlt.s32 v61, v8;
	_ =	sdelay $0x5  }
0x3ca: {  	v8 =	vld.idx.msk [tilespmem:v9+s3+$0x0], vm13;
	_ =	sdelay $0x4  }
0x3cb: {  	v62 =	vshra.s32 v8, $0x1F  }
0x3cc: {  	v10 =	vand.u32 $0x7FFFFFFF, v62  }
0x3cd: {  	v8 =	vxor.u32 v8, v10  }
0x3ce: {  	v10 =	vshrl.u32 v8, $0x10  }
0x3cf: {  	v11 =	vmpcnt.ones.xlane @p0 vm1;
	v10 =	vand.u32 $0xFF, v10  }
0x3d0: {  	v12 =	vmpcnt.ones.xlane @p0 vm0;
	vm14 =	veq.s32 v10, v7  }
0x3d1: {  	(v2sf) =	vpush @p0 v11, $0x0;
	vm15 =	vgt.s32 v10, v7;
	vm0 =	vmand vm13, vm14  }
0x3d2: {  	(v2sf) =	vpush @p0 v12, $0x0;
	vm1 =	vmand vm13, vm15;
	v7 =	vmpcnt.ones.xlane vm0  }
0x3d3: {  	v63 =	vmpcnt.ones.xlane vm1  }
0x3d4: {  	(v2sf) =	vpush v7, $0x0  }
0x3d5: {  	(v2sf) =	vpush v63, $0x0;
	_ =	sdelay $0x6  }
0x3d6: {  	v7 =	vshrl.u32 v8, $0x8  }
0x3d7: {  	v8 =	vshrl.u32 v8, $0xC;
	v7 =	vand.u32 $0xFF, v7  }
0x3d8: {  	v8 =	vand.u32 $0xF, v8;
	_ =	sdelay $0x1  }
0x3d9: {  	s23 =	spop @p0 (v2sf)  }
.Ltmp36:
0x3da: {  	s25 =	spop @p0 (v2sf);
	(pc) =	sbr.rel .LBB2_52-.Ltmp36, $4  }
0x3db: {  	s21 =	sadd.s32 @p0 s21, s25;
	[tilespmem:v7+s10+$0x0] =	vst.idx.add.s32.msk vm0, v3  }
0x3dc: {  	s23 =	sadd.s32 @p0 s24, s23;
	s17 =	smov.u32 @p0 s21;
	[tilespmem:v8+s11+$0x0] =	vst.idx.add.s32.msk vm0, v3;
	s30 =	spop (v2sf)  }
0x3dd: {  	s22 =	smov.u32 @p0 s23;
	[tilespmem:s17+$0x8100] =	vst.msk vm1, v9;
	s31 =	spop (v2sf)  }
0x3de: {  	[tilespmem:s22+$0x6080] =	vst.msk vm0, v9;
	s22 =	sadd.s32 s22, s30;
	s17 =	sadd.s32 s17, s31  }
.LBB2_46:
0x3df: {  	s22 =	simm.s32 $0x0  }
.LBB2_52:
0x3e0: {  	v8 =	vld [tilespmem:$0x8280];
	_ =	sdelay $0x4  }
0x3e1: {  	v7 =	vperm.xlane v8, v4;
	_ =	sdelay $0x1  }
0x3e2: {  	(xrf0) =	vadd.scan.msk.s32 $0xffff, v7;
	_ =	sdelay $0x1  }
0x3e3: {  	s19 =	sadd.s32 s19, s20  }
0x3e4: {  	v7 =	vmov s19;
	_ =	sdelay $0x2  }
0x3e5: {  	v6 =	vsub.s32 v6, v7;
	v7, _, _ =	vpop (xrf0)  }
0x3e6: {  	v9 =	vbroadcast v6, $0x0;
	v7 =	vperm.xlane v7, v4;
	_ =	sdelay $0x1  }
0x3e7: {  	vm0 =	vge.s32 v7, v9  }
0x3e8: {  	v7 =	vmpcnt.ones.xlane vm0;
	_ =	sdelay $0x1  }
0x3e9: {  	v7 =	vadd.s32 $0xFFFFFFFF, v7  }
0x3ea: {  	vm13 =	vlt.s32 v7, v0  }
0x3eb: {  	v8 =	vnsel vm13, $0x0, v8  }
0x3ec: {  	(xrf0) =	vadd.scan.msk.s32 $0xffff, v8;
	_ =	sdelay $0x5  }
0x3ed: {  	v8, _, _ =	vpop (xrf0)  }
0x3ee: {  	(v2sf) =	vpush v8, $0xF  }
0x3ef: {  	(v2sf) =	vpush v7, $0x0;
	_ =	sdelay $0xd  }
0x3f0: {  	s19 =	spop (v2sf)  }
0x3f1: {  	s29 =	spop (v2sf)  }
0x3f2: {  	s20 =	sshll.u32 s29, $0x6  }
0x3f3: {  	s20 =	sshra.s32 s20, $0x2  }
0x3f4: {  	v10 =	vld [tilespmem:s20+$0x8180];
	_ =	sdelay $0x4  }
0x3f5: {  	v11 =	vperm.xlane v10, v4;
	_ =	sdelay $0x1  }
0x3f6: {  	(xrf0) =	vadd.scan.msk.s32 $0xffff, v11;
	_ =	sdelay $0x5  }
0x3f7: {  	v11, _, _ =	vpop (xrf0)  }
0x3f8: {  	v8 =	vbroadcast v8, $0xF;
	v11 =	vperm.xlane v11, v4;
	_ =	sdelay $0x1  }
0x3f9: {  	v8 =	vadd.s32 v11, v8  }
0x3fa: {  	vm14 =	vge.s32 v8, v9  }
0x3fb: {  	v8 =	vmpcnt.ones.xlane vm14;
	_ =	sdelay $0x1  }
0x3fc: {  	v8 =	vadd.s32 $0xFFFFFFFF, v8  }
0x3fd: {  	vm15 =	vlt.s32 v8, v0  }
0x3fe: {  	v9 =	vnsel vm15, $0x0, v10  }
0x3ff: {  	(xrf0) =	vadd.scan.msk.s32 $0xffff, v9;
	_ =	sdelay $0x5  }
0x400: {  	[tilespmem:$0x8180] =	vst v2;
	v9, _, _ =	vpop (xrf0)  }
0x401: {  	[tilespmem:$0x8190] =	vst v2;
	(v2sf) =	vpush v9, $0xF  }
0x402: {  	[tilespmem:$0x81A0] =	vst v2  }
0x403: {  	[tilespmem:$0x81B0] =	vst v2  }
0x404: {  	s30 =	sadd.s32 $0xF, s22;
	[tilespmem:$0x81C0] =	vst v2  }
0x405: {  	s21 =	sand.u32 $0xF, s30;
	[tilespmem:$0x81D0] =	vst v2  }
0x406: {  	s23 =	sshra.s32 s30, $0x1F;
	p0 =	slt.s32 s30, $0x1;
	p1 =	sne.s32 s21, $0x0;
	[tilespmem:$0x81E0] =	vst v2  }
0x407: {  	s31 =	sshrl.u32 s23, $0x1C;
	p0 =	por !p0, !p1;
	[tilespmem:$0x81F0] =	vst v2  }
0x408: {  	s21 =	simm.s32 $0x1;
	p0 =	por !p0, !p0;
	[tilespmem:$0x8200] =	vst v2;
	s20 =	sadd.s32 s31, s30  }
0x409: {  	s21 =	simm.s32 @!p0 $0x0;
	[tilespmem:$0x8210] =	vst v2;
	s20 =	sshra.s32 s20, $0x4  }
0x40a: {  	[tilespmem:$0x8220] =	vst v2;
	s23 =	ssub.s32 s20, s21  }
0x40b: {  	[tilespmem:$0x8230] =	vst v2;
	p0 =	slt.s32 s23, $0x1  }
.Ltmp37:
0x40c: {  	[tilespmem:$0x8240] =	vst v2;
	(pc) =	sbr.rel @p0 .LBB2_58-.Ltmp37, $4  }
0x40d: {  	[tilespmem:$0x8250] =	vst v2  }
0x40e: {  	[tilespmem:$0x8260] =	vst v2  }
0x40f: {  	[tilespmem:$0x8270] =	vst v2  }
0x410: {  	[tilespmem:$0x8280] =	vst v2;
	s20 =	spop (v2sf)  }
0x411: {  	p1 =	sne.s32 s23, $0x1  }
.Ltmp38:
0x412: {  	_ = 	snop;
	(pc) =	sbr.rel @!p1 .LBB2_57-.Ltmp38, $4  }
0x413: {  	_ = 	snop  }
0x414: {  	s21 =	simm.s32 $0x6080;
	s18 =	simm.s32 $0x0  }
0x415: {  	v7 =	vshll.u32 v7, $0x4;
	s26 =	sadd.s32 $0xFFFFFFFF, s23;
	p0 =	por $0x0, $0x0;
	s23 =	simm.s32 $0x0  }
0x416: {  	s24 =	simm.s32 $0x6080;
	s25 =	simm.s32 $0x0;
	v7 =	vadd.s32 v7, v8;
	v8 =	vmov s22;
	s22 =	smov.u32 s17  }
0x417: {  	v9 =	vld [tilespmem:s21+$0x0]  }
0x418: {  	v10 =	vor.u32 s18, v0  }
0x419: {  	vm0 =	vlt.s32 v10, v8;
	_ =	sdelay $0x5  }
0x41a: {  	v10 =	vld.idx.msk [tilespmem:v9+s3+$0x0], vm0;
	_ =	sdelay $0x4  }
0x41b: {  	v11 =	vshra.s32 v10, $0x1F  }
0x41c: {  	p1 =	sne.s32 s26, $0x1;
	v11 =	vand.u32 $0x7FFFFFFF, v11  }
.Ltmp39:
0x41d: {  	v11 =	vxor.u32 v10, v11;
	(pc) =	sbr.rel @!p1 .LBB2_55-.Ltmp39, $4  }
0x41e: {  	v10 =	vshrl.u32 v11, $0x8  }
0x41f: {  	v10 =	vand.u32 $0xFF, v10  }
0x420: {  	s26 =	sadd.s32 $0xFFFFFFFF, s26;
	p0 =	por $0x1, $0x1;
	s22 =	smov.u32 s17;
	vm1 =	veq.s32 v10, v7  }
0x421: {  	s23 =	simm.s32 $0x0;
	s24 =	simm.s32 $0x6080;
	s25 =	simm.s32 $0x0;
	vm1 =	vmand vm0, vm1  }
.LBB2_56:
0x422: {  	p1 =	sne.s32 s26, $0x1;
	v12 =	vand.u32 $0xFF, v11;
	v11 =	vshrl.u32 v11, $0x4;
	v13 =	vmpcnt.ones.xlane vm1  }
0x423: {  	v11 =	vand.u32 $0xF, v11  }
0x424: {  	(v2sf) =	vpush v13, $0x0;
	_ =	sdelay $0x2  }
0x425: {  	vm2 =	vgt.s32 v10, v7;
	[tilespmem:v12+s10+$0x0] =	vst.idx.add.s32.msk vm1, v3  }
0x426: {  	vm0 =	vmand vm0, vm2;
	[tilespmem:v11+s11+$0x0] =	vst.idx.add.s32.msk vm1, v3  }
0x427: {  	v10 =	vmpcnt.ones.xlane vm0;
	[tilespmem:s22+$0x8100] =	vst.msk vm0, v9  }
0x428: {  	s24 =	sadd.s32 $0x10, s24;
	[tilespmem:s23+$0x6080] =	vst.msk vm1, v9  }
0x429: {  	s25 =	sadd.s32 $0x10, s25;
	v9 =	vld [tilespmem:s24+$0x0];
	(v2sf) =	vpush v10, $0x0  }
0x42a: {  	v10 =	vor.u32 s25, v0  }
0x42b: {  	vm0 =	vlt.s32 v10, v8;
	_ =	sdelay $0x5  }
0x42c: {  	v10 =	vld.idx.msk [tilespmem:v9+s3+$0x0], vm0;
	s28 =	spop (v2sf)  }
0x42d: {  	s23 =	sadd.s32 s23, s28;
	_ =	sdelay $0x4  }
0x42e: {  	v11 =	vshra.s32 v10, $0x1F  }
0x42f: {  	v11 =	vand.u32 $0x7FFFFFFF, v11;
	s28 =	spop (v2sf)  }
.Ltmp40:
0x430: {  	v11 =	vxor.u32 v10, v11;
	s22 =	sadd.s32 s22, s28;
	(pc) =	sbr.rel @p1 .LBB2_56-.Ltmp40, $4  }
0x431: {  	v10 =	vshrl.u32 v11, $0x8  }
0x432: {  	v10 =	vand.u32 $0xFF, v10  }
0x433: {  	vm1 =	veq.s32 v10, v7  }
0x434: {  	s26 =	sadd.s32 $0xFFFFFFFF, s26;
	vm1 =	vmand vm0, vm1  }
.LBB2_57:
0x435: {  	v12 =	vand.u32 @p0 $0xFF, v11;
	v11 =	vshrl.u32 @p0 v11, $0x4  }
0x436: {  	v11 =	vand.u32 @p0 $0xF, v11;
	_ =	sdelay $0x3  }
0x437: {  	vm2 =	vgt.s32 @p0 v10, v7;
	[tilespmem:v12+s10+$0x0] =	vst.idx.add.s32.msk @p0 vm1, v3  }
0x438: {  	vm0 =	vmand @p0 vm0, vm2;
	[tilespmem:v11+s11+$0x0] =	vst.idx.add.s32.msk @p0 vm1, v3  }
0x439: {  	s24 =	sadd.s32 @p0 $0x10, s24;
	[tilespmem:s22+$0x8100] =	vst.msk @p0 vm0, v9  }
0x43a: {  	s21 =	smov.u32 @p0 s24;
	s24 =	sadd.s32 @p0 $0x10, s25;
	s25 =	simm.s32 $0x0;
	[tilespmem:s23+$0x6080] =	vst.msk @p0 vm1, v9  }
0x43b: {  	s25 =	smov.u32 @p0 s24;
	v9 =	vld [tilespmem:s21+$0x0]  }
0x43c: {  	v61 =	vor.u32 s25, v0  }
0x43d: {  	vm13 =	vlt.s32 v61, v8;
	_ =	sdelay $0x5  }
0x43e: {  	v8 =	vld.idx.msk [tilespmem:v9+s3+$0x0], vm13;
	_ =	sdelay $0x4  }
0x43f: {  	v62 =	vshra.s32 v8, $0x1F  }
0x440: {  	v10 =	vand.u32 $0x7FFFFFFF, v62  }
0x441: {  	v8 =	vxor.u32 v8, v10  }
0x442: {  	v10 =	vshrl.u32 v8, $0x8  }
0x443: {  	v11 =	vmpcnt.ones.xlane @p0 vm1;
	v10 =	vand.u32 $0xFF, v10  }
0x444: {  	v12 =	vmpcnt.ones.xlane @p0 vm0;
	vm14 =	veq.s32 v10, v7  }
0x445: {  	(v2sf) =	vpush @p0 v11, $0x0;
	vm15 =	vgt.s32 v10, v7;
	vm0 =	vmand vm13, vm14  }
0x446: {  	(v2sf) =	vpush @p0 v12, $0x0;
	vm1 =	vmand vm13, vm15;
	v7 =	vmpcnt.ones.xlane vm0  }
0x447: {  	v63 =	vmpcnt.ones.xlane vm1  }
0x448: {  	(v2sf) =	vpush v7, $0x0  }
0x449: {  	(v2sf) =	vpush v63, $0x0;
	_ =	sdelay $0x7  }
0x44a: {  	v7 =	vand.u32 $0xFF, v8;
	v8 =	vshrl.u32 v8, $0x4  }
0x44b: {  	v8 =	vand.u32 $0xF, v8;
	_ =	sdelay $0x1  }
0x44c: {  	s21 =	spop @p0 (v2sf)  }
0x44d: {  	s24 =	spop @p0 (v2sf)  }
0x44e: {  	s22 =	sadd.s32 @p0 s22, s24;
	[tilespmem:v7+s10+$0x0] =	vst.idx.add.s32.msk vm0, v3  }
0x44f: {  	s21 =	sadd.s32 @p0 s23, s21;
	s17 =	smov.u32 @p0 s22;
	[tilespmem:v8+s11+$0x0] =	vst.idx.add.s32.msk vm0, v3;
	s30 =	spop (v2sf)  }
0x450: {  	s18 =	smov.u32 @p0 s21;
	[tilespmem:s17+$0x8100] =	vst.msk vm1, v9;
	s31 =	spop (v2sf)  }
0x451: {  	[tilespmem:s18+$0x6080] =	vst.msk vm0, v9;
	s18 =	sadd.s32 s18, s30;
	s17 =	sadd.s32 s17, s31  }
.LBB2_58:
0x452: {  	v8 =	vld [tilespmem:$0x8280];
	_ =	sdelay $0x4  }
0x453: {  	v7 =	vperm.xlane v8, v4;
	_ =	sdelay $0x1  }
0x454: {  	(xrf0) =	vadd.scan.msk.s32 $0xffff, v7;
	_ =	sdelay $0x1  }
0x455: {  	s19 =	sadd.s32 s19, s20  }
0x456: {  	v7 =	vmov s19;
	_ =	sdelay $0x2  }
0x457: {  	v6 =	vsub.s32 v6, v7;
	v7, _, _ =	vpop (xrf0)  }
0x458: {  	v9 =	vbroadcast v6, $0x0;
	v7 =	vperm.xlane v7, v4;
	_ =	sdelay $0x1  }
0x459: {  	vm0 =	vge.s32 v7, v9  }
0x45a: {  	v7 =	vmpcnt.ones.xlane vm0;
	_ =	sdelay $0x1  }
0x45b: {  	v7 =	vadd.s32 $0xFFFFFFFF, v7  }
0x45c: {  	vm13 =	vlt.s32 v7, v0  }
0x45d: {  	v8 =	vnsel vm13, $0x0, v8  }
0x45e: {  	(xrf0) =	vadd.scan.msk.s32 $0xffff, v8;
	_ =	sdelay $0x5  }
0x45f: {  	v8, _, _ =	vpop (xrf0)  }
0x460: {  	(v2sf) =	vpush v8, $0xF  }
0x461: {  	(v2sf) =	vpush v7, $0x0;
	_ =	sdelay $0xd  }
0x462: {  	s19 =	spop (v2sf)  }
0x463: {  	s29 =	spop (v2sf)  }
0x464: {  	s20 =	sshll.u32 s29, $0x6  }
0x465: {  	s20 =	sshra.s32 s20, $0x2  }
0x466: {  	v10 =	vld [tilespmem:s20+$0x8180];
	_ =	sdelay $0x4  }
0x467: {  	v11 =	vperm.xlane v10, v4;
	_ =	sdelay $0x1  }
0x468: {  	(xrf0) =	vadd.scan.msk.s32 $0xffff, v11;
	_ =	sdelay $0x5  }
0x469: {  	v11, _, _ =	vpop (xrf0)  }
0x46a: {  	v8 =	vbroadcast v8, $0xF;
	v11 =	vperm.xlane v11, v4;
	_ =	sdelay $0x1  }
0x46b: {  	v8 =	vadd.s32 v11, v8  }
0x46c: {  	vm14 =	vge.s32 v8, v9  }
0x46d: {  	v8 =	vmpcnt.ones.xlane vm14;
	_ =	sdelay $0x1  }
0x46e: {  	v8 =	vadd.s32 $0xFFFFFFFF, v8  }
0x46f: {  	vm15 =	vlt.s32 v8, v0  }
0x470: {  	v9 =	vnsel vm15, $0x0, v10  }
0x471: {  	(xrf0) =	vadd.scan.msk.s32 $0xffff, v9;
	_ =	sdelay $0x5  }
0x472: {  	v9, _, _ =	vpop (xrf0)  }
0x473: {  	(v2sf) =	vpush v9, $0xF;
	_ =	sdelay $0x2  }
0x474: {  	s30 =	sadd.s32 $0xF, s18  }
0x475: {  	s21 =	sand.u32 $0xF, s30  }
0x476: {  	s22 =	sshra.s32 s30, $0x1F;
	p0 =	slt.s32 s30, $0x1;
	p1 =	sne.s32 s21, $0x0  }
0x477: {  	s31 =	sshrl.u32 s22, $0x1C;
	p0 =	por !p0, !p1  }
0x478: {  	s21 =	simm.s32 $0x1;
	p0 =	por !p0, !p0;
	s20 =	sadd.s32 s31, s30  }
0x479: {  	s21 =	simm.s32 @!p0 $0x0;
	s20 =	sshra.s32 s20, $0x4  }
0x47a: {  	s20 =	ssub.s32 s20, s21  }
0x47b: {  	p0 =	slt.s32 s20, $0x1  }
.Ltmp41:
0x47c: {  	_ = 	snop;
	(pc) =	sbr.rel @p0 .LBB2_66-.Ltmp41, $2  }
0x47d: {  	_ =	sdelay $0x2  }
0x47e: {  	s21 =	spop (v2sf)  }
0x47f: {  	p1 =	sne.s32 s20, $0x1  }
.Ltmp42:
0x480: {  	_ = 	snop;
	(pc) =	sbr.rel @!p1 .LBB2_60-.Ltmp42, $4  }
0x481: {  	s19 =	sadd.s32 s19, s21  }
0x482: {  	v7 =	vshll.u32 v7, $0x4;
	v9 =	vmov s19  }
0x483: {  	s20 =	sadd.s32 $0xFFFFFFFF, s20;
	v7 =	vadd.s32 v7, v8;
	v6 =	vsub.s32 v6, v9  }
0x484: {  	p0 =	por $0x0, $0x0;
	s19 =	simm.s32 $0x6080;
	v8 =	vimm.s32 $0x0;
	v9 =	vmov s18;
	s18 =	simm.s32 $0x0;
	v6 =	vbroadcast v6, $0x0  }
0x485: {  	v10 =	vld [tilespmem:s19+$0x0]  }
0x486: {  	v11 =	vor.u32 s18, v0  }
0x487: {  	vm1 =	vlt.s32 v11, v9;
	_ =	sdelay $0x5  }
0x488: {  	v11 =	vld.idx.msk [tilespmem:v10+s3+$0x0], vm1;
	_ =	sdelay $0x4  }
0x489: {  	v12 =	vshra.s32 v11, $0x1F  }
0x48a: {  	v11 =	vxor.u32 v11, v12  }
0x48b: {  	v11 =	vand.u32 $0xFF, v11  }
0x48c: {  	vm0 =	vgt.s32 v11, v7  }
0x48d: {  	vm0 =	vmand vm1, vm0  }
0x48e: {  	vm2 =	veq.s32 v11, v7;
	v11 =	vmpcnt.ones.xlane vm0;
	_ =	sdelay $0x1  }
0x48f: {  	(v2sf) =	vpush v11, $0x0;
	_ =	sdelay $0x3  }
0x490: {  	p1 =	sne.s32 s20, $0x1  }
.Ltmp43:
0x491: {  	vm1 =	vmand vm1, vm2;
	(pc) =	sbr.rel @!p1 .LBB2_62-.Ltmp43, $4  }
0x492: {  	v13 =	vsel vm1, $0x1, v2  }
0x493: {  	v63 =	vmpcnt.ones.xlane vm1;
	(xrf0) =	vadd.scan.msk.s32 $0xffff, v13  }
0x494: {  	s22 =	sadd.s32 $0xFFFFFFFF, s20;
	p0 =	por $0x1, $0x1  }
0x495: {  	s23 =	smov.u32 s17;
	s20 =	simm.s32 $0x6080;
	s21 =	simm.s32 $0x0;
	v11 =	vadd.s32 v8, v63  }
.LBB2_63:
0x496: {  	p1 =	sne.s32 s22, $0x1;
	_ =	sdelay $0x3  }
0x497: {  	v12, _, _ =	vpop (xrf0)  }
0x498: {  	v12 =	vadd.s32 v8, v12;
	v8 =	vmov v11  }
0x499: {  	vm2 =	vle.s32 v12, v6;
	s24 =	spop (v2sf)  }
0x49a: {  	[tilespmem:s23+$0x8100] =	vst.msk vm0, v10;
	s23 =	sadd.s32 s23, s24;
	vm0 =	vmand vm1, vm2  }
0x49b: {  	s20 =	sadd.s32 $0x10, s20;
	[tilespmem:s23+$0x8100] =	vst.msk vm0, v10;
	v12 =	vmpcnt.ones.xlane vm0  }
0x49c: {  	s21 =	sadd.s32 $0x10, s21;
	v10 =	vld [tilespmem:s20+$0x0]  }
0x49d: {  	v13 =	vor.u32 s21, v0;
	(v2sf) =	vpush v12, $0x0  }
0x49e: {  	vm1 =	vlt.s32 v13, v9;
	_ =	sdelay $0x5  }
0x49f: {  	v12 =	vld.idx.msk [tilespmem:v10+s3+$0x0], vm1;
	_ =	sdelay $0x5  }
0x4a0: {  	v13 =	vshra.s32 v12, $0x1F  }
0x4a1: {  	v12 =	vxor.u32 v12, v13  }
0x4a2: {  	v12 =	vand.u32 $0xFF, v12;
	s24 =	spop (v2sf)  }
0x4a3: {  	vm0 =	vgt.s32 v12, v7;
	s23 =	sadd.s32 s23, s24  }
0x4a4: {  	vm0 =	vmand vm1, vm0  }
0x4a5: {  	v13 =	vmpcnt.ones.xlane vm0;
	_ =	sdelay $0x1  }
0x4a6: {  	(v2sf) =	vpush v13, $0x0;
	_ =	sdelay $0x3  }
.Ltmp44:
0x4a7: {  	vm2 =	veq.s32 v12, v7;
	(pc) =	sbr.rel @p1 .LBB2_63-.Ltmp44, $4  }
0x4a8: {  	vm1 =	vmand vm1, vm2  }
0x4a9: {  	v12 =	vsel vm1, $0x1, v2;
	v13 =	vmpcnt.ones.xlane vm1  }
0x4aa: {  	(xrf0) =	vadd.scan.msk.s32 $0xffff, v12  }
0x4ab: {  	s22 =	sadd.s32 $0xFFFFFFFF, s22;
	v11 =	vadd.s32 v11, v13  }
.Ltmp45:
0x4ac: {  	(pc) =	sbr.rel .LBB2_65-.Ltmp45, $2  }
0x4ad: {  	_ =	sdelay $0x2  }
0x4ae: {  	v12 =	vmov v8;
	v8 =	vmov v11  }
.LBB2_28:
.Ltmp46:
0x4af: {  	(pc) =	sbr.rel .LBB2_30-.Ltmp46, $3  }
0x4b0: {  	_ =	sdelay $0x1  }
0x4b1: {  	s17 =	simm.s32 $0x0  }
0x4b2: {  	s25 =	simm.s32 $0x0;
	s26 =	simm.s32 $0x4000;
	s28 =	simm.s32 $0x0  }
.LBB2_25:
.Ltmp47:
0x4b3: {  	(pc) =	sbr.rel .LBB2_36-.Ltmp47, $3  }
0x4b4: {  	_ =	sdelay $0x1  }
0x4b5: {  	s23 =	smov.u32 s17  }
0x4b6: {  	s26 =	smov.u32 s21;
	s28 =	simm.s32 $0x4810;
	s29 =	simm.s32 $0x0  }
.LBB2_34:
.Ltmp48:
0x4b7: {  	(pc) =	sbr.rel .LBB2_42-.Ltmp48, $3  }
0x4b8: {  	_ =	sdelay $0x1  }
0x4b9: {  	s22 =	smov.u32 s17  }
0x4ba: {  	s25 =	smov.u32 s21;
	s26 =	simm.s32 $0x5020;
	s28 =	simm.s32 $0x0  }
.LBB2_40:
.Ltmp49:
0x4bb: {  	(pc) =	sbr.rel .LBB2_44-.Ltmp49, $3  }
0x4bc: {  	_ =	sdelay $0x1  }
0x4bd: {  	s20 =	smov.u32 s17  }
0x4be: {  	s24 =	smov.u32 s21;
	s25 =	simm.s32 $0x5830;
	s26 =	simm.s32 $0x0  }
.LBB2_49:
.Ltmp50:
0x4bf: {  	(pc) =	sbr.rel .LBB2_51-.Ltmp50, $3  }
0x4c0: {  	_ =	sdelay $0x1  }
0x4c1: {  	s21 =	smov.u32 s17  }
0x4c2: {  	s24 =	simm.s32 $0x0;
	s25 =	simm.s32 $0x6080;
	s26 =	simm.s32 $0x0  }
.LBB2_55:
.Ltmp51:
0x4c3: {  	(pc) =	sbr.rel .LBB2_57-.Ltmp51, $3  }
0x4c4: {  	_ =	sdelay $0x1  }
0x4c5: {  	s22 =	smov.u32 s17  }
0x4c6: {  	s23 =	simm.s32 $0x0;
	s24 =	simm.s32 $0x6080;
	s25 =	simm.s32 $0x0  }
.LBB2_62:
.Ltmp52:
0x4c7: {  	(pc) =	sbr.rel .LBB2_65-.Ltmp52, $2  }
0x4c8: {  	_ =	sdelay $0x2  }
0x4c9: {  	v12 =	vimm.s32 $0x0;
	v8 =	vmov v11;
	s23 =	smov.u32 s17;
	s20 =	simm.s32 $0x6080;
	s21 =	simm.s32 $0x0  }
.LBB2_68:
0x4ca: {  	_ =	sfence.sel $0x180000  }
0x4cb: {  	[bflag:$0x0] =	sbarrier.arrive $0xFFFF  }
0x4cc: {  	p0 =	sne.s32 s4, $0x0;
	_ =	strace $0x90000047  }
0x4cd: {  	s0 =	sadd.s32 @!p0 $0x100000, s0;
	[bflag:$0x2] =	sbarrier.arrive $0xFFFF  }
0x4ce: {  	[sflag:s0] =	ssyncadd.tile.s32 @!p0 $0x1;
	_ =	shalt  }
.Lfunc_end2:
_tile_overlayer_lowered:
.L_overlay_start_2:
0x4cf: {  	(tag) =	ssettag $0x2  }
0x4d0: {  	s0 =	rddreg [dreg:$0x0];
	s2 =	stileid.u32  }
0x4d1: {  	s1 =	rddreg [dreg:$0x1];
	p0 =	sne.s32 s2, $0x0  }
0x4d2: {  	s3 =	rddreg [dreg:$0x2];
	[bflag:$0x3] =	sbarrier.arrive $0xFFFF;
	s2 =	simm.s32 @!p0 $0x1C01  }
0x4d3: {  	[timem:s3], [sflag:s2] =	dma.local @!p0 [hbm:s0], s1  }
0x4d4: {  	s0 =	simm.s32 @!p0 $0x1  }
0x4d5: {  	_ =	swait.ge @!p0 [sflag:s0], s1  }
0x4d6: {  	s1 =	ssub.s32 @!p0 $0x0, s1;
	[sflag:s0] =	ssyncset.done @!p0 $0x0  }
0x4d7: {  	[sflag:s0] =	ssyncadd.s32 @!p0 s1  }
0x4d8: {  	[bflag:$0x3] =	sbarrier.arrive $0xFFFF  }
0x4d9: {  	_ =	shalt  }

</sc_bundles>
